<compile_context>
chip_gen: v7x
topology: tpu7x:2x2x1
jax: 0.10.2.dev20260603
libtpu: 0.0.44.dev20260713+nightly
codegen_flags: <defaults>
</compile_context>

<pallas_src>
import jax
import jax.numpy as jnp
from jax import lax
from jax.experimental import pallas as pl
from jax.experimental.pallas import tpu as pltpu
from jax.experimental.pallas import tpu_sc as plsc

_N = 10000
_E = 320000
_A = 640000
_D = 32
_B = 200
_NPG = 50
_H = 128
_L = 3

_NCHUNK = 24
_CH = 13440
_EPAD = _NCHUNK * _CH
_DUM = 32
_WG = 512
_NW_A = _A // _WG
_NW_E = _E // _WG

_mesh = plsc.VectorSubcoreMesh(core_axis_name="c", subcore_axis_name="s")


def _zero_vmem(ref, rows):
    z = jnp.zeros((16,), jnp.float32)

    def body(i, _):
        ref[i, pl.ds(0, 16)] = z
        ref[i, pl.ds(16, 16)] = z
        return 0

    lax.fori_loop(0, rows, body, 0)


_GB = 256
_CAPW = 159


def _chunked_scatter_body(gather_rows):

    def make(sidx_hbm, didx_hbm, rows_hbm, init_hbm, out_hbm,
             sidx_v, didx_v, rows_v, st_v, csrc2, cdst2, acc_sh, sem):
        c = lax.axis_index("c")
        s = lax.axis_index("s")
        lane = lax.iota(jnp.int32, 16)
        tpr = _CH // 16

        def one_pass(p, _):
            lo = (c * (_NCHUNK // 2) + p) * _CH
            plsc.subcore_barrier()
            _zero_vmem(rows_v, _DUM)
            if gather_rows:
                for j in range(3):
                    pltpu.sync_copy(
                        init_hbm.at[pl.ds(lo + s * tpr + j * 280, 280)], st_v)
                    pltpu.sync_copy(
                        st_v, acc_sh.at[pl.ds(s * tpr + j * 280, 280)])
            else:
                _zero_vmem(st_v, 280)
                for j in range(3):
                    pltpu.sync_copy(
                        st_v, acc_sh.at[pl.ds(s * tpr + j * 280, 280)])

            @pl.when(s == 0)
            def _():
                pltpu.sync_copy(rows_v.at[pl.ds(0, _DUM)],
                                acc_sh.at[pl.ds(_CH, _DUM)])
            plsc.subcore_barrier()

            def win(k, m_vec):
                off = s * (_A // 16) + k * 2000
                pltpu.sync_copy(didx_hbm.at[pl.ds(off, 2000)], didx_v)
                if gather_rows:
                    pltpu.sync_copy(sidx_hbm.at[pl.ds(off, 2000)], sidx_v)

                def vreg(i, mv):
                    dv = didx_v[pl.ds(i * 16, 16)]
                    if gather_rows:
                        sv = sidx_v[pl.ds(i * 16, 16)]
                    else:
                        sv = off + i * 16 + lane
                    dl = dv - lo
                    msk = (dl >= 0) & (dl < _CH)
                    pos = mv + plsc.cumsum(msk.astype(jnp.int32)) - 1
                    rows = jnp.right_shift(pos, 8)
                    cols = pos & (_GB - 1)
                    plsc.store_scatter(csrc2, [rows, cols], sv, mask=msk)
                    plsc.store_scatter(cdst2, [rows, cols], dl, mask=msk)
                    return mv + plsc.all_reduce_population_count(msk)
                return plsc.parallel_loop(0, 125, carry=m_vec, unroll=8)(vreg)
            m_vec = lax.fori_loop(0, _A // 16 // 2000, win,
                                  jnp.zeros((16,), jnp.int32))
            m = jnp.max(m_vec)

            for t in range(_GB // 16):
                pos = m + t * 16 + lane
                rows = jnp.right_shift(pos, 8)
                cols = pos & (_GB - 1)
                plsc.store_scatter(csrc2, [rows, cols],
                                   (pos * 97) & 16383)
                plsc.store_scatter(cdst2, [rows, cols],
                                   _CH + (pos & (_DUM - 1)))

            nb = jnp.right_shift(m + (_GB - 1), 8)

            def flush(b, _):
                pltpu.async_copy(
                    rows_hbm.at[csrc2.at[b]], rows_v, sem).wait()
                pltpu.sync_copy(rows_v, acc_sh.at[cdst2.at[b]], add=True)
                return 0
            lax.fori_loop(0, nb, flush, 0)
            plsc.subcore_barrier()
            for j in range(3):
                pltpu.sync_copy(
                    acc_sh.at[pl.ds(s * tpr + j * 280, 280)], st_v)
                pltpu.sync_copy(
                    st_v, out_hbm.at[pl.ds(lo + s * tpr + j * 280, 280)])
            return 0
        lax.fori_loop(0, _NCHUNK // 2, one_pass, 0)

    if gather_rows:
        return make

    def body(didx_hbm, rows_hbm, out_hbm,
             didx_v, rows_v, st_v, csrc2, cdst2, acc_sh, sem):
        return make(None, didx_hbm, rows_hbm, None, out_hbm,
                    None, didx_v, rows_v, st_v, csrc2, cdst2, acc_sh, sem)
    return body


_cb_call = pl.kernel(
    _chunked_scatter_body(False),
    out_type=jax.ShapeDtypeStruct((_EPAD, _D), jnp.float32),
    mesh=_mesh,
    scratch_types=[
        pltpu.VMEM((2000,), jnp.int32),
        pltpu.VMEM((_GB, _D), jnp.float32),
        pltpu.VMEM((280, _D), jnp.float32),
        pltpu.VMEM((_CAPW, _GB), jnp.int32),
        pltpu.VMEM((_CAPW, _GB), jnp.int32),
        pltpu.VMEM_SHARED((_CH + _DUM, _D), jnp.float32),
        pltpu.SemaphoreType.DMA,
    ],
    compiler_params=pltpu.CompilerParams(use_tc_tiling_on_sc=False, needs_layout_passes=False),
)

_aggb_call = pl.kernel(
    _chunked_scatter_body(True),
    out_type=jax.ShapeDtypeStruct((_EPAD, _D), jnp.float32),
    mesh=_mesh,
    scratch_types=[
        pltpu.VMEM((2000,), jnp.int32),
        pltpu.VMEM((2000,), jnp.int32),
        pltpu.VMEM((_GB, _D), jnp.float32),
        pltpu.VMEM((280, _D), jnp.float32),
        pltpu.VMEM((_CAPW, _GB), jnp.int32),
        pltpu.VMEM((_CAPW, _GB), jnp.int32),
        pltpu.VMEM_SHARED((_CH + _DUM, _D), jnp.float32),
        pltpu.SemaphoreType.DMA,
    ],
    compiler_params=pltpu.CompilerParams(use_tc_tiling_on_sc=False, needs_layout_passes=False),
)


def _agga_body(sidx_hbm, didx_hbm, node_hbm, bond_hbm, out_hbm,
               sidx_v, didx_v, rows_v, brows_v, st_v, acc_sh, sem):
    c = lax.axis_index("c")
    s = lax.axis_index("s")
    wid = s * 2 + c
    tpr = 624
    _zero_vmem(st_v, tpr)
    pltpu.sync_copy(st_v, acc_sh.at[pl.ds(s * tpr, tpr)])

    @pl.when(s == 0)
    def _():
        pltpu.sync_copy(st_v.at[pl.ds(0, 16)],
                        acc_sh.at[pl.ds(16 * tpr, 16)])
    plsc.subcore_barrier()

    n_w = jnp.where(wid < _NW_E % 32, _NW_E // 32 + 1, _NW_E // 32)

    def win(k, _):
        off = (wid + 32 * k) * _WG
        pltpu.sync_copy(sidx_hbm.at[pl.ds(off, _WG)], sidx_v)
        pltpu.sync_copy(didx_hbm.at[pl.ds(off, _WG)], didx_v)
        pltpu.async_copy(node_hbm.at[sidx_v], rows_v, sem).wait()
        pltpu.sync_copy(bond_hbm.at[pl.ds(off, _WG)], brows_v)

        def add(i, _):
            rows_v[i, pl.ds(0, 16)] = (
                rows_v[i, pl.ds(0, 16)] + brows_v[i, pl.ds(0, 16)])
            rows_v[i, pl.ds(16, 16)] = (
                rows_v[i, pl.ds(16, 16)] + brows_v[i, pl.ds(16, 16)])
            return 0
        lax.fori_loop(0, _WG, add, 0)
        pltpu.sync_copy(rows_v, acc_sh.at[didx_v], add=True)
        return 0
    lax.fori_loop(0, n_w, win, 0)
    plsc.subcore_barrier()
    pltpu.sync_copy(acc_sh.at[pl.ds(s * tpr, tpr)], st_v)
    pltpu.sync_copy(st_v, out_hbm.at[c, pl.ds(s * tpr, tpr)])

    @pl.when(s == 0)
    def _():
        pltpu.sync_copy(acc_sh.at[pl.ds(16 * tpr, 16)],
                        st_v.at[pl.ds(0, 16)])
        pltpu.sync_copy(st_v.at[pl.ds(0, 16)],
                        out_hbm.at[c, pl.ds(16 * tpr, 16)])


_agga_call = pl.kernel(
    _agga_body,
    out_type=jax.ShapeDtypeStruct((2, _N, _D), jnp.float32),
    mesh=_mesh,
    scratch_types=[
        pltpu.VMEM((_WG,), jnp.int32),
        pltpu.VMEM((_WG,), jnp.int32),
        pltpu.VMEM((_WG, _D), jnp.float32),
        pltpu.VMEM((_WG, _D), jnp.float32),
        pltpu.VMEM((624, _D), jnp.float32),
        pltpu.VMEM_SHARED((_N, _D), jnp.float32),
        pltpu.SemaphoreType.DMA,
    ],
    compiler_params=pltpu.CompilerParams(use_tc_tiling_on_sc=False, needs_layout_passes=False),
)


def _bond_mm_body(x_ref, g_ref, w_ref, b_ref, o_ref):
    acc = x_ref[...] + g_ref[...]
    o_ref[...] = jnp.maximum(
        jnp.dot(acc, w_ref[...], preferred_element_type=jnp.float32)
        + b_ref[...], 0.0)


def _bond_mm(x, g, w, b):
    return pl.pallas_call(
        _bond_mm_body,
        grid=(_E // _WG,),
        in_specs=[
            pl.BlockSpec((_WG, _D), lambda i: (i, 0)),
            pl.BlockSpec((_WG, _D), lambda i: (i, 0)),
            pl.BlockSpec((_D, _D), lambda i: (0, 0)),
            pl.BlockSpec((1, _D), lambda i: (0, 0)),
        ],
        out_specs=pl.BlockSpec((_WG, _D), lambda i: (i, 0)),
        out_shape=jax.ShapeDtypeStruct((_E, _D), jnp.float32),
    )(x, g, w, b)


def _node_mm_body(x_ref, g_ref, w_ref, b_ref, o_ref):
    acc = x_ref[...] + g_ref[0] + g_ref[1]
    o_ref[...] = jnp.maximum(
        jnp.dot(acc, w_ref[...], preferred_element_type=jnp.float32)
        + b_ref[...], 0.0)


def _node_mm(x, g, w, b):
    return pl.pallas_call(
        _node_mm_body,
        out_shape=jax.ShapeDtypeStruct((_N, _D), jnp.float32),
    )(x, g, w, b)


def _head_body(n3_ref, m_ref, gm_ref, bt_ref, w1_ref, b1_ref, w2_ref, b2_ref,
               o_ref):
    sign = 1.0 - 2.0 * m_ref[...]
    diff = jnp.sum(n3_ref[...] * sign[:, :, None], axis=1)
    mean = jnp.mean(diff, axis=-1, keepdims=True)
    ctr = diff - mean
    var = jnp.mean(ctr * ctr, axis=-1, keepdims=True)
    normed = ctr * lax.rsqrt(var + 1e-5) * gm_ref[...] + bt_ref[...]
    h = jnp.dot(normed, w1_ref[...], preferred_element_type=jnp.float32)
    h = h + b1_ref[...]
    h = jnp.where(h > 0, h, 0.01 * h)
    o_ref[...] = (
        jnp.dot(h, w2_ref[...], preferred_element_type=jnp.float32)
        + b2_ref[...])


def _head(node, maskf, gamma, beta, w1, b1, w2, b2):
    n3 = node.reshape(_B, _NPG, _D)
    return pl.pallas_call(
        _head_body,
        out_shape=jax.ShapeDtypeStruct((_B, 1), jnp.float32),
    )(n3, maskf, gamma.reshape(1, _D), beta.reshape(1, _D),
      w1, b1.reshape(1, _H), w2, b2.reshape(1, 1))


def kernel(x, edge_index, edge_attr, angle_edge_index, angle_attr,
           is_reactant, Wa, ba, Wb, bb, gamma, beta, W1, b1, W2, b2):
    src, dst = edge_index[0], edge_index[1]
    asrc, adst = angle_edge_index[0], angle_edge_index[1]
    maskf = is_reactant.astype(jnp.float32).reshape(_B, _NPG)

    cb = _cb_call(adst, angle_attr)

    def layer(l, carry):
        node, bond = carry
        wa = lax.dynamic_index_in_dim(Wa, l, keepdims=False)
        baa = lax.dynamic_index_in_dim(ba, l, keepdims=False)
        wb = lax.dynamic_index_in_dim(Wb, l, keepdims=False)
        bbb = lax.dynamic_index_in_dim(bb, l, keepdims=False)
        aggb = _aggb_call(asrc, adst, bond, cb)
        bond = _bond_mm(bond, aggb, wb, bbb.reshape(1, _D))
        agga = _agga_call(src, dst, node, bond)
        node = _node_mm(node, agga, wa, baa.reshape(1, _D))
        return node, bond

    node, bond = lax.fori_loop(0, _L, layer, (x, edge_attr))
    return _head(node, maskf, gamma, beta, W1, b1, W2, b2)

# --- scband reference (transcript-rebuilt; emitter-appended) ---
"""Pipeline reference for scband-proto-model-86380382257430 (READ-ONLY COPY).

The authoritative reference and input builder live on the scoring server;
editing this copy changes nothing except your own understanding.
"""

import jax, jax.numpy as jnp
import numpy as np

N = 10000   # atoms (nodes of atom-bond graph)
E = 320000  # bonds (edges of atom-bond graph, nodes of bond-angle graph)
A = 640000  # bond angles (edges of bond-angle graph)
D = 32      # GeoGNN embed_dim
B = 200     # molecules in batch
NPG = 50    # nodes per graph (25 reactant + 25 product)
H = 128     # DropoutMLP hidden_size
OUT = 1     # out_size
L = 3       # GeoGNN message-passing layers


def setup_inputs(seed: int = 0) -> dict:
    key = jax.random.key(seed)
    ks = jax.random.split(key, 16)
    inp = {}
    inp["x"] = jax.random.normal(ks[0], (N, D), dtype=jnp.float32)
    inp["edge_index"] = jax.random.randint(ks[1], (2, E), 0, N, dtype=jnp.int32)
    inp["edge_attr"] = 0.1 * jax.random.normal(ks[2], (E, D), dtype=jnp.float32)
    inp["angle_edge_index"] = jax.random.randint(ks[3], (2, A), 0, E, dtype=jnp.int32)
    inp["angle_attr"] = 0.1 * jax.random.normal(ks[4], (A, D), dtype=jnp.float32)
    # first half of each molecule's atoms are reactant nodes, second half product
    inp["is_reactant"] = (jnp.arange(N) % NPG) < (NPG // 2)
    # GeoGNN per-layer parameters
    inp["Wa"] = jax.random.normal(ks[5], (L, D, D), dtype=jnp.float32) / np.sqrt(D)
    inp["ba"] = jnp.zeros((L, D), dtype=jnp.float32)
    inp["Wb"] = jax.random.normal(ks[6], (L, D, D), dtype=jnp.float32) / np.sqrt(D)
    inp["bb"] = jnp.zeros((L, D), dtype=jnp.float32)
    # LayerNorm
    inp["gamma"] = jnp.ones((D,), dtype=jnp.float32)
    inp["beta"] = jnp.zeros((D,), dtype=jnp.float32)
    # DropoutMLP (2 layers, hidden 128, LeakyReLU); dropout inactive at eval
    inp["W1"] = jax.random.normal(ks[7], (D, H), dtype=jnp.float32) / np.sqrt(D)
    inp["b1"] = jnp.zeros((H,), dtype=jnp.float32)
    inp["W2"] = jax.random.normal(ks[8], (H, OUT), dtype=jnp.float32) / np.sqrt(H)
    inp["b2"] = jnp.zeros((OUT,), dtype=jnp.float32)
    return inp


def reference(x, edge_index, edge_attr, angle_edge_index, angle_attr, is_reactant,
              Wa, ba, Wb, bb, gamma, beta, W1, b1, W2, b2):
    src, dst = edge_index[0], edge_index[1]
    asrc, adst = angle_edge_index[0], angle_edge_index[1]
    node = x
    bond = edge_attr
    # GeoGNN: alternating message passing on bond-angle graph (updates bond repr)
    # and atom-bond graph (updates atom repr)
    for l in range(L):
        msg_b = bond[asrc] + angle_attr
        agg_b = jax.ops.segment_sum(msg_b, adst, num_segments=E)
        bond = jax.nn.relu((bond + agg_b) @ Wb[l] + bb[l])
        msg_a = node[src] + bond
        agg_a = jax.ops.segment_sum(msg_a, dst, num_segments=N)
        node = jax.nn.relu((node + agg_a) @ Wa[l] + ba[l])
    # per-molecule readout: sum(product nodes) - sum(reactant nodes)
    sign = jnp.where(is_reactant, -1.0, 1.0).astype(node.dtype)[:, None]
    graph_ids = jnp.arange(N, dtype=jnp.int32) // NPG
    diff = jax.ops.segment_sum(node * sign, graph_ids, num_segments=B)
    # LayerNorm over embed dim
    mean = jnp.mean(diff, axis=-1, keepdims=True)
    var = jnp.var(diff, axis=-1, keepdims=True)
    normed = (diff - mean) / jnp.sqrt(var + 1e-5) * gamma + beta
    # DropoutMLP (eval mode: dropout is identity)
    h = jax.nn.leaky_relu(normed @ W1 + b1, negative_slope=0.01)
    pred = h @ W2 + b2
    return pred

if __name__ == "__main__":
    import jax
    _d = setup_inputs()
    print(jax.jit(kernel)(*tuple(_d.values())))

</pallas_src>

<mosaic_0001>
#map = affine_map<(d0, d1) -> (0)>
#map1 = affine_map<(d0, d1) -> (0, 0)>
#map2 = affine_map<(d0, d1) -> (0, 0, 0)>
module attributes {stable_mosaic.version = 14 : i64} {
  func.func @_agga_body(%arg0: i32, %arg1: i32, %arg2: memref<320000xi32, #tpu.memory_space<hbm>>, %arg3: memref<320000xi32, #tpu.memory_space<hbm>>, %arg4: memref<10000x32xf32, #tpu.memory_space<hbm>>, %arg5: memref<320000x32xf32, #tpu.memory_space<hbm>>, %arg6: memref<2x10000x32xf32, #tpu.memory_space<hbm>>, %arg7: memref<512xi32, #tpu.memory_space<vmem>>, %arg8: memref<512xi32, #tpu.memory_space<vmem>>, %arg9: memref<512x32xf32, #tpu.memory_space<vmem>>, %arg10: memref<512x32xf32, #tpu.memory_space<vmem>>, %arg11: memref<624x32xf32, #tpu.memory_space<vmem>>, %arg12: memref<10000x32xf32, #tpu.memory_space<vmem_shared>>, %arg13: memref<!tpu.dma_semaphore, #tpu.memory_space<semaphore_mem>>) attributes {dimension_semantics = [#tpu.dimension_semantics<core_parallel>, #tpu.dimension_semantics<subcore_parallel>], iteration_bounds = array<i64: 2, 16>, scalar_prefetch = 0 : i64, scratch_operands = 7 : i64, tpu.core_type = #tpu.core_type<sc_vector_subcore>, window_params = [{transform_indices = #map}, {transform_indices = #map}, {transform_indices = #map1}, {transform_indices = #map1}, {transform_indices = #map2}]} {
    %mul3A = arith.constant 2 : i32
    %mul3A_0 = arith.muli %arg1, %mul3A : i32
    %add3A = arith.addi %mul3A_0, %arg0 : i32
    %broadcast_in_dim3A = arith.constant 0.000000e+00 : f32
    %broadcast_in_dim3A_1 = vector.broadcast %broadcast_in_dim3A : f32 to vector<16xf32>
    %scan3A = arith.constant 0 : i32
    %scan3A_2 = arith.constant 0 : i32
    %scan3A_3 = arith.constant 624 : i32
    %scan3A_4 = arith.addi %scan3A_2, %scan3A_3 : i32
    %scan3A_5 = arith.constant 1 : i32
    %scan3A_6 = scf.for %scan3A_35 = %scan3A_2 to %scan3A_4 step %scan3A_5 iter_args(%scan3A_36 = %scan3A) -> (i32)  : i32 {
      %swap3A = arith.index_cast %scan3A_35 : i32 to index
      %swap3A_37 = arith.constant 0 : index
      %swap3A_38 = tpu.vector_load %arg11[%swap3A, %swap3A_37] {strides = array<i32>} : memref<624x32xf32, #tpu.memory_space<vmem>>, vector<16xf32>,
      tpu.vector_store %arg11[%swap3A, %swap3A_37], %broadcast_in_dim3A_1 {strides = array<i32>} : memref<624x32xf32, #tpu.memory_space<vmem>>, vector<16xf32>,
      %swap3A_39 = arith.index_cast %scan3A_35 : i32 to index
      %swap3A_40 = arith.constant 16 : index
      %swap3A_41 = tpu.vector_load %arg11[%swap3A_39, %swap3A_40] {strides = array<i32>} : memref<624x32xf32, #tpu.memory_space<vmem>>, vector<16xf32>,
      tpu.vector_store %arg11[%swap3A_39, %swap3A_40], %broadcast_in_dim3A_1 {strides = array<i32>} : memref<624x32xf32, #tpu.memory_space<vmem>>, vector<16xf32>,
      %scan3A_42 = arith.constant 0 : i32
      scf.yield %scan3A_42 : i32
    }
    %scan3A_7 = arith.constant 624 : i32
    %mul3A_8 = arith.constant 624 : i32
    %mul3A_9 = arith.muli %arg1, %mul3A_8 : i32
    "tpu.region"() ({
      %run_scoped3A = tpu.sem_alloc : memref<!tpu.dma_semaphore, #tpu.memory_space<semaphore_mem>>
      %dma_start3A = arith.constant 0 : i32
      %dma_start3A_35 = tpu.memref_slice %arg12[%mul3A_9, %dma_start3A] : memref<10000x32xf32, #tpu.memory_space<vmem_shared>> -> memref<624x32xf32, #tpu.memory_space<vmem_shared>>
      %dma_start3A_36 = arith.constant 0 : i32
      %dma_start3A_37 = tpu.memref_slice %arg12[%mul3A_9, %dma_start3A_36] : memref<10000x32xf32, #tpu.memory_space<vmem_shared>> -> memref<624x32xf32, #tpu.memory_space<vmem_shared>>
      tpu.enqueue_dma source(%arg11 : memref<624x32xf32, #tpu.memory_space<vmem>>) target(%dma_start3A_37 : memref<624x32xf32, #tpu.memory_space<vmem_shared>>) target_semaphore(%run_scoped3A : memref<!tpu.dma_semaphore, #tpu.memory_space<semaphore_mem>>)
      %dma_wait3A = arith.constant 0 : i32
      %dma_wait3A_38 = tpu.memref_slice %arg12[%mul3A_9, %dma_wait3A] : memref<10000x32xf32, #tpu.memory_space<vmem_shared>> -> memref<624x32xf32, #tpu.memory_space<vmem_shared>>
      %dma_wait3A_39 = arith.constant 0 : i32
      %dma_wait3A_40 = tpu.memref_slice %arg12[%mul3A_9, %dma_wait3A_39] : memref<10000x32xf32, #tpu.memory_space<vmem_shared>> -> memref<624x32xf32, #tpu.memory_space<vmem_shared>>
      tpu.wait_dma2 semaphore(%run_scoped3A : memref<!tpu.dma_semaphore, #tpu.memory_space<semaphore_mem>>) src(%arg11 : memref<624x32xf32, #tpu.memory_space<vmem>>) dst(%dma_wait3A_40 : memref<624x32xf32, #tpu.memory_space<vmem_shared>>)
      tpu.yield
    }) : () -> ()
    %eq3A = arith.constant 0 : i32
    %eq3A_10 = arith.cmpi eq, %arg1, %eq3A : i32
    %convert_element_type3A = arith.extui %eq3A_10 : i1 to i32
    %cond3A = arith.constant 0 : i32
    %cond3A_11 = arith.cmpi ne, %convert_element_type3A, %cond3A : i32
    scf.if %cond3A_11 {
      "tpu.region"() ({
        %run_scoped3A = tpu.sem_alloc : memref<!tpu.dma_semaphore, #tpu.memory_space<semaphore_mem>>
        %dma_start3A = arith.constant 0 : i32
        %dma_start3A_35 = arith.constant 0 : i32
        %dma_start3A_36 = tpu.memref_slice %arg11[%dma_start3A, %dma_start3A_35] : memref<624x32xf32, #tpu.memory_space<vmem>> -> memref<16x32xf32, #tpu.memory_space<vmem>>
        %dma_start3A_37 = arith.constant 9984 : i32
        %dma_start3A_38 = arith.constant 0 : i32
        %dma_start3A_39 = tpu.memref_slice %arg12[%dma_start3A_37, %dma_start3A_38] : memref<10000x32xf32, #tpu.memory_space<vmem_shared>> -> memref<16x32xf32, #tpu.memory_space<vmem_shared>>
        %dma_start3A_40 = arith.constant 9984 : i32
        %dma_start3A_41 = arith.constant 0 : i32
        %dma_start3A_42 = tpu.memref_slice %arg12[%dma_start3A_40, %dma_start3A_41] : memref<10000x32xf32, #tpu.memory_space<vmem_shared>> -> memref<16x32xf32, #tpu.memory_space<vmem_shared>>
        %dma_start3A_43 = arith.constant 0 : i32
        %dma_start3A_44 = arith.constant 0 : i32
        %dma_start3A_45 = tpu.memref_slice %arg11[%dma_start3A_43, %dma_start3A_44] : memref<624x32xf32, #tpu.memory_space<vmem>> -> memref<16x32xf32, #tpu.memory_space<vmem>>
        tpu.enqueue_dma source(%dma_start3A_45 : memref<16x32xf32, #tpu.memory_space<vmem>>) target(%dma_start3A_42 : memref<16x32xf32, #tpu.memory_space<vmem_shared>>) target_semaphore(%run_scoped3A : memref<!tpu.dma_semaphore, #tpu.memory_space<semaphore_mem>>)
        %dma_wait3A = arith.constant 0 : i32
        %dma_wait3A_46 = arith.constant 0 : i32
        %dma_wait3A_47 = tpu.memref_slice %arg11[%dma_wait3A, %dma_wait3A_46] : memref<624x32xf32, #tpu.memory_space<vmem>> -> memref<16x32xf32, #tpu.memory_space<vmem>>
        %dma_wait3A_48 = arith.constant 9984 : i32
        %dma_wait3A_49 = arith.constant 0 : i32
        %dma_wait3A_50 = tpu.memref_slice %arg12[%dma_wait3A_48, %dma_wait3A_49] : memref<10000x32xf32, #tpu.memory_space<vmem_shared>> -> memref<16x32xf32, #tpu.memory_space<vmem_shared>>
        %dma_wait3A_51 = arith.constant 9984 : i32
        %dma_wait3A_52 = arith.constant 0 : i32
        %dma_wait3A_53 = tpu.memref_slice %arg12[%dma_wait3A_51, %dma_wait3A_52] : memref<10000x32xf32, #tpu.memory_space<vmem_shared>> -> memref<16x32xf32, #tpu.memory_space<vmem_shared>>
        %dma_wait3A_54 = arith.constant 0 : i32
        %dma_wait3A_55 = arith.constant 0 : i32
        %dma_wait3A_56 = tpu.memref_slice %arg11[%dma_wait3A_54, %dma_wait3A_55] : memref<624x32xf32, #tpu.memory_space<vmem>> -> memref<16x32xf32, #tpu.memory_space<vmem>>
        tpu.wait_dma2 semaphore(%run_scoped3A : memref<!tpu.dma_semaphore, #tpu.memory_space<semaphore_mem>>) src(%dma_wait3A_56 : memref<16x32xf32, #tpu.memory_space<vmem>>) dst(%dma_wait3A_53 : memref<16x32xf32, #tpu.memory_space<vmem_shared>>)
        tpu.yield
      }) : () -> ()
    } else {
    }
    %barrier3A = arith.constant 0 : index
    tpu.barrier barrier_id(%barrier3A)
    %lt3A = arith.constant 17 : i32
    %lt3A_12 = arith.cmpi slt, %add3A, %lt3A : i32
    %jit3A = arith.constant 20 : i32
    %jit3A_13 = arith.constant 19 : i32
    %select_n3A = arith.select %lt3A_12, %jit3A, %jit3A_13 : i32
    %while3A = arith.constant 0 : i32
    %while3A_14 = arith.constant 0 : i32
    %while3A_15 = arith.subi %select_n3A, %while3A : i32
    %while3A_16 = arith.addi %while3A, %while3A_15 : i32
    %while3A_17 = arith.constant 1 : i32
    %while3A_18 = arith.divsi %while3A_15, %while3A_17 : i32
    %while3A_19 = arith.muli %while3A_18, %while3A_17 : i32
    %while3A_20 = arith.addi %while3A, %while3A_19 : i32
    %while3A_21 = arith.constant 1 : i32
    %while3A_22 = scf.for %while3A_35 = %while3A to %while3A_20 step %while3A_21 iter_args(%while3A_36 = %while3A_14) -> (i32)  : i32 {
      %mul3A_37 = arith.constant 32 : i32
      %mul3A_38 = arith.muli %mul3A_37, %while3A_35 : i32
      %add3A_39 = arith.addi %add3A, %mul3A_38 : i32
      %mul3A_40 = arith.constant 512 : i32
      %mul3A_41 = arith.muli %add3A_39, %mul3A_40 : i32
      "tpu.region"() ({
        %run_scoped3A = tpu.sem_alloc : memref<!tpu.dma_semaphore, #tpu.memory_space<semaphore_mem>>
        %dma_start3A_54 = tpu.memref_slice %arg2[%mul3A_41] : memref<320000xi32, #tpu.memory_space<hbm>> -> memref<512xi32, #tpu.memory_space<hbm>>
        %dma_start3A_55 = tpu.memref_slice %arg2[%mul3A_41] : memref<320000xi32, #tpu.memory_space<hbm>> -> memref<512xi32, #tpu.memory_space<hbm>>
        tpu.enqueue_dma source(%dma_start3A_55 : memref<512xi32, #tpu.memory_space<hbm>>) target(%arg7 : memref<512xi32, #tpu.memory_space<vmem>>) target_semaphore(%run_scoped3A : memref<!tpu.dma_semaphore, #tpu.memory_space<semaphore_mem>>)
        %dma_wait3A_56 = tpu.memref_slice %arg2[%mul3A_41] : memref<320000xi32, #tpu.memory_space<hbm>> -> memref<512xi32, #tpu.memory_space<hbm>>
        %dma_wait3A_57 = tpu.memref_slice %arg2[%mul3A_41] : memref<320000xi32, #tpu.memory_space<hbm>> -> memref<512xi32, #tpu.memory_space<hbm>>
        tpu.wait_dma2 semaphore(%run_scoped3A : memref<!tpu.dma_semaphore, #tpu.memory_space<semaphore_mem>>) src(%dma_wait3A_57 : memref<512xi32, #tpu.memory_space<hbm>>) dst(%arg7 : memref<512xi32, #tpu.memory_space<vmem>>)
        tpu.yield
      }) : () -> ()
      "tpu.region"() ({
        %run_scoped3A = tpu.sem_alloc : memref<!tpu.dma_semaphore, #tpu.memory_space<semaphore_mem>>
        %dma_start3A_54 = tpu.memref_slice %arg3[%mul3A_41] : memref<320000xi32, #tpu.memory_space<hbm>> -> memref<512xi32, #tpu.memory_space<hbm>>
        %dma_start3A_55 = tpu.memref_slice %arg3[%mul3A_41] : memref<320000xi32, #tpu.memory_space<hbm>> -> memref<512xi32, #tpu.memory_space<hbm>>
        tpu.enqueue_dma source(%dma_start3A_55 : memref<512xi32, #tpu.memory_space<hbm>>) target(%arg8 : memref<512xi32, #tpu.memory_space<vmem>>) target_semaphore(%run_scoped3A : memref<!tpu.dma_semaphore, #tpu.memory_space<semaphore_mem>>)
        %dma_wait3A_56 = tpu.memref_slice %arg3[%mul3A_41] : memref<320000xi32, #tpu.memory_space<hbm>> -> memref<512xi32, #tpu.memory_space<hbm>>
        %dma_wait3A_57 = tpu.memref_slice %arg3[%mul3A_41] : memref<320000xi32, #tpu.memory_space<hbm>> -> memref<512xi32, #tpu.memory_space<hbm>>
        tpu.wait_dma2 semaphore(%run_scoped3A : memref<!tpu.dma_semaphore, #tpu.memory_space<semaphore_mem>>) src(%dma_wait3A_57 : memref<512xi32, #tpu.memory_space<hbm>>) dst(%arg8 : memref<512xi32, #tpu.memory_space<vmem>>)
        tpu.yield
      }) : () -> ()
      %dma_start3A = arith.constant 0 : i32
      %dma_start3A_42 = arith.constant 0 : i32
      %dma_start3A_43 = tpu.memref_slice %arg4[%dma_start3A, %dma_start3A_42] : memref<10000x32xf32, #tpu.memory_space<hbm>> -> memref<10000x32xf32, #tpu.memory_space<hbm>>
      tpu.enqueue_indirect_dma source(%dma_start3A_43 : memref<10000x32xf32, #tpu.memory_space<hbm>>) target(%arg9 : memref<512x32xf32, #tpu.memory_space<vmem>>) offsets(%arg7 : memref<512xi32, #tpu.memory_space<vmem>>) semaphore(%arg13 : memref<!tpu.dma_semaphore, #tpu.memory_space<semaphore_mem>>)
      %dma_wait3A = arith.constant 0 : i32
      %dma_wait3A_44 = arith.constant 0 : i32
      %dma_wait3A_45 = tpu.memref_slice %arg4[%dma_wait3A, %dma_wait3A_44] : memref<10000x32xf32, #tpu.memory_space<hbm>> -> memref<10000x32xf32, #tpu.memory_space<hbm>>
      tpu.wait_indirect_dma semaphore(%arg13 : memref<!tpu.dma_semaphore, #tpu.memory_space<semaphore_mem>>) src(%dma_wait3A_45 : memref<10000x32xf32, #tpu.memory_space<hbm>>) dst(%arg9 : memref<512x32xf32, #tpu.memory_space<vmem>>)
      "tpu.region"() ({
        %run_scoped3A = tpu.sem_alloc : memref<!tpu.dma_semaphore, #tpu.memory_space<semaphore_mem>>
        %dma_start3A_54 = arith.constant 0 : i32
        %dma_start3A_55 = tpu.memref_slice %arg5[%mul3A_41, %dma_start3A_54] : memref<320000x32xf32, #tpu.memory_space<hbm>> -> memref<512x32xf32, #tpu.memory_space<hbm>>
        %dma_start3A_56 = arith.constant 0 : i32
        %dma_start3A_57 = tpu.memref_slice %arg5[%mul3A_41, %dma_start3A_56] : memref<320000x32xf32, #tpu.memory_space<hbm>> -> memref<512x32xf32, #tpu.memory_space<hbm>>
        tpu.enqueue_dma source(%dma_start3A_57 : memref<512x32xf32, #tpu.memory_space<hbm>>) target(%arg10 : memref<512x32xf32, #tpu.memory_space<vmem>>) target_semaphore(%run_scoped3A : memref<!tpu.dma_semaphore, #tpu.memory_space<semaphore_mem>>)
        %dma_wait3A_58 = arith.constant 0 : i32
        %dma_wait3A_59 = tpu.memref_slice %arg5[%mul3A_41, %dma_wait3A_58] : memref<320000x32xf32, #tpu.memory_space<hbm>> -> memref<512x32xf32, #tpu.memory_space<hbm>>
        %dma_wait3A_60 = arith.constant 0 : i32
        %dma_wait3A_61 = tpu.memref_slice %arg5[%mul3A_41, %dma_wait3A_60] : memref<320000x32xf32, #tpu.memory_space<hbm>> -> memref<512x32xf32, #tpu.memory_space<hbm>>
        tpu.wait_dma2 semaphore(%run_scoped3A : memref<!tpu.dma_semaphore, #tpu.memory_space<semaphore_mem>>) src(%dma_wait3A_61 : memref<512x32xf32, #tpu.memory_space<hbm>>) dst(%arg10 : memref<512x32xf32, #tpu.memory_space<vmem>>)
        tpu.yield
      }) : () -> ()
      %scan3A_46 = arith.constant 0 : i32
      %scan3A_47 = arith.constant 0 : i32
      %scan3A_48 = arith.constant 512 : i32
      %scan3A_49 = arith.addi %scan3A_47, %scan3A_48 : i32
      %scan3A_50 = arith.constant 1 : i32
      %scan3A_51 = scf.for %scan3A_54 = %scan3A_47 to %scan3A_49 step %scan3A_50 iter_args(%scan3A_55 = %scan3A_46) -> (i32)  : i32 {
        %get3A = arith.index_cast %scan3A_54 : i32 to index
        %get3A_56 = arith.constant 0 : index
        %get3A_57 = tpu.vector_load %arg9[%get3A, %get3A_56] {strides = array<i32>} : memref<512x32xf32, #tpu.memory_space<vmem>>, vector<16xf32>,
        %get3A_58 = arith.index_cast %scan3A_54 : i32 to index
        %get3A_59 = arith.constant 0 : index
        %get3A_60 = tpu.vector_load %arg10[%get3A_58, %get3A_59] {strides = array<i32>} : memref<512x32xf32, #tpu.memory_space<vmem>>, vector<16xf32>,
        %add3A_61 = arith.addf %get3A_57, %get3A_60 : vector<16xf32>
        %swap3A = arith.index_cast %scan3A_54 : i32 to index
        %swap3A_62 = arith.constant 0 : index
        %swap3A_63 = tpu.vector_load %arg9[%swap3A, %swap3A_62] {strides = array<i32>} : memref<512x32xf32, #tpu.memory_space<vmem>>, vector<16xf32>,
        tpu.vector_store %arg9[%swap3A, %swap3A_62], %add3A_61 {strides = array<i32>} : memref<512x32xf32, #tpu.memory_space<vmem>>, vector<16xf32>,
        %get3A_64 = arith.index_cast %scan3A_54 : i32 to index
        %get3A_65 = arith.constant 16 : index
        %get3A_66 = tpu.vector_load %arg9[%get3A_64, %get3A_65] {strides = array<i32>} : memref<512x32xf32, #tpu.memory_space<vmem>>, vector<16xf32>,
        %get3A_67 = arith.index_cast %scan3A_54 : i32 to index
        %get3A_68 = arith.constant 16 : index
        %get3A_69 = tpu.vector_load %arg10[%get3A_67, %get3A_68] {strides = array<i32>} : memref<512x32xf32, #tpu.memory_space<vmem>>, vector<16xf32>,
        %add3A_70 = arith.addf %get3A_66, %get3A_69 : vector<16xf32>
        %swap3A_71 = arith.index_cast %scan3A_54 : i32 to index
        %swap3A_72 = arith.constant 16 : index
        %swap3A_73 = tpu.vector_load %arg9[%swap3A_71, %swap3A_72] {strides = array<i32>} : memref<512x32xf32, #tpu.memory_space<vmem>>, vector<16xf32>,
        tpu.vector_store %arg9[%swap3A_71, %swap3A_72], %add3A_70 {strides = array<i32>} : memref<512x32xf32, #tpu.memory_space<vmem>>, vector<16xf32>,
        %scan3A_74 = arith.constant 0 : i32
        scf.yield %scan3A_74 : i32
      }
      %scan3A_52 = arith.constant 512 : i32
      "tpu.region"() ({
        %run_scoped3A = tpu.sem_alloc : memref<!tpu.dma_semaphore, #tpu.memory_space<semaphore_mem>>
        %dma_start3A_54 = arith.constant 0 : i32
        %dma_start3A_55 = arith.constant 0 : i32
        %dma_start3A_56 = tpu.memref_slice %arg12[%dma_start3A_54, %dma_start3A_55] : memref<10000x32xf32, #tpu.memory_space<vmem_shared>> -> memref<10000x32xf32, #tpu.memory_space<vmem_shared>>
        tpu.enqueue_indirect_dma source(%arg9 : memref<512x32xf32, #tpu.memory_space<vmem>>) target(%dma_start3A_56 : memref<10000x32xf32, #tpu.memory_space<vmem_shared>>) offsets(%arg8 : memref<512xi32, #tpu.memory_space<vmem>>) semaphore(%run_scoped3A : memref<!tpu.dma_semaphore, #tpu.memory_space<semaphore_mem>>) {add = true}
        %dma_wait3A_57 = arith.constant 0 : i32
        %dma_wait3A_58 = arith.constant 0 : i32
        %dma_wait3A_59 = tpu.memref_slice %arg12[%dma_wait3A_57, %dma_wait3A_58] : memref<10000x32xf32, #tpu.memory_space<vmem_shared>> -> memref<10000x32xf32, #tpu.memory_space<vmem_shared>>
        tpu.wait_indirect_dma semaphore(%run_scoped3A : memref<!tpu.dma_semaphore, #tpu.memory_space<semaphore_mem>>) src(%arg9 : memref<512x32xf32, #tpu.memory_space<vmem>>) dst(%dma_wait3A_59 : memref<10000x32xf32, #tpu.memory_space<vmem_shared>>)
        tpu.yield
      }) : () -> ()
      %while3A_53 = arith.constant 0 : i32
      scf.yield %while3A_53 : i32
    }
    %while3A_23 = arith.constant 1 : i32
    %while3A_24 = scf.for %while3A_35 = %while3A_20 to %while3A_16 step %while3A_23 iter_args(%while3A_36 = %while3A_22) -> (i32)  : i32 {
      %mul3A_37 = arith.constant 32 : i32
      %mul3A_38 = arith.muli %mul3A_37, %while3A_35 : i32
      %add3A_39 = arith.addi %add3A, %mul3A_38 : i32
      %mul3A_40 = arith.constant 512 : i32
      %mul3A_41 = arith.muli %add3A_39, %mul3A_40 : i32
      "tpu.region"() ({
        %run_scoped3A = tpu.sem_alloc : memref<!tpu.dma_semaphore, #tpu.memory_space<semaphore_mem>>
        %dma_start3A_54 = tpu.memref_slice %arg2[%mul3A_41] : memref<320000xi32, #tpu.memory_space<hbm>> -> memref<512xi32, #tpu.memory_space<hbm>>
        %dma_start3A_55 = tpu.memref_slice %arg2[%mul3A_41] : memref<320000xi32, #tpu.memory_space<hbm>> -> memref<512xi32, #tpu.memory_space<hbm>>
        tpu.enqueue_dma source(%dma_start3A_55 : memref<512xi32, #tpu.memory_space<hbm>>) target(%arg7 : memref<512xi32, #tpu.memory_space<vmem>>) target_semaphore(%run_scoped3A : memref<!tpu.dma_semaphore, #tpu.memory_space<semaphore_mem>>)
        %dma_wait3A_56 = tpu.memref_slice %arg2[%mul3A_41] : memref<320000xi32, #tpu.memory_space<hbm>> -> memref<512xi32, #tpu.memory_space<hbm>>
        %dma_wait3A_57 = tpu.memref_slice %arg2[%mul3A_41] : memref<320000xi32, #tpu.memory_space<hbm>> -> memref<512xi32, #tpu.memory_space<hbm>>
        tpu.wait_dma2 semaphore(%run_scoped3A : memref<!tpu.dma_semaphore, #tpu.memory_space<semaphore_mem>>) src(%dma_wait3A_57 : memref<512xi32, #tpu.memory_space<hbm>>) dst(%arg7 : memref<512xi32, #tpu.memory_space<vmem>>)
        tpu.yield
      }) : () -> ()
      "tpu.region"() ({
        %run_scoped3A = tpu.sem_alloc : memref<!tpu.dma_semaphore, #tpu.memory_space<semaphore_mem>>
        %dma_start3A_54 = tpu.memref_slice %arg3[%mul3A_41] : memref<320000xi32, #tpu.memory_space<hbm>> -> memref<512xi32, #tpu.memory_space<hbm>>
        %dma_start3A_55 = tpu.memref_slice %arg3[%mul3A_41] : memref<320000xi32, #tpu.memory_space<hbm>> -> memref<512xi32, #tpu.memory_space<hbm>>
        tpu.enqueue_dma source(%dma_start3A_55 : memref<512xi32, #tpu.memory_space<hbm>>) target(%arg8 : memref<512xi32, #tpu.memory_space<vmem>>) target_semaphore(%run_scoped3A : memref<!tpu.dma_semaphore, #tpu.memory_space<semaphore_mem>>)
        %dma_wait3A_56 = tpu.memref_slice %arg3[%mul3A_41] : memref<320000xi32, #tpu.memory_space<hbm>> -> memref<512xi32, #tpu.memory_space<hbm>>
        %dma_wait3A_57 = tpu.memref_slice %arg3[%mul3A_41] : memref<320000xi32, #tpu.memory_space<hbm>> -> memref<512xi32, #tpu.memory_space<hbm>>
        tpu.wait_dma2 semaphore(%run_scoped3A : memref<!tpu.dma_semaphore, #tpu.memory_space<semaphore_mem>>) src(%dma_wait3A_57 : memref<512xi32, #tpu.memory_space<hbm>>) dst(%arg8 : memref<512xi32, #tpu.memory_space<vmem>>)
        tpu.yield
      }) : () -> ()
      %dma_start3A = arith.constant 0 : i32
      %dma_start3A_42 = arith.constant 0 : i32
      %dma_start3A_43 = tpu.memref_slice %arg4[%dma_start3A, %dma_start3A_42] : memref<10000x32xf32, #tpu.memory_space<hbm>> -> memref<10000x32xf32, #tpu.memory_space<hbm>>
      tpu.enqueue_indirect_dma source(%dma_start3A_43 : memref<10000x32xf32, #tpu.memory_space<hbm>>) target(%arg9 : memref<512x32xf32, #tpu.memory_space<vmem>>) offsets(%arg7 : memref<512xi32, #tpu.memory_space<vmem>>) semaphore(%arg13 : memref<!tpu.dma_semaphore, #tpu.memory_space<semaphore_mem>>)
      %dma_wait3A = arith.constant 0 : i32
      %dma_wait3A_44 = arith.constant 0 : i32
      %dma_wait3A_45 = tpu.memref_slice %arg4[%dma_wait3A, %dma_wait3A_44] : memref<10000x32xf32, #tpu.memory_space<hbm>> -> memref<10000x32xf32, #tpu.memory_space<hbm>>
      tpu.wait_indirect_dma semaphore(%arg13 : memref<!tpu.dma_semaphore, #tpu.memory_space<semaphore_mem>>) src(%dma_wait3A_45 : memref<10000x32xf32, #tpu.memory_space<hbm>>) dst(%arg9 : memref<512x32xf32, #tpu.memory_space<vmem>>)
      "tpu.region"() ({
        %run_scoped3A = tpu.sem_alloc : memref<!tpu.dma_semaphore, #tpu.memory_space<semaphore_mem>>
        %dma_start3A_54 = arith.constant 0 : i32
        %dma_start3A_55 = tpu.memref_slice %arg5[%mul3A_41, %dma_start3A_54] : memref<320000x32xf32, #tpu.memory_space<hbm>> -> memref<512x32xf32, #tpu.memory_space<hbm>>
        %dma_start3A_56 = arith.constant 0 : i32
        %dma_start3A_57 = tpu.memref_slice %arg5[%mul3A_41, %dma_start3A_56] : memref<320000x32xf32, #tpu.memory_space<hbm>> -> memref<512x32xf32, #tpu.memory_space<hbm>>
        tpu.enqueue_dma source(%dma_start3A_57 : memref<512x32xf32, #tpu.memory_space<hbm>>) target(%arg10 : memref<512x32xf32, #tpu.memory_space<vmem>>) target_semaphore(%run_scoped3A : memref<!tpu.dma_semaphore, #tpu.memory_space<semaphore_mem>>)
        %dma_wait3A_58 = arith.constant 0 : i32
        %dma_wait3A_59 = tpu.memref_slice %arg5[%mul3A_41, %dma_wait3A_58] : memref<320000x32xf32, #tpu.memory_space<hbm>> -> memref<512x32xf32, #tpu.memory_space<hbm>>
        %dma_wait3A_60 = arith.constant 0 : i32
        %dma_wait3A_61 = tpu.memref_slice %arg5[%mul3A_41, %dma_wait3A_60] : memref<320000x32xf32, #tpu.memory_space<hbm>> -> memref<512x32xf32, #tpu.memory_space<hbm>>
        tpu.wait_dma2 semaphore(%run_scoped3A : memref<!tpu.dma_semaphore, #tpu.memory_space<semaphore_mem>>) src(%dma_wait3A_61 : memref<512x32xf32, #tpu.memory_space<hbm>>) dst(%arg10 : memref<512x32xf32, #tpu.memory_space<vmem>>)
        tpu.yield
      }) : () -> ()
      %scan3A_46 = arith.constant 0 : i32
      %scan3A_47 = arith.constant 0 : i32
      %scan3A_48 = arith.constant 512 : i32
      %scan3A_49 = arith.addi %scan3A_47, %scan3A_48 : i32
      %scan3A_50 = arith.constant 1 : i32
      %scan3A_51 = scf.for %scan3A_54 = %scan3A_47 to %scan3A_49 step %scan3A_50 iter_args(%scan3A_55 = %scan3A_46) -> (i32)  : i32 {
        %get3A = arith.index_cast %scan3A_54 : i32 to index
        %get3A_56 = arith.constant 0 : index
        %get3A_57 = tpu.vector_load %arg9[%get3A, %get3A_56] {strides = array<i32>} : memref<512x32xf32, #tpu.memory_space<vmem>>, vector<16xf32>,
        %get3A_58 = arith.index_cast %scan3A_54 : i32 to index
        %get3A_59 = arith.constant 0 : index
        %get3A_60 = tpu.vector_load %arg10[%get3A_58, %get3A_59] {strides = array<i32>} : memref<512x32xf32, #tpu.memory_space<vmem>>, vector<16xf32>,
        %add3A_61 = arith.addf %get3A_57, %get3A_60 : vector<16xf32>
        %swap3A = arith.index_cast %scan3A_54 : i32 to index
        %swap3A_62 = arith.constant 0 : index
        %swap3A_63 = tpu.vector_load %arg9[%swap3A, %swap3A_62] {strides = array<i32>} : memref<512x32xf32, #tpu.memory_space<vmem>>, vector<16xf32>,
        tpu.vector_store %arg9[%swap3A, %swap3A_62], %add3A_61 {strides = array<i32>} : memref<512x32xf32, #tpu.memory_space<vmem>>, vector<16xf32>,
        %get3A_64 = arith.index_cast %scan3A_54 : i32 to index
        %get3A_65 = arith.constant 16 : index
        %get3A_66 = tpu.vector_load %arg9[%get3A_64, %get3A_65] {strides = array<i32>} : memref<512x32xf32, #tpu.memory_space<vmem>>, vector<16xf32>,
        %get3A_67 = arith.index_cast %scan3A_54 : i32 to index
        %get3A_68 = arith.constant 16 : index
        %get3A_69 = tpu.vector_load %arg10[%get3A_67, %get3A_68] {strides = array<i32>} : memref<512x32xf32, #tpu.memory_space<vmem>>, vector<16xf32>,
        %add3A_70 = arith.addf %get3A_66, %get3A_69 : vector<16xf32>
        %swap3A_71 = arith.index_cast %scan3A_54 : i32 to index
        %swap3A_72 = arith.constant 16 : index
        %swap3A_73 = tpu.vector_load %arg9[%swap3A_71, %swap3A_72] {strides = array<i32>} : memref<512x32xf32, #tpu.memory_space<vmem>>, vector<16xf32>,
        tpu.vector_store %arg9[%swap3A_71, %swap3A_72], %add3A_70 {strides = array<i32>} : memref<512x32xf32, #tpu.memory_space<vmem>>, vector<16xf32>,
        %scan3A_74 = arith.constant 0 : i32
        scf.yield %scan3A_74 : i32
      }
      %scan3A_52 = arith.constant 512 : i32
      "tpu.region"() ({
        %run_scoped3A = tpu.sem_alloc : memref<!tpu.dma_semaphore, #tpu.memory_space<semaphore_mem>>
        %dma_start3A_54 = arith.constant 0 : i32
        %dma_start3A_55 = arith.constant 0 : i32
        %dma_start3A_56 = tpu.memref_slice %arg12[%dma_start3A_54, %dma_start3A_55] : memref<10000x32xf32, #tpu.memory_space<vmem_shared>> -> memref<10000x32xf32, #tpu.memory_space<vmem_shared>>
        tpu.enqueue_indirect_dma source(%arg9 : memref<512x32xf32, #tpu.memory_space<vmem>>) target(%dma_start3A_56 : memref<10000x32xf32, #tpu.memory_space<vmem_shared>>) offsets(%arg8 : memref<512xi32, #tpu.memory_space<vmem>>) semaphore(%run_scoped3A : memref<!tpu.dma_semaphore, #tpu.memory_space<semaphore_mem>>) {add = true}
        %dma_wait3A_57 = arith.constant 0 : i32
        %dma_wait3A_58 = arith.constant 0 : i32
        %dma_wait3A_59 = tpu.memref_slice %arg12[%dma_wait3A_57, %dma_wait3A_58] : memref<10000x32xf32, #tpu.memory_space<vmem_shared>> -> memref<10000x32xf32, #tpu.memory_space<vmem_shared>>
        tpu.wait_indirect_dma semaphore(%run_scoped3A : memref<!tpu.dma_semaphore, #tpu.memory_space<semaphore_mem>>) src(%arg9 : memref<512x32xf32, #tpu.memory_space<vmem>>) dst(%dma_wait3A_59 : memref<10000x32xf32, #tpu.memory_space<vmem_shared>>)
        tpu.yield
      }) : () -> ()
      %while3A_53 = arith.constant 0 : i32
      scf.yield %while3A_53 : i32
    }
    %barrier3A_25 = arith.constant 0 : index
    tpu.barrier barrier_id(%barrier3A_25)
    %mul3A_26 = arith.constant 624 : i32
    %mul3A_27 = arith.muli %arg1, %mul3A_26 : i32
    "tpu.region"() ({
      %run_scoped3A = tpu.sem_alloc : memref<!tpu.dma_semaphore, #tpu.memory_space<semaphore_mem>>
      %dma_start3A = arith.constant 0 : i32
      %dma_start3A_35 = tpu.memref_slice %arg12[%mul3A_27, %dma_start3A] : memref<10000x32xf32, #tpu.memory_space<vmem_shared>> -> memref<624x32xf32, #tpu.memory_space<vmem_shared>>
      %dma_start3A_36 = arith.constant 0 : i32
      %dma_start3A_37 = tpu.memref_slice %arg12[%mul3A_27, %dma_start3A_36] : memref<10000x32xf32, #tpu.memory_space<vmem_shared>> -> memref<624x32xf32, #tpu.memory_space<vmem_shared>>
      tpu.enqueue_dma source(%dma_start3A_37 : memref<624x32xf32, #tpu.memory_space<vmem_shared>>) target(%arg11 : memref<624x32xf32, #tpu.memory_space<vmem>>) target_semaphore(%run_scoped3A : memref<!tpu.dma_semaphore, #tpu.memory_space<semaphore_mem>>)
      %dma_wait3A = arith.constant 0 : i32
      %dma_wait3A_38 = tpu.memref_slice %arg12[%mul3A_27, %dma_wait3A] : memref<10000x32xf32, #tpu.memory_space<vmem_shared>> -> memref<624x32xf32, #tpu.memory_space<vmem_shared>>
      %dma_wait3A_39 = arith.constant 0 : i32
      %dma_wait3A_40 = tpu.memref_slice %arg12[%mul3A_27, %dma_wait3A_39] : memref<10000x32xf32, #tpu.memory_space<vmem_shared>> -> memref<624x32xf32, #tpu.memory_space<vmem_shared>>
      tpu.wait_dma2 semaphore(%run_scoped3A : memref<!tpu.dma_semaphore, #tpu.memory_space<semaphore_mem>>) src(%dma_wait3A_40 : memref<624x32xf32, #tpu.memory_space<vmem_shared>>) dst(%arg11 : memref<624x32xf32, #tpu.memory_space<vmem>>)
      tpu.yield
    }) : () -> ()
    %mul3A_28 = arith.constant 624 : i32
    %mul3A_29 = arith.muli %arg1, %mul3A_28 : i32
    "tpu.region"() ({
      %run_scoped3A = tpu.sem_alloc : memref<!tpu.dma_semaphore, #tpu.memory_space<semaphore_mem>>
      %dma_start3A = arith.constant 0 : i32
      %dma_start3A_35 = tpu.memref_slice %arg6[%arg0, %mul3A_29, %dma_start3A] : memref<2x10000x32xf32, #tpu.memory_space<hbm>> -> memref<1x624x32xf32, #tpu.memory_space<hbm>>
      %dma_start3A_36 = tpu.memref_squeeze %dma_start3A_35 : memref<1x624x32xf32, #tpu.memory_space<hbm>> -> memref<624x32xf32, #tpu.memory_space<hbm>>
      %dma_start3A_37 = arith.constant 0 : i32
      %dma_start3A_38 = tpu.memref_slice %arg6[%arg0, %mul3A_29, %dma_start3A_37] : memref<2x10000x32xf32, #tpu.memory_space<hbm>> -> memref<1x624x32xf32, #tpu.memory_space<hbm>>
      %dma_start3A_39 = tpu.memref_squeeze %dma_start3A_38 : memref<1x624x32xf32, #tpu.memory_space<hbm>> -> memref<624x32xf32, #tpu.memory_space<hbm>>
      tpu.enqueue_dma source(%arg11 : memref<624x32xf32, #tpu.memory_space<vmem>>) target(%dma_start3A_39 : memref<624x32xf32, #tpu.memory_space<hbm>>) target_semaphore(%run_scoped3A : memref<!tpu.dma_semaphore, #tpu.memory_space<semaphore_mem>>)
      %dma_wait3A = arith.constant 0 : i32
      %dma_wait3A_40 = tpu.memref_slice %arg6[%arg0, %mul3A_29, %dma_wait3A] : memref<2x10000x32xf32, #tpu.memory_space<hbm>> -> memref<1x624x32xf32, #tpu.memory_space<hbm>>
      %dma_wait3A_41 = tpu.memref_squeeze %dma_wait3A_40 : memref<1x624x32xf32, #tpu.memory_space<hbm>> -> memref<624x32xf32, #tpu.memory_space<hbm>>
      %dma_wait3A_42 = arith.constant 0 : i32
      %dma_wait3A_43 = tpu.memref_slice %arg6[%arg0, %mul3A_29, %dma_wait3A_42] : memref<2x10000x32xf32, #tpu.memory_space<hbm>> -> memref<1x624x32xf32, #tpu.memory_space<hbm>>
      %dma_wait3A_44 = tpu.memref_squeeze %dma_wait3A_43 : memref<1x624x32xf32, #tpu.memory_space<hbm>> -> memref<624x32xf32, #tpu.memory_space<hbm>>
      tpu.wait_dma2 semaphore(%run_scoped3A : memref<!tpu.dma_semaphore, #tpu.memory_space<semaphore_mem>>) src(%arg11 : memref<624x32xf32, #tpu.memory_space<vmem>>) dst(%dma_wait3A_44 : memref<624x32xf32, #tpu.memory_space<hbm>>)
      tpu.yield
    }) : () -> ()
    %eq3A_30 = arith.constant 0 : i32
    %eq3A_31 = arith.cmpi eq, %arg1, %eq3A_30 : i32
    %convert_element_type3A_32 = arith.extui %eq3A_31 : i1 to i32
    %cond3A_33 = arith.constant 0 : i32
    %cond3A_34 = arith.cmpi ne, %convert_element_type3A_32, %cond3A_33 : i32
    scf.if %cond3A_34 {
      "tpu.region"() ({
        %run_scoped3A = tpu.sem_alloc : memref<!tpu.dma_semaphore, #tpu.memory_space<semaphore_mem>>
        %dma_start3A = arith.constant 0 : i32
        %dma_start3A_35 = arith.constant 0 : i32
        %dma_start3A_36 = tpu.memref_slice %arg11[%dma_start3A, %dma_start3A_35] : memref<624x32xf32, #tpu.memory_space<vmem>> -> memref<16x32xf32, #tpu.memory_space<vmem>>
        %dma_start3A_37 = arith.constant 9984 : i32
        %dma_start3A_38 = arith.constant 0 : i32
        %dma_start3A_39 = tpu.memref_slice %arg12[%dma_start3A_37, %dma_start3A_38] : memref<10000x32xf32, #tpu.memory_space<vmem_shared>> -> memref<16x32xf32, #tpu.memory_space<vmem_shared>>
        %dma_start3A_40 = arith.constant 0 : i32
        %dma_start3A_41 = arith.constant 0 : i32
        %dma_start3A_42 = tpu.memref_slice %arg11[%dma_start3A_40, %dma_start3A_41] : memref<624x32xf32, #tpu.memory_space<vmem>> -> memref<16x32xf32, #tpu.memory_space<vmem>>
        %dma_start3A_43 = arith.constant 9984 : i32
        %dma_start3A_44 = arith.constant 0 : i32
        %dma_start3A_45 = tpu.memref_slice %arg12[%dma_start3A_43, %dma_start3A_44] : memref<10000x32xf32, #tpu.memory_space<vmem_shared>> -> memref<16x32xf32, #tpu.memory_space<vmem_shared>>
        tpu.enqueue_dma source(%dma_start3A_45 : memref<16x32xf32, #tpu.memory_space<vmem_shared>>) target(%dma_start3A_42 : memref<16x32xf32, #tpu.memory_space<vmem>>) target_semaphore(%run_scoped3A : memref<!tpu.dma_semaphore, #tpu.memory_space<semaphore_mem>>)
        %dma_wait3A = arith.constant 0 : i32
        %dma_wait3A_46 = arith.constant 0 : i32
        %dma_wait3A_47 = tpu.memref_slice %arg11[%dma_wait3A, %dma_wait3A_46] : memref<624x32xf32, #tpu.memory_space<vmem>> -> memref<16x32xf32, #tpu.memory_space<vmem>>
        %dma_wait3A_48 = arith.constant 9984 : i32
        %dma_wait3A_49 = arith.constant 0 : i32
        %dma_wait3A_50 = tpu.memref_slice %arg12[%dma_wait3A_48, %dma_wait3A_49] : memref<10000x32xf32, #tpu.memory_space<vmem_shared>> -> memref<16x32xf32, #tpu.memory_space<vmem_shared>>
        %dma_wait3A_51 = arith.constant 0 : i32
        %dma_wait3A_52 = arith.constant 0 : i32
        %dma_wait3A_53 = tpu.memref_slice %arg11[%dma_wait3A_51, %dma_wait3A_52] : memref<624x32xf32, #tpu.memory_space<vmem>> -> memref<16x32xf32, #tpu.memory_space<vmem>>
        %dma_wait3A_54 = arith.constant 9984 : i32
        %dma_wait3A_55 = arith.constant 0 : i32
        %dma_wait3A_56 = tpu.memref_slice %arg12[%dma_wait3A_54, %dma_wait3A_55] : memref<10000x32xf32, #tpu.memory_space<vmem_shared>> -> memref<16x32xf32, #tpu.memory_space<vmem_shared>>
        tpu.wait_dma2 semaphore(%run_scoped3A : memref<!tpu.dma_semaphore, #tpu.memory_space<semaphore_mem>>) src(%dma_wait3A_56 : memref<16x32xf32, #tpu.memory_space<vmem_shared>>) dst(%dma_wait3A_53 : memref<16x32xf32, #tpu.memory_space<vmem>>)
        tpu.yield
      }) : () -> ()
      "tpu.region"() ({
        %run_scoped3A = tpu.sem_alloc : memref<!tpu.dma_semaphore, #tpu.memory_space<semaphore_mem>>
        %dma_start3A = arith.constant 0 : i32
        %dma_start3A_35 = arith.constant 0 : i32
        %dma_start3A_36 = tpu.memref_slice %arg11[%dma_start3A, %dma_start3A_35] : memref<624x32xf32, #tpu.memory_space<vmem>> -> memref<16x32xf32, #tpu.memory_space<vmem>>
        %dma_start3A_37 = arith.constant 9984 : i32
        %dma_start3A_38 = arith.constant 0 : i32
        %dma_start3A_39 = tpu.memref_slice %arg6[%arg0, %dma_start3A_37, %dma_start3A_38] : memref<2x10000x32xf32, #tpu.memory_space<hbm>> -> memref<1x16x32xf32, #tpu.memory_space<hbm>>
        %dma_start3A_40 = tpu.memref_squeeze %dma_start3A_39 : memref<1x16x32xf32, #tpu.memory_space<hbm>> -> memref<16x32xf32, #tpu.memory_space<hbm>>
        %dma_start3A_41 = arith.constant 9984 : i32
        %dma_start3A_42 = arith.constant 0 : i32
        %dma_start3A_43 = tpu.memref_slice %arg6[%arg0, %dma_start3A_41, %dma_start3A_42] : memref<2x10000x32xf32, #tpu.memory_space<hbm>> -> memref<1x16x32xf32, #tpu.memory_space<hbm>>
        %dma_start3A_44 = tpu.memref_squeeze %dma_start3A_43 : memref<1x16x32xf32, #tpu.memory_space<hbm>> -> memref<16x32xf32, #tpu.memory_space<hbm>>
        %dma_start3A_45 = arith.constant 0 : i32
        %dma_start3A_46 = arith.constant 0 : i32
        %dma_start3A_47 = tpu.memref_slice %arg11[%dma_start3A_45, %dma_start3A_46] : memref<624x32xf32, #tpu.memory_space<vmem>> -> memref<16x32xf32, #tpu.memory_space<vmem>>
        tpu.enqueue_dma source(%dma_start3A_47 : memref<16x32xf32, #tpu.memory_space<vmem>>) target(%dma_start3A_44 : memref<16x32xf32, #tpu.memory_space<hbm>>) target_semaphore(%run_scoped3A : memref<!tpu.dma_semaphore, #tpu.memory_space<semaphore_mem>>)
        %dma_wait3A = arith.constant 0 : i32
        %dma_wait3A_48 = arith.constant 0 : i32
        %dma_wait3A_49 = tpu.memref_slice %arg11[%dma_wait3A, %dma_wait3A_48] : memref<624x32xf32, #tpu.memory_space<vmem>> -> memref<16x32xf32, #tpu.memory_space<vmem>>
        %dma_wait3A_50 = arith.constant 9984 : i32
        %dma_wait3A_51 = arith.constant 0 : i32
        %dma_wait3A_52 = tpu.memref_slice %arg6[%arg0, %dma_wait3A_50, %dma_wait3A_51] : memref<2x10000x32xf32, #tpu.memory_space<hbm>> -> memref<1x16x32xf32, #tpu.memory_space<hbm>>
        %dma_wait3A_53 = tpu.memref_squeeze %dma_wait3A_52 : memref<1x16x32xf32, #tpu.memory_space<hbm>> -> memref<16x32xf32, #tpu.memory_space<hbm>>
        %dma_wait3A_54 = arith.constant 9984 : i32
        %dma_wait3A_55 = arith.constant 0 : i32
        %dma_wait3A_56 = tpu.memref_slice %arg6[%arg0, %dma_wait3A_54, %dma_wait3A_55] : memref<2x10000x32xf32, #tpu.memory_space<hbm>> -> memref<1x16x32xf32, #tpu.memory_space<hbm>>
        %dma_wait3A_57 = tpu.memref_squeeze %dma_wait3A_56 : memref<1x16x32xf32, #tpu.memory_space<hbm>> -> memref<16x32xf32, #tpu.memory_space<hbm>>
        %dma_wait3A_58 = arith.constant 0 : i32
        %dma_wait3A_59 = arith.constant 0 : i32
        %dma_wait3A_60 = tpu.memref_slice %arg11[%dma_wait3A_58, %dma_wait3A_59] : memref<624x32xf32, #tpu.memory_space<vmem>> -> memref<16x32xf32, #tpu.memory_space<vmem>>
        tpu.wait_dma2 semaphore(%run_scoped3A : memref<!tpu.dma_semaphore, #tpu.memory_space<semaphore_mem>>) src(%dma_wait3A_60 : memref<16x32xf32, #tpu.memory_space<vmem>>) dst(%dma_wait3A_57 : memref<16x32xf32, #tpu.memory_space<hbm>>)
        tpu.yield
      }) : () -> ()
    } else {
    }
    return
  }
}

#map = affine_map<(d0, d1) -> (0)>
#map1 = affine_map<(d0, d1) -> (0, 0)>
module attributes {stable_mosaic.version = 14 : i64} {
  func.func @body(%arg0: i32, %arg1: i32, %arg2: memref<640000xi32, #tpu.memory_space<hbm>>, %arg3: memref<640000x32xf32, #tpu.memory_space<hbm>>, %arg4: memref<322560x32xf32, #tpu.memory_space<hbm>>, %arg5: memref<2000xi32, #tpu.memory_space<vmem>>, %arg6: memref<256x32xf32, #tpu.memory_space<vmem>>, %arg7: memref<280x32xf32, #tpu.memory_space<vmem>>, %arg8: memref<159x256xi32, #tpu.memory_space<vmem>>, %arg9: memref<159x256xi32, #tpu.memory_space<vmem>>, %arg10: memref<13472x32xf32, #tpu.memory_space<vmem_shared>>, %arg11: memref<!tpu.dma_semaphore, #tpu.memory_space<semaphore_mem>>) attributes {dimension_semantics = [#tpu.dimension_semantics<core_parallel>, #tpu.dimension_semantics<subcore_parallel>], iteration_bounds = array<i64: 2, 16>, scalar_prefetch = 0 : i64, scratch_operands = 7 : i64, tpu.core_type = #tpu.core_type<sc_vector_subcore>, window_params = [{transform_indices = #map}, {transform_indices = #map1}, {transform_indices = #map1}]} {
    %iota3A = tpu.iota {dimensions = array<i32: 0>} : vector<16xi32>
    %scan3A = arith.constant 0 : i32
    %scan3A_0 = arith.constant 0 : i32
    %scan3A_1 = arith.constant 12 : i32
    %scan3A_2 = arith.addi %scan3A_0, %scan3A_1 : i32
    %scan3A_3 = arith.constant 1 : i32
    %scan3A_4 = scf.for %scan3A_6 = %scan3A_0 to %scan3A_2 step %scan3A_3 iter_args(%scan3A_7 = %scan3A) -> (i32)  : i32 {
      %mul3A = arith.constant 12 : i32
      %mul3A_8 = arith.muli %arg0, %mul3A : i32
      %add3A = arith.addi %mul3A_8, %scan3A_6 : i32
      %mul3A_9 = arith.constant 13440 : i32
      %mul3A_10 = arith.muli %add3A, %mul3A_9 : i32
      %barrier3A = arith.constant 0 : index
      tpu.barrier barrier_id(%barrier3A)
      %broadcast_in_dim3A = arith.constant 0.000000e+00 : f32
      %broadcast_in_dim3A_11 = vector.broadcast %broadcast_in_dim3A : f32 to vector<16xf32>
      %scan3A_12 = arith.constant 0 : i32
      %scan3A_13 = arith.constant 0 : i32
      %scan3A_14 = arith.constant 32 : i32
      %scan3A_15 = arith.addi %scan3A_13, %scan3A_14 : i32
      %scan3A_16 = arith.constant 1 : i32
      %scan3A_17 = scf.for %scan3A_452 = %scan3A_13 to %scan3A_15 step %scan3A_16 iter_args(%scan3A_453 = %scan3A_12) -> (i32)  : i32 {
        %swap3A = arith.index_cast %scan3A_452 : i32 to index
        %swap3A_454 = arith.constant 0 : index
        %swap3A_455 = tpu.vector_load %arg6[%swap3A, %swap3A_454] {strides = array<i32>} : memref<256x32xf32, #tpu.memory_space<vmem>>, vector<16xf32>,
        tpu.vector_store %arg6[%swap3A, %swap3A_454], %broadcast_in_dim3A_11 {strides = array<i32>} : memref<256x32xf32, #tpu.memory_space<vmem>>, vector<16xf32>,
        %swap3A_456 = arith.index_cast %scan3A_452 : i32 to index
        %swap3A_457 = arith.constant 16 : index
        %swap3A_458 = tpu.vector_load %arg6[%swap3A_456, %swap3A_457] {strides = array<i32>} : memref<256x32xf32, #tpu.memory_space<vmem>>, vector<16xf32>,
        tpu.vector_store %arg6[%swap3A_456, %swap3A_457], %broadcast_in_dim3A_11 {strides = array<i32>} : memref<256x32xf32, #tpu.memory_space<vmem>>, vector<16xf32>,
        %scan3A_459 = arith.constant 0 : i32
        scf.yield %scan3A_459 : i32
      }
      %scan3A_18 = arith.constant 32 : i32
      %broadcast_in_dim3A_19 = arith.constant 0.000000e+00 : f32
      %broadcast_in_dim3A_20 = vector.broadcast %broadcast_in_dim3A_19 : f32 to vector<16xf32>
      %scan3A_21 = arith.constant 0 : i32
      %scan3A_22 = arith.constant 0 : i32
      %scan3A_23 = arith.constant 280 : i32
      %scan3A_24 = arith.addi %scan3A_22, %scan3A_23 : i32
      %scan3A_25 = arith.constant 1 : i32
      %scan3A_26 = scf.for %scan3A_452 = %scan3A_22 to %scan3A_24 step %scan3A_25 iter_args(%scan3A_453 = %scan3A_21) -> (i32)  : i32 {
        %swap3A = arith.index_cast %scan3A_452 : i32 to index
        %swap3A_454 = arith.constant 0 : index
        %swap3A_455 = tpu.vector_load %arg7[%swap3A, %swap3A_454] {strides = array<i32>} : memref<280x32xf32, #tpu.memory_space<vmem>>, vector<16xf32>,
        tpu.vector_store %arg7[%swap3A, %swap3A_454], %broadcast_in_dim3A_20 {strides = array<i32>} : memref<280x32xf32, #tpu.memory_space<vmem>>, vector<16xf32>,
        %swap3A_456 = arith.index_cast %scan3A_452 : i32 to index
        %swap3A_457 = arith.constant 16 : index
        %swap3A_458 = tpu.vector_load %arg7[%swap3A_456, %swap3A_457] {strides = array<i32>} : memref<280x32xf32, #tpu.memory_space<vmem>>, vector<16xf32>,
        tpu.vector_store %arg7[%swap3A_456, %swap3A_457], %broadcast_in_dim3A_20 {strides = array<i32>} : memref<280x32xf32, #tpu.memory_space<vmem>>, vector<16xf32>,
        %scan3A_459 = arith.constant 0 : i32
        scf.yield %scan3A_459 : i32
      }
      %scan3A_27 = arith.constant 280 : i32
      %mul3A_28 = arith.constant 840 : i32
      %mul3A_29 = arith.muli %arg1, %mul3A_28 : i32
      %add3A_30 = arith.constant 0 : i32
      %add3A_31 = arith.addi %mul3A_29, %add3A_30 : i32
      "tpu.region"() ({
        %run_scoped3A = tpu.sem_alloc : memref<!tpu.dma_semaphore, #tpu.memory_space<semaphore_mem>>
        %dma_start3A = arith.constant 0 : i32
        %dma_start3A_452 = tpu.memref_slice %arg10[%add3A_31, %dma_start3A] : memref<13472x32xf32, #tpu.memory_space<vmem_shared>> -> memref<280x32xf32, #tpu.memory_space<vmem_shared>>
        %dma_start3A_453 = arith.constant 0 : i32
        %dma_start3A_454 = tpu.memref_slice %arg10[%add3A_31, %dma_start3A_453] : memref<13472x32xf32, #tpu.memory_space<vmem_shared>> -> memref<280x32xf32, #tpu.memory_space<vmem_shared>>
        tpu.enqueue_dma source(%arg7 : memref<280x32xf32, #tpu.memory_space<vmem>>) target(%dma_start3A_454 : memref<280x32xf32, #tpu.memory_space<vmem_shared>>) target_semaphore(%run_scoped3A : memref<!tpu.dma_semaphore, #tpu.memory_space<semaphore_mem>>)
        %dma_wait3A = arith.constant 0 : i32
        %dma_wait3A_455 = tpu.memref_slice %arg10[%add3A_31, %dma_wait3A] : memref<13472x32xf32, #tpu.memory_space<vmem_shared>> -> memref<280x32xf32, #tpu.memory_space<vmem_shared>>
        %dma_wait3A_456 = arith.constant 0 : i32
        %dma_wait3A_457 = tpu.memref_slice %arg10[%add3A_31, %dma_wait3A_456] : memref<13472x32xf32, #tpu.memory_space<vmem_shared>> -> memref<280x32xf32, #tpu.memory_space<vmem_shared>>
        tpu.wait_dma2 semaphore(%run_scoped3A : memref<!tpu.dma_semaphore, #tpu.memory_space<semaphore_mem>>) src(%arg7 : memref<280x32xf32, #tpu.memory_space<vmem>>) dst(%dma_wait3A_457 : memref<280x32xf32, #tpu.memory_space<vmem_shared>>)
        tpu.yield
      }) : () -> ()
      %mul3A_32 = arith.constant 840 : i32
      %mul3A_33 = arith.muli %arg1, %mul3A_32 : i32
      %add3A_34 = arith.constant 280 : i32
      %add3A_35 = arith.addi %mul3A_33, %add3A_34 : i32
      "tpu.region"() ({
        %run_scoped3A = tpu.sem_alloc : memref<!tpu.dma_semaphore, #tpu.memory_space<semaphore_mem>>
        %dma_start3A = arith.constant 0 : i32
        %dma_start3A_452 = tpu.memref_slice %arg10[%add3A_35, %dma_start3A] : memref<13472x32xf32, #tpu.memory_space<vmem_shared>> -> memref<280x32xf32, #tpu.memory_space<vmem_shared>>
        %dma_start3A_453 = arith.constant 0 : i32
        %dma_start3A_454 = tpu.memref_slice %arg10[%add3A_35, %dma_start3A_453] : memref<13472x32xf32, #tpu.memory_space<vmem_shared>> -> memref<280x32xf32, #tpu.memory_space<vmem_shared>>
        tpu.enqueue_dma source(%arg7 : memref<280x32xf32, #tpu.memory_space<vmem>>) target(%dma_start3A_454 : memref<280x32xf32, #tpu.memory_space<vmem_shared>>) target_semaphore(%run_scoped3A : memref<!tpu.dma_semaphore, #tpu.memory_space<semaphore_mem>>)
        %dma_wait3A = arith.constant 0 : i32
        %dma_wait3A_455 = tpu.memref_slice %arg10[%add3A_35, %dma_wait3A] : memref<13472x32xf32, #tpu.memory_space<vmem_shared>> -> memref<280x32xf32, #tpu.memory_space<vmem_shared>>
        %dma_wait3A_456 = arith.constant 0 : i32
        %dma_wait3A_457 = tpu.memref_slice %arg10[%add3A_35, %dma_wait3A_456] : memref<13472x32xf32, #tpu.memory_space<vmem_shared>> -> memref<280x32xf32, #tpu.memory_space<vmem_shared>>
        tpu.wait_dma2 semaphore(%run_scoped3A : memref<!tpu.dma_semaphore, #tpu.memory_space<semaphore_mem>>) src(%arg7 : memref<280x32xf32, #tpu.memory_space<vmem>>) dst(%dma_wait3A_457 : memref<280x32xf32, #tpu.memory_space<vmem_shared>>)
        tpu.yield
      }) : () -> ()
      %mul3A_36 = arith.constant 840 : i32
      %mul3A_37 = arith.muli %arg1, %mul3A_36 : i32
      %add3A_38 = arith.constant 560 : i32
      %add3A_39 = arith.addi %mul3A_37, %add3A_38 : i32
      "tpu.region"() ({
        %run_scoped3A = tpu.sem_alloc : memref<!tpu.dma_semaphore, #tpu.memory_space<semaphore_mem>>
        %dma_start3A = arith.constant 0 : i32
        %dma_start3A_452 = tpu.memref_slice %arg10[%add3A_39, %dma_start3A] : memref<13472x32xf32, #tpu.memory_space<vmem_shared>> -> memref<280x32xf32, #tpu.memory_space<vmem_shared>>
        %dma_start3A_453 = arith.constant 0 : i32
        %dma_start3A_454 = tpu.memref_slice %arg10[%add3A_39, %dma_start3A_453] : memref<13472x32xf32, #tpu.memory_space<vmem_shared>> -> memref<280x32xf32, #tpu.memory_space<vmem_shared>>
        tpu.enqueue_dma source(%arg7 : memref<280x32xf32, #tpu.memory_space<vmem>>) target(%dma_start3A_454 : memref<280x32xf32, #tpu.memory_space<vmem_shared>>) target_semaphore(%run_scoped3A : memref<!tpu.dma_semaphore, #tpu.memory_space<semaphore_mem>>)
        %dma_wait3A = arith.constant 0 : i32
        %dma_wait3A_455 = tpu.memref_slice %arg10[%add3A_39, %dma_wait3A] : memref<13472x32xf32, #tpu.memory_space<vmem_shared>> -> memref<280x32xf32, #tpu.memory_space<vmem_shared>>
        %dma_wait3A_456 = arith.constant 0 : i32
        %dma_wait3A_457 = tpu.memref_slice %arg10[%add3A_39, %dma_wait3A_456] : memref<13472x32xf32, #tpu.memory_space<vmem_shared>> -> memref<280x32xf32, #tpu.memory_space<vmem_shared>>
        tpu.wait_dma2 semaphore(%run_scoped3A : memref<!tpu.dma_semaphore, #tpu.memory_space<semaphore_mem>>) src(%arg7 : memref<280x32xf32, #tpu.memory_space<vmem>>) dst(%dma_wait3A_457 : memref<280x32xf32, #tpu.memory_space<vmem_shared>>)
        tpu.yield
      }) : () -> ()
      %eq3A = arith.constant 0 : i32
      %eq3A_40 = arith.cmpi eq, %arg1, %eq3A : i32
      %convert_element_type3A = arith.extui %eq3A_40 : i1 to i32
      %cond3A = arith.constant 0 : i32
      %cond3A_41 = arith.cmpi ne, %convert_element_type3A, %cond3A : i32
      scf.if %cond3A_41 {
        "tpu.region"() ({
          %run_scoped3A = tpu.sem_alloc : memref<!tpu.dma_semaphore, #tpu.memory_space<semaphore_mem>>
          %dma_start3A = arith.constant 0 : i32
          %dma_start3A_452 = arith.constant 0 : i32
          %dma_start3A_453 = tpu.memref_slice %arg6[%dma_start3A, %dma_start3A_452] : memref<256x32xf32, #tpu.memory_space<vmem>> -> memref<32x32xf32, #tpu.memory_space<vmem>>
          %dma_start3A_454 = arith.constant 13440 : i32
          %dma_start3A_455 = arith.constant 0 : i32
          %dma_start3A_456 = tpu.memref_slice %arg10[%dma_start3A_454, %dma_start3A_455] : memref<13472x32xf32, #tpu.memory_space<vmem_shared>> -> memref<32x32xf32, #tpu.memory_space<vmem_shared>>
          %dma_start3A_457 = arith.constant 13440 : i32
          %dma_start3A_458 = arith.constant 0 : i32
          %dma_start3A_459 = tpu.memref_slice %arg10[%dma_start3A_457, %dma_start3A_458] : memref<13472x32xf32, #tpu.memory_space<vmem_shared>> -> memref<32x32xf32, #tpu.memory_space<vmem_shared>>
          %dma_start3A_460 = arith.constant 0 : i32
          %dma_start3A_461 = arith.constant 0 : i32
          %dma_start3A_462 = tpu.memref_slice %arg6[%dma_start3A_460, %dma_start3A_461] : memref<256x32xf32, #tpu.memory_space<vmem>> -> memref<32x32xf32, #tpu.memory_space<vmem>>
          tpu.enqueue_dma source(%dma_start3A_462 : memref<32x32xf32, #tpu.memory_space<vmem>>) target(%dma_start3A_459 : memref<32x32xf32, #tpu.memory_space<vmem_shared>>) target_semaphore(%run_scoped3A : memref<!tpu.dma_semaphore, #tpu.memory_space<semaphore_mem>>)
          %dma_wait3A = arith.constant 0 : i32
          %dma_wait3A_463 = arith.constant 0 : i32
          %dma_wait3A_464 = tpu.memref_slice %arg6[%dma_wait3A, %dma_wait3A_463] : memref<256x32xf32, #tpu.memory_space<vmem>> -> memref<32x32xf32, #tpu.memory_space<vmem>>
          %dma_wait3A_465 = arith.constant 13440 : i32
          %dma_wait3A_466 = arith.constant 0 : i32
          %dma_wait3A_467 = tpu.memref_slice %arg10[%dma_wait3A_465, %dma_wait3A_466] : memref<13472x32xf32, #tpu.memory_space<vmem_shared>> -> memref<32x32xf32, #tpu.memory_space<vmem_shared>>
          %dma_wait3A_468 = arith.constant 13440 : i32
          %dma_wait3A_469 = arith.constant 0 : i32
          %dma_wait3A_470 = tpu.memref_slice %arg10[%dma_wait3A_468, %dma_wait3A_469] : memref<13472x32xf32, #tpu.memory_space<vmem_shared>> -> memref<32x32xf32, #tpu.memory_space<vmem_shared>>
          %dma_wait3A_471 = arith.constant 0 : i32
          %dma_wait3A_472 = arith.constant 0 : i32
          %dma_wait3A_473 = tpu.memref_slice %arg6[%dma_wait3A_471, %dma_wait3A_472] : memref<256x32xf32, #tpu.memory_space<vmem>> -> memref<32x32xf32, #tpu.memory_space<vmem>>
          tpu.wait_dma2 semaphore(%run_scoped3A : memref<!tpu.dma_semaphore, #tpu.memory_space<semaphore_mem>>) src(%dma_wait3A_473 : memref<32x32xf32, #tpu.memory_space<vmem>>) dst(%dma_wait3A_470 : memref<32x32xf32, #tpu.memory_space<vmem_shared>>)
          tpu.yield
        }) : () -> ()
      } else {
      }
      %barrier3A_42 = arith.constant 0 : index
      tpu.barrier barrier_id(%barrier3A_42)
      %broadcast_in_dim3A_43 = arith.constant 0 : i32
      %broadcast_in_dim3A_44 = vector.broadcast %broadcast_in_dim3A_43 : i32 to vector<16xi32>
      %scan3A_45 = arith.constant 0 : i32
      %scan3A_46 = arith.constant 20 : i32
      %scan3A_47 = arith.addi %scan3A_45, %scan3A_46 : i32
      %scan3A_48 = arith.constant 1 : i32
      %scan3A_49 = scf.for %scan3A_452 = %scan3A_45 to %scan3A_47 step %scan3A_48 iter_args(%scan3A_453 = %broadcast_in_dim3A_44) -> (vector<16xi32>)  : i32 {
        %mul3A_454 = arith.constant 40000 : i32
        %mul3A_455 = arith.muli %arg1, %mul3A_454 : i32
        %mul3A_456 = arith.constant 2000 : i32
        %mul3A_457 = arith.muli %scan3A_452, %mul3A_456 : i32
        %add3A_458 = arith.addi %mul3A_455, %mul3A_457 : i32
        "tpu.region"() ({
          %run_scoped3A = tpu.sem_alloc : memref<!tpu.dma_semaphore, #tpu.memory_space<semaphore_mem>>
          %dma_start3A = tpu.memref_slice %arg2[%add3A_458] : memref<640000xi32, #tpu.memory_space<hbm>> -> memref<2000xi32, #tpu.memory_space<hbm>>
          %dma_start3A_462 = tpu.memref_slice %arg2[%add3A_458] : memref<640000xi32, #tpu.memory_space<hbm>> -> memref<2000xi32, #tpu.memory_space<hbm>>
          tpu.enqueue_dma source(%dma_start3A_462 : memref<2000xi32, #tpu.memory_space<hbm>>) target(%arg5 : memref<2000xi32, #tpu.memory_space<vmem>>) target_semaphore(%run_scoped3A : memref<!tpu.dma_semaphore, #tpu.memory_space<semaphore_mem>>)
          %dma_wait3A = tpu.memref_slice %arg2[%add3A_458] : memref<640000xi32, #tpu.memory_space<hbm>> -> memref<2000xi32, #tpu.memory_space<hbm>>
          %dma_wait3A_463 = tpu.memref_slice %arg2[%add3A_458] : memref<640000xi32, #tpu.memory_space<hbm>> -> memref<2000xi32, #tpu.memory_space<hbm>>
          tpu.wait_dma2 semaphore(%run_scoped3A : memref<!tpu.dma_semaphore, #tpu.memory_space<semaphore_mem>>) src(%dma_wait3A_463 : memref<2000xi32, #tpu.memory_space<hbm>>) dst(%arg5 : memref<2000xi32, #tpu.memory_space<vmem>>)
          tpu.yield
        }) : () -> ()
        %parallel_loop3A = arith.constant 0 : i32
        %parallel_loop3A_459 = arith.constant 125 : i32
        %parallel_loop3A_460 = arith.constant 1 : i32
        %parallel_loop3A_461 = scf.for %parallel_loop3A_462 = %parallel_loop3A to %parallel_loop3A_459 step %parallel_loop3A_460 iter_args(%parallel_loop3A_463 = %scan3A_453) -> (vector<16xi32>)  : i32 {
          %parallel_loop3A_464 = arith.constant 16 : i32
          %parallel_loop3A_465 = arith.muli %parallel_loop3A_462, %parallel_loop3A_464 : i32
          %parallel_loop3A_466 = arith.index_cast %parallel_loop3A_465 : i32 to index
          %parallel_loop3A_467 = tpu.vector_load %arg5[%parallel_loop3A_466] {strides = array<i32>} : memref<2000xi32, #tpu.memory_space<vmem>>, vector<16xi32>,
          %parallel_loop3A_468 = arith.constant 16 : i32
          %parallel_loop3A_469 = arith.muli %parallel_loop3A_462, %parallel_loop3A_468 : i32
          %parallel_loop3A_470 = arith.addi %add3A_458, %parallel_loop3A_469 : i32
          %parallel_loop3A_471 = vector.broadcast %parallel_loop3A_470 : i32 to vector<16xi32>
          %parallel_loop3A_472 = arith.addi %parallel_loop3A_471, %iota3A : vector<16xi32>
          %parallel_loop3A_473 = vector.broadcast %mul3A_10 : i32 to vector<16xi32>
          %parallel_loop3A_474 = arith.subi %parallel_loop3A_467, %parallel_loop3A_473 : vector<16xi32>
          %parallel_loop3A_475 = arith.constant 0 : i32
          %parallel_loop3A_476 = vector.broadcast %parallel_loop3A_475 : i32 to vector<16xi32>
          %parallel_loop3A_477 = arith.cmpi sge, %parallel_loop3A_474, %parallel_loop3A_476 : vector<16xi32>
          %parallel_loop3A_478 = arith.constant 13440 : i32
          %parallel_loop3A_479 = vector.broadcast %parallel_loop3A_478 : i32 to vector<16xi32>
          %parallel_loop3A_480 = arith.cmpi slt, %parallel_loop3A_474, %parallel_loop3A_479 : vector<16xi32>
          %parallel_loop3A_481 = arith.andi %parallel_loop3A_477, %parallel_loop3A_480 : vector<16xi1>
          %parallel_loop3A_482 = arith.extui %parallel_loop3A_481 : vector<16xi1> to vector<16xi32>
          %parallel_loop3A_483 = arith.constant true
          %parallel_loop3A_484 = vector.broadcast %parallel_loop3A_483 : i1 to vector<16xi1>
          %parallel_loop3A_485 = tpu.scan <sum>, %parallel_loop3A_482 masked %parallel_loop3A_484 : vector<16xi32>, vector<16xi1> -> vector<16xi32>
          %parallel_loop3A_486 = arith.addi %parallel_loop3A_463, %parallel_loop3A_485 : vector<16xi32>
          %parallel_loop3A_487 = arith.constant 1 : i32
          %parallel_loop3A_488 = vector.broadcast %parallel_loop3A_487 : i32 to vector<16xi32>
          %parallel_loop3A_489 = arith.subi %parallel_loop3A_486, %parallel_loop3A_488 : vector<16xi32>
          %parallel_loop3A_490 = arith.constant 8 : i32
          %parallel_loop3A_491 = vector.broadcast %parallel_loop3A_490 : i32 to vector<16xi32>
          %parallel_loop3A_492 = arith.shrsi %parallel_loop3A_489, %parallel_loop3A_491 : vector<16xi32>
          %parallel_loop3A_493 = arith.constant 255 : i32
          %parallel_loop3A_494 = vector.broadcast %parallel_loop3A_493 : i32 to vector<16xi32>
          %parallel_loop3A_495 = arith.andi %parallel_loop3A_489, %parallel_loop3A_494 : vector<16xi32>
          tpu.vector_store_idx %arg8[%parallel_loop3A_492, %parallel_loop3A_495], %parallel_loop3A_472 masked %parallel_loop3A_481 : memref<159x256xi32, #tpu.memory_space<vmem>>[vector<16xi32>, vector<16xi32>], vector<16xi32>, vector<16xi1>
          tpu.vector_store_idx %arg9[%parallel_loop3A_492, %parallel_loop3A_495], %parallel_loop3A_474 masked %parallel_loop3A_481 : memref<159x256xi32, #tpu.memory_space<vmem>>[vector<16xi32>, vector<16xi32>], vector<16xi32>, vector<16xi1>
          %parallel_loop3A_496 = tpu.all_reduce %parallel_loop3A_481 {dim = 0 : i64, kind = #tpu.reduction_kind<sum>} : vector<16xi1> -> vector<16xi32>
          %parallel_loop3A_497 = arith.addi %parallel_loop3A_463, %parallel_loop3A_496 : vector<16xi32>
          scf.yield %parallel_loop3A_497 : vector<16xi32>
        } {sc.loop_unroll_factor = 8 : i64, sc.parallel_access}
        scf.yield %parallel_loop3A_461 : vector<16xi32>
      }
      %scan3A_50 = arith.constant 20 : i32
      %reduce_max3A = arith.constant true
      %reduce_max3A_51 = vector.broadcast %reduce_max3A : i1 to vector<16xi1>
      %reduce_max3A_52 = arith.constant -2147483648 : i32
      %reduce_max3A_53 = vector.broadcast %reduce_max3A_52 : i32 to vector<16xi32>
      %reduce_max3A_54 = arith.xori %scan3A_49, %reduce_max3A_53 : vector<16xi32>
      %reduce_max3A_55 = tpu.scan <max>, %reduce_max3A_54 masked %reduce_max3A_51 : vector<16xi32>, vector<16xi1> -> vector<16xi32>
      %reduce_max3A_56 = arith.xori %reduce_max3A_55, %reduce_max3A_53 : vector<16xi32>
      %reduce_max3A_57 = vector.extract %reduce_max3A_56[15] : i32 from vector<16xi32>
      %add3A_58 = arith.constant 0 : i32
      %add3A_59 = arith.addi %reduce_max3A_57, %add3A_58 : i32
      %add3A_60 = vector.broadcast %add3A_59 : i32 to vector<16xi32>
      %add3A_61 = arith.addi %add3A_60, %iota3A : vector<16xi32>
      %shift_right_arithmetic3A = arith.constant 8 : i32
      %shift_right_arithmetic3A_62 = vector.broadcast %shift_right_arithmetic3A : i32 to vector<16xi32>
      %shift_right_arithmetic3A_63 = arith.shrsi %add3A_61, %shift_right_arithmetic3A_62 : vector<16xi32>
      %and3A = arith.constant 255 : i32
      %and3A_64 = vector.broadcast %and3A : i32 to vector<16xi32>
      %and3A_65 = arith.andi %add3A_61, %and3A_64 : vector<16xi32>
      %mul3A_66 = arith.constant 97 : i32
      %mul3A_67 = vector.broadcast %mul3A_66 : i32 to vector<16xi32>
      %mul3A_68 = arith.muli %add3A_61, %mul3A_67 : vector<16xi32>
      %and3A_69 = arith.constant 16383 : i32
      %and3A_70 = vector.broadcast %and3A_69 : i32 to vector<16xi32>
      %and3A_71 = arith.andi %mul3A_68, %and3A_70 : vector<16xi32>
      tpu.vector_store_idx %arg8[%shift_right_arithmetic3A_63, %and3A_65], %and3A_71 : memref<159x256xi32, #tpu.memory_space<vmem>>[vector<16xi32>, vector<16xi32>], vector<16xi32>,
      %and3A_72 = arith.constant 31 : i32
      %and3A_73 = vector.broadcast %and3A_72 : i32 to vector<16xi32>
      %and3A_74 = arith.andi %add3A_61, %and3A_73 : vector<16xi32>
      %add3A_75 = arith.constant 13440 : i32
      %add3A_76 = vector.broadcast %add3A_75 : i32 to vector<16xi32>
      %add3A_77 = arith.addi %add3A_76, %and3A_74 : vector<16xi32>
      tpu.vector_store_idx %arg9[%shift_right_arithmetic3A_63, %and3A_65], %add3A_77 : memref<159x256xi32, #tpu.memory_space<vmem>>[vector<16xi32>, vector<16xi32>], vector<16xi32>,
      %add3A_78 = arith.constant 16 : i32
      %add3A_79 = arith.addi %reduce_max3A_57, %add3A_78 : i32
      %add3A_80 = vector.broadcast %add3A_79 : i32 to vector<16xi32>
      %add3A_81 = arith.addi %add3A_80, %iota3A : vector<16xi32>
      %shift_right_arithmetic3A_82 = arith.constant 8 : i32
      %shift_right_arithmetic3A_83 = vector.broadcast %shift_right_arithmetic3A_82 : i32 to vector<16xi32>
      %shift_right_arithmetic3A_84 = arith.shrsi %add3A_81, %shift_right_arithmetic3A_83 : vector<16xi32>
      %and3A_85 = arith.constant 255 : i32
      %and3A_86 = vector.broadcast %and3A_85 : i32 to vector<16xi32>
      %and3A_87 = arith.andi %add3A_81, %and3A_86 : vector<16xi32>
      %mul3A_88 = arith.constant 97 : i32
      %mul3A_89 = vector.broadcast %mul3A_88 : i32 to vector<16xi32>
      %mul3A_90 = arith.muli %add3A_81, %mul3A_89 : vector<16xi32>
      %and3A_91 = arith.constant 16383 : i32
      %and3A_92 = vector.broadcast %and3A_91 : i32 to vector<16xi32>
      %and3A_93 = arith.andi %mul3A_90, %and3A_92 : vector<16xi32>
      tpu.vector_store_idx %arg8[%shift_right_arithmetic3A_84, %and3A_87], %and3A_93 : memref<159x256xi32, #tpu.memory_space<vmem>>[vector<16xi32>, vector<16xi32>], vector<16xi32>,
      %and3A_94 = arith.constant 31 : i32
      %and3A_95 = vector.broadcast %and3A_94 : i32 to vector<16xi32>
      %and3A_96 = arith.andi %add3A_81, %and3A_95 : vector<16xi32>
      %add3A_97 = arith.constant 13440 : i32
      %add3A_98 = vector.broadcast %add3A_97 : i32 to vector<16xi32>
      %add3A_99 = arith.addi %add3A_98, %and3A_96 : vector<16xi32>
      tpu.vector_store_idx %arg9[%shift_right_arithmetic3A_84, %and3A_87], %add3A_99 : memref<159x256xi32, #tpu.memory_space<vmem>>[vector<16xi32>, vector<16xi32>], vector<16xi32>,
      %add3A_100 = arith.constant 32 : i32
      %add3A_101 = arith.addi %reduce_max3A_57, %add3A_100 : i32
      %add3A_102 = vector.broadcast %add3A_101 : i32 to vector<16xi32>
      %add3A_103 = arith.addi %add3A_102, %iota3A : vector<16xi32>
      %shift_right_arithmetic3A_104 = arith.constant 8 : i32
      %shift_right_arithmetic3A_105 = vector.broadcast %shift_right_arithmetic3A_104 : i32 to vector<16xi32>
      %shift_right_arithmetic3A_106 = arith.shrsi %add3A_103, %shift_right_arithmetic3A_105 : vector<16xi32>
      %and3A_107 = arith.constant 255 : i32
      %and3A_108 = vector.broadcast %and3A_107 : i32 to vector<16xi32>
      %and3A_109 = arith.andi %add3A_103, %and3A_108 : vector<16xi32>
      %mul3A_110 = arith.constant 97 : i32
      %mul3A_111 = vector.broadcast %mul3A_110 : i32 to vector<16xi32>
      %mul3A_112 = arith.muli %add3A_103, %mul3A_111 : vector<16xi32>
      %and3A_113 = arith.constant 16383 : i32
      %and3A_114 = vector.broadcast %and3A_113 : i32 to vector<16xi32>
      %and3A_115 = arith.andi %mul3A_112, %and3A_114 : vector<16xi32>
      tpu.vector_store_idx %arg8[%shift_right_arithmetic3A_106, %and3A_109], %and3A_115 : memref<159x256xi32, #tpu.memory_space<vmem>>[vector<16xi32>, vector<16xi32>], vector<16xi32>,
      %and3A_116 = arith.constant 31 : i32
      %and3A_117 = vector.broadcast %and3A_116 : i32 to vector<16xi32>
      %and3A_118 = arith.andi %add3A_103, %and3A_117 : vector<16xi32>
      %add3A_119 = arith.constant 13440 : i32
      %add3A_120 = vector.broadcast %add3A_119 : i32 to vector<16xi32>
      %add3A_121 = arith.addi %add3A_120, %and3A_118 : vector<16xi32>
      tpu.vector_store_idx %arg9[%shift_right_arithmetic3A_106, %and3A_109], %add3A_121 : memref<159x256xi32, #tpu.memory_space<vmem>>[vector<16xi32>, vector<16xi32>], vector<16xi32>,
      %add3A_122 = arith.constant 48 : i32
      %add3A_123 = arith.addi %reduce_max3A_57, %add3A_122 : i32
      %add3A_124 = vector.broadcast %add3A_123 : i32 to vector<16xi32>
      %add3A_125 = arith.addi %add3A_124, %iota3A : vector<16xi32>
      %shift_right_arithmetic3A_126 = arith.constant 8 : i32
      %shift_right_arithmetic3A_127 = vector.broadcast %shift_right_arithmetic3A_126 : i32 to vector<16xi32>
      %shift_right_arithmetic3A_128 = arith.shrsi %add3A_125, %shift_right_arithmetic3A_127 : vector<16xi32>
      %and3A_129 = arith.constant 255 : i32
      %and3A_130 = vector.broadcast %and3A_129 : i32 to vector<16xi32>
      %and3A_131 = arith.andi %add3A_125, %and3A_130 : vector<16xi32>
      %mul3A_132 = arith.constant 97 : i32
      %mul3A_133 = vector.broadcast %mul3A_132 : i32 to vector<16xi32>
      %mul3A_134 = arith.muli %add3A_125, %mul3A_133 : vector<16xi32>
      %and3A_135 = arith.constant 16383 : i32
      %and3A_136 = vector.broadcast %and3A_135 : i32 to vector<16xi32>
      %and3A_137 = arith.andi %mul3A_134, %and3A_136 : vector<16xi32>
      tpu.vector_store_idx %arg8[%shift_right_arithmetic3A_128, %and3A_131], %and3A_137 : memref<159x256xi32, #tpu.memory_space<vmem>>[vector<16xi32>, vector<16xi32>], vector<16xi32>,
      %and3A_138 = arith.constant 31 : i32
      %and3A_139 = vector.broadcast %and3A_138 : i32 to vector<16xi32>
      %and3A_140 = arith.andi %add3A_125, %and3A_139 : vector<16xi32>
      %add3A_141 = arith.constant 13440 : i32
      %add3A_142 = vector.broadcast %add3A_141 : i32 to vector<16xi32>
      %add3A_143 = arith.addi %add3A_142, %and3A_140 : vector<16xi32>
      tpu.vector_store_idx %arg9[%shift_right_arithmetic3A_128, %and3A_131], %add3A_143 : memref<159x256xi32, #tpu.memory_space<vmem>>[vector<16xi32>, vector<16xi32>], vector<16xi32>,
      %add3A_144 = arith.constant 64 : i32
      %add3A_145 = arith.addi %reduce_max3A_57, %add3A_144 : i32
      %add3A_146 = vector.broadcast %add3A_145 : i32 to vector<16xi32>
      %add3A_147 = arith.addi %add3A_146, %iota3A : vector<16xi32>
      %shift_right_arithmetic3A_148 = arith.constant 8 : i32
      %shift_right_arithmetic3A_149 = vector.broadcast %shift_right_arithmetic3A_148 : i32 to vector<16xi32>
      %shift_right_arithmetic3A_150 = arith.shrsi %add3A_147, %shift_right_arithmetic3A_149 : vector<16xi32>
      %and3A_151 = arith.constant 255 : i32
      %and3A_152 = vector.broadcast %and3A_151 : i32 to vector<16xi32>
      %and3A_153 = arith.andi %add3A_147, %and3A_152 : vector<16xi32>
      %mul3A_154 = arith.constant 97 : i32
      %mul3A_155 = vector.broadcast %mul3A_154 : i32 to vector<16xi32>
      %mul3A_156 = arith.muli %add3A_147, %mul3A_155 : vector<16xi32>
      %and3A_157 = arith.constant 16383 : i32
      %and3A_158 = vector.broadcast %and3A_157 : i32 to vector<16xi32>
      %and3A_159 = arith.andi %mul3A_156, %and3A_158 : vector<16xi32>
      tpu.vector_store_idx %arg8[%shift_right_arithmetic3A_150, %and3A_153], %and3A_159 : memref<159x256xi32, #tpu.memory_space<vmem>>[vector<16xi32>, vector<16xi32>], vector<16xi32>,
      %and3A_160 = arith.constant 31 : i32
      %and3A_161 = vector.broadcast %and3A_160 : i32 to vector<16xi32>
      %and3A_162 = arith.andi %add3A_147, %and3A_161 : vector<16xi32>
      %add3A_163 = arith.constant 13440 : i32
      %add3A_164 = vector.broadcast %add3A_163 : i32 to vector<16xi32>
      %add3A_165 = arith.addi %add3A_164, %and3A_162 : vector<16xi32>
      tpu.vector_store_idx %arg9[%shift_right_arithmetic3A_150, %and3A_153], %add3A_165 : memref<159x256xi32, #tpu.memory_space<vmem>>[vector<16xi32>, vector<16xi32>], vector<16xi32>,
      %add3A_166 = arith.constant 80 : i32
      %add3A_167 = arith.addi %reduce_max3A_57, %add3A_166 : i32
      %add3A_168 = vector.broadcast %add3A_167 : i32 to vector<16xi32>
      %add3A_169 = arith.addi %add3A_168, %iota3A : vector<16xi32>
      %shift_right_arithmetic3A_170 = arith.constant 8 : i32
      %shift_right_arithmetic3A_171 = vector.broadcast %shift_right_arithmetic3A_170 : i32 to vector<16xi32>
      %shift_right_arithmetic3A_172 = arith.shrsi %add3A_169, %shift_right_arithmetic3A_171 : vector<16xi32>
      %and3A_173 = arith.constant 255 : i32
      %and3A_174 = vector.broadcast %and3A_173 : i32 to vector<16xi32>
      %and3A_175 = arith.andi %add3A_169, %and3A_174 : vector<16xi32>
      %mul3A_176 = arith.constant 97 : i32
      %mul3A_177 = vector.broadcast %mul3A_176 : i32 to vector<16xi32>
      %mul3A_178 = arith.muli %add3A_169, %mul3A_177 : vector<16xi32>
      %and3A_179 = arith.constant 16383 : i32
      %and3A_180 = vector.broadcast %and3A_179 : i32 to vector<16xi32>
      %and3A_181 = arith.andi %mul3A_178, %and3A_180 : vector<16xi32>
      tpu.vector_store_idx %arg8[%shift_right_arithmetic3A_172, %and3A_175], %and3A_181 : memref<159x256xi32, #tpu.memory_space<vmem>>[vector<16xi32>, vector<16xi32>], vector<16xi32>,
      %and3A_182 = arith.constant 31 : i32
      %and3A_183 = vector.broadcast %and3A_182 : i32 to vector<16xi32>
      %and3A_184 = arith.andi %add3A_169, %and3A_183 : vector<16xi32>
      %add3A_185 = arith.constant 13440 : i32
      %add3A_186 = vector.broadcast %add3A_185 : i32 to vector<16xi32>
      %add3A_187 = arith.addi %add3A_186, %and3A_184 : vector<16xi32>
      tpu.vector_store_idx %arg9[%shift_right_arithmetic3A_172, %and3A_175], %add3A_187 : memref<159x256xi32, #tpu.memory_space<vmem>>[vector<16xi32>, vector<16xi32>], vector<16xi32>,
      %add3A_188 = arith.constant 96 : i32
      %add3A_189 = arith.addi %reduce_max3A_57, %add3A_188 : i32
      %add3A_190 = vector.broadcast %add3A_189 : i32 to vector<16xi32>
      %add3A_191 = arith.addi %add3A_190, %iota3A : vector<16xi32>
      %shift_right_arithmetic3A_192 = arith.constant 8 : i32
      %shift_right_arithmetic3A_193 = vector.broadcast %shift_right_arithmetic3A_192 : i32 to vector<16xi32>
      %shift_right_arithmetic3A_194 = arith.shrsi %add3A_191, %shift_right_arithmetic3A_193 : vector<16xi32>
      %and3A_195 = arith.constant 255 : i32
      %and3A_196 = vector.broadcast %and3A_195 : i32 to vector<16xi32>
      %and3A_197 = arith.andi %add3A_191, %and3A_196 : vector<16xi32>
      %mul3A_198 = arith.constant 97 : i32
      %mul3A_199 = vector.broadcast %mul3A_198 : i32 to vector<16xi32>
      %mul3A_200 = arith.muli %add3A_191, %mul3A_199 : vector<16xi32>
      %and3A_201 = arith.constant 16383 : i32
      %and3A_202 = vector.broadcast %and3A_201 : i32 to vector<16xi32>
      %and3A_203 = arith.andi %mul3A_200, %and3A_202 : vector<16xi32>
      tpu.vector_store_idx %arg8[%shift_right_arithmetic3A_194, %and3A_197], %and3A_203 : memref<159x256xi32, #tpu.memory_space<vmem>>[vector<16xi32>, vector<16xi32>], vector<16xi32>,
      %and3A_204 = arith.constant 31 : i32
      %and3A_205 = vector.broadcast %and3A_204 : i32 to vector<16xi32>
      %and3A_206 = arith.andi %add3A_191, %and3A_205 : vector<16xi32>
      %add3A_207 = arith.constant 13440 : i32
      %add3A_208 = vector.broadcast %add3A_207 : i32 to vector<16xi32>
      %add3A_209 = arith.addi %add3A_208, %and3A_206 : vector<16xi32>
      tpu.vector_store_idx %arg9[%shift_right_arithmetic3A_194, %and3A_197], %add3A_209 : memref<159x256xi32, #tpu.memory_space<vmem>>[vector<16xi32>, vector<16xi32>], vector<16xi32>,
      %add3A_210 = arith.constant 112 : i32
      %add3A_211 = arith.addi %reduce_max3A_57, %add3A_210 : i32
      %add3A_212 = vector.broadcast %add3A_211 : i32 to vector<16xi32>
      %add3A_213 = arith.addi %add3A_212, %iota3A : vector<16xi32>
      %shift_right_arithmetic3A_214 = arith.constant 8 : i32
      %shift_right_arithmetic3A_215 = vector.broadcast %shift_right_arithmetic3A_214 : i32 to vector<16xi32>
      %shift_right_arithmetic3A_216 = arith.shrsi %add3A_213, %shift_right_arithmetic3A_215 : vector<16xi32>
      %and3A_217 = arith.constant 255 : i32
      %and3A_218 = vector.broadcast %and3A_217 : i32 to vector<16xi32>
      %and3A_219 = arith.andi %add3A_213, %and3A_218 : vector<16xi32>
      %mul3A_220 = arith.constant 97 : i32
      %mul3A_221 = vector.broadcast %mul3A_220 : i32 to vector<16xi32>
      %mul3A_222 = arith.muli %add3A_213, %mul3A_221 : vector<16xi32>
      %and3A_223 = arith.constant 16383 : i32
      %and3A_224 = vector.broadcast %and3A_223 : i32 to vector<16xi32>
      %and3A_225 = arith.andi %mul3A_222, %and3A_224 : vector<16xi32>
      tpu.vector_store_idx %arg8[%shift_right_arithmetic3A_216, %and3A_219], %and3A_225 : memref<159x256xi32, #tpu.memory_space<vmem>>[vector<16xi32>, vector<16xi32>], vector<16xi32>,
      %and3A_226 = arith.constant 31 : i32
      %and3A_227 = vector.broadcast %and3A_226 : i32 to vector<16xi32>
      %and3A_228 = arith.andi %add3A_213, %and3A_227 : vector<16xi32>
      %add3A_229 = arith.constant 13440 : i32
      %add3A_230 = vector.broadcast %add3A_229 : i32 to vector<16xi32>
      %add3A_231 = arith.addi %add3A_230, %and3A_228 : vector<16xi32>
      tpu.vector_store_idx %arg9[%shift_right_arithmetic3A_216, %and3A_219], %add3A_231 : memref<159x256xi32, #tpu.memory_space<vmem>>[vector<16xi32>, vector<16xi32>], vector<16xi32>,
      %add3A_232 = arith.constant 128 : i32
      %add3A_233 = arith.addi %reduce_max3A_57, %add3A_232 : i32
      %add3A_234 = vector.broadcast %add3A_233 : i32 to vector<16xi32>
      %add3A_235 = arith.addi %add3A_234, %iota3A : vector<16xi32>
      %shift_right_arithmetic3A_236 = arith.constant 8 : i32
      %shift_right_arithmetic3A_237 = vector.broadcast %shift_right_arithmetic3A_236 : i32 to vector<16xi32>
      %shift_right_arithmetic3A_238 = arith.shrsi %add3A_235, %shift_right_arithmetic3A_237 : vector<16xi32>
      %and3A_239 = arith.constant 255 : i32
      %and3A_240 = vector.broadcast %and3A_239 : i32 to vector<16xi32>
      %and3A_241 = arith.andi %add3A_235, %and3A_240 : vector<16xi32>
      %mul3A_242 = arith.constant 97 : i32
      %mul3A_243 = vector.broadcast %mul3A_242 : i32 to vector<16xi32>
      %mul3A_244 = arith.muli %add3A_235, %mul3A_243 : vector<16xi32>
      %and3A_245 = arith.constant 16383 : i32
      %and3A_246 = vector.broadcast %and3A_245 : i32 to vector<16xi32>
      %and3A_247 = arith.andi %mul3A_244, %and3A_246 : vector<16xi32>
      tpu.vector_store_idx %arg8[%shift_right_arithmetic3A_238, %and3A_241], %and3A_247 : memref<159x256xi32, #tpu.memory_space<vmem>>[vector<16xi32>, vector<16xi32>], vector<16xi32>,
      %and3A_248 = arith.constant 31 : i32
      %and3A_249 = vector.broadcast %and3A_248 : i32 to vector<16xi32>
      %and3A_250 = arith.andi %add3A_235, %and3A_249 : vector<16xi32>
      %add3A_251 = arith.constant 13440 : i32
      %add3A_252 = vector.broadcast %add3A_251 : i32 to vector<16xi32>
      %add3A_253 = arith.addi %add3A_252, %and3A_250 : vector<16xi32>
      tpu.vector_store_idx %arg9[%shift_right_arithmetic3A_238, %and3A_241], %add3A_253 : memref<159x256xi32, #tpu.memory_space<vmem>>[vector<16xi32>, vector<16xi32>], vector<16xi32>,
      %add3A_254 = arith.constant 144 : i32
      %add3A_255 = arith.addi %reduce_max3A_57, %add3A_254 : i32
      %add3A_256 = vector.broadcast %add3A_255 : i32 to vector<16xi32>
      %add3A_257 = arith.addi %add3A_256, %iota3A : vector<16xi32>
      %shift_right_arithmetic3A_258 = arith.constant 8 : i32
      %shift_right_arithmetic3A_259 = vector.broadcast %shift_right_arithmetic3A_258 : i32 to vector<16xi32>
      %shift_right_arithmetic3A_260 = arith.shrsi %add3A_257, %shift_right_arithmetic3A_259 : vector<16xi32>
      %and3A_261 = arith.constant 255 : i32
      %and3A_262 = vector.broadcast %and3A_261 : i32 to vector<16xi32>
      %and3A_263 = arith.andi %add3A_257, %and3A_262 : vector<16xi32>
      %mul3A_264 = arith.constant 97 : i32
      %mul3A_265 = vector.broadcast %mul3A_264 : i32 to vector<16xi32>
      %mul3A_266 = arith.muli %add3A_257, %mul3A_265 : vector<16xi32>
      %and3A_267 = arith.constant 16383 : i32
      %and3A_268 = vector.broadcast %and3A_267 : i32 to vector<16xi32>
      %and3A_269 = arith.andi %mul3A_266, %and3A_268 : vector<16xi32>
      tpu.vector_store_idx %arg8[%shift_right_arithmetic3A_260, %and3A_263], %and3A_269 : memref<159x256xi32, #tpu.memory_space<vmem>>[vector<16xi32>, vector<16xi32>], vector<16xi32>,
      %and3A_270 = arith.constant 31 : i32
      %and3A_271 = vector.broadcast %and3A_270 : i32 to vector<16xi32>
      %and3A_272 = arith.andi %add3A_257, %and3A_271 : vector<16xi32>
      %add3A_273 = arith.constant 13440 : i32
      %add3A_274 = vector.broadcast %add3A_273 : i32 to vector<16xi32>
      %add3A_275 = arith.addi %add3A_274, %and3A_272 : vector<16xi32>
      tpu.vector_store_idx %arg9[%shift_right_arithmetic3A_260, %and3A_263], %add3A_275 : memref<159x256xi32, #tpu.memory_space<vmem>>[vector<16xi32>, vector<16xi32>], vector<16xi32>,
      %add3A_276 = arith.constant 160 : i32
      %add3A_277 = arith.addi %reduce_max3A_57, %add3A_276 : i32
      %add3A_278 = vector.broadcast %add3A_277 : i32 to vector<16xi32>
      %add3A_279 = arith.addi %add3A_278, %iota3A : vector<16xi32>
      %shift_right_arithmetic3A_280 = arith.constant 8 : i32
      %shift_right_arithmetic3A_281 = vector.broadcast %shift_right_arithmetic3A_280 : i32 to vector<16xi32>
      %shift_right_arithmetic3A_282 = arith.shrsi %add3A_279, %shift_right_arithmetic3A_281 : vector<16xi32>
      %and3A_283 = arith.constant 255 : i32
      %and3A_284 = vector.broadcast %and3A_283 : i32 to vector<16xi32>
      %and3A_285 = arith.andi %add3A_279, %and3A_284 : vector<16xi32>
      %mul3A_286 = arith.constant 97 : i32
      %mul3A_287 = vector.broadcast %mul3A_286 : i32 to vector<16xi32>
      %mul3A_288 = arith.muli %add3A_279, %mul3A_287 : vector<16xi32>
      %and3A_289 = arith.constant 16383 : i32
      %and3A_290 = vector.broadcast %and3A_289 : i32 to vector<16xi32>
      %and3A_291 = arith.andi %mul3A_288, %and3A_290 : vector<16xi32>
      tpu.vector_store_idx %arg8[%shift_right_arithmetic3A_282, %and3A_285], %and3A_291 : memref<159x256xi32, #tpu.memory_space<vmem>>[vector<16xi32>, vector<16xi32>], vector<16xi32>,
      %and3A_292 = arith.constant 31 : i32
      %and3A_293 = vector.broadcast %and3A_292 : i32 to vector<16xi32>
      %and3A_294 = arith.andi %add3A_279, %and3A_293 : vector<16xi32>
      %add3A_295 = arith.constant 13440 : i32
      %add3A_296 = vector.broadcast %add3A_295 : i32 to vector<16xi32>
      %add3A_297 = arith.addi %add3A_296, %and3A_294 : vector<16xi32>
      tpu.vector_store_idx %arg9[%shift_right_arithmetic3A_282, %and3A_285], %add3A_297 : memref<159x256xi32, #tpu.memory_space<vmem>>[vector<16xi32>, vector<16xi32>], vector<16xi32>,
      %add3A_298 = arith.constant 176 : i32
      %add3A_299 = arith.addi %reduce_max3A_57, %add3A_298 : i32
      %add3A_300 = vector.broadcast %add3A_299 : i32 to vector<16xi32>
      %add3A_301 = arith.addi %add3A_300, %iota3A : vector<16xi32>
      %shift_right_arithmetic3A_302 = arith.constant 8 : i32
      %shift_right_arithmetic3A_303 = vector.broadcast %shift_right_arithmetic3A_302 : i32 to vector<16xi32>
      %shift_right_arithmetic3A_304 = arith.shrsi %add3A_301, %shift_right_arithmetic3A_303 : vector<16xi32>
      %and3A_305 = arith.constant 255 : i32
      %and3A_306 = vector.broadcast %and3A_305 : i32 to vector<16xi32>
      %and3A_307 = arith.andi %add3A_301, %and3A_306 : vector<16xi32>
      %mul3A_308 = arith.constant 97 : i32
      %mul3A_309 = vector.broadcast %mul3A_308 : i32 to vector<16xi32>
      %mul3A_310 = arith.muli %add3A_301, %mul3A_309 : vector<16xi32>
      %and3A_311 = arith.constant 16383 : i32
      %and3A_312 = vector.broadcast %and3A_311 : i32 to vector<16xi32>
      %and3A_313 = arith.andi %mul3A_310, %and3A_312 : vector<16xi32>
      tpu.vector_store_idx %arg8[%shift_right_arithmetic3A_304, %and3A_307], %and3A_313 : memref<159x256xi32, #tpu.memory_space<vmem>>[vector<16xi32>, vector<16xi32>], vector<16xi32>,
      %and3A_314 = arith.constant 31 : i32
      %and3A_315 = vector.broadcast %and3A_314 : i32 to vector<16xi32>
      %and3A_316 = arith.andi %add3A_301, %and3A_315 : vector<16xi32>
      %add3A_317 = arith.constant 13440 : i32
      %add3A_318 = vector.broadcast %add3A_317 : i32 to vector<16xi32>
      %add3A_319 = arith.addi %add3A_318, %and3A_316 : vector<16xi32>
      tpu.vector_store_idx %arg9[%shift_right_arithmetic3A_304, %and3A_307], %add3A_319 : memref<159x256xi32, #tpu.memory_space<vmem>>[vector<16xi32>, vector<16xi32>], vector<16xi32>,
      %add3A_320 = arith.constant 192 : i32
      %add3A_321 = arith.addi %reduce_max3A_57, %add3A_320 : i32
      %add3A_322 = vector.broadcast %add3A_321 : i32 to vector<16xi32>
      %add3A_323 = arith.addi %add3A_322, %iota3A : vector<16xi32>
      %shift_right_arithmetic3A_324 = arith.constant 8 : i32
      %shift_right_arithmetic3A_325 = vector.broadcast %shift_right_arithmetic3A_324 : i32 to vector<16xi32>
      %shift_right_arithmetic3A_326 = arith.shrsi %add3A_323, %shift_right_arithmetic3A_325 : vector<16xi32>
      %and3A_327 = arith.constant 255 : i32
      %and3A_328 = vector.broadcast %and3A_327 : i32 to vector<16xi32>
      %and3A_329 = arith.andi %add3A_323, %and3A_328 : vector<16xi32>
      %mul3A_330 = arith.constant 97 : i32
      %mul3A_331 = vector.broadcast %mul3A_330 : i32 to vector<16xi32>
      %mul3A_332 = arith.muli %add3A_323, %mul3A_331 : vector<16xi32>
      %and3A_333 = arith.constant 16383 : i32
      %and3A_334 = vector.broadcast %and3A_333 : i32 to vector<16xi32>
      %and3A_335 = arith.andi %mul3A_332, %and3A_334 : vector<16xi32>
      tpu.vector_store_idx %arg8[%shift_right_arithmetic3A_326, %and3A_329], %and3A_335 : memref<159x256xi32, #tpu.memory_space<vmem>>[vector<16xi32>, vector<16xi32>], vector<16xi32>,
      %and3A_336 = arith.constant 31 : i32
      %and3A_337 = vector.broadcast %and3A_336 : i32 to vector<16xi32>
      %and3A_338 = arith.andi %add3A_323, %and3A_337 : vector<16xi32>
      %add3A_339 = arith.constant 13440 : i32
      %add3A_340 = vector.broadcast %add3A_339 : i32 to vector<16xi32>
      %add3A_341 = arith.addi %add3A_340, %and3A_338 : vector<16xi32>
      tpu.vector_store_idx %arg9[%shift_right_arithmetic3A_326, %and3A_329], %add3A_341 : memref<159x256xi32, #tpu.memory_space<vmem>>[vector<16xi32>, vector<16xi32>], vector<16xi32>,
      %add3A_342 = arith.constant 208 : i32
      %add3A_343 = arith.addi %reduce_max3A_57, %add3A_342 : i32
      %add3A_344 = vector.broadcast %add3A_343 : i32 to vector<16xi32>
      %add3A_345 = arith.addi %add3A_344, %iota3A : vector<16xi32>
      %shift_right_arithmetic3A_346 = arith.constant 8 : i32
      %shift_right_arithmetic3A_347 = vector.broadcast %shift_right_arithmetic3A_346 : i32 to vector<16xi32>
      %shift_right_arithmetic3A_348 = arith.shrsi %add3A_345, %shift_right_arithmetic3A_347 : vector<16xi32>
      %and3A_349 = arith.constant 255 : i32
      %and3A_350 = vector.broadcast %and3A_349 : i32 to vector<16xi32>
      %and3A_351 = arith.andi %add3A_345, %and3A_350 : vector<16xi32>
      %mul3A_352 = arith.constant 97 : i32
      %mul3A_353 = vector.broadcast %mul3A_352 : i32 to vector<16xi32>
      %mul3A_354 = arith.muli %add3A_345, %mul3A_353 : vector<16xi32>
      %and3A_355 = arith.constant 16383 : i32
      %and3A_356 = vector.broadcast %and3A_355 : i32 to vector<16xi32>
      %and3A_357 = arith.andi %mul3A_354, %and3A_356 : vector<16xi32>
      tpu.vector_store_idx %arg8[%shift_right_arithmetic3A_348, %and3A_351], %and3A_357 : memref<159x256xi32, #tpu.memory_space<vmem>>[vector<16xi32>, vector<16xi32>], vector<16xi32>,
      %and3A_358 = arith.constant 31 : i32
      %and3A_359 = vector.broadcast %and3A_358 : i32 to vector<16xi32>
      %and3A_360 = arith.andi %add3A_345, %and3A_359 : vector<16xi32>
      %add3A_361 = arith.constant 13440 : i32
      %add3A_362 = vector.broadcast %add3A_361 : i32 to vector<16xi32>
      %add3A_363 = arith.addi %add3A_362, %and3A_360 : vector<16xi32>
      tpu.vector_store_idx %arg9[%shift_right_arithmetic3A_348, %and3A_351], %add3A_363 : memref<159x256xi32, #tpu.memory_space<vmem>>[vector<16xi32>, vector<16xi32>], vector<16xi32>,
      %add3A_364 = arith.constant 224 : i32
      %add3A_365 = arith.addi %reduce_max3A_57, %add3A_364 : i32
      %add3A_366 = vector.broadcast %add3A_365 : i32 to vector<16xi32>
      %add3A_367 = arith.addi %add3A_366, %iota3A : vector<16xi32>
      %shift_right_arithmetic3A_368 = arith.constant 8 : i32
      %shift_right_arithmetic3A_369 = vector.broadcast %shift_right_arithmetic3A_368 : i32 to vector<16xi32>
      %shift_right_arithmetic3A_370 = arith.shrsi %add3A_367, %shift_right_arithmetic3A_369 : vector<16xi32>
      %and3A_371 = arith.constant 255 : i32
      %and3A_372 = vector.broadcast %and3A_371 : i32 to vector<16xi32>
      %and3A_373 = arith.andi %add3A_367, %and3A_372 : vector<16xi32>
      %mul3A_374 = arith.constant 97 : i32
      %mul3A_375 = vector.broadcast %mul3A_374 : i32 to vector<16xi32>
      %mul3A_376 = arith.muli %add3A_367, %mul3A_375 : vector<16xi32>
      %and3A_377 = arith.constant 16383 : i32
      %and3A_378 = vector.broadcast %and3A_377 : i32 to vector<16xi32>
      %and3A_379 = arith.andi %mul3A_376, %and3A_378 : vector<16xi32>
      tpu.vector_store_idx %arg8[%shift_right_arithmetic3A_370, %and3A_373], %and3A_379 : memref<159x256xi32, #tpu.memory_space<vmem>>[vector<16xi32>, vector<16xi32>], vector<16xi32>,
      %and3A_380 = arith.constant 31 : i32
      %and3A_381 = vector.broadcast %and3A_380 : i32 to vector<16xi32>
      %and3A_382 = arith.andi %add3A_367, %and3A_381 : vector<16xi32>
      %add3A_383 = arith.constant 13440 : i32
      %add3A_384 = vector.broadcast %add3A_383 : i32 to vector<16xi32>
      %add3A_385 = arith.addi %add3A_384, %and3A_382 : vector<16xi32>
      tpu.vector_store_idx %arg9[%shift_right_arithmetic3A_370, %and3A_373], %add3A_385 : memref<159x256xi32, #tpu.memory_space<vmem>>[vector<16xi32>, vector<16xi32>], vector<16xi32>,
      %add3A_386 = arith.constant 240 : i32
      %add3A_387 = arith.addi %reduce_max3A_57, %add3A_386 : i32
      %add3A_388 = vector.broadcast %add3A_387 : i32 to vector<16xi32>
      %add3A_389 = arith.addi %add3A_388, %iota3A : vector<16xi32>
      %shift_right_arithmetic3A_390 = arith.constant 8 : i32
      %shift_right_arithmetic3A_391 = vector.broadcast %shift_right_arithmetic3A_390 : i32 to vector<16xi32>
      %shift_right_arithmetic3A_392 = arith.shrsi %add3A_389, %shift_right_arithmetic3A_391 : vector<16xi32>
      %and3A_393 = arith.constant 255 : i32
      %and3A_394 = vector.broadcast %and3A_393 : i32 to vector<16xi32>
      %and3A_395 = arith.andi %add3A_389, %and3A_394 : vector<16xi32>
      %mul3A_396 = arith.constant 97 : i32
      %mul3A_397 = vector.broadcast %mul3A_396 : i32 to vector<16xi32>
      %mul3A_398 = arith.muli %add3A_389, %mul3A_397 : vector<16xi32>
      %and3A_399 = arith.constant 16383 : i32
      %and3A_400 = vector.broadcast %and3A_399 : i32 to vector<16xi32>
      %and3A_401 = arith.andi %mul3A_398, %and3A_400 : vector<16xi32>
      tpu.vector_store_idx %arg8[%shift_right_arithmetic3A_392, %and3A_395], %and3A_401 : memref<159x256xi32, #tpu.memory_space<vmem>>[vector<16xi32>, vector<16xi32>], vector<16xi32>,
      %and3A_402 = arith.constant 31 : i32
      %and3A_403 = vector.broadcast %and3A_402 : i32 to vector<16xi32>
      %and3A_404 = arith.andi %add3A_389, %and3A_403 : vector<16xi32>
      %add3A_405 = arith.constant 13440 : i32
      %add3A_406 = vector.broadcast %add3A_405 : i32 to vector<16xi32>
      %add3A_407 = arith.addi %add3A_406, %and3A_404 : vector<16xi32>
      tpu.vector_store_idx %arg9[%shift_right_arithmetic3A_392, %and3A_395], %add3A_407 : memref<159x256xi32, #tpu.memory_space<vmem>>[vector<16xi32>, vector<16xi32>], vector<16xi32>,
      %add3A_408 = arith.constant 255 : i32
      %add3A_409 = arith.addi %reduce_max3A_57, %add3A_408 : i32
      %shift_right_arithmetic3A_410 = arith.constant 8 : i32
      %shift_right_arithmetic3A_411 = arith.shrsi %add3A_409, %shift_right_arithmetic3A_410 : i32
      %while3A = arith.constant 0 : i32
      %while3A_412 = arith.constant 0 : i32
      %while3A_413 = arith.subi %shift_right_arithmetic3A_411, %while3A : i32
      %while3A_414 = arith.addi %while3A, %while3A_413 : i32
      %while3A_415 = arith.constant 1 : i32
      %while3A_416 = arith.divsi %while3A_413, %while3A_415 : i32
      %while3A_417 = arith.muli %while3A_416, %while3A_415 : i32
      %while3A_418 = arith.addi %while3A, %while3A_417 : i32
      %while3A_419 = arith.constant 1 : i32
      %while3A_420 = scf.for %while3A_452 = %while3A to %while3A_418 step %while3A_419 iter_args(%while3A_453 = %while3A_412) -> (i32)  : i32 {
        %dma_start3A = arith.constant 0 : i32
        %dma_start3A_454 = tpu.memref_slice %arg8[%while3A_452, %dma_start3A] : memref<159x256xi32, #tpu.memory_space<vmem>> -> memref<1x256xi32, #tpu.memory_space<vmem>>
        %dma_start3A_455 = tpu.memref_squeeze %dma_start3A_454 : memref<1x256xi32, #tpu.memory_space<vmem>> -> memref<256xi32, #tpu.memory_space<vmem>>
        %dma_start3A_456 = arith.constant 0 : i32
        %dma_start3A_457 = arith.constant 0 : i32
        %dma_start3A_458 = tpu.memref_slice %arg3[%dma_start3A_456, %dma_start3A_457] : memref<640000x32xf32, #tpu.memory_space<hbm>> -> memref<640000x32xf32, #tpu.memory_space<hbm>>
        tpu.enqueue_indirect_dma source(%dma_start3A_458 : memref<640000x32xf32, #tpu.memory_space<hbm>>) target(%arg6 : memref<256x32xf32, #tpu.memory_space<vmem>>) offsets(%dma_start3A_455 : memref<256xi32, #tpu.memory_space<vmem>>) semaphore(%arg11 : memref<!tpu.dma_semaphore, #tpu.memory_space<semaphore_mem>>)
        %dma_wait3A = arith.constant 0 : i32
        %dma_wait3A_459 = tpu.memref_slice %arg8[%while3A_452, %dma_wait3A] : memref<159x256xi32, #tpu.memory_space<vmem>> -> memref<1x256xi32, #tpu.memory_space<vmem>>
        %dma_wait3A_460 = tpu.memref_squeeze %dma_wait3A_459 : memref<1x256xi32, #tpu.memory_space<vmem>> -> memref<256xi32, #tpu.memory_space<vmem>>
        %dma_wait3A_461 = arith.constant 0 : i32
        %dma_wait3A_462 = arith.constant 0 : i32
        %dma_wait3A_463 = tpu.memref_slice %arg3[%dma_wait3A_461, %dma_wait3A_462] : memref<640000x32xf32, #tpu.memory_space<hbm>> -> memref<640000x32xf32, #tpu.memory_space<hbm>>
        tpu.wait_indirect_dma semaphore(%arg11 : memref<!tpu.dma_semaphore, #tpu.memory_space<semaphore_mem>>) src(%dma_wait3A_463 : memref<640000x32xf32, #tpu.memory_space<hbm>>) dst(%arg6 : memref<256x32xf32, #tpu.memory_space<vmem>>)
        "tpu.region"() ({
          %run_scoped3A = tpu.sem_alloc : memref<!tpu.dma_semaphore, #tpu.memory_space<semaphore_mem>>
          %dma_start3A_465 = arith.constant 0 : i32
          %dma_start3A_466 = tpu.memref_slice %arg9[%while3A_452, %dma_start3A_465] : memref<159x256xi32, #tpu.memory_space<vmem>> -> memref<1x256xi32, #tpu.memory_space<vmem>>
          %dma_start3A_467 = tpu.memref_squeeze %dma_start3A_466 : memref<1x256xi32, #tpu.memory_space<vmem>> -> memref<256xi32, #tpu.memory_space<vmem>>
          %dma_start3A_468 = arith.constant 0 : i32
          %dma_start3A_469 = arith.constant 0 : i32
          %dma_start3A_470 = tpu.memref_slice %arg10[%dma_start3A_468, %dma_start3A_469] : memref<13472x32xf32, #tpu.memory_space<vmem_shared>> -> memref<13472x32xf32, #tpu.memory_space<vmem_shared>>
          tpu.enqueue_indirect_dma source(%arg6 : memref<256x32xf32, #tpu.memory_space<vmem>>) target(%dma_start3A_470 : memref<13472x32xf32, #tpu.memory_space<vmem_shared>>) offsets(%dma_start3A_467 : memref<256xi32, #tpu.memory_space<vmem>>) semaphore(%run_scoped3A : memref<!tpu.dma_semaphore, #tpu.memory_space<semaphore_mem>>) {add = true}
          %dma_wait3A_471 = arith.constant 0 : i32
          %dma_wait3A_472 = tpu.memref_slice %arg9[%while3A_452, %dma_wait3A_471] : memref<159x256xi32, #tpu.memory_space<vmem>> -> memref<1x256xi32, #tpu.memory_space<vmem>>
          %dma_wait3A_473 = tpu.memref_squeeze %dma_wait3A_472 : memref<1x256xi32, #tpu.memory_space<vmem>> -> memref<256xi32, #tpu.memory_space<vmem>>
          %dma_wait3A_474 = arith.constant 0 : i32
          %dma_wait3A_475 = arith.constant 0 : i32
          %dma_wait3A_476 = tpu.memref_slice %arg10[%dma_wait3A_474, %dma_wait3A_475] : memref<13472x32xf32, #tpu.memory_space<vmem_shared>> -> memref<13472x32xf32, #tpu.memory_space<vmem_shared>>
          tpu.wait_indirect_dma semaphore(%run_scoped3A : memref<!tpu.dma_semaphore, #tpu.memory_space<semaphore_mem>>) src(%arg6 : memref<256x32xf32, #tpu.memory_space<vmem>>) dst(%dma_wait3A_476 : memref<13472x32xf32, #tpu.memory_space<vmem_shared>>)
          tpu.yield
        }) : () -> ()
        %while3A_464 = arith.constant 0 : i32
        scf.yield %while3A_464 : i32
      }
      %while3A_421 = arith.constant 1 : i32
      %while3A_422 = scf.for %while3A_452 = %while3A_418 to %while3A_414 step %while3A_421 iter_args(%while3A_453 = %while3A_420) -> (i32)  : i32 {
        %dma_start3A = arith.constant 0 : i32
        %dma_start3A_454 = tpu.memref_slice %arg8[%while3A_452, %dma_start3A] : memref<159x256xi32, #tpu.memory_space<vmem>> -> memref<1x256xi32, #tpu.memory_space<vmem>>
        %dma_start3A_455 = tpu.memref_squeeze %dma_start3A_454 : memref<1x256xi32, #tpu.memory_space<vmem>> -> memref<256xi32, #tpu.memory_space<vmem>>
        %dma_start3A_456 = arith.constant 0 : i32
        %dma_start3A_457 = arith.constant 0 : i32
        %dma_start3A_458 = tpu.memref_slice %arg3[%dma_start3A_456, %dma_start3A_457] : memref<640000x32xf32, #tpu.memory_space<hbm>> -> memref<640000x32xf32, #tpu.memory_space<hbm>>
        tpu.enqueue_indirect_dma source(%dma_start3A_458 : memref<640000x32xf32, #tpu.memory_space<hbm>>) target(%arg6 : memref<256x32xf32, #tpu.memory_space<vmem>>) offsets(%dma_start3A_455 : memref<256xi32, #tpu.memory_space<vmem>>) semaphore(%arg11 : memref<!tpu.dma_semaphore, #tpu.memory_space<semaphore_mem>>)
        %dma_wait3A = arith.constant 0 : i32
        %dma_wait3A_459 = tpu.memref_slice %arg8[%while3A_452, %dma_wait3A] : memref<159x256xi32, #tpu.memory_space<vmem>> -> memref<1x256xi32, #tpu.memory_space<vmem>>
        %dma_wait3A_460 = tpu.memref_squeeze %dma_wait3A_459 : memref<1x256xi32, #tpu.memory_space<vmem>> -> memref<256xi32, #tpu.memory_space<vmem>>
        %dma_wait3A_461 = arith.constant 0 : i32
        %dma_wait3A_462 = arith.constant 0 : i32
        %dma_wait3A_463 = tpu.memref_slice %arg3[%dma_wait3A_461, %dma_wait3A_462] : memref<640000x32xf32, #tpu.memory_space<hbm>> -> memref<640000x32xf32, #tpu.memory_space<hbm>>
        tpu.wait_indirect_dma semaphore(%arg11 : memref<!tpu.dma_semaphore, #tpu.memory_space<semaphore_mem>>) src(%dma_wait3A_463 : memref<640000x32xf32, #tpu.memory_space<hbm>>) dst(%arg6 : memref<256x32xf32, #tpu.memory_space<vmem>>)
        "tpu.region"() ({
          %run_scoped3A = tpu.sem_alloc : memref<!tpu.dma_semaphore, #tpu.memory_space<semaphore_mem>>
          %dma_start3A_465 = arith.constant 0 : i32
          %dma_start3A_466 = tpu.memref_slice %arg9[%while3A_452, %dma_start3A_465] : memref<159x256xi32, #tpu.memory_space<vmem>> -> memref<1x256xi32, #tpu.memory_space<vmem>>
          %dma_start3A_467 = tpu.memref_squeeze %dma_start3A_466 : memref<1x256xi32, #tpu.memory_space<vmem>> -> memref<256xi32, #tpu.memory_space<vmem>>
          %dma_start3A_468 = arith.constant 0 : i32
          %dma_start3A_469 = arith.constant 0 : i32
          %dma_start3A_470 = tpu.memref_slice %arg10[%dma_start3A_468, %dma_start3A_469] : memref<13472x32xf32, #tpu.memory_space<vmem_shared>> -> memref<13472x32xf32, #tpu.memory_space<vmem_shared>>
          tpu.enqueue_indirect_dma source(%arg6 : memref<256x32xf32, #tpu.memory_space<vmem>>) target(%dma_start3A_470 : memref<13472x32xf32, #tpu.memory_space<vmem_shared>>) offsets(%dma_start3A_467 : memref<256xi32, #tpu.memory_space<vmem>>) semaphore(%run_scoped3A : memref<!tpu.dma_semaphore, #tpu.memory_space<semaphore_mem>>) {add = true}
          %dma_wait3A_471 = arith.constant 0 : i32
          %dma_wait3A_472 = tpu.memref_slice %arg9[%while3A_452, %dma_wait3A_471] : memref<159x256xi32, #tpu.memory_space<vmem>> -> memref<1x256xi32, #tpu.memory_space<vmem>>
          %dma_wait3A_473 = tpu.memref_squeeze %dma_wait3A_472 : memref<1x256xi32, #tpu.memory_space<vmem>> -> memref<256xi32, #tpu.memory_space<vmem>>
          %dma_wait3A_474 = arith.constant 0 : i32
          %dma_wait3A_475 = arith.constant 0 : i32
          %dma_wait3A_476 = tpu.memref_slice %arg10[%dma_wait3A_474, %dma_wait3A_475] : memref<13472x32xf32, #tpu.memory_space<vmem_shared>> -> memref<13472x32xf32, #tpu.memory_space<vmem_shared>>
          tpu.wait_indirect_dma semaphore(%run_scoped3A : memref<!tpu.dma_semaphore, #tpu.memory_space<semaphore_mem>>) src(%arg6 : memref<256x32xf32, #tpu.memory_space<vmem>>) dst(%dma_wait3A_476 : memref<13472x32xf32, #tpu.memory_space<vmem_shared>>)
          tpu.yield
        }) : () -> ()
        %while3A_464 = arith.constant 0 : i32
        scf.yield %while3A_464 : i32
      }
      %barrier3A_423 = arith.constant 0 : index
      tpu.barrier barrier_id(%barrier3A_423)
      %mul3A_424 = arith.constant 840 : i32
      %mul3A_425 = arith.muli %arg1, %mul3A_424 : i32
      %add3A_426 = arith.constant 0 : i32
      %add3A_427 = arith.addi %mul3A_425, %add3A_426 : i32
      "tpu.region"() ({
        %run_scoped3A = tpu.sem_alloc : memref<!tpu.dma_semaphore, #tpu.memory_space<semaphore_mem>>
        %dma_start3A = arith.constant 0 : i32
        %dma_start3A_452 = tpu.memref_slice %arg10[%add3A_427, %dma_start3A] : memref<13472x32xf32, #tpu.memory_space<vmem_shared>> -> memref<280x32xf32, #tpu.memory_space<vmem_shared>>
        %dma_start3A_453 = arith.constant 0 : i32
        %dma_start3A_454 = tpu.memref_slice %arg10[%add3A_427, %dma_start3A_453] : memref<13472x32xf32, #tpu.memory_space<vmem_shared>> -> memref<280x32xf32, #tpu.memory_space<vmem_shared>>
        tpu.enqueue_dma source(%dma_start3A_454 : memref<280x32xf32, #tpu.memory_space<vmem_shared>>) target(%arg7 : memref<280x32xf32, #tpu.memory_space<vmem>>) target_semaphore(%run_scoped3A : memref<!tpu.dma_semaphore, #tpu.memory_space<semaphore_mem>>)
        %dma_wait3A = arith.constant 0 : i32
        %dma_wait3A_455 = tpu.memref_slice %arg10[%add3A_427, %dma_wait3A] : memref<13472x32xf32, #tpu.memory_space<vmem_shared>> -> memref<280x32xf32, #tpu.memory_space<vmem_shared>>
        %dma_wait3A_456 = arith.constant 0 : i32
        %dma_wait3A_457 = tpu.memref_slice %arg10[%add3A_427, %dma_wait3A_456] : memref<13472x32xf32, #tpu.memory_space<vmem_shared>> -> memref<280x32xf32, #tpu.memory_space<vmem_shared>>
        tpu.wait_dma2 semaphore(%run_scoped3A : memref<!tpu.dma_semaphore, #tpu.memory_space<semaphore_mem>>) src(%dma_wait3A_457 : memref<280x32xf32, #tpu.memory_space<vmem_shared>>) dst(%arg7 : memref<280x32xf32, #tpu.memory_space<vmem>>)
        tpu.yield
      }) : () -> ()
      %mul3A_428 = arith.constant 840 : i32
      %mul3A_429 = arith.muli %arg1, %mul3A_428 : i32
      %add3A_430 = arith.addi %mul3A_10, %mul3A_429 : i32
      %add3A_431 = arith.constant 0 : i32
      %add3A_432 = arith.addi %add3A_430, %add3A_431 : i32
      "tpu.region"() ({
        %run_scoped3A = tpu.sem_alloc : memref<!tpu.dma_semaphore, #tpu.memory_space<semaphore_mem>>
        %dma_start3A = arith.constant 0 : i32
        %dma_start3A_452 = tpu.memref_slice %arg4[%add3A_432, %dma_start3A] : memref<322560x32xf32, #tpu.memory_space<hbm>> -> memref<280x32xf32, #tpu.memory_space<hbm>>
        %dma_start3A_453 = arith.constant 0 : i32
        %dma_start3A_454 = tpu.memref_slice %arg4[%add3A_432, %dma_start3A_453] : memref<322560x32xf32, #tpu.memory_space<hbm>> -> memref<280x32xf32, #tpu.memory_space<hbm>>
        tpu.enqueue_dma source(%arg7 : memref<280x32xf32, #tpu.memory_space<vmem>>) target(%dma_start3A_454 : memref<280x32xf32, #tpu.memory_space<hbm>>) target_semaphore(%run_scoped3A : memref<!tpu.dma_semaphore, #tpu.memory_space<semaphore_mem>>)
        %dma_wait3A = arith.constant 0 : i32
        %dma_wait3A_455 = tpu.memref_slice %arg4[%add3A_432, %dma_wait3A] : memref<322560x32xf32, #tpu.memory_space<hbm>> -> memref<280x32xf32, #tpu.memory_space<hbm>>
        %dma_wait3A_456 = arith.constant 0 : i32
        %dma_wait3A_457 = tpu.memref_slice %arg4[%add3A_432, %dma_wait3A_456] : memref<322560x32xf32, #tpu.memory_space<hbm>> -> memref<280x32xf32, #tpu.memory_space<hbm>>
        tpu.wait_dma2 semaphore(%run_scoped3A : memref<!tpu.dma_semaphore, #tpu.memory_space<semaphore_mem>>) src(%arg7 : memref<280x32xf32, #tpu.memory_space<vmem>>) dst(%dma_wait3A_457 : memref<280x32xf32, #tpu.memory_space<hbm>>)
        tpu.yield
      }) : () -> ()
      %mul3A_433 = arith.constant 840 : i32
      %mul3A_434 = arith.muli %arg1, %mul3A_433 : i32
      %add3A_435 = arith.constant 280 : i32
      %add3A_436 = arith.addi %mul3A_434, %add3A_435 : i32
      "tpu.region"() ({
        %run_scoped3A = tpu.sem_alloc : memref<!tpu.dma_semaphore, #tpu.memory_space<semaphore_mem>>
        %dma_start3A = arith.constant 0 : i32
        %dma_start3A_452 = tpu.memref_slice %arg10[%add3A_436, %dma_start3A] : memref<13472x32xf32, #tpu.memory_space<vmem_shared>> -> memref<280x32xf32, #tpu.memory_space<vmem_shared>>
        %dma_start3A_453 = arith.constant 0 : i32
        %dma_start3A_454 = tpu.memref_slice %arg10[%add3A_436, %dma_start3A_453] : memref<13472x32xf32, #tpu.memory_space<vmem_shared>> -> memref<280x32xf32, #tpu.memory_space<vmem_shared>>
        tpu.enqueue_dma source(%dma_start3A_454 : memref<280x32xf32, #tpu.memory_space<vmem_shared>>) target(%arg7 : memref<280x32xf32, #tpu.memory_space<vmem>>) target_semaphore(%run_scoped3A : memref<!tpu.dma_semaphore, #tpu.memory_space<semaphore_mem>>)
        %dma_wait3A = arith.constant 0 : i32
        %dma_wait3A_455 = tpu.memref_slice %arg10[%add3A_436, %dma_wait3A] : memref<13472x32xf32, #tpu.memory_space<vmem_shared>> -> memref<280x32xf32, #tpu.memory_space<vmem_shared>>
        %dma_wait3A_456 = arith.constant 0 : i32
        %dma_wait3A_457 = tpu.memref_slice %arg10[%add3A_436, %dma_wait3A_456] : memref<13472x32xf32, #tpu.memory_space<vmem_shared>> -> memref<280x32xf32, #tpu.memory_space<vmem_shared>>
        tpu.wait_dma2 semaphore(%run_scoped3A : memref<!tpu.dma_semaphore, #tpu.memory_space<semaphore_mem>>) src(%dma_wait3A_457 : memref<280x32xf32, #tpu.memory_space<vmem_shared>>) dst(%arg7 : memref<280x32xf32, #tpu.memory_space<vmem>>)
        tpu.yield
      }) : () -> ()
      %mul3A_437 = arith.constant 840 : i32
      %mul3A_438 = arith.muli %arg1, %mul3A_437 : i32
      %add3A_439 = arith.addi %mul3A_10, %mul3A_438 : i32
      %add3A_440 = arith.constant 280 : i32
      %add3A_441 = arith.addi %add3A_439, %add3A_440 : i32
      "tpu.region"() ({
        %run_scoped3A = tpu.sem_alloc : memref<!tpu.dma_semaphore, #tpu.memory_space<semaphore_mem>>
        %dma_start3A = arith.constant 0 : i32
        %dma_start3A_452 = tpu.memref_slice %arg4[%add3A_441, %dma_start3A] : memref<322560x32xf32, #tpu.memory_space<hbm>> -> memref<280x32xf32, #tpu.memory_space<hbm>>
        %dma_start3A_453 = arith.constant 0 : i32
        %dma_start3A_454 = tpu.memref_slice %arg4[%add3A_441, %dma_start3A_453] : memref<322560x32xf32, #tpu.memory_space<hbm>> -> memref<280x32xf32, #tpu.memory_space<hbm>>
        tpu.enqueue_dma source(%arg7 : memref<280x32xf32, #tpu.memory_space<vmem>>) target(%dma_start3A_454 : memref<280x32xf32, #tpu.memory_space<hbm>>) target_semaphore(%run_scoped3A : memref<!tpu.dma_semaphore, #tpu.memory_space<semaphore_mem>>)
        %dma_wait3A = arith.constant 0 : i32
        %dma_wait3A_455 = tpu.memref_slice %arg4[%add3A_441, %dma_wait3A] : memref<322560x32xf32, #tpu.memory_space<hbm>> -> memref<280x32xf32, #tpu.memory_space<hbm>>
        %dma_wait3A_456 = arith.constant 0 : i32
        %dma_wait3A_457 = tpu.memref_slice %arg4[%add3A_441, %dma_wait3A_456] : memref<322560x32xf32, #tpu.memory_space<hbm>> -> memref<280x32xf32, #tpu.memory_space<hbm>>
        tpu.wait_dma2 semaphore(%run_scoped3A : memref<!tpu.dma_semaphore, #tpu.memory_space<semaphore_mem>>) src(%arg7 : memref<280x32xf32, #tpu.memory_space<vmem>>) dst(%dma_wait3A_457 : memref<280x32xf32, #tpu.memory_space<hbm>>)
        tpu.yield
      }) : () -> ()
      %mul3A_442 = arith.constant 840 : i32
      %mul3A_443 = arith.muli %arg1, %mul3A_442 : i32
      %add3A_444 = arith.constant 560 : i32
      %add3A_445 = arith.addi %mul3A_443, %add3A_444 : i32
      "tpu.region"() ({
        %run_scoped3A = tpu.sem_alloc : memref<!tpu.dma_semaphore, #tpu.memory_space<semaphore_mem>>
        %dma_start3A = arith.constant 0 : i32
        %dma_start3A_452 = tpu.memref_slice %arg10[%add3A_445, %dma_start3A] : memref<13472x32xf32, #tpu.memory_space<vmem_shared>> -> memref<280x32xf32, #tpu.memory_space<vmem_shared>>
        %dma_start3A_453 = arith.constant 0 : i32
        %dma_start3A_454 = tpu.memref_slice %arg10[%add3A_445, %dma_start3A_453] : memref<13472x32xf32, #tpu.memory_space<vmem_shared>> -> memref<280x32xf32, #tpu.memory_space<vmem_shared>>
        tpu.enqueue_dma source(%dma_start3A_454 : memref<280x32xf32, #tpu.memory_space<vmem_shared>>) target(%arg7 : memref<280x32xf32, #tpu.memory_space<vmem>>) target_semaphore(%run_scoped3A : memref<!tpu.dma_semaphore, #tpu.memory_space<semaphore_mem>>)
        %dma_wait3A = arith.constant 0 : i32
        %dma_wait3A_455 = tpu.memref_slice %arg10[%add3A_445, %dma_wait3A] : memref<13472x32xf32, #tpu.memory_space<vmem_shared>> -> memref<280x32xf32, #tpu.memory_space<vmem_shared>>
        %dma_wait3A_456 = arith.constant 0 : i32
        %dma_wait3A_457 = tpu.memref_slice %arg10[%add3A_445, %dma_wait3A_456] : memref<13472x32xf32, #tpu.memory_space<vmem_shared>> -> memref<280x32xf32, #tpu.memory_space<vmem_shared>>
        tpu.wait_dma2 semaphore(%run_scoped3A : memref<!tpu.dma_semaphore, #tpu.memory_space<semaphore_mem>>) src(%dma_wait3A_457 : memref<280x32xf32, #tpu.memory_space<vmem_shared>>) dst(%arg7 : memref<280x32xf32, #tpu.memory_space<vmem>>)
        tpu.yield
      }) : () -> ()
      %mul3A_446 = arith.constant 840 : i32
      %mul3A_447 = arith.muli %arg1, %mul3A_446 : i32
      %add3A_448 = arith.addi %mul3A_10, %mul3A_447 : i32
      %add3A_449 = arith.constant 560 : i32
      %add3A_450 = arith.addi %add3A_448, %add3A_449 : i32
      "tpu.region"() ({
        %run_scoped3A = tpu.sem_alloc : memref<!tpu.dma_semaphore, #tpu.memory_space<semaphore_mem>>
        %dma_start3A = arith.constant 0 : i32
        %dma_start3A_452 = tpu.memref_slice %arg4[%add3A_450, %dma_start3A] : memref<322560x32xf32, #tpu.memory_space<hbm>> -> memref<280x32xf32, #tpu.memory_space<hbm>>
        %dma_start3A_453 = arith.constant 0 : i32
        %dma_start3A_454 = tpu.memref_slice %arg4[%add3A_450, %dma_start3A_453] : memref<322560x32xf32, #tpu.memory_space<hbm>> -> memref<280x32xf32, #tpu.memory_space<hbm>>
        tpu.enqueue_dma source(%arg7 : memref<280x32xf32, #tpu.memory_space<vmem>>) target(%dma_start3A_454 : memref<280x32xf32, #tpu.memory_space<hbm>>) target_semaphore(%run_scoped3A : memref<!tpu.dma_semaphore, #tpu.memory_space<semaphore_mem>>)
        %dma_wait3A = arith.constant 0 : i32
        %dma_wait3A_455 = tpu.memref_slice %arg4[%add3A_450, %dma_wait3A] : memref<322560x32xf32, #tpu.memory_space<hbm>> -> memref<280x32xf32, #tpu.memory_space<hbm>>
        %dma_wait3A_456 = arith.constant 0 : i32
        %dma_wait3A_457 = tpu.memref_slice %arg4[%add3A_450, %dma_wait3A_456] : memref<322560x32xf32, #tpu.memory_space<hbm>> -> memref<280x32xf32, #tpu.memory_space<hbm>>
        tpu.wait_dma2 semaphore(%run_scoped3A : memref<!tpu.dma_semaphore, #tpu.memory_space<semaphore_mem>>) src(%arg7 : memref<280x32xf32, #tpu.memory_space<vmem>>) dst(%dma_wait3A_457 : memref<280x32xf32, #tpu.memory_space<hbm>>)
        tpu.yield
      }) : () -> ()
      %scan3A_451 = arith.constant 0 : i32
      scf.yield %scan3A_451 : i32
    }
    %scan3A_5 = arith.constant 12 : i32
    return
  }
}

#map = affine_map<(d0, d1) -> (0)>
#map1 = affine_map<(d0, d1) -> (0, 0)>
module attributes {stable_mosaic.version = 14 : i64} {
  func.func @make(%arg0: i32, %arg1: i32, %arg2: memref<640000xi32, #tpu.memory_space<hbm>>, %arg3: memref<640000xi32, #tpu.memory_space<hbm>>, %arg4: memref<320000x32xf32, #tpu.memory_space<hbm>>, %arg5: memref<322560x32xf32, #tpu.memory_space<hbm>>, %arg6: memref<322560x32xf32, #tpu.memory_space<hbm>>, %arg7: memref<2000xi32, #tpu.memory_space<vmem>>, %arg8: memref<2000xi32, #tpu.memory_space<vmem>>, %arg9: memref<256x32xf32, #tpu.memory_space<vmem>>, %arg10: memref<280x32xf32, #tpu.memory_space<vmem>>, %arg11: memref<159x256xi32, #tpu.memory_space<vmem>>, %arg12: memref<159x256xi32, #tpu.memory_space<vmem>>, %arg13: memref<13472x32xf32, #tpu.memory_space<vmem_shared>>, %arg14: memref<!tpu.dma_semaphore, #tpu.memory_space<semaphore_mem>>) attributes {dimension_semantics = [#tpu.dimension_semantics<core_parallel>, #tpu.dimension_semantics<subcore_parallel>], iteration_bounds = array<i64: 2, 16>, scalar_prefetch = 0 : i64, scratch_operands = 8 : i64, tpu.core_type = #tpu.core_type<sc_vector_subcore>, window_params = [{transform_indices = #map}, {transform_indices = #map}, {transform_indices = #map1}, {transform_indices = #map1}, {transform_indices = #map1}]} {
    %iota3A = tpu.iota {dimensions = array<i32: 0>} : vector<16xi32>
    %scan3A = arith.constant 0 : i32
    %scan3A_0 = arith.constant 0 : i32
    %scan3A_1 = arith.constant 12 : i32
    %scan3A_2 = arith.addi %scan3A_0, %scan3A_1 : i32
    %scan3A_3 = arith.constant 1 : i32
    %scan3A_4 = scf.for %scan3A_6 = %scan3A_0 to %scan3A_2 step %scan3A_3 iter_args(%scan3A_7 = %scan3A) -> (i32)  : i32 {
      %mul3A = arith.constant 12 : i32
      %mul3A_8 = arith.muli %arg0, %mul3A : i32
      %add3A = arith.addi %mul3A_8, %scan3A_6 : i32
      %mul3A_9 = arith.constant 13440 : i32
      %mul3A_10 = arith.muli %add3A, %mul3A_9 : i32
      %barrier3A = arith.constant 0 : index
      tpu.barrier barrier_id(%barrier3A)
      %broadcast_in_dim3A = arith.constant 0.000000e+00 : f32
      %broadcast_in_dim3A_11 = vector.broadcast %broadcast_in_dim3A : f32 to vector<16xf32>
      %scan3A_12 = arith.constant 0 : i32
      %scan3A_13 = arith.constant 0 : i32
      %scan3A_14 = arith.constant 32 : i32
      %scan3A_15 = arith.addi %scan3A_13, %scan3A_14 : i32
      %scan3A_16 = arith.constant 1 : i32
      %scan3A_17 = scf.for %scan3A_458 = %scan3A_13 to %scan3A_15 step %scan3A_16 iter_args(%scan3A_459 = %scan3A_12) -> (i32)  : i32 {
        %swap3A = arith.index_cast %scan3A_458 : i32 to index
        %swap3A_460 = arith.constant 0 : index
        %swap3A_461 = tpu.vector_load %arg9[%swap3A, %swap3A_460] {strides = array<i32>} : memref<256x32xf32, #tpu.memory_space<vmem>>, vector<16xf32>,
        tpu.vector_store %arg9[%swap3A, %swap3A_460], %broadcast_in_dim3A_11 {strides = array<i32>} : memref<256x32xf32, #tpu.memory_space<vmem>>, vector<16xf32>,
        %swap3A_462 = arith.index_cast %scan3A_458 : i32 to index
        %swap3A_463 = arith.constant 16 : index
        %swap3A_464 = tpu.vector_load %arg9[%swap3A_462, %swap3A_463] {strides = array<i32>} : memref<256x32xf32, #tpu.memory_space<vmem>>, vector<16xf32>,
        tpu.vector_store %arg9[%swap3A_462, %swap3A_463], %broadcast_in_dim3A_11 {strides = array<i32>} : memref<256x32xf32, #tpu.memory_space<vmem>>, vector<16xf32>,
        %scan3A_465 = arith.constant 0 : i32
        scf.yield %scan3A_465 : i32
      }
      %scan3A_18 = arith.constant 32 : i32
      %mul3A_19 = arith.constant 840 : i32
      %mul3A_20 = arith.muli %arg1, %mul3A_19 : i32
      %add3A_21 = arith.addi %mul3A_10, %mul3A_20 : i32
      %add3A_22 = arith.constant 0 : i32
      %add3A_23 = arith.addi %add3A_21, %add3A_22 : i32
      "tpu.region"() ({
        %run_scoped3A = tpu.sem_alloc : memref<!tpu.dma_semaphore, #tpu.memory_space<semaphore_mem>>
        %dma_start3A = arith.constant 0 : i32
        %dma_start3A_458 = tpu.memref_slice %arg5[%add3A_23, %dma_start3A] : memref<322560x32xf32, #tpu.memory_space<hbm>> -> memref<280x32xf32, #tpu.memory_space<hbm>>
        %dma_start3A_459 = arith.constant 0 : i32
        %dma_start3A_460 = tpu.memref_slice %arg5[%add3A_23, %dma_start3A_459] : memref<322560x32xf32, #tpu.memory_space<hbm>> -> memref<280x32xf32, #tpu.memory_space<hbm>>
        tpu.enqueue_dma source(%dma_start3A_460 : memref<280x32xf32, #tpu.memory_space<hbm>>) target(%arg10 : memref<280x32xf32, #tpu.memory_space<vmem>>) target_semaphore(%run_scoped3A : memref<!tpu.dma_semaphore, #tpu.memory_space<semaphore_mem>>)
        %dma_wait3A = arith.constant 0 : i32
        %dma_wait3A_461 = tpu.memref_slice %arg5[%add3A_23, %dma_wait3A] : memref<322560x32xf32, #tpu.memory_space<hbm>> -> memref<280x32xf32, #tpu.memory_space<hbm>>
        %dma_wait3A_462 = arith.constant 0 : i32
        %dma_wait3A_463 = tpu.memref_slice %arg5[%add3A_23, %dma_wait3A_462] : memref<322560x32xf32, #tpu.memory_space<hbm>> -> memref<280x32xf32, #tpu.memory_space<hbm>>
        tpu.wait_dma2 semaphore(%run_scoped3A : memref<!tpu.dma_semaphore, #tpu.memory_space<semaphore_mem>>) src(%dma_wait3A_463 : memref<280x32xf32, #tpu.memory_space<hbm>>) dst(%arg10 : memref<280x32xf32, #tpu.memory_space<vmem>>)
        tpu.yield
      }) : () -> ()
      %mul3A_24 = arith.constant 840 : i32
      %mul3A_25 = arith.muli %arg1, %mul3A_24 : i32
      %add3A_26 = arith.constant 0 : i32
      %add3A_27 = arith.addi %mul3A_25, %add3A_26 : i32
      "tpu.region"() ({
        %run_scoped3A = tpu.sem_alloc : memref<!tpu.dma_semaphore, #tpu.memory_space<semaphore_mem>>
        %dma_start3A = arith.constant 0 : i32
        %dma_start3A_458 = tpu.memref_slice %arg13[%add3A_27, %dma_start3A] : memref<13472x32xf32, #tpu.memory_space<vmem_shared>> -> memref<280x32xf32, #tpu.memory_space<vmem_shared>>
        %dma_start3A_459 = arith.constant 0 : i32
        %dma_start3A_460 = tpu.memref_slice %arg13[%add3A_27, %dma_start3A_459] : memref<13472x32xf32, #tpu.memory_space<vmem_shared>> -> memref<280x32xf32, #tpu.memory_space<vmem_shared>>
        tpu.enqueue_dma source(%arg10 : memref<280x32xf32, #tpu.memory_space<vmem>>) target(%dma_start3A_460 : memref<280x32xf32, #tpu.memory_space<vmem_shared>>) target_semaphore(%run_scoped3A : memref<!tpu.dma_semaphore, #tpu.memory_space<semaphore_mem>>)
        %dma_wait3A = arith.constant 0 : i32
        %dma_wait3A_461 = tpu.memref_slice %arg13[%add3A_27, %dma_wait3A] : memref<13472x32xf32, #tpu.memory_space<vmem_shared>> -> memref<280x32xf32, #tpu.memory_space<vmem_shared>>
        %dma_wait3A_462 = arith.constant 0 : i32
        %dma_wait3A_463 = tpu.memref_slice %arg13[%add3A_27, %dma_wait3A_462] : memref<13472x32xf32, #tpu.memory_space<vmem_shared>> -> memref<280x32xf32, #tpu.memory_space<vmem_shared>>
        tpu.wait_dma2 semaphore(%run_scoped3A : memref<!tpu.dma_semaphore, #tpu.memory_space<semaphore_mem>>) src(%arg10 : memref<280x32xf32, #tpu.memory_space<vmem>>) dst(%dma_wait3A_463 : memref<280x32xf32, #tpu.memory_space<vmem_shared>>)
        tpu.yield
      }) : () -> ()
      %mul3A_28 = arith.constant 840 : i32
      %mul3A_29 = arith.muli %arg1, %mul3A_28 : i32
      %add3A_30 = arith.addi %mul3A_10, %mul3A_29 : i32
      %add3A_31 = arith.constant 280 : i32
      %add3A_32 = arith.addi %add3A_30, %add3A_31 : i32
      "tpu.region"() ({
        %run_scoped3A = tpu.sem_alloc : memref<!tpu.dma_semaphore, #tpu.memory_space<semaphore_mem>>
        %dma_start3A = arith.constant 0 : i32
        %dma_start3A_458 = tpu.memref_slice %arg5[%add3A_32, %dma_start3A] : memref<322560x32xf32, #tpu.memory_space<hbm>> -> memref<280x32xf32, #tpu.memory_space<hbm>>
        %dma_start3A_459 = arith.constant 0 : i32
        %dma_start3A_460 = tpu.memref_slice %arg5[%add3A_32, %dma_start3A_459] : memref<322560x32xf32, #tpu.memory_space<hbm>> -> memref<280x32xf32, #tpu.memory_space<hbm>>
        tpu.enqueue_dma source(%dma_start3A_460 : memref<280x32xf32, #tpu.memory_space<hbm>>) target(%arg10 : memref<280x32xf32, #tpu.memory_space<vmem>>) target_semaphore(%run_scoped3A : memref<!tpu.dma_semaphore, #tpu.memory_space<semaphore_mem>>)
        %dma_wait3A = arith.constant 0 : i32
        %dma_wait3A_461 = tpu.memref_slice %arg5[%add3A_32, %dma_wait3A] : memref<322560x32xf32, #tpu.memory_space<hbm>> -> memref<280x32xf32, #tpu.memory_space<hbm>>
        %dma_wait3A_462 = arith.constant 0 : i32
        %dma_wait3A_463 = tpu.memref_slice %arg5[%add3A_32, %dma_wait3A_462] : memref<322560x32xf32, #tpu.memory_space<hbm>> -> memref<280x32xf32, #tpu.memory_space<hbm>>
        tpu.wait_dma2 semaphore(%run_scoped3A : memref<!tpu.dma_semaphore, #tpu.memory_space<semaphore_mem>>) src(%dma_wait3A_463 : memref<280x32xf32, #tpu.memory_space<hbm>>) dst(%arg10 : memref<280x32xf32, #tpu.memory_space<vmem>>)
        tpu.yield
      }) : () -> ()
      %mul3A_33 = arith.constant 840 : i32
      %mul3A_34 = arith.muli %arg1, %mul3A_33 : i32
      %add3A_35 = arith.constant 280 : i32
      %add3A_36 = arith.addi %mul3A_34, %add3A_35 : i32
      "tpu.region"() ({
        %run_scoped3A = tpu.sem_alloc : memref<!tpu.dma_semaphore, #tpu.memory_space<semaphore_mem>>
        %dma_start3A = arith.constant 0 : i32
        %dma_start3A_458 = tpu.memref_slice %arg13[%add3A_36, %dma_start3A] : memref<13472x32xf32, #tpu.memory_space<vmem_shared>> -> memref<280x32xf32, #tpu.memory_space<vmem_shared>>
        %dma_start3A_459 = arith.constant 0 : i32
        %dma_start3A_460 = tpu.memref_slice %arg13[%add3A_36, %dma_start3A_459] : memref<13472x32xf32, #tpu.memory_space<vmem_shared>> -> memref<280x32xf32, #tpu.memory_space<vmem_shared>>
        tpu.enqueue_dma source(%arg10 : memref<280x32xf32, #tpu.memory_space<vmem>>) target(%dma_start3A_460 : memref<280x32xf32, #tpu.memory_space<vmem_shared>>) target_semaphore(%run_scoped3A : memref<!tpu.dma_semaphore, #tpu.memory_space<semaphore_mem>>)
        %dma_wait3A = arith.constant 0 : i32
        %dma_wait3A_461 = tpu.memref_slice %arg13[%add3A_36, %dma_wait3A] : memref<13472x32xf32, #tpu.memory_space<vmem_shared>> -> memref<280x32xf32, #tpu.memory_space<vmem_shared>>
        %dma_wait3A_462 = arith.constant 0 : i32
        %dma_wait3A_463 = tpu.memref_slice %arg13[%add3A_36, %dma_wait3A_462] : memref<13472x32xf32, #tpu.memory_space<vmem_shared>> -> memref<280x32xf32, #tpu.memory_space<vmem_shared>>
        tpu.wait_dma2 semaphore(%run_scoped3A : memref<!tpu.dma_semaphore, #tpu.memory_space<semaphore_mem>>) src(%arg10 : memref<280x32xf32, #tpu.memory_space<vmem>>) dst(%dma_wait3A_463 : memref<280x32xf32, #tpu.memory_space<vmem_shared>>)
        tpu.yield
      }) : () -> ()
      %mul3A_37 = arith.constant 840 : i32
      %mul3A_38 = arith.muli %arg1, %mul3A_37 : i32
      %add3A_39 = arith.addi %mul3A_10, %mul3A_38 : i32
      %add3A_40 = arith.constant 560 : i32
      %add3A_41 = arith.addi %add3A_39, %add3A_40 : i32
      "tpu.region"() ({
        %run_scoped3A = tpu.sem_alloc : memref<!tpu.dma_semaphore, #tpu.memory_space<semaphore_mem>>
        %dma_start3A = arith.constant 0 : i32
        %dma_start3A_458 = tpu.memref_slice %arg5[%add3A_41, %dma_start3A] : memref<322560x32xf32, #tpu.memory_space<hbm>> -> memref<280x32xf32, #tpu.memory_space<hbm>>
        %dma_start3A_459 = arith.constant 0 : i32
        %dma_start3A_460 = tpu.memref_slice %arg5[%add3A_41, %dma_start3A_459] : memref<322560x32xf32, #tpu.memory_space<hbm>> -> memref<280x32xf32, #tpu.memory_space<hbm>>
        tpu.enqueue_dma source(%dma_start3A_460 : memref<280x32xf32, #tpu.memory_space<hbm>>) target(%arg10 : memref<280x32xf32, #tpu.memory_space<vmem>>) target_semaphore(%run_scoped3A : memref<!tpu.dma_semaphore, #tpu.memory_space<semaphore_mem>>)
        %dma_wait3A = arith.constant 0 : i32
        %dma_wait3A_461 = tpu.memref_slice %arg5[%add3A_41, %dma_wait3A] : memref<322560x32xf32, #tpu.memory_space<hbm>> -> memref<280x32xf32, #tpu.memory_space<hbm>>
        %dma_wait3A_462 = arith.constant 0 : i32
        %dma_wait3A_463 = tpu.memref_slice %arg5[%add3A_41, %dma_wait3A_462] : memref<322560x32xf32, #tpu.memory_space<hbm>> -> memref<280x32xf32, #tpu.memory_space<hbm>>
        tpu.wait_dma2 semaphore(%run_scoped3A : memref<!tpu.dma_semaphore, #tpu.memory_space<semaphore_mem>>) src(%dma_wait3A_463 : memref<280x32xf32, #tpu.memory_space<hbm>>) dst(%arg10 : memref<280x32xf32, #tpu.memory_space<vmem>>)
        tpu.yield
      }) : () -> ()
      %mul3A_42 = arith.constant 840 : i32
      %mul3A_43 = arith.muli %arg1, %mul3A_42 : i32
      %add3A_44 = arith.constant 560 : i32
      %add3A_45 = arith.addi %mul3A_43, %add3A_44 : i32
      "tpu.region"() ({
        %run_scoped3A = tpu.sem_alloc : memref<!tpu.dma_semaphore, #tpu.memory_space<semaphore_mem>>
        %dma_start3A = arith.constant 0 : i32
        %dma_start3A_458 = tpu.memref_slice %arg13[%add3A_45, %dma_start3A] : memref<13472x32xf32, #tpu.memory_space<vmem_shared>> -> memref<280x32xf32, #tpu.memory_space<vmem_shared>>
        %dma_start3A_459 = arith.constant 0 : i32
        %dma_start3A_460 = tpu.memref_slice %arg13[%add3A_45, %dma_start3A_459] : memref<13472x32xf32, #tpu.memory_space<vmem_shared>> -> memref<280x32xf32, #tpu.memory_space<vmem_shared>>
        tpu.enqueue_dma source(%arg10 : memref<280x32xf32, #tpu.memory_space<vmem>>) target(%dma_start3A_460 : memref<280x32xf32, #tpu.memory_space<vmem_shared>>) target_semaphore(%run_scoped3A : memref<!tpu.dma_semaphore, #tpu.memory_space<semaphore_mem>>)
        %dma_wait3A = arith.constant 0 : i32
        %dma_wait3A_461 = tpu.memref_slice %arg13[%add3A_45, %dma_wait3A] : memref<13472x32xf32, #tpu.memory_space<vmem_shared>> -> memref<280x32xf32, #tpu.memory_space<vmem_shared>>
        %dma_wait3A_462 = arith.constant 0 : i32
        %dma_wait3A_463 = tpu.memref_slice %arg13[%add3A_45, %dma_wait3A_462] : memref<13472x32xf32, #tpu.memory_space<vmem_shared>> -> memref<280x32xf32, #tpu.memory_space<vmem_shared>>
        tpu.wait_dma2 semaphore(%run_scoped3A : memref<!tpu.dma_semaphore, #tpu.memory_space<semaphore_mem>>) src(%arg10 : memref<280x32xf32, #tpu.memory_space<vmem>>) dst(%dma_wait3A_463 : memref<280x32xf32, #tpu.memory_space<vmem_shared>>)
        tpu.yield
      }) : () -> ()
      %eq3A = arith.constant 0 : i32
      %eq3A_46 = arith.cmpi eq, %arg1, %eq3A : i32
      %convert_element_type3A = arith.extui %eq3A_46 : i1 to i32
      %cond3A = arith.constant 0 : i32
      %cond3A_47 = arith.cmpi ne, %convert_element_type3A, %cond3A : i32
      scf.if %cond3A_47 {
        "tpu.region"() ({
          %run_scoped3A = tpu.sem_alloc : memref<!tpu.dma_semaphore, #tpu.memory_space<semaphore_mem>>
          %dma_start3A = arith.constant 0 : i32
          %dma_start3A_458 = arith.constant 0 : i32
          %dma_start3A_459 = tpu.memref_slice %arg9[%dma_start3A, %dma_start3A_458] : memref<256x32xf32, #tpu.memory_space<vmem>> -> memref<32x32xf32, #tpu.memory_space<vmem>>
          %dma_start3A_460 = arith.constant 13440 : i32
          %dma_start3A_461 = arith.constant 0 : i32
          %dma_start3A_462 = tpu.memref_slice %arg13[%dma_start3A_460, %dma_start3A_461] : memref<13472x32xf32, #tpu.memory_space<vmem_shared>> -> memref<32x32xf32, #tpu.memory_space<vmem_shared>>
          %dma_start3A_463 = arith.constant 13440 : i32
          %dma_start3A_464 = arith.constant 0 : i32
          %dma_start3A_465 = tpu.memref_slice %arg13[%dma_start3A_463, %dma_start3A_464] : memref<13472x32xf32, #tpu.memory_space<vmem_shared>> -> memref<32x32xf32, #tpu.memory_space<vmem_shared>>
          %dma_start3A_466 = arith.constant 0 : i32
          %dma_start3A_467 = arith.constant 0 : i32
          %dma_start3A_468 = tpu.memref_slice %arg9[%dma_start3A_466, %dma_start3A_467] : memref<256x32xf32, #tpu.memory_space<vmem>> -> memref<32x32xf32, #tpu.memory_space<vmem>>
          tpu.enqueue_dma source(%dma_start3A_468 : memref<32x32xf32, #tpu.memory_space<vmem>>) target(%dma_start3A_465 : memref<32x32xf32, #tpu.memory_space<vmem_shared>>) target_semaphore(%run_scoped3A : memref<!tpu.dma_semaphore, #tpu.memory_space<semaphore_mem>>)
          %dma_wait3A = arith.constant 0 : i32
          %dma_wait3A_469 = arith.constant 0 : i32
          %dma_wait3A_470 = tpu.memref_slice %arg9[%dma_wait3A, %dma_wait3A_469] : memref<256x32xf32, #tpu.memory_space<vmem>> -> memref<32x32xf32, #tpu.memory_space<vmem>>
          %dma_wait3A_471 = arith.constant 13440 : i32
          %dma_wait3A_472 = arith.constant 0 : i32
          %dma_wait3A_473 = tpu.memref_slice %arg13[%dma_wait3A_471, %dma_wait3A_472] : memref<13472x32xf32, #tpu.memory_space<vmem_shared>> -> memref<32x32xf32, #tpu.memory_space<vmem_shared>>
          %dma_wait3A_474 = arith.constant 13440 : i32
          %dma_wait3A_475 = arith.constant 0 : i32
          %dma_wait3A_476 = tpu.memref_slice %arg13[%dma_wait3A_474, %dma_wait3A_475] : memref<13472x32xf32, #tpu.memory_space<vmem_shared>> -> memref<32x32xf32, #tpu.memory_space<vmem_shared>>
          %dma_wait3A_477 = arith.constant 0 : i32
          %dma_wait3A_478 = arith.constant 0 : i32
          %dma_wait3A_479 = tpu.memref_slice %arg9[%dma_wait3A_477, %dma_wait3A_478] : memref<256x32xf32, #tpu.memory_space<vmem>> -> memref<32x32xf32, #tpu.memory_space<vmem>>
          tpu.wait_dma2 semaphore(%run_scoped3A : memref<!tpu.dma_semaphore, #tpu.memory_space<semaphore_mem>>) src(%dma_wait3A_479 : memref<32x32xf32, #tpu.memory_space<vmem>>) dst(%dma_wait3A_476 : memref<32x32xf32, #tpu.memory_space<vmem_shared>>)
          tpu.yield
        }) : () -> ()
      } else {
      }
      %barrier3A_48 = arith.constant 0 : index
      tpu.barrier barrier_id(%barrier3A_48)
      %broadcast_in_dim3A_49 = arith.constant 0 : i32
      %broadcast_in_dim3A_50 = vector.broadcast %broadcast_in_dim3A_49 : i32 to vector<16xi32>
      %scan3A_51 = arith.constant 0 : i32
      %scan3A_52 = arith.constant 20 : i32
      %scan3A_53 = arith.addi %scan3A_51, %scan3A_52 : i32
      %scan3A_54 = arith.constant 1 : i32
      %scan3A_55 = scf.for %scan3A_458 = %scan3A_51 to %scan3A_53 step %scan3A_54 iter_args(%scan3A_459 = %broadcast_in_dim3A_50) -> (vector<16xi32>)  : i32 {
        %mul3A_460 = arith.constant 40000 : i32
        %mul3A_461 = arith.muli %arg1, %mul3A_460 : i32
        %mul3A_462 = arith.constant 2000 : i32
        %mul3A_463 = arith.muli %scan3A_458, %mul3A_462 : i32
        %add3A_464 = arith.addi %mul3A_461, %mul3A_463 : i32
        "tpu.region"() ({
          %run_scoped3A = tpu.sem_alloc : memref<!tpu.dma_semaphore, #tpu.memory_space<semaphore_mem>>
          %dma_start3A = tpu.memref_slice %arg3[%add3A_464] : memref<640000xi32, #tpu.memory_space<hbm>> -> memref<2000xi32, #tpu.memory_space<hbm>>
          %dma_start3A_468 = tpu.memref_slice %arg3[%add3A_464] : memref<640000xi32, #tpu.memory_space<hbm>> -> memref<2000xi32, #tpu.memory_space<hbm>>
          tpu.enqueue_dma source(%dma_start3A_468 : memref<2000xi32, #tpu.memory_space<hbm>>) target(%arg8 : memref<2000xi32, #tpu.memory_space<vmem>>) target_semaphore(%run_scoped3A : memref<!tpu.dma_semaphore, #tpu.memory_space<semaphore_mem>>)
          %dma_wait3A = tpu.memref_slice %arg3[%add3A_464] : memref<640000xi32, #tpu.memory_space<hbm>> -> memref<2000xi32, #tpu.memory_space<hbm>>
          %dma_wait3A_469 = tpu.memref_slice %arg3[%add3A_464] : memref<640000xi32, #tpu.memory_space<hbm>> -> memref<2000xi32, #tpu.memory_space<hbm>>
          tpu.wait_dma2 semaphore(%run_scoped3A : memref<!tpu.dma_semaphore, #tpu.memory_space<semaphore_mem>>) src(%dma_wait3A_469 : memref<2000xi32, #tpu.memory_space<hbm>>) dst(%arg8 : memref<2000xi32, #tpu.memory_space<vmem>>)
          tpu.yield
        }) : () -> ()
        "tpu.region"() ({
          %run_scoped3A = tpu.sem_alloc : memref<!tpu.dma_semaphore, #tpu.memory_space<semaphore_mem>>
          %dma_start3A = tpu.memref_slice %arg2[%add3A_464] : memref<640000xi32, #tpu.memory_space<hbm>> -> memref<2000xi32, #tpu.memory_space<hbm>>
          %dma_start3A_468 = tpu.memref_slice %arg2[%add3A_464] : memref<640000xi32, #tpu.memory_space<hbm>> -> memref<2000xi32, #tpu.memory_space<hbm>>
          tpu.enqueue_dma source(%dma_start3A_468 : memref<2000xi32, #tpu.memory_space<hbm>>) target(%arg7 : memref<2000xi32, #tpu.memory_space<vmem>>) target_semaphore(%run_scoped3A : memref<!tpu.dma_semaphore, #tpu.memory_space<semaphore_mem>>)
          %dma_wait3A = tpu.memref_slice %arg2[%add3A_464] : memref<640000xi32, #tpu.memory_space<hbm>> -> memref<2000xi32, #tpu.memory_space<hbm>>
          %dma_wait3A_469 = tpu.memref_slice %arg2[%add3A_464] : memref<640000xi32, #tpu.memory_space<hbm>> -> memref<2000xi32, #tpu.memory_space<hbm>>
          tpu.wait_dma2 semaphore(%run_scoped3A : memref<!tpu.dma_semaphore, #tpu.memory_space<semaphore_mem>>) src(%dma_wait3A_469 : memref<2000xi32, #tpu.memory_space<hbm>>) dst(%arg7 : memref<2000xi32, #tpu.memory_space<vmem>>)
          tpu.yield
        }) : () -> ()
        %parallel_loop3A = arith.constant 0 : i32
        %parallel_loop3A_465 = arith.constant 125 : i32
        %parallel_loop3A_466 = arith.constant 1 : i32
        %parallel_loop3A_467 = scf.for %parallel_loop3A_468 = %parallel_loop3A to %parallel_loop3A_465 step %parallel_loop3A_466 iter_args(%parallel_loop3A_469 = %scan3A_459) -> (vector<16xi32>)  : i32 {
          %parallel_loop3A_470 = arith.constant 16 : i32
          %parallel_loop3A_471 = arith.muli %parallel_loop3A_468, %parallel_loop3A_470 : i32
          %parallel_loop3A_472 = arith.index_cast %parallel_loop3A_471 : i32 to index
          %parallel_loop3A_473 = tpu.vector_load %arg8[%parallel_loop3A_472] {strides = array<i32>} : memref<2000xi32, #tpu.memory_space<vmem>>, vector<16xi32>,
          %parallel_loop3A_474 = arith.constant 16 : i32
          %parallel_loop3A_475 = arith.muli %parallel_loop3A_468, %parallel_loop3A_474 : i32
          %parallel_loop3A_476 = arith.index_cast %parallel_loop3A_475 : i32 to index
          %parallel_loop3A_477 = tpu.vector_load %arg7[%parallel_loop3A_476] {strides = array<i32>} : memref<2000xi32, #tpu.memory_space<vmem>>, vector<16xi32>,
          %parallel_loop3A_478 = vector.broadcast %mul3A_10 : i32 to vector<16xi32>
          %parallel_loop3A_479 = arith.subi %parallel_loop3A_473, %parallel_loop3A_478 : vector<16xi32>
          %parallel_loop3A_480 = arith.constant 0 : i32
          %parallel_loop3A_481 = vector.broadcast %parallel_loop3A_480 : i32 to vector<16xi32>
          %parallel_loop3A_482 = arith.cmpi sge, %parallel_loop3A_479, %parallel_loop3A_481 : vector<16xi32>
          %parallel_loop3A_483 = arith.constant 13440 : i32
          %parallel_loop3A_484 = vector.broadcast %parallel_loop3A_483 : i32 to vector<16xi32>
          %parallel_loop3A_485 = arith.cmpi slt, %parallel_loop3A_479, %parallel_loop3A_484 : vector<16xi32>
          %parallel_loop3A_486 = arith.andi %parallel_loop3A_482, %parallel_loop3A_485 : vector<16xi1>
          %parallel_loop3A_487 = arith.extui %parallel_loop3A_486 : vector<16xi1> to vector<16xi32>
          %parallel_loop3A_488 = arith.constant true
          %parallel_loop3A_489 = vector.broadcast %parallel_loop3A_488 : i1 to vector<16xi1>
          %parallel_loop3A_490 = tpu.scan <sum>, %parallel_loop3A_487 masked %parallel_loop3A_489 : vector<16xi32>, vector<16xi1> -> vector<16xi32>
          %parallel_loop3A_491 = arith.addi %parallel_loop3A_469, %parallel_loop3A_490 : vector<16xi32>
          %parallel_loop3A_492 = arith.constant 1 : i32
          %parallel_loop3A_493 = vector.broadcast %parallel_loop3A_492 : i32 to vector<16xi32>
          %parallel_loop3A_494 = arith.subi %parallel_loop3A_491, %parallel_loop3A_493 : vector<16xi32>
          %parallel_loop3A_495 = arith.constant 8 : i32
          %parallel_loop3A_496 = vector.broadcast %parallel_loop3A_495 : i32 to vector<16xi32>
          %parallel_loop3A_497 = arith.shrsi %parallel_loop3A_494, %parallel_loop3A_496 : vector<16xi32>
          %parallel_loop3A_498 = arith.constant 255 : i32
          %parallel_loop3A_499 = vector.broadcast %parallel_loop3A_498 : i32 to vector<16xi32>
          %parallel_loop3A_500 = arith.andi %parallel_loop3A_494, %parallel_loop3A_499 : vector<16xi32>
          tpu.vector_store_idx %arg11[%parallel_loop3A_497, %parallel_loop3A_500], %parallel_loop3A_477 masked %parallel_loop3A_486 : memref<159x256xi32, #tpu.memory_space<vmem>>[vector<16xi32>, vector<16xi32>], vector<16xi32>, vector<16xi1>
          tpu.vector_store_idx %arg12[%parallel_loop3A_497, %parallel_loop3A_500], %parallel_loop3A_479 masked %parallel_loop3A_486 : memref<159x256xi32, #tpu.memory_space<vmem>>[vector<16xi32>, vector<16xi32>], vector<16xi32>, vector<16xi1>
          %parallel_loop3A_501 = tpu.all_reduce %parallel_loop3A_486 {dim = 0 : i64, kind = #tpu.reduction_kind<sum>} : vector<16xi1> -> vector<16xi32>
          %parallel_loop3A_502 = arith.addi %parallel_loop3A_469, %parallel_loop3A_501 : vector<16xi32>
          scf.yield %parallel_loop3A_502 : vector<16xi32>
        } {sc.loop_unroll_factor = 8 : i64, sc.parallel_access}
        scf.yield %parallel_loop3A_467 : vector<16xi32>
      }
      %scan3A_56 = arith.constant 20 : i32
      %reduce_max3A = arith.constant true
      %reduce_max3A_57 = vector.broadcast %reduce_max3A : i1 to vector<16xi1>
      %reduce_max3A_58 = arith.constant -2147483648 : i32
      %reduce_max3A_59 = vector.broadcast %reduce_max3A_58 : i32 to vector<16xi32>
      %reduce_max3A_60 = arith.xori %scan3A_55, %reduce_max3A_59 : vector<16xi32>
      %reduce_max3A_61 = tpu.scan <max>, %reduce_max3A_60 masked %reduce_max3A_57 : vector<16xi32>, vector<16xi1> -> vector<16xi32>
      %reduce_max3A_62 = arith.xori %reduce_max3A_61, %reduce_max3A_59 : vector<16xi32>
      %reduce_max3A_63 = vector.extract %reduce_max3A_62[15] : i32 from vector<16xi32>
      %add3A_64 = arith.constant 0 : i32
      %add3A_65 = arith.addi %reduce_max3A_63, %add3A_64 : i32
      %add3A_66 = vector.broadcast %add3A_65 : i32 to vector<16xi32>
      %add3A_67 = arith.addi %add3A_66, %iota3A : vector<16xi32>
      %shift_right_arithmetic3A = arith.constant 8 : i32
      %shift_right_arithmetic3A_68 = vector.broadcast %shift_right_arithmetic3A : i32 to vector<16xi32>
      %shift_right_arithmetic3A_69 = arith.shrsi %add3A_67, %shift_right_arithmetic3A_68 : vector<16xi32>
      %and3A = arith.constant 255 : i32
      %and3A_70 = vector.broadcast %and3A : i32 to vector<16xi32>
      %and3A_71 = arith.andi %add3A_67, %and3A_70 : vector<16xi32>
      %mul3A_72 = arith.constant 97 : i32
      %mul3A_73 = vector.broadcast %mul3A_72 : i32 to vector<16xi32>
      %mul3A_74 = arith.muli %add3A_67, %mul3A_73 : vector<16xi32>
      %and3A_75 = arith.constant 16383 : i32
      %and3A_76 = vector.broadcast %and3A_75 : i32 to vector<16xi32>
      %and3A_77 = arith.andi %mul3A_74, %and3A_76 : vector<16xi32>
      tpu.vector_store_idx %arg11[%shift_right_arithmetic3A_69, %and3A_71], %and3A_77 : memref<159x256xi32, #tpu.memory_space<vmem>>[vector<16xi32>, vector<16xi32>], vector<16xi32>,
      %and3A_78 = arith.constant 31 : i32
      %and3A_79 = vector.broadcast %and3A_78 : i32 to vector<16xi32>
      %and3A_80 = arith.andi %add3A_67, %and3A_79 : vector<16xi32>
      %add3A_81 = arith.constant 13440 : i32
      %add3A_82 = vector.broadcast %add3A_81 : i32 to vector<16xi32>
      %add3A_83 = arith.addi %add3A_82, %and3A_80 : vector<16xi32>
      tpu.vector_store_idx %arg12[%shift_right_arithmetic3A_69, %and3A_71], %add3A_83 : memref<159x256xi32, #tpu.memory_space<vmem>>[vector<16xi32>, vector<16xi32>], vector<16xi32>,
      %add3A_84 = arith.constant 16 : i32
      %add3A_85 = arith.addi %reduce_max3A_63, %add3A_84 : i32
      %add3A_86 = vector.broadcast %add3A_85 : i32 to vector<16xi32>
      %add3A_87 = arith.addi %add3A_86, %iota3A : vector<16xi32>
      %shift_right_arithmetic3A_88 = arith.constant 8 : i32
      %shift_right_arithmetic3A_89 = vector.broadcast %shift_right_arithmetic3A_88 : i32 to vector<16xi32>
      %shift_right_arithmetic3A_90 = arith.shrsi %add3A_87, %shift_right_arithmetic3A_89 : vector<16xi32>
      %and3A_91 = arith.constant 255 : i32
      %and3A_92 = vector.broadcast %and3A_91 : i32 to vector<16xi32>
      %and3A_93 = arith.andi %add3A_87, %and3A_92 : vector<16xi32>
      %mul3A_94 = arith.constant 97 : i32
      %mul3A_95 = vector.broadcast %mul3A_94 : i32 to vector<16xi32>
      %mul3A_96 = arith.muli %add3A_87, %mul3A_95 : vector<16xi32>
      %and3A_97 = arith.constant 16383 : i32
      %and3A_98 = vector.broadcast %and3A_97 : i32 to vector<16xi32>
      %and3A_99 = arith.andi %mul3A_96, %and3A_98 : vector<16xi32>
      tpu.vector_store_idx %arg11[%shift_right_arithmetic3A_90, %and3A_93], %and3A_99 : memref<159x256xi32, #tpu.memory_space<vmem>>[vector<16xi32>, vector<16xi32>], vector<16xi32>,
      %and3A_100 = arith.constant 31 : i32
      %and3A_101 = vector.broadcast %and3A_100 : i32 to vector<16xi32>
      %and3A_102 = arith.andi %add3A_87, %and3A_101 : vector<16xi32>
      %add3A_103 = arith.constant 13440 : i32
      %add3A_104 = vector.broadcast %add3A_103 : i32 to vector<16xi32>
      %add3A_105 = arith.addi %add3A_104, %and3A_102 : vector<16xi32>
      tpu.vector_store_idx %arg12[%shift_right_arithmetic3A_90, %and3A_93], %add3A_105 : memref<159x256xi32, #tpu.memory_space<vmem>>[vector<16xi32>, vector<16xi32>], vector<16xi32>,
      %add3A_106 = arith.constant 32 : i32
      %add3A_107 = arith.addi %reduce_max3A_63, %add3A_106 : i32
      %add3A_108 = vector.broadcast %add3A_107 : i32 to vector<16xi32>
      %add3A_109 = arith.addi %add3A_108, %iota3A : vector<16xi32>
      %shift_right_arithmetic3A_110 = arith.constant 8 : i32
      %shift_right_arithmetic3A_111 = vector.broadcast %shift_right_arithmetic3A_110 : i32 to vector<16xi32>
      %shift_right_arithmetic3A_112 = arith.shrsi %add3A_109, %shift_right_arithmetic3A_111 : vector<16xi32>
      %and3A_113 = arith.constant 255 : i32
      %and3A_114 = vector.broadcast %and3A_113 : i32 to vector<16xi32>
      %and3A_115 = arith.andi %add3A_109, %and3A_114 : vector<16xi32>
      %mul3A_116 = arith.constant 97 : i32
      %mul3A_117 = vector.broadcast %mul3A_116 : i32 to vector<16xi32>
      %mul3A_118 = arith.muli %add3A_109, %mul3A_117 : vector<16xi32>
      %and3A_119 = arith.constant 16383 : i32
      %and3A_120 = vector.broadcast %and3A_119 : i32 to vector<16xi32>
      %and3A_121 = arith.andi %mul3A_118, %and3A_120 : vector<16xi32>
      tpu.vector_store_idx %arg11[%shift_right_arithmetic3A_112, %and3A_115], %and3A_121 : memref<159x256xi32, #tpu.memory_space<vmem>>[vector<16xi32>, vector<16xi32>], vector<16xi32>,
      %and3A_122 = arith.constant 31 : i32
      %and3A_123 = vector.broadcast %and3A_122 : i32 to vector<16xi32>
      %and3A_124 = arith.andi %add3A_109, %and3A_123 : vector<16xi32>
      %add3A_125 = arith.constant 13440 : i32
      %add3A_126 = vector.broadcast %add3A_125 : i32 to vector<16xi32>
      %add3A_127 = arith.addi %add3A_126, %and3A_124 : vector<16xi32>
      tpu.vector_store_idx %arg12[%shift_right_arithmetic3A_112, %and3A_115], %add3A_127 : memref<159x256xi32, #tpu.memory_space<vmem>>[vector<16xi32>, vector<16xi32>], vector<16xi32>,
      %add3A_128 = arith.constant 48 : i32
      %add3A_129 = arith.addi %reduce_max3A_63, %add3A_128 : i32
      %add3A_130 = vector.broadcast %add3A_129 : i32 to vector<16xi32>
      %add3A_131 = arith.addi %add3A_130, %iota3A : vector<16xi32>
      %shift_right_arithmetic3A_132 = arith.constant 8 : i32
      %shift_right_arithmetic3A_133 = vector.broadcast %shift_right_arithmetic3A_132 : i32 to vector<16xi32>
      %shift_right_arithmetic3A_134 = arith.shrsi %add3A_131, %shift_right_arithmetic3A_133 : vector<16xi32>
      %and3A_135 = arith.constant 255 : i32
      %and3A_136 = vector.broadcast %and3A_135 : i32 to vector<16xi32>
      %and3A_137 = arith.andi %add3A_131, %and3A_136 : vector<16xi32>
      %mul3A_138 = arith.constant 97 : i32
      %mul3A_139 = vector.broadcast %mul3A_138 : i32 to vector<16xi32>
      %mul3A_140 = arith.muli %add3A_131, %mul3A_139 : vector<16xi32>
      %and3A_141 = arith.constant 16383 : i32
      %and3A_142 = vector.broadcast %and3A_141 : i32 to vector<16xi32>
      %and3A_143 = arith.andi %mul3A_140, %and3A_142 : vector<16xi32>
      tpu.vector_store_idx %arg11[%shift_right_arithmetic3A_134, %and3A_137], %and3A_143 : memref<159x256xi32, #tpu.memory_space<vmem>>[vector<16xi32>, vector<16xi32>], vector<16xi32>,
      %and3A_144 = arith.constant 31 : i32
      %and3A_145 = vector.broadcast %and3A_144 : i32 to vector<16xi32>
      %and3A_146 = arith.andi %add3A_131, %and3A_145 : vector<16xi32>
      %add3A_147 = arith.constant 13440 : i32
      %add3A_148 = vector.broadcast %add3A_147 : i32 to vector<16xi32>
      %add3A_149 = arith.addi %add3A_148, %and3A_146 : vector<16xi32>
      tpu.vector_store_idx %arg12[%shift_right_arithmetic3A_134, %and3A_137], %add3A_149 : memref<159x256xi32, #tpu.memory_space<vmem>>[vector<16xi32>, vector<16xi32>], vector<16xi32>,
      %add3A_150 = arith.constant 64 : i32
      %add3A_151 = arith.addi %reduce_max3A_63, %add3A_150 : i32
      %add3A_152 = vector.broadcast %add3A_151 : i32 to vector<16xi32>
      %add3A_153 = arith.addi %add3A_152, %iota3A : vector<16xi32>
      %shift_right_arithmetic3A_154 = arith.constant 8 : i32
      %shift_right_arithmetic3A_155 = vector.broadcast %shift_right_arithmetic3A_154 : i32 to vector<16xi32>
      %shift_right_arithmetic3A_156 = arith.shrsi %add3A_153, %shift_right_arithmetic3A_155 : vector<16xi32>
      %and3A_157 = arith.constant 255 : i32
      %and3A_158 = vector.broadcast %and3A_157 : i32 to vector<16xi32>
      %and3A_159 = arith.andi %add3A_153, %and3A_158 : vector<16xi32>
      %mul3A_160 = arith.constant 97 : i32
      %mul3A_161 = vector.broadcast %mul3A_160 : i32 to vector<16xi32>
      %mul3A_162 = arith.muli %add3A_153, %mul3A_161 : vector<16xi32>
      %and3A_163 = arith.constant 16383 : i32
      %and3A_164 = vector.broadcast %and3A_163 : i32 to vector<16xi32>
      %and3A_165 = arith.andi %mul3A_162, %and3A_164 : vector<16xi32>
      tpu.vector_store_idx %arg11[%shift_right_arithmetic3A_156, %and3A_159], %and3A_165 : memref<159x256xi32, #tpu.memory_space<vmem>>[vector<16xi32>, vector<16xi32>], vector<16xi32>,
      %and3A_166 = arith.constant 31 : i32
      %and3A_167 = vector.broadcast %and3A_166 : i32 to vector<16xi32>
      %and3A_168 = arith.andi %add3A_153, %and3A_167 : vector<16xi32>
      %add3A_169 = arith.constant 13440 : i32
      %add3A_170 = vector.broadcast %add3A_169 : i32 to vector<16xi32>
      %add3A_171 = arith.addi %add3A_170, %and3A_168 : vector<16xi32>
      tpu.vector_store_idx %arg12[%shift_right_arithmetic3A_156, %and3A_159], %add3A_171 : memref<159x256xi32, #tpu.memory_space<vmem>>[vector<16xi32>, vector<16xi32>], vector<16xi32>,
      %add3A_172 = arith.constant 80 : i32
      %add3A_173 = arith.addi %reduce_max3A_63, %add3A_172 : i32
      %add3A_174 = vector.broadcast %add3A_173 : i32 to vector<16xi32>
      %add3A_175 = arith.addi %add3A_174, %iota3A : vector<16xi32>
      %shift_right_arithmetic3A_176 = arith.constant 8 : i32
      %shift_right_arithmetic3A_177 = vector.broadcast %shift_right_arithmetic3A_176 : i32 to vector<16xi32>
      %shift_right_arithmetic3A_178 = arith.shrsi %add3A_175, %shift_right_arithmetic3A_177 : vector<16xi32>
      %and3A_179 = arith.constant 255 : i32
      %and3A_180 = vector.broadcast %and3A_179 : i32 to vector<16xi32>
      %and3A_181 = arith.andi %add3A_175, %and3A_180 : vector<16xi32>
      %mul3A_182 = arith.constant 97 : i32
      %mul3A_183 = vector.broadcast %mul3A_182 : i32 to vector<16xi32>
      %mul3A_184 = arith.muli %add3A_175, %mul3A_183 : vector<16xi32>
      %and3A_185 = arith.constant 16383 : i32
      %and3A_186 = vector.broadcast %and3A_185 : i32 to vector<16xi32>
      %and3A_187 = arith.andi %mul3A_184, %and3A_186 : vector<16xi32>
      tpu.vector_store_idx %arg11[%shift_right_arithmetic3A_178, %and3A_181], %and3A_187 : memref<159x256xi32, #tpu.memory_space<vmem>>[vector<16xi32>, vector<16xi32>], vector<16xi32>,
      %and3A_188 = arith.constant 31 : i32
      %and3A_189 = vector.broadcast %and3A_188 : i32 to vector<16xi32>
      %and3A_190 = arith.andi %add3A_175, %and3A_189 : vector<16xi32>
      %add3A_191 = arith.constant 13440 : i32
      %add3A_192 = vector.broadcast %add3A_191 : i32 to vector<16xi32>
      %add3A_193 = arith.addi %add3A_192, %and3A_190 : vector<16xi32>
      tpu.vector_store_idx %arg12[%shift_right_arithmetic3A_178, %and3A_181], %add3A_193 : memref<159x256xi32, #tpu.memory_space<vmem>>[vector<16xi32>, vector<16xi32>], vector<16xi32>,
      %add3A_194 = arith.constant 96 : i32
      %add3A_195 = arith.addi %reduce_max3A_63, %add3A_194 : i32
      %add3A_196 = vector.broadcast %add3A_195 : i32 to vector<16xi32>
      %add3A_197 = arith.addi %add3A_196, %iota3A : vector<16xi32>
      %shift_right_arithmetic3A_198 = arith.constant 8 : i32
      %shift_right_arithmetic3A_199 = vector.broadcast %shift_right_arithmetic3A_198 : i32 to vector<16xi32>
      %shift_right_arithmetic3A_200 = arith.shrsi %add3A_197, %shift_right_arithmetic3A_199 : vector<16xi32>
      %and3A_201 = arith.constant 255 : i32
      %and3A_202 = vector.broadcast %and3A_201 : i32 to vector<16xi32>
      %and3A_203 = arith.andi %add3A_197, %and3A_202 : vector<16xi32>
      %mul3A_204 = arith.constant 97 : i32
      %mul3A_205 = vector.broadcast %mul3A_204 : i32 to vector<16xi32>
      %mul3A_206 = arith.muli %add3A_197, %mul3A_205 : vector<16xi32>
      %and3A_207 = arith.constant 16383 : i32
      %and3A_208 = vector.broadcast %and3A_207 : i32 to vector<16xi32>
      %and3A_209 = arith.andi %mul3A_206, %and3A_208 : vector<16xi32>
      tpu.vector_store_idx %arg11[%shift_right_arithmetic3A_200, %and3A_203], %and3A_209 : memref<159x256xi32, #tpu.memory_space<vmem>>[vector<16xi32>, vector<16xi32>], vector<16xi32>,
      %and3A_210 = arith.constant 31 : i32
      %and3A_211 = vector.broadcast %and3A_210 : i32 to vector<16xi32>
      %and3A_212 = arith.andi %add3A_197, %and3A_211 : vector<16xi32>
      %add3A_213 = arith.constant 13440 : i32
      %add3A_214 = vector.broadcast %add3A_213 : i32 to vector<16xi32>
      %add3A_215 = arith.addi %add3A_214, %and3A_212 : vector<16xi32>
      tpu.vector_store_idx %arg12[%shift_right_arithmetic3A_200, %and3A_203], %add3A_215 : memref<159x256xi32, #tpu.memory_space<vmem>>[vector<16xi32>, vector<16xi32>], vector<16xi32>,
      %add3A_216 = arith.constant 112 : i32
      %add3A_217 = arith.addi %reduce_max3A_63, %add3A_216 : i32
      %add3A_218 = vector.broadcast %add3A_217 : i32 to vector<16xi32>
      %add3A_219 = arith.addi %add3A_218, %iota3A : vector<16xi32>
      %shift_right_arithmetic3A_220 = arith.constant 8 : i32
      %shift_right_arithmetic3A_221 = vector.broadcast %shift_right_arithmetic3A_220 : i32 to vector<16xi32>
      %shift_right_arithmetic3A_222 = arith.shrsi %add3A_219, %shift_right_arithmetic3A_221 : vector<16xi32>
      %and3A_223 = arith.constant 255 : i32
      %and3A_224 = vector.broadcast %and3A_223 : i32 to vector<16xi32>
      %and3A_225 = arith.andi %add3A_219, %and3A_224 : vector<16xi32>
      %mul3A_226 = arith.constant 97 : i32
      %mul3A_227 = vector.broadcast %mul3A_226 : i32 to vector<16xi32>
      %mul3A_228 = arith.muli %add3A_219, %mul3A_227 : vector<16xi32>
      %and3A_229 = arith.constant 16383 : i32
      %and3A_230 = vector.broadcast %and3A_229 : i32 to vector<16xi32>
      %and3A_231 = arith.andi %mul3A_228, %and3A_230 : vector<16xi32>
      tpu.vector_store_idx %arg11[%shift_right_arithmetic3A_222, %and3A_225], %and3A_231 : memref<159x256xi32, #tpu.memory_space<vmem>>[vector<16xi32>, vector<16xi32>], vector<16xi32>,
      %and3A_232 = arith.constant 31 : i32
      %and3A_233 = vector.broadcast %and3A_232 : i32 to vector<16xi32>
      %and3A_234 = arith.andi %add3A_219, %and3A_233 : vector<16xi32>
      %add3A_235 = arith.constant 13440 : i32
      %add3A_236 = vector.broadcast %add3A_235 : i32 to vector<16xi32>
      %add3A_237 = arith.addi %add3A_236, %and3A_234 : vector<16xi32>
      tpu.vector_store_idx %arg12[%shift_right_arithmetic3A_222, %and3A_225], %add3A_237 : memref<159x256xi32, #tpu.memory_space<vmem>>[vector<16xi32>, vector<16xi32>], vector<16xi32>,
      %add3A_238 = arith.constant 128 : i32
      %add3A_239 = arith.addi %reduce_max3A_63, %add3A_238 : i32
      %add3A_240 = vector.broadcast %add3A_239 : i32 to vector<16xi32>
      %add3A_241 = arith.addi %add3A_240, %iota3A : vector<16xi32>
      %shift_right_arithmetic3A_242 = arith.constant 8 : i32
      %shift_right_arithmetic3A_243 = vector.broadcast %shift_right_arithmetic3A_242 : i32 to vector<16xi32>
      %shift_right_arithmetic3A_244 = arith.shrsi %add3A_241, %shift_right_arithmetic3A_243 : vector<16xi32>
      %and3A_245 = arith.constant 255 : i32
      %and3A_246 = vector.broadcast %and3A_245 : i32 to vector<16xi32>
      %and3A_247 = arith.andi %add3A_241, %and3A_246 : vector<16xi32>
      %mul3A_248 = arith.constant 97 : i32
      %mul3A_249 = vector.broadcast %mul3A_248 : i32 to vector<16xi32>
      %mul3A_250 = arith.muli %add3A_241, %mul3A_249 : vector<16xi32>
      %and3A_251 = arith.constant 16383 : i32
      %and3A_252 = vector.broadcast %and3A_251 : i32 to vector<16xi32>
      %and3A_253 = arith.andi %mul3A_250, %and3A_252 : vector<16xi32>
      tpu.vector_store_idx %arg11[%shift_right_arithmetic3A_244, %and3A_247], %and3A_253 : memref<159x256xi32, #tpu.memory_space<vmem>>[vector<16xi32>, vector<16xi32>], vector<16xi32>,
      %and3A_254 = arith.constant 31 : i32
      %and3A_255 = vector.broadcast %and3A_254 : i32 to vector<16xi32>
      %and3A_256 = arith.andi %add3A_241, %and3A_255 : vector<16xi32>
      %add3A_257 = arith.constant 13440 : i32
      %add3A_258 = vector.broadcast %add3A_257 : i32 to vector<16xi32>
      %add3A_259 = arith.addi %add3A_258, %and3A_256 : vector<16xi32>
      tpu.vector_store_idx %arg12[%shift_right_arithmetic3A_244, %and3A_247], %add3A_259 : memref<159x256xi32, #tpu.memory_space<vmem>>[vector<16xi32>, vector<16xi32>], vector<16xi32>,
      %add3A_260 = arith.constant 144 : i32
      %add3A_261 = arith.addi %reduce_max3A_63, %add3A_260 : i32
      %add3A_262 = vector.broadcast %add3A_261 : i32 to vector<16xi32>
      %add3A_263 = arith.addi %add3A_262, %iota3A : vector<16xi32>
      %shift_right_arithmetic3A_264 = arith.constant 8 : i32
      %shift_right_arithmetic3A_265 = vector.broadcast %shift_right_arithmetic3A_264 : i32 to vector<16xi32>
      %shift_right_arithmetic3A_266 = arith.shrsi %add3A_263, %shift_right_arithmetic3A_265 : vector<16xi32>
      %and3A_267 = arith.constant 255 : i32
      %and3A_268 = vector.broadcast %and3A_267 : i32 to vector<16xi32>
      %and3A_269 = arith.andi %add3A_263, %and3A_268 : vector<16xi32>
      %mul3A_270 = arith.constant 97 : i32
      %mul3A_271 = vector.broadcast %mul3A_270 : i32 to vector<16xi32>
      %mul3A_272 = arith.muli %add3A_263, %mul3A_271 : vector<16xi32>
      %and3A_273 = arith.constant 16383 : i32
      %and3A_274 = vector.broadcast %and3A_273 : i32 to vector<16xi32>
      %and3A_275 = arith.andi %mul3A_272, %and3A_274 : vector<16xi32>
      tpu.vector_store_idx %arg11[%shift_right_arithmetic3A_266, %and3A_269], %and3A_275 : memref<159x256xi32, #tpu.memory_space<vmem>>[vector<16xi32>, vector<16xi32>], vector<16xi32>,
      %and3A_276 = arith.constant 31 : i32
      %and3A_277 = vector.broadcast %and3A_276 : i32 to vector<16xi32>
      %and3A_278 = arith.andi %add3A_263, %and3A_277 : vector<16xi32>
      %add3A_279 = arith.constant 13440 : i32
      %add3A_280 = vector.broadcast %add3A_279 : i32 to vector<16xi32>
      %add3A_281 = arith.addi %add3A_280, %and3A_278 : vector<16xi32>
      tpu.vector_store_idx %arg12[%shift_right_arithmetic3A_266, %and3A_269], %add3A_281 : memref<159x256xi32, #tpu.memory_space<vmem>>[vector<16xi32>, vector<16xi32>], vector<16xi32>,
      %add3A_282 = arith.constant 160 : i32
      %add3A_283 = arith.addi %reduce_max3A_63, %add3A_282 : i32
      %add3A_284 = vector.broadcast %add3A_283 : i32 to vector<16xi32>
      %add3A_285 = arith.addi %add3A_284, %iota3A : vector<16xi32>
      %shift_right_arithmetic3A_286 = arith.constant 8 : i32
      %shift_right_arithmetic3A_287 = vector.broadcast %shift_right_arithmetic3A_286 : i32 to vector<16xi32>
      %shift_right_arithmetic3A_288 = arith.shrsi %add3A_285, %shift_right_arithmetic3A_287 : vector<16xi32>
      %and3A_289 = arith.constant 255 : i32
      %and3A_290 = vector.broadcast %and3A_289 : i32 to vector<16xi32>
      %and3A_291 = arith.andi %add3A_285, %and3A_290 : vector<16xi32>
      %mul3A_292 = arith.constant 97 : i32
      %mul3A_293 = vector.broadcast %mul3A_292 : i32 to vector<16xi32>
      %mul3A_294 = arith.muli %add3A_285, %mul3A_293 : vector<16xi32>
      %and3A_295 = arith.constant 16383 : i32
      %and3A_296 = vector.broadcast %and3A_295 : i32 to vector<16xi32>
      %and3A_297 = arith.andi %mul3A_294, %and3A_296 : vector<16xi32>
      tpu.vector_store_idx %arg11[%shift_right_arithmetic3A_288, %and3A_291], %and3A_297 : memref<159x256xi32, #tpu.memory_space<vmem>>[vector<16xi32>, vector<16xi32>], vector<16xi32>,
      %and3A_298 = arith.constant 31 : i32
      %and3A_299 = vector.broadcast %and3A_298 : i32 to vector<16xi32>
      %and3A_300 = arith.andi %add3A_285, %and3A_299 : vector<16xi32>
      %add3A_301 = arith.constant 13440 : i32
      %add3A_302 = vector.broadcast %add3A_301 : i32 to vector<16xi32>
      %add3A_303 = arith.addi %add3A_302, %and3A_300 : vector<16xi32>
      tpu.vector_store_idx %arg12[%shift_right_arithmetic3A_288, %and3A_291], %add3A_303 : memref<159x256xi32, #tpu.memory_space<vmem>>[vector<16xi32>, vector<16xi32>], vector<16xi32>,
      %add3A_304 = arith.constant 176 : i32
      %add3A_305 = arith.addi %reduce_max3A_63, %add3A_304 : i32
      %add3A_306 = vector.broadcast %add3A_305 : i32 to vector<16xi32>
      %add3A_307 = arith.addi %add3A_306, %iota3A : vector<16xi32>
      %shift_right_arithmetic3A_308 = arith.constant 8 : i32
      %shift_right_arithmetic3A_309 = vector.broadcast %shift_right_arithmetic3A_308 : i32 to vector<16xi32>
      %shift_right_arithmetic3A_310 = arith.shrsi %add3A_307, %shift_right_arithmetic3A_309 : vector<16xi32>
      %and3A_311 = arith.constant 255 : i32
      %and3A_312 = vector.broadcast %and3A_311 : i32 to vector<16xi32>
      %and3A_313 = arith.andi %add3A_307, %and3A_312 : vector<16xi32>
      %mul3A_314 = arith.constant 97 : i32
      %mul3A_315 = vector.broadcast %mul3A_314 : i32 to vector<16xi32>
      %mul3A_316 = arith.muli %add3A_307, %mul3A_315 : vector<16xi32>
      %and3A_317 = arith.constant 16383 : i32
      %and3A_318 = vector.broadcast %and3A_317 : i32 to vector<16xi32>
      %and3A_319 = arith.andi %mul3A_316, %and3A_318 : vector<16xi32>
      tpu.vector_store_idx %arg11[%shift_right_arithmetic3A_310, %and3A_313], %and3A_319 : memref<159x256xi32, #tpu.memory_space<vmem>>[vector<16xi32>, vector<16xi32>], vector<16xi32>,
      %and3A_320 = arith.constant 31 : i32
      %and3A_321 = vector.broadcast %and3A_320 : i32 to vector<16xi32>
      %and3A_322 = arith.andi %add3A_307, %and3A_321 : vector<16xi32>
      %add3A_323 = arith.constant 13440 : i32
      %add3A_324 = vector.broadcast %add3A_323 : i32 to vector<16xi32>
      %add3A_325 = arith.addi %add3A_324, %and3A_322 : vector<16xi32>
      tpu.vector_store_idx %arg12[%shift_right_arithmetic3A_310, %and3A_313], %add3A_325 : memref<159x256xi32, #tpu.memory_space<vmem>>[vector<16xi32>, vector<16xi32>], vector<16xi32>,
      %add3A_326 = arith.constant 192 : i32
      %add3A_327 = arith.addi %reduce_max3A_63, %add3A_326 : i32
      %add3A_328 = vector.broadcast %add3A_327 : i32 to vector<16xi32>
      %add3A_329 = arith.addi %add3A_328, %iota3A : vector<16xi32>
      %shift_right_arithmetic3A_330 = arith.constant 8 : i32
      %shift_right_arithmetic3A_331 = vector.broadcast %shift_right_arithmetic3A_330 : i32 to vector<16xi32>
      %shift_right_arithmetic3A_332 = arith.shrsi %add3A_329, %shift_right_arithmetic3A_331 : vector<16xi32>
      %and3A_333 = arith.constant 255 : i32
      %and3A_334 = vector.broadcast %and3A_333 : i32 to vector<16xi32>
      %and3A_335 = arith.andi %add3A_329, %and3A_334 : vector<16xi32>
      %mul3A_336 = arith.constant 97 : i32
      %mul3A_337 = vector.broadcast %mul3A_336 : i32 to vector<16xi32>
      %mul3A_338 = arith.muli %add3A_329, %mul3A_337 : vector<16xi32>
      %and3A_339 = arith.constant 16383 : i32
      %and3A_340 = vector.broadcast %and3A_339 : i32 to vector<16xi32>
      %and3A_341 = arith.andi %mul3A_338, %and3A_340 : vector<16xi32>
      tpu.vector_store_idx %arg11[%shift_right_arithmetic3A_332, %and3A_335], %and3A_341 : memref<159x256xi32, #tpu.memory_space<vmem>>[vector<16xi32>, vector<16xi32>], vector<16xi32>,
      %and3A_342 = arith.constant 31 : i32
      %and3A_343 = vector.broadcast %and3A_342 : i32 to vector<16xi32>
      %and3A_344 = arith.andi %add3A_329, %and3A_343 : vector<16xi32>
      %add3A_345 = arith.constant 13440 : i32
      %add3A_346 = vector.broadcast %add3A_345 : i32 to vector<16xi32>
      %add3A_347 = arith.addi %add3A_346, %and3A_344 : vector<16xi32>
      tpu.vector_store_idx %arg12[%shift_right_arithmetic3A_332, %and3A_335], %add3A_347 : memref<159x256xi32, #tpu.memory_space<vmem>>[vector<16xi32>, vector<16xi32>], vector<16xi32>,
      %add3A_348 = arith.constant 208 : i32
      %add3A_349 = arith.addi %reduce_max3A_63, %add3A_348 : i32
      %add3A_350 = vector.broadcast %add3A_349 : i32 to vector<16xi32>
      %add3A_351 = arith.addi %add3A_350, %iota3A : vector<16xi32>
      %shift_right_arithmetic3A_352 = arith.constant 8 : i32
      %shift_right_arithmetic3A_353 = vector.broadcast %shift_right_arithmetic3A_352 : i32 to vector<16xi32>
      %shift_right_arithmetic3A_354 = arith.shrsi %add3A_351, %shift_right_arithmetic3A_353 : vector<16xi32>
      %and3A_355 = arith.constant 255 : i32
      %and3A_356 = vector.broadcast %and3A_355 : i32 to vector<16xi32>
      %and3A_357 = arith.andi %add3A_351, %and3A_356 : vector<16xi32>
      %mul3A_358 = arith.constant 97 : i32
      %mul3A_359 = vector.broadcast %mul3A_358 : i32 to vector<16xi32>
      %mul3A_360 = arith.muli %add3A_351, %mul3A_359 : vector<16xi32>
      %and3A_361 = arith.constant 16383 : i32
      %and3A_362 = vector.broadcast %and3A_361 : i32 to vector<16xi32>
      %and3A_363 = arith.andi %mul3A_360, %and3A_362 : vector<16xi32>
      tpu.vector_store_idx %arg11[%shift_right_arithmetic3A_354, %and3A_357], %and3A_363 : memref<159x256xi32, #tpu.memory_space<vmem>>[vector<16xi32>, vector<16xi32>], vector<16xi32>,
      %and3A_364 = arith.constant 31 : i32
      %and3A_365 = vector.broadcast %and3A_364 : i32 to vector<16xi32>
      %and3A_366 = arith.andi %add3A_351, %and3A_365 : vector<16xi32>
      %add3A_367 = arith.constant 13440 : i32
      %add3A_368 = vector.broadcast %add3A_367 : i32 to vector<16xi32>
      %add3A_369 = arith.addi %add3A_368, %and3A_366 : vector<16xi32>
      tpu.vector_store_idx %arg12[%shift_right_arithmetic3A_354, %and3A_357], %add3A_369 : memref<159x256xi32, #tpu.memory_space<vmem>>[vector<16xi32>, vector<16xi32>], vector<16xi32>,
      %add3A_370 = arith.constant 224 : i32
      %add3A_371 = arith.addi %reduce_max3A_63, %add3A_370 : i32
      %add3A_372 = vector.broadcast %add3A_371 : i32 to vector<16xi32>
      %add3A_373 = arith.addi %add3A_372, %iota3A : vector<16xi32>
      %shift_right_arithmetic3A_374 = arith.constant 8 : i32
      %shift_right_arithmetic3A_375 = vector.broadcast %shift_right_arithmetic3A_374 : i32 to vector<16xi32>
      %shift_right_arithmetic3A_376 = arith.shrsi %add3A_373, %shift_right_arithmetic3A_375 : vector<16xi32>
      %and3A_377 = arith.constant 255 : i32
      %and3A_378 = vector.broadcast %and3A_377 : i32 to vector<16xi32>
      %and3A_379 = arith.andi %add3A_373, %and3A_378 : vector<16xi32>
      %mul3A_380 = arith.constant 97 : i32
      %mul3A_381 = vector.broadcast %mul3A_380 : i32 to vector<16xi32>
      %mul3A_382 = arith.muli %add3A_373, %mul3A_381 : vector<16xi32>
      %and3A_383 = arith.constant 16383 : i32
      %and3A_384 = vector.broadcast %and3A_383 : i32 to vector<16xi32>
      %and3A_385 = arith.andi %mul3A_382, %and3A_384 : vector<16xi32>
      tpu.vector_store_idx %arg11[%shift_right_arithmetic3A_376, %and3A_379], %and3A_385 : memref<159x256xi32, #tpu.memory_space<vmem>>[vector<16xi32>, vector<16xi32>], vector<16xi32>,
      %and3A_386 = arith.constant 31 : i32
      %and3A_387 = vector.broadcast %and3A_386 : i32 to vector<16xi32>
      %and3A_388 = arith.andi %add3A_373, %and3A_387 : vector<16xi32>
      %add3A_389 = arith.constant 13440 : i32
      %add3A_390 = vector.broadcast %add3A_389 : i32 to vector<16xi32>
      %add3A_391 = arith.addi %add3A_390, %and3A_388 : vector<16xi32>
      tpu.vector_store_idx %arg12[%shift_right_arithmetic3A_376, %and3A_379], %add3A_391 : memref<159x256xi32, #tpu.memory_space<vmem>>[vector<16xi32>, vector<16xi32>], vector<16xi32>,
      %add3A_392 = arith.constant 240 : i32
      %add3A_393 = arith.addi %reduce_max3A_63, %add3A_392 : i32
      %add3A_394 = vector.broadcast %add3A_393 : i32 to vector<16xi32>
      %add3A_395 = arith.addi %add3A_394, %iota3A : vector<16xi32>
      %shift_right_arithmetic3A_396 = arith.constant 8 : i32
      %shift_right_arithmetic3A_397 = vector.broadcast %shift_right_arithmetic3A_396 : i32 to vector<16xi32>
      %shift_right_arithmetic3A_398 = arith.shrsi %add3A_395, %shift_right_arithmetic3A_397 : vector<16xi32>
      %and3A_399 = arith.constant 255 : i32
      %and3A_400 = vector.broadcast %and3A_399 : i32 to vector<16xi32>
      %and3A_401 = arith.andi %add3A_395, %and3A_400 : vector<16xi32>
      %mul3A_402 = arith.constant 97 : i32
      %mul3A_403 = vector.broadcast %mul3A_402 : i32 to vector<16xi32>
      %mul3A_404 = arith.muli %add3A_395, %mul3A_403 : vector<16xi32>
      %and3A_405 = arith.constant 16383 : i32
      %and3A_406 = vector.broadcast %and3A_405 : i32 to vector<16xi32>
      %and3A_407 = arith.andi %mul3A_404, %and3A_406 : vector<16xi32>
      tpu.vector_store_idx %arg11[%shift_right_arithmetic3A_398, %and3A_401], %and3A_407 : memref<159x256xi32, #tpu.memory_space<vmem>>[vector<16xi32>, vector<16xi32>], vector<16xi32>,
      %and3A_408 = arith.constant 31 : i32
      %and3A_409 = vector.broadcast %and3A_408 : i32 to vector<16xi32>
      %and3A_410 = arith.andi %add3A_395, %and3A_409 : vector<16xi32>
      %add3A_411 = arith.constant 13440 : i32
      %add3A_412 = vector.broadcast %add3A_411 : i32 to vector<16xi32>
      %add3A_413 = arith.addi %add3A_412, %and3A_410 : vector<16xi32>
      tpu.vector_store_idx %arg12[%shift_right_arithmetic3A_398, %and3A_401], %add3A_413 : memref<159x256xi32, #tpu.memory_space<vmem>>[vector<16xi32>, vector<16xi32>], vector<16xi32>,
      %add3A_414 = arith.constant 255 : i32
      %add3A_415 = arith.addi %reduce_max3A_63, %add3A_414 : i32
      %shift_right_arithmetic3A_416 = arith.constant 8 : i32
      %shift_right_arithmetic3A_417 = arith.shrsi %add3A_415, %shift_right_arithmetic3A_416 : i32
      %while3A = arith.constant 0 : i32
      %while3A_418 = arith.constant 0 : i32
      %while3A_419 = arith.subi %shift_right_arithmetic3A_417, %while3A : i32
      %while3A_420 = arith.addi %while3A, %while3A_419 : i32
      %while3A_421 = arith.constant 1 : i32
      %while3A_422 = arith.divsi %while3A_419, %while3A_421 : i32
      %while3A_423 = arith.muli %while3A_422, %while3A_421 : i32
      %while3A_424 = arith.addi %while3A, %while3A_423 : i32
      %while3A_425 = arith.constant 1 : i32
      %while3A_426 = scf.for %while3A_458 = %while3A to %while3A_424 step %while3A_425 iter_args(%while3A_459 = %while3A_418) -> (i32)  : i32 {
        %dma_start3A = arith.constant 0 : i32
        %dma_start3A_460 = tpu.memref_slice %arg11[%while3A_458, %dma_start3A] : memref<159x256xi32, #tpu.memory_space<vmem>> -> memref<1x256xi32, #tpu.memory_space<vmem>>
        %dma_start3A_461 = tpu.memref_squeeze %dma_start3A_460 : memref<1x256xi32, #tpu.memory_space<vmem>> -> memref<256xi32, #tpu.memory_space<vmem>>
        %dma_start3A_462 = arith.constant 0 : i32
        %dma_start3A_463 = arith.constant 0 : i32
        %dma_start3A_464 = tpu.memref_slice %arg4[%dma_start3A_462, %dma_start3A_463] : memref<320000x32xf32, #tpu.memory_space<hbm>> -> memref<320000x32xf32, #tpu.memory_space<hbm>>
        tpu.enqueue_indirect_dma source(%dma_start3A_464 : memref<320000x32xf32, #tpu.memory_space<hbm>>) target(%arg9 : memref<256x32xf32, #tpu.memory_space<vmem>>) offsets(%dma_start3A_461 : memref<256xi32, #tpu.memory_space<vmem>>) semaphore(%arg14 : memref<!tpu.dma_semaphore, #tpu.memory_space<semaphore_mem>>)
        %dma_wait3A = arith.constant 0 : i32
        %dma_wait3A_465 = tpu.memref_slice %arg11[%while3A_458, %dma_wait3A] : memref<159x256xi32, #tpu.memory_space<vmem>> -> memref<1x256xi32, #tpu.memory_space<vmem>>
        %dma_wait3A_466 = tpu.memref_squeeze %dma_wait3A_465 : memref<1x256xi32, #tpu.memory_space<vmem>> -> memref<256xi32, #tpu.memory_space<vmem>>
        %dma_wait3A_467 = arith.constant 0 : i32
        %dma_wait3A_468 = arith.constant 0 : i32
        %dma_wait3A_469 = tpu.memref_slice %arg4[%dma_wait3A_467, %dma_wait3A_468] : memref<320000x32xf32, #tpu.memory_space<hbm>> -> memref<320000x32xf32, #tpu.memory_space<hbm>>
        tpu.wait_indirect_dma semaphore(%arg14 : memref<!tpu.dma_semaphore, #tpu.memory_space<semaphore_mem>>) src(%dma_wait3A_469 : memref<320000x32xf32, #tpu.memory_space<hbm>>) dst(%arg9 : memref<256x32xf32, #tpu.memory_space<vmem>>)
        "tpu.region"() ({
          %run_scoped3A = tpu.sem_alloc : memref<!tpu.dma_semaphore, #tpu.memory_space<semaphore_mem>>
          %dma_start3A_471 = arith.constant 0 : i32
          %dma_start3A_472 = tpu.memref_slice %arg12[%while3A_458, %dma_start3A_471] : memref<159x256xi32, #tpu.memory_space<vmem>> -> memref<1x256xi32, #tpu.memory_space<vmem>>
          %dma_start3A_473 = tpu.memref_squeeze %dma_start3A_472 : memref<1x256xi32, #tpu.memory_space<vmem>> -> memref<256xi32, #tpu.memory_space<vmem>>
          %dma_start3A_474 = arith.constant 0 : i32
          %dma_start3A_475 = arith.constant 0 : i32
          %dma_start3A_476 = tpu.memref_slice %arg13[%dma_start3A_474, %dma_start3A_475] : memref<13472x32xf32, #tpu.memory_space<vmem_shared>> -> memref<13472x32xf32, #tpu.memory_space<vmem_shared>>
          tpu.enqueue_indirect_dma source(%arg9 : memref<256x32xf32, #tpu.memory_space<vmem>>) target(%dma_start3A_476 : memref<13472x32xf32, #tpu.memory_space<vmem_shared>>) offsets(%dma_start3A_473 : memref<256xi32, #tpu.memory_space<vmem>>) semaphore(%run_scoped3A : memref<!tpu.dma_semaphore, #tpu.memory_space<semaphore_mem>>) {add = true}
          %dma_wait3A_477 = arith.constant 0 : i32
          %dma_wait3A_478 = tpu.memref_slice %arg12[%while3A_458, %dma_wait3A_477] : memref<159x256xi32, #tpu.memory_space<vmem>> -> memref<1x256xi32, #tpu.memory_space<vmem>>
          %dma_wait3A_479 = tpu.memref_squeeze %dma_wait3A_478 : memref<1x256xi32, #tpu.memory_space<vmem>> -> memref<256xi32, #tpu.memory_space<vmem>>
          %dma_wait3A_480 = arith.constant 0 : i32
          %dma_wait3A_481 = arith.constant 0 : i32
          %dma_wait3A_482 = tpu.memref_slice %arg13[%dma_wait3A_480, %dma_wait3A_481] : memref<13472x32xf32, #tpu.memory_space<vmem_shared>> -> memref<13472x32xf32, #tpu.memory_space<vmem_shared>>
          tpu.wait_indirect_dma semaphore(%run_scoped3A : memref<!tpu.dma_semaphore, #tpu.memory_space<semaphore_mem>>) src(%arg9 : memref<256x32xf32, #tpu.memory_space<vmem>>) dst(%dma_wait3A_482 : memref<13472x32xf32, #tpu.memory_space<vmem_shared>>)
          tpu.yield
        }) : () -> ()
        %while3A_470 = arith.constant 0 : i32
        scf.yield %while3A_470 : i32
      }
      %while3A_427 = arith.constant 1 : i32
      %while3A_428 = scf.for %while3A_458 = %while3A_424 to %while3A_420 step %while3A_427 iter_args(%while3A_459 = %while3A_426) -> (i32)  : i32 {
        %dma_start3A = arith.constant 0 : i32
        %dma_start3A_460 = tpu.memref_slice %arg11[%while3A_458, %dma_start3A] : memref<159x256xi32, #tpu.memory_space<vmem>> -> memref<1x256xi32, #tpu.memory_space<vmem>>
        %dma_start3A_461 = tpu.memref_squeeze %dma_start3A_460 : memref<1x256xi32, #tpu.memory_space<vmem>> -> memref<256xi32, #tpu.memory_space<vmem>>
        %dma_start3A_462 = arith.constant 0 : i32
        %dma_start3A_463 = arith.constant 0 : i32
        %dma_start3A_464 = tpu.memref_slice %arg4[%dma_start3A_462, %dma_start3A_463] : memref<320000x32xf32, #tpu.memory_space<hbm>> -> memref<320000x32xf32, #tpu.memory_space<hbm>>
        tpu.enqueue_indirect_dma source(%dma_start3A_464 : memref<320000x32xf32, #tpu.memory_space<hbm>>) target(%arg9 : memref<256x32xf32, #tpu.memory_space<vmem>>) offsets(%dma_start3A_461 : memref<256xi32, #tpu.memory_space<vmem>>) semaphore(%arg14 : memref<!tpu.dma_semaphore, #tpu.memory_space<semaphore_mem>>)
        %dma_wait3A = arith.constant 0 : i32
        %dma_wait3A_465 = tpu.memref_slice %arg11[%while3A_458, %dma_wait3A] : memref<159x256xi32, #tpu.memory_space<vmem>> -> memref<1x256xi32, #tpu.memory_space<vmem>>
        %dma_wait3A_466 = tpu.memref_squeeze %dma_wait3A_465 : memref<1x256xi32, #tpu.memory_space<vmem>> -> memref<256xi32, #tpu.memory_space<vmem>>
        %dma_wait3A_467 = arith.constant 0 : i32
        %dma_wait3A_468 = arith.constant 0 : i32
        %dma_wait3A_469 = tpu.memref_slice %arg4[%dma_wait3A_467, %dma_wait3A_468] : memref<320000x32xf32, #tpu.memory_space<hbm>> -> memref<320000x32xf32, #tpu.memory_space<hbm>>
        tpu.wait_indirect_dma semaphore(%arg14 : memref<!tpu.dma_semaphore, #tpu.memory_space<semaphore_mem>>) src(%dma_wait3A_469 : memref<320000x32xf32, #tpu.memory_space<hbm>>) dst(%arg9 : memref<256x32xf32, #tpu.memory_space<vmem>>)
        "tpu.region"() ({
          %run_scoped3A = tpu.sem_alloc : memref<!tpu.dma_semaphore, #tpu.memory_space<semaphore_mem>>
          %dma_start3A_471 = arith.constant 0 : i32
          %dma_start3A_472 = tpu.memref_slice %arg12[%while3A_458, %dma_start3A_471] : memref<159x256xi32, #tpu.memory_space<vmem>> -> memref<1x256xi32, #tpu.memory_space<vmem>>
          %dma_start3A_473 = tpu.memref_squeeze %dma_start3A_472 : memref<1x256xi32, #tpu.memory_space<vmem>> -> memref<256xi32, #tpu.memory_space<vmem>>
          %dma_start3A_474 = arith.constant 0 : i32
          %dma_start3A_475 = arith.constant 0 : i32
          %dma_start3A_476 = tpu.memref_slice %arg13[%dma_start3A_474, %dma_start3A_475] : memref<13472x32xf32, #tpu.memory_space<vmem_shared>> -> memref<13472x32xf32, #tpu.memory_space<vmem_shared>>
          tpu.enqueue_indirect_dma source(%arg9 : memref<256x32xf32, #tpu.memory_space<vmem>>) target(%dma_start3A_476 : memref<13472x32xf32, #tpu.memory_space<vmem_shared>>) offsets(%dma_start3A_473 : memref<256xi32, #tpu.memory_space<vmem>>) semaphore(%run_scoped3A : memref<!tpu.dma_semaphore, #tpu.memory_space<semaphore_mem>>) {add = true}
          %dma_wait3A_477 = arith.constant 0 : i32
          %dma_wait3A_478 = tpu.memref_slice %arg12[%while3A_458, %dma_wait3A_477] : memref<159x256xi32, #tpu.memory_space<vmem>> -> memref<1x256xi32, #tpu.memory_space<vmem>>
          %dma_wait3A_479 = tpu.memref_squeeze %dma_wait3A_478 : memref<1x256xi32, #tpu.memory_space<vmem>> -> memref<256xi32, #tpu.memory_space<vmem>>
          %dma_wait3A_480 = arith.constant 0 : i32
          %dma_wait3A_481 = arith.constant 0 : i32
          %dma_wait3A_482 = tpu.memref_slice %arg13[%dma_wait3A_480, %dma_wait3A_481] : memref<13472x32xf32, #tpu.memory_space<vmem_shared>> -> memref<13472x32xf32, #tpu.memory_space<vmem_shared>>
          tpu.wait_indirect_dma semaphore(%run_scoped3A : memref<!tpu.dma_semaphore, #tpu.memory_space<semaphore_mem>>) src(%arg9 : memref<256x32xf32, #tpu.memory_space<vmem>>) dst(%dma_wait3A_482 : memref<13472x32xf32, #tpu.memory_space<vmem_shared>>)
          tpu.yield
        }) : () -> ()
        %while3A_470 = arith.constant 0 : i32
        scf.yield %while3A_470 : i32
      }
      %barrier3A_429 = arith.constant 0 : index
      tpu.barrier barrier_id(%barrier3A_429)
      %mul3A_430 = arith.constant 840 : i32
      %mul3A_431 = arith.muli %arg1, %mul3A_430 : i32
      %add3A_432 = arith.constant 0 : i32
      %add3A_433 = arith.addi %mul3A_431, %add3A_432 : i32
      "tpu.region"() ({
        %run_scoped3A = tpu.sem_alloc : memref<!tpu.dma_semaphore, #tpu.memory_space<semaphore_mem>>
        %dma_start3A = arith.constant 0 : i32
        %dma_start3A_458 = tpu.memref_slice %arg13[%add3A_433, %dma_start3A] : memref<13472x32xf32, #tpu.memory_space<vmem_shared>> -> memref<280x32xf32, #tpu.memory_space<vmem_shared>>
        %dma_start3A_459 = arith.constant 0 : i32
        %dma_start3A_460 = tpu.memref_slice %arg13[%add3A_433, %dma_start3A_459] : memref<13472x32xf32, #tpu.memory_space<vmem_shared>> -> memref<280x32xf32, #tpu.memory_space<vmem_shared>>
        tpu.enqueue_dma source(%dma_start3A_460 : memref<280x32xf32, #tpu.memory_space<vmem_shared>>) target(%arg10 : memref<280x32xf32, #tpu.memory_space<vmem>>) target_semaphore(%run_scoped3A : memref<!tpu.dma_semaphore, #tpu.memory_space<semaphore_mem>>)
        %dma_wait3A = arith.constant 0 : i32
        %dma_wait3A_461 = tpu.memref_slice %arg13[%add3A_433, %dma_wait3A] : memref<13472x32xf32, #tpu.memory_space<vmem_shared>> -> memref<280x32xf32, #tpu.memory_space<vmem_shared>>
        %dma_wait3A_462 = arith.constant 0 : i32
        %dma_wait3A_463 = tpu.memref_slice %arg13[%add3A_433, %dma_wait3A_462] : memref<13472x32xf32, #tpu.memory_space<vmem_shared>> -> memref<280x32xf32, #tpu.memory_space<vmem_shared>>
        tpu.wait_dma2 semaphore(%run_scoped3A : memref<!tpu.dma_semaphore, #tpu.memory_space<semaphore_mem>>) src(%dma_wait3A_463 : memref<280x32xf32, #tpu.memory_space<vmem_shared>>) dst(%arg10 : memref<280x32xf32, #tpu.memory_space<vmem>>)
        tpu.yield
      }) : () -> ()
      %mul3A_434 = arith.constant 840 : i32
      %mul3A_435 = arith.muli %arg1, %mul3A_434 : i32
      %add3A_436 = arith.addi %mul3A_10, %mul3A_435 : i32
      %add3A_437 = arith.constant 0 : i32
      %add3A_438 = arith.addi %add3A_436, %add3A_437 : i32
      "tpu.region"() ({
        %run_scoped3A = tpu.sem_alloc : memref<!tpu.dma_semaphore, #tpu.memory_space<semaphore_mem>>
        %dma_start3A = arith.constant 0 : i32
        %dma_start3A_458 = tpu.memref_slice %arg6[%add3A_438, %dma_start3A] : memref<322560x32xf32, #tpu.memory_space<hbm>> -> memref<280x32xf32, #tpu.memory_space<hbm>>
        %dma_start3A_459 = arith.constant 0 : i32
        %dma_start3A_460 = tpu.memref_slice %arg6[%add3A_438, %dma_start3A_459] : memref<322560x32xf32, #tpu.memory_space<hbm>> -> memref<280x32xf32, #tpu.memory_space<hbm>>
        tpu.enqueue_dma source(%arg10 : memref<280x32xf32, #tpu.memory_space<vmem>>) target(%dma_start3A_460 : memref<280x32xf32, #tpu.memory_space<hbm>>) target_semaphore(%run_scoped3A : memref<!tpu.dma_semaphore, #tpu.memory_space<semaphore_mem>>)
        %dma_wait3A = arith.constant 0 : i32
        %dma_wait3A_461 = tpu.memref_slice %arg6[%add3A_438, %dma_wait3A] : memref<322560x32xf32, #tpu.memory_space<hbm>> -> memref<280x32xf32, #tpu.memory_space<hbm>>
        %dma_wait3A_462 = arith.constant 0 : i32
        %dma_wait3A_463 = tpu.memref_slice %arg6[%add3A_438, %dma_wait3A_462] : memref<322560x32xf32, #tpu.memory_space<hbm>> -> memref<280x32xf32, #tpu.memory_space<hbm>>
        tpu.wait_dma2 semaphore(%run_scoped3A : memref<!tpu.dma_semaphore, #tpu.memory_space<semaphore_mem>>) src(%arg10 : memref<280x32xf32, #tpu.memory_space<vmem>>) dst(%dma_wait3A_463 : memref<280x32xf32, #tpu.memory_space<hbm>>)
        tpu.yield
      }) : () -> ()
      %mul3A_439 = arith.constant 840 : i32
      %mul3A_440 = arith.muli %arg1, %mul3A_439 : i32
      %add3A_441 = arith.constant 280 : i32
      %add3A_442 = arith.addi %mul3A_440, %add3A_441 : i32
      "tpu.region"() ({
        %run_scoped3A = tpu.sem_alloc : memref<!tpu.dma_semaphore, #tpu.memory_space<semaphore_mem>>
        %dma_start3A = arith.constant 0 : i32
        %dma_start3A_458 = tpu.memref_slice %arg13[%add3A_442, %dma_start3A] : memref<13472x32xf32, #tpu.memory_space<vmem_shared>> -> memref<280x32xf32, #tpu.memory_space<vmem_shared>>
        %dma_start3A_459 = arith.constant 0 : i32
        %dma_start3A_460 = tpu.memref_slice %arg13[%add3A_442, %dma_start3A_459] : memref<13472x32xf32, #tpu.memory_space<vmem_shared>> -> memref<280x32xf32, #tpu.memory_space<vmem_shared>>
        tpu.enqueue_dma source(%dma_start3A_460 : memref<280x32xf32, #tpu.memory_space<vmem_shared>>) target(%arg10 : memref<280x32xf32, #tpu.memory_space<vmem>>) target_semaphore(%run_scoped3A : memref<!tpu.dma_semaphore, #tpu.memory_space<semaphore_mem>>)
        %dma_wait3A = arith.constant 0 : i32
        %dma_wait3A_461 = tpu.memref_slice %arg13[%add3A_442, %dma_wait3A] : memref<13472x32xf32, #tpu.memory_space<vmem_shared>> -> memref<280x32xf32, #tpu.memory_space<vmem_shared>>
        %dma_wait3A_462 = arith.constant 0 : i32
        %dma_wait3A_463 = tpu.memref_slice %arg13[%add3A_442, %dma_wait3A_462] : memref<13472x32xf32, #tpu.memory_space<vmem_shared>> -> memref<280x32xf32, #tpu.memory_space<vmem_shared>>
        tpu.wait_dma2 semaphore(%run_scoped3A : memref<!tpu.dma_semaphore, #tpu.memory_space<semaphore_mem>>) src(%dma_wait3A_463 : memref<280x32xf32, #tpu.memory_space<vmem_shared>>) dst(%arg10 : memref<280x32xf32, #tpu.memory_space<vmem>>)
        tpu.yield
      }) : () -> ()
      %mul3A_443 = arith.constant 840 : i32
      %mul3A_444 = arith.muli %arg1, %mul3A_443 : i32
      %add3A_445 = arith.addi %mul3A_10, %mul3A_444 : i32
      %add3A_446 = arith.constant 280 : i32
      %add3A_447 = arith.addi %add3A_445, %add3A_446 : i32
      "tpu.region"() ({
        %run_scoped3A = tpu.sem_alloc : memref<!tpu.dma_semaphore, #tpu.memory_space<semaphore_mem>>
        %dma_start3A = arith.constant 0 : i32
        %dma_start3A_458 = tpu.memref_slice %arg6[%add3A_447, %dma_start3A] : memref<322560x32xf32, #tpu.memory_space<hbm>> -> memref<280x32xf32, #tpu.memory_space<hbm>>
        %dma_start3A_459 = arith.constant 0 : i32
        %dma_start3A_460 = tpu.memref_slice %arg6[%add3A_447, %dma_start3A_459] : memref<322560x32xf32, #tpu.memory_space<hbm>> -> memref<280x32xf32, #tpu.memory_space<hbm>>
        tpu.enqueue_dma source(%arg10 : memref<280x32xf32, #tpu.memory_space<vmem>>) target(%dma_start3A_460 : memref<280x32xf32, #tpu.memory_space<hbm>>) target_semaphore(%run_scoped3A : memref<!tpu.dma_semaphore, #tpu.memory_space<semaphore_mem>>)
        %dma_wait3A = arith.constant 0 : i32
        %dma_wait3A_461 = tpu.memref_slice %arg6[%add3A_447, %dma_wait3A] : memref<322560x32xf32, #tpu.memory_space<hbm>> -> memref<280x32xf32, #tpu.memory_space<hbm>>
        %dma_wait3A_462 = arith.constant 0 : i32
        %dma_wait3A_463 = tpu.memref_slice %arg6[%add3A_447, %dma_wait3A_462] : memref<322560x32xf32, #tpu.memory_space<hbm>> -> memref<280x32xf32, #tpu.memory_space<hbm>>
        tpu.wait_dma2 semaphore(%run_scoped3A : memref<!tpu.dma_semaphore, #tpu.memory_space<semaphore_mem>>) src(%arg10 : memref<280x32xf32, #tpu.memory_space<vmem>>) dst(%dma_wait3A_463 : memref<280x32xf32, #tpu.memory_space<hbm>>)
        tpu.yield
      }) : () -> ()
      %mul3A_448 = arith.constant 840 : i32
      %mul3A_449 = arith.muli %arg1, %mul3A_448 : i32
      %add3A_450 = arith.constant 560 : i32
      %add3A_451 = arith.addi %mul3A_449, %add3A_450 : i32
      "tpu.region"() ({
        %run_scoped3A = tpu.sem_alloc : memref<!tpu.dma_semaphore, #tpu.memory_space<semaphore_mem>>
        %dma_start3A = arith.constant 0 : i32
        %dma_start3A_458 = tpu.memref_slice %arg13[%add3A_451, %dma_start3A] : memref<13472x32xf32, #tpu.memory_space<vmem_shared>> -> memref<280x32xf32, #tpu.memory_space<vmem_shared>>
        %dma_start3A_459 = arith.constant 0 : i32
        %dma_start3A_460 = tpu.memref_slice %arg13[%add3A_451, %dma_start3A_459] : memref<13472x32xf32, #tpu.memory_space<vmem_shared>> -> memref<280x32xf32, #tpu.memory_space<vmem_shared>>
        tpu.enqueue_dma source(%dma_start3A_460 : memref<280x32xf32, #tpu.memory_space<vmem_shared>>) target(%arg10 : memref<280x32xf32, #tpu.memory_space<vmem>>) target_semaphore(%run_scoped3A : memref<!tpu.dma_semaphore, #tpu.memory_space<semaphore_mem>>)
        %dma_wait3A = arith.constant 0 : i32
        %dma_wait3A_461 = tpu.memref_slice %arg13[%add3A_451, %dma_wait3A] : memref<13472x32xf32, #tpu.memory_space<vmem_shared>> -> memref<280x32xf32, #tpu.memory_space<vmem_shared>>
        %dma_wait3A_462 = arith.constant 0 : i32
        %dma_wait3A_463 = tpu.memref_slice %arg13[%add3A_451, %dma_wait3A_462] : memref<13472x32xf32, #tpu.memory_space<vmem_shared>> -> memref<280x32xf32, #tpu.memory_space<vmem_shared>>
        tpu.wait_dma2 semaphore(%run_scoped3A : memref<!tpu.dma_semaphore, #tpu.memory_space<semaphore_mem>>) src(%dma_wait3A_463 : memref<280x32xf32, #tpu.memory_space<vmem_shared>>) dst(%arg10 : memref<280x32xf32, #tpu.memory_space<vmem>>)
        tpu.yield
      }) : () -> ()
      %mul3A_452 = arith.constant 840 : i32
      %mul3A_453 = arith.muli %arg1, %mul3A_452 : i32
      %add3A_454 = arith.addi %mul3A_10, %mul3A_453 : i32
      %add3A_455 = arith.constant 560 : i32
      %add3A_456 = arith.addi %add3A_454, %add3A_455 : i32
      "tpu.region"() ({
        %run_scoped3A = tpu.sem_alloc : memref<!tpu.dma_semaphore, #tpu.memory_space<semaphore_mem>>
        %dma_start3A = arith.constant 0 : i32
        %dma_start3A_458 = tpu.memref_slice %arg6[%add3A_456, %dma_start3A] : memref<322560x32xf32, #tpu.memory_space<hbm>> -> memref<280x32xf32, #tpu.memory_space<hbm>>
        %dma_start3A_459 = arith.constant 0 : i32
        %dma_start3A_460 = tpu.memref_slice %arg6[%add3A_456, %dma_start3A_459] : memref<322560x32xf32, #tpu.memory_space<hbm>> -> memref<280x32xf32, #tpu.memory_space<hbm>>
        tpu.enqueue_dma source(%arg10 : memref<280x32xf32, #tpu.memory_space<vmem>>) target(%dma_start3A_460 : memref<280x32xf32, #tpu.memory_space<hbm>>) target_semaphore(%run_scoped3A : memref<!tpu.dma_semaphore, #tpu.memory_space<semaphore_mem>>)
        %dma_wait3A = arith.constant 0 : i32
        %dma_wait3A_461 = tpu.memref_slice %arg6[%add3A_456, %dma_wait3A] : memref<322560x32xf32, #tpu.memory_space<hbm>> -> memref<280x32xf32, #tpu.memory_space<hbm>>
        %dma_wait3A_462 = arith.constant 0 : i32
        %dma_wait3A_463 = tpu.memref_slice %arg6[%add3A_456, %dma_wait3A_462] : memref<322560x32xf32, #tpu.memory_space<hbm>> -> memref<280x32xf32, #tpu.memory_space<hbm>>
        tpu.wait_dma2 semaphore(%run_scoped3A : memref<!tpu.dma_semaphore, #tpu.memory_space<semaphore_mem>>) src(%arg10 : memref<280x32xf32, #tpu.memory_space<vmem>>) dst(%dma_wait3A_463 : memref<280x32xf32, #tpu.memory_space<hbm>>)
        tpu.yield
      }) : () -> ()
      %scan3A_457 = arith.constant 0 : i32
      scf.yield %scan3A_457 : i32
    }
    %scan3A_5 = arith.constant 12 : i32
    return
  }
}

module attributes {stable_mosaic.version = 14 : i64} {
  func.func @_bond_mm_body(%arg0: i32, %arg1: memref<512x32xf32, #tpu.memory_space<vmem>>, %arg2: memref<512x32xf32, #tpu.memory_space<vmem>>, %arg3: memref<32x32xf32, #tpu.memory_space<vmem>>, %arg4: memref<1x32xf32, #tpu.memory_space<vmem>>, %arg5: memref<512x32xf32, #tpu.memory_space<vmem>>) attributes {dimension_semantics = [#tpu.dimension_semantics<arbitrary>], iteration_bounds = array<i64: 625>, scalar_prefetch = 0 : i64, scratch_operands = 0 : i64, tpu.core_type = #tpu.core_type<tc>, window_params = [{transform_indices = @transform_0, window_bounds = array<i64: 512, 32>}, {transform_indices = @transform_1, window_bounds = array<i64: 512, 32>}, {pipeline_mode = #tpu.pipeline_mode<synchronous>, transform_indices = @transform_2, window_bounds = array<i64: 32, 32>}, {pipeline_mode = #tpu.pipeline_mode<synchronous>, transform_indices = @transform_3, window_bounds = array<i64: 1, 32>}, {transform_indices = @transform_4, window_bounds = array<i64: 512, 32>}]} {
    %get3A = arith.constant 0 : index
    %get3A_0 = arith.constant 0 : index
    %get3A_1 = vector.load %arg1[%get3A, %get3A_0] : memref<512x32xf32, #tpu.memory_space<vmem>>, vector<512x32xf32>
    %get3A_2 = arith.constant 0 : index
    %get3A_3 = arith.constant 0 : index
    %get3A_4 = vector.load %arg2[%get3A_2, %get3A_3] : memref<512x32xf32, #tpu.memory_space<vmem>>, vector<512x32xf32>
    %add3A = arith.addf %get3A_1, %get3A_4 : vector<512x32xf32>
    %get3A_5 = arith.constant 0 : index
    %get3A_6 = arith.constant 0 : index
    %get3A_7 = vector.load %arg3[%get3A_5, %get3A_6] : memref<32x32xf32, #tpu.memory_space<vmem>>, vector<32x32xf32>
    %dot_general3A = arith.constant dense<0.000000e+00> : vector<512x32xf32>
    %dot_general3A_8 = tpu.matmul %add3A, %get3A_7, %dot_general3A {dimension_numbers = #tpu.dot_dimension_numbers<[1], [0], [0], [1], [0, 0, 1, 1], [], []>, transpose_lhs_hint = false} : vector<512x32xf32>, vector<32x32xf32>, vector<512x32xf32> -> vector<512x32xf32>
    %get3A_9 = arith.constant 0 : index
    %get3A_10 = arith.constant 0 : index
    %get3A_11 = vector.load %arg4[%get3A_9, %get3A_10] : memref<1x32xf32, #tpu.memory_space<vmem>>, vector<1x32xf32>
    %add3A_12 = vector.broadcast %get3A_11 : vector<1x32xf32> to vector<512x32xf32>
    %add3A_13 = arith.addf %dot_general3A_8, %add3A_12 : vector<512x32xf32>
    %max3A = arith.constant 0.000000e+00 : f32
    %max3A_14 = vector.broadcast %max3A : f32 to vector<512x32xf32>
    %max3A_15 = arith.maximumf %add3A_13, %max3A_14 : vector<512x32xf32>
    %swap3A = arith.constant 0 : index
    %swap3A_16 = arith.constant 0 : index
    %swap3A_17 = vector.load %arg5[%swap3A, %swap3A_16] : memref<512x32xf32, #tpu.memory_space<vmem>>, vector<512x32xf32>
    tpu.vector_store %arg5[%swap3A, %swap3A_16], %max3A_15 {strides = array<i32>} : memref<512x32xf32, #tpu.memory_space<vmem>>, vector<512x32xf32>,
    return
  }
  func.func @transform_0(%arg0: i32) -> (i32, i32) {
    %c0_i32 = arith.constant 0 : i32
    %c0_i32_0 = arith.constant 0 : i32
    return %arg0, %c0_i32 : i32, i32
  }
  func.func @transform_1(%arg0: i32) -> (i32, i32) {
    %c0_i32 = arith.constant 0 : i32
    %c0_i32_0 = arith.constant 0 : i32
    return %arg0, %c0_i32 : i32, i32
  }
  func.func @transform_2(%arg0: i32) -> (i32, i32) {
    %c0_i32 = arith.constant 0 : i32
    %c0_i32_0 = arith.constant 0 : i32
    %c0_i32_1 = arith.constant 0 : i32
    return %c0_i32, %c0_i32_0 : i32, i32
  }
  func.func @transform_3(%arg0: i32) -> (i32, i32) {
    %c0_i32 = arith.constant 0 : i32
    %c0_i32_0 = arith.constant 0 : i32
    %c0_i32_1 = arith.constant 0 : i32
    return %c0_i32, %c0_i32_0 : i32, i32
  }
  func.func @transform_4(%arg0: i32) -> (i32, i32) {
    %c0_i32 = arith.constant 0 : i32
    %c0_i32_0 = arith.constant 0 : i32
    return %arg0, %c0_i32 : i32, i32
  }
}

module attributes {stable_mosaic.version = 14 : i64} {
  func.func @_node_mm_body(%arg0: memref<10000x32xf32, #tpu.memory_space<vmem>>, %arg1: memref<2x10000x32xf32, #tpu.memory_space<vmem>>, %arg2: memref<32x32xf32, #tpu.memory_space<vmem>>, %arg3: memref<1x32xf32, #tpu.memory_space<vmem>>, %arg4: memref<10000x32xf32, #tpu.memory_space<vmem>>) attributes {dimension_semantics = [], scalar_prefetch = 0 : i64, scratch_operands = 0 : i64, tpu.core_type = #tpu.core_type<tc>} {
    %get3A = arith.constant 0 : index
    %get3A_0 = arith.constant 0 : index
    %get3A_1 = vector.load %arg0[%get3A, %get3A_0] : memref<10000x32xf32, #tpu.memory_space<vmem>>, vector<10000x32xf32>
    %get3A_2 = arith.constant 0 : index
    %get3A_3 = arith.constant 0 : index
    %get3A_4 = arith.constant 0 : index
    %get3A_5 = vector.load %arg1[%get3A_2, %get3A_3, %get3A_4] : memref<2x10000x32xf32, #tpu.memory_space<vmem>>, vector<1x10000x32xf32>
    %get3A_6 = vector.shape_cast %get3A_5 : vector<1x10000x32xf32> to vector<10000x32xf32>
    %add3A = arith.addf %get3A_1, %get3A_6 : vector<10000x32xf32>
    %get3A_7 = arith.constant 1 : index
    %get3A_8 = arith.constant 0 : index
    %get3A_9 = arith.constant 0 : index
    %get3A_10 = vector.load %arg1[%get3A_7, %get3A_8, %get3A_9] : memref<2x10000x32xf32, #tpu.memory_space<vmem>>, vector<1x10000x32xf32>
    %get3A_11 = vector.shape_cast %get3A_10 : vector<1x10000x32xf32> to vector<10000x32xf32>
    %add3A_12 = arith.addf %add3A, %get3A_11 : vector<10000x32xf32>
    %get3A_13 = arith.constant 0 : index
    %get3A_14 = arith.constant 0 : index
    %get3A_15 = vector.load %arg2[%get3A_13, %get3A_14] : memref<32x32xf32, #tpu.memory_space<vmem>>, vector<32x32xf32>
    %dot_general3A = arith.constant dense<0.000000e+00> : vector<10000x32xf32>
    %dot_general3A_16 = tpu.matmul %add3A_12, %get3A_15, %dot_general3A {dimension_numbers = #tpu.dot_dimension_numbers<[1], [0], [0], [1], [0, 0, 1, 1], [], []>, transpose_lhs_hint = false} : vector<10000x32xf32>, vector<32x32xf32>, vector<10000x32xf32> -> vector<10000x32xf32>
    %get3A_17 = arith.constant 0 : index
    %get3A_18 = arith.constant 0 : index
    %get3A_19 = vector.load %arg3[%get3A_17, %get3A_18] : memref<1x32xf32, #tpu.memory_space<vmem>>, vector<1x32xf32>
    %add3A_20 = vector.broadcast %get3A_19 : vector<1x32xf32> to vector<10000x32xf32>
    %add3A_21 = arith.addf %dot_general3A_16, %add3A_20 : vector<10000x32xf32>
    %max3A = arith.constant 0.000000e+00 : f32
    %max3A_22 = vector.broadcast %max3A : f32 to vector<10000x32xf32>
    %max3A_23 = arith.maximumf %add3A_21, %max3A_22 : vector<10000x32xf32>
    %swap3A = arith.constant 0 : index
    %swap3A_24 = arith.constant 0 : index
    %swap3A_25 = vector.load %arg4[%swap3A, %swap3A_24] : memref<10000x32xf32, #tpu.memory_space<vmem>>, vector<10000x32xf32>
    tpu.vector_store %arg4[%swap3A, %swap3A_24], %max3A_23 {strides = array<i32>} : memref<10000x32xf32, #tpu.memory_space<vmem>>, vector<10000x32xf32>,
    return
  }
}

module attributes {stable_mosaic.version = 14 : i64} {
  func.func @_head_body(%arg0: memref<200x50x32xf32, #tpu.memory_space<vmem>>, %arg1: memref<200x50xf32, #tpu.memory_space<vmem>>, %arg2: memref<1x32xf32, #tpu.memory_space<vmem>>, %arg3: memref<1x32xf32, #tpu.memory_space<vmem>>, %arg4: memref<32x128xf32, #tpu.memory_space<vmem>>, %arg5: memref<1x128xf32, #tpu.memory_space<vmem>>, %arg6: memref<128x1xf32, #tpu.memory_space<vmem>>, %arg7: memref<1x1xf32, #tpu.memory_space<vmem>>, %arg8: memref<200x1xf32, #tpu.memory_space<vmem>>) attributes {dimension_semantics = [], scalar_prefetch = 0 : i64, scratch_operands = 0 : i64, tpu.core_type = #tpu.core_type<tc>} {
    %get3A = arith.constant 0 : index
    %get3A_0 = arith.constant 0 : index
    %get3A_1 = vector.load %arg1[%get3A, %get3A_0] : memref<200x50xf32, #tpu.memory_space<vmem>>, vector<200x50xf32>
    %mul3A = arith.constant 2.000000e+00 : f32
    %mul3A_2 = vector.broadcast %mul3A : f32 to vector<200x50xf32>
    %mul3A_3 = arith.mulf %mul3A_2, %get3A_1 : vector<200x50xf32>
    %sub3A = arith.constant 1.000000e+00 : f32
    %sub3A_4 = vector.broadcast %sub3A : f32 to vector<200x50xf32>
    %sub3A_5 = arith.subf %sub3A_4, %mul3A_3 : vector<200x50xf32>
    %get3A_6 = arith.constant 0 : index
    %get3A_7 = arith.constant 0 : index
    %get3A_8 = arith.constant 0 : index
    %get3A_9 = vector.load %arg0[%get3A_6, %get3A_7, %get3A_8] : memref<200x50x32xf32, #tpu.memory_space<vmem>>, vector<200x50x32xf32>
    %broadcast_in_dim3A = vector.shape_cast %sub3A_5 : vector<200x50xf32> to vector<200x50x1xf32>
    %mul3A_10 = vector.broadcast %broadcast_in_dim3A : vector<200x50x1xf32> to vector<200x50x32xf32>
    %mul3A_11 = arith.mulf %get3A_9, %mul3A_10 : vector<200x50x32xf32>
    %reduce_sum3A = arith.constant dense<0.000000e+00> : vector<200x32xf32>
    %reduce_sum3A_12 = vector.multi_reduction <add>, %mul3A_11, %reduce_sum3A [1] : vector<200x50x32xf32> to vector<200x32xf32>
    %reduce_sum3A_13 = arith.constant dense<0.000000e+00> : vector<200xf32>
    %reduce_sum3A_14 = vector.multi_reduction <add>, %reduce_sum3A_12, %reduce_sum3A_13 [1] : vector<200x32xf32> to vector<200xf32>
    %broadcast_in_dim3A_15 = vector.shape_cast %reduce_sum3A_14 : vector<200xf32> to vector<200x1xf32>
    %div3A = arith.constant 3.200000e+01 : f32
    %div3A_16 = vector.broadcast %div3A : f32 to vector<200x1xf32>
    %div3A_17 = arith.divf %broadcast_in_dim3A_15, %div3A_16 : vector<200x1xf32>
    %sub3A_18 = vector.broadcast %div3A_17 : vector<200x1xf32> to vector<200x32xf32>
    %sub3A_19 = arith.subf %reduce_sum3A_12, %sub3A_18 : vector<200x32xf32>
    %mul3A_20 = arith.mulf %sub3A_19, %sub3A_19 : vector<200x32xf32>
    %reduce_sum3A_21 = arith.constant dense<0.000000e+00> : vector<200xf32>
    %reduce_sum3A_22 = vector.multi_reduction <add>, %mul3A_20, %reduce_sum3A_21 [1] : vector<200x32xf32> to vector<200xf32>
    %broadcast_in_dim3A_23 = vector.shape_cast %reduce_sum3A_22 : vector<200xf32> to vector<200x1xf32>
    %div3A_24 = arith.constant 3.200000e+01 : f32
    %div3A_25 = vector.broadcast %div3A_24 : f32 to vector<200x1xf32>
    %div3A_26 = arith.divf %broadcast_in_dim3A_23, %div3A_25 : vector<200x1xf32>
    %add3A = arith.constant 9.99999974E-6 : f32
    %add3A_27 = vector.broadcast %add3A : f32 to vector<200x1xf32>
    %add3A_28 = arith.addf %div3A_26, %add3A_27 : vector<200x1xf32>
    %rsqrt3A = math.rsqrt %add3A_28 : vector<200x1xf32>
    %mul3A_29 = vector.broadcast %rsqrt3A : vector<200x1xf32> to vector<200x32xf32>
    %mul3A_30 = arith.mulf %sub3A_19, %mul3A_29 : vector<200x32xf32>
    %get3A_31 = arith.constant 0 : index
    %get3A_32 = arith.constant 0 : index
    %get3A_33 = vector.load %arg2[%get3A_31, %get3A_32] : memref<1x32xf32, #tpu.memory_space<vmem>>, vector<1x32xf32>
    %mul3A_34 = vector.broadcast %get3A_33 : vector<1x32xf32> to vector<200x32xf32>
    %mul3A_35 = arith.mulf %mul3A_30, %mul3A_34 : vector<200x32xf32>
    %get3A_36 = arith.constant 0 : index
    %get3A_37 = arith.constant 0 : index
    %get3A_38 = vector.load %arg3[%get3A_36, %get3A_37] : memref<1x32xf32, #tpu.memory_space<vmem>>, vector<1x32xf32>
    %add3A_39 = vector.broadcast %get3A_38 : vector<1x32xf32> to vector<200x32xf32>
    %add3A_40 = arith.addf %mul3A_35, %add3A_39 : vector<200x32xf32>
    %get3A_41 = arith.constant 0 : index
    %get3A_42 = arith.constant 0 : index
    %get3A_43 = vector.load %arg4[%get3A_41, %get3A_42] : memref<32x128xf32, #tpu.memory_space<vmem>>, vector<32x128xf32>
    %dot_general3A = arith.constant dense<0.000000e+00> : vector<200x128xf32>
    %dot_general3A_44 = tpu.matmul %add3A_40, %get3A_43, %dot_general3A {dimension_numbers = #tpu.dot_dimension_numbers<[1], [0], [0], [1], [0, 0, 1, 1], [], []>, transpose_lhs_hint = false} : vector<200x32xf32>, vector<32x128xf32>, vector<200x128xf32> -> vector<200x128xf32>
    %get3A_45 = arith.constant 0 : index
    %get3A_46 = arith.constant 0 : index
    %get3A_47 = vector.load %arg5[%get3A_45, %get3A_46] : memref<1x128xf32, #tpu.memory_space<vmem>>, vector<1x128xf32>
    %add3A_48 = vector.broadcast %get3A_47 : vector<1x128xf32> to vector<200x128xf32>
    %add3A_49 = arith.addf %dot_general3A_44, %add3A_48 : vector<200x128xf32>
    %gt3A = arith.constant 0.000000e+00 : f32
    %gt3A_50 = vector.broadcast %gt3A : f32 to vector<200x128xf32>
    %gt3A_51 = arith.cmpf ogt, %add3A_49, %gt3A_50 : vector<200x128xf32>
    %mul3A_52 = arith.constant 0.00999999977 : f32
    %mul3A_53 = vector.broadcast %mul3A_52 : f32 to vector<200x128xf32>
    %mul3A_54 = arith.mulf %mul3A_53, %add3A_49 : vector<200x128xf32>
    %select_n3A = arith.select %gt3A_51, %add3A_49, %mul3A_54 : vector<200x128xi1>, vector<200x128xf32>
    %get3A_55 = arith.constant 0 : index
    %get3A_56 = arith.constant 0 : index
    %get3A_57 = vector.load %arg6[%get3A_55, %get3A_56] : memref<128x1xf32, #tpu.memory_space<vmem>>, vector<128x1xf32>
    %dot_general3A_58 = arith.constant dense<0.000000e+00> : vector<200x1xf32>
    %dot_general3A_59 = tpu.matmul %select_n3A, %get3A_57, %dot_general3A_58 {dimension_numbers = #tpu.dot_dimension_numbers<[1], [0], [0], [1], [0, 0, 1, 1], [], []>, transpose_lhs_hint = false} : vector<200x128xf32>, vector<128x1xf32>, vector<200x1xf32> -> vector<200x1xf32>
    %get3A_60 = arith.constant 0 : index
    %get3A_61 = arith.constant 0 : index
    %get3A_62 = vector.load %arg7[%get3A_60, %get3A_61] : memref<1x1xf32, #tpu.memory_space<vmem>>, vector<1x1xf32>
    %add3A_63 = vector.broadcast %get3A_62 : vector<1x1xf32> to vector<200x1xf32>
    %add3A_64 = arith.addf %dot_general3A_59, %add3A_63 : vector<200x1xf32>
    %swap3A = arith.constant 0 : index
    %swap3A_65 = arith.constant 0 : index
    %swap3A_66 = vector.load %arg8[%swap3A, %swap3A_65] : memref<200x1xf32, #tpu.memory_space<vmem>>, vector<200x1xf32>
    tpu.vector_store %arg8[%swap3A, %swap3A_65], %add3A_64 {strides = array<i32>} : memref<200x1xf32, #tpu.memory_space<vmem>>, vector<200x1xf32>,
    return
  }
}

</mosaic_0001>

<sc_bundles>
// kernel: closed_call.38.cloned.1.call-start
scs
__scs_entry_jumppad:
0x0: {  	(pc) =	sbr.rel $0x88, $3  }
0x1: {  	(tag) =	ssettag $0x0;
	lr =	simm.s32 $0x1  }
0x2: {  	[smem:$0x3F91] =	sst lr;
	_ =	strace $0xD0000000  }
0x3: {  	_ = 	snop  }
0x4: {  	_ = 	snop  }
0x5: {  	_ = 	snop  }
0x6: {  	_ = 	snop  }
0x7: {  	_ = 	snop  }
__scs_overlays_trampoline_lowered:
0x8: {  	[smem:$0x3FA0] =	sst s0  }
0x9: {  	[smem:$0x3FA1] =	sst s1  }
0xa: {  	[smem:$0x3FA2] =	sst s2  }
0xb: {  	[smem:$0x3FA3] =	sst s3  }
0xc: {  	[smem:$0x3FA4] =	sst s4  }
0xd: {  	[smem:$0x3FA5] =	sst s5  }
0xe: {  	[smem:$0x3FA6] =	sst s6  }
0xf: {  	[smem:$0x3FA7] =	sst s7  }
0x10: {  	[smem:$0x3FA8] =	sst s8  }
0x11: {  	[smem:$0x3FA9] =	sst s9;
	s0 =	simm.s32 @!p0 $0x0  }
0x12: {  	s1 =	sld [smem:$0x3F8F];
	s0 =	simm.s32 @p0 $0x1  }
0x13: {  	[smem:$0x3FAA] =	sst s0;
	s0 =	simm.s32 @!p1 $0x0  }
0x14: {  	s2 =	sld [smem:$0x3F8E];
	s0 =	simm.s32 @p1 $0x1  }
0x15: {  	[smem:$0x3FAB] =	sst s0;
	s0 =	simm.s32 @!p2 $0x0  }
0x16: {  	s3 =	sld [smem:$0x3FDB];
	s0 =	simm.s32 @p2 $0x1  }
0x17: {  	s4 =	simm.s32 $0x1BF5;
	[smem:$0x3FAD] =	sst s0  }
0x18: {  	s0 =	sld [smem:$0x3F90];
	_ =	swait.ge [sflag:s4], $0x0  }
0x19: {  	s7 =	sld [smem:$0x3F91]  }
0x1a: {  	s8 =	sadd.s32 $0xFFFFE003, lr  }
0x1b: {  	s9 =	sadd.s32 $0xFFFFFEF7, lr;
	s5 =	simm.s32 $0xFFFFFFFF;
	p2 =	slt.u32 s8, $0xFFFFF086  }
0x1c: {  	p1 =	slt.u32 s9, $0xF7A;
	s5 =	simm.s32 @!p2 $0x0  }
0x1d: {  	s5 =	simm.s32 @p1 $0x1;
	p0 =	seq.s32 s7, s2  }
0x1e: {  	s7 =	smul.u32 @!p0 $0xF7A, s2;
	p2 =	seq.s32 @!p0 s5, $0x0  }
0x1f: {  	s9 =	smul.u32 $0xF7A, s1;
	s8 =	simm.s32 @!p0 $0x1BF5;
	p2 =	por !p2, p0  }
0x20: {  	[sflag:s8] =	ssyncset.s32 @!p0 $0xFFFFF086;
	s6 =	sadd.s32 @!p0 s3, s7;
	s7 =	simm.s32 @!p0 $0x108  }
0x21: {  	s3 =	sadd.s32 s3, s9;
	s6 =	sadd.s32 @!p0 $0x88, s6;
	s7 =	simm.s32 @p2 $0x1082  }
0x22: {  	[simem:s7], [sflag:s8] =	dma.local @!p0 [hbm:s6], $0xF7A  }
0x23: {  	s9 =	sor.u32 $0xD0000000, s2;
	s6 =	simm.s32 $0x108;
	_ =	swait.ge @!p0 [sflag:s8], $0x0  }
0x24: {  	s3 =	sadd.s32 $0x88, s3;
	s6 =	simm.s32 @!p1 $0x1082;
	[sflag:s4] =	ssyncset.s32 $0xFFFFF086  }
0x25: {  	[simem:s6], [sflag:s4] =	dma.local [hbm:s3], $0xF7A  }
0x26: {  	[smem:$0x3F91] =	sst s1;
	(tag) =	ssettag s2;
	_ =	strace s9  }
0x27: {  	s1 =	sld [smem:$0x3FA1]  }
0x28: {  	s2 =	sld [smem:$0x3FA2]  }
0x29: {  	s4 =	sld [smem:$0x3FA4]  }
0x2a: {  	p0 =	seq.s32 s5, $0x0;
	s5 =	sld [smem:$0x3FA5]  }
0x2b: {  	s6 =	sld [smem:$0x3FA6]  }
0x2c: {  	s7 =	sld [smem:$0x3FA7]  }
0x2d: {  	s3 =	simm.s32 $0x108;
	s8 =	sld [smem:$0x3FA8]  }
0x2e: {  	s3 =	simm.s32 @!p0 $0x1082;
	s9 =	sld [smem:$0x3FA9]  }
0x2f: {  	lr =	sadd.s32 s0, s3;
	s0 =	sld [smem:$0x3FA0]  }
0x30: {  	s3 =	sld [smem:$0x3FA3]  }
0x31: {  	[smem:$0x3FAC] =	sst s10  }
0x32: {  	s10 =	sld [smem:$0x3FAA];
	_ =	sdelay $0x3  }
0x33: {  	p0 =	seq.s32 s10, $0x1;
	s10 =	sld [smem:$0x3FAC];
	_ =	sdelay $0x3  }
0x34: {  	[smem:$0x3FAC] =	sst s10  }
0x35: {  	s10 =	sld [smem:$0x3FAB];
	_ =	sdelay $0x3  }
0x36: {  	p1 =	seq.s32 s10, $0x1;
	s10 =	sld [smem:$0x3FAC];
	_ =	sdelay $0x3  }
0x37: {  	[smem:$0x3FAC] =	sst s10  }
0x38: {  	s10 =	sld [smem:$0x3FAD]  }
0x39: {  	_ = 	snop;
	(pc) =	sbr.ind lr, $3  }
0x3a: {  	_ = 	snop  }
0x3b: {  	_ = 	snop  }
0x3c: {  	p2 =	seq.s32 s10, $0x1;
	s10 =	sld [smem:$0x3FAC]  }
0x3d: {  	_ =	shalt  }
0x3e: {  	_ =	shalt  }
0x3f: {  	_ =	shalt  }
0x40: {  	_ =	shalt  }
0x41: {  	_ =	shalt  }
0x42: {  	_ =	shalt  }
0x43: {  	_ =	shalt  }
0x44: {  	_ =	shalt  }
0x45: {  	_ =	shalt  }
0x46: {  	_ =	shalt  }
0x47: {  	_ =	shalt  }
0x48: {  	_ =	shalt  }
0x49: {  	_ =	shalt  }
0x4a: {  	_ =	shalt  }
0x4b: {  	_ =	shalt  }
0x4c: {  	_ =	shalt  }
0x4d: {  	_ =	shalt  }
0x4e: {  	_ =	shalt  }
0x4f: {  	_ =	shalt  }
0x50: {  	_ =	shalt  }
0x51: {  	_ =	shalt  }
0x52: {  	_ =	shalt  }
0x53: {  	_ =	shalt  }
0x54: {  	_ =	shalt  }
0x55: {  	_ =	shalt  }
0x56: {  	_ =	shalt  }
0x57: {  	_ =	shalt  }
0x58: {  	_ =	shalt  }
0x59: {  	_ =	shalt  }
0x5a: {  	_ =	shalt  }
0x5b: {  	_ =	shalt  }
0x5c: {  	_ =	shalt  }
0x5d: {  	_ =	shalt  }
0x5e: {  	_ =	shalt  }
0x5f: {  	_ =	shalt  }
0x60: {  	_ =	shalt  }
0x61: {  	_ =	shalt  }
0x62: {  	_ =	shalt  }
0x63: {  	_ =	shalt  }
0x64: {  	_ =	shalt  }
0x65: {  	_ =	shalt  }
0x66: {  	_ =	shalt  }
0x67: {  	_ =	shalt  }
0x68: {  	_ =	shalt  }
0x69: {  	_ =	shalt  }
0x6a: {  	_ =	shalt  }
0x6b: {  	_ =	shalt  }
0x6c: {  	_ =	shalt  }
0x6d: {  	_ =	shalt  }
0x6e: {  	_ =	shalt  }
0x6f: {  	_ =	shalt  }
0x70: {  	_ =	shalt  }
0x71: {  	_ =	shalt  }
0x72: {  	_ =	shalt  }
0x73: {  	_ =	shalt  }
0x74: {  	_ =	shalt  }
0x75: {  	_ =	shalt  }
0x76: {  	_ =	shalt  }
0x77: {  	_ =	shalt  }
0x78: {  	_ =	shalt  }
0x79: {  	_ =	shalt  }
0x7a: {  	_ =	shalt  }
0x7b: {  	_ =	shalt  }
0x7c: {  	_ =	shalt  }
0x7d: {  	_ =	shalt  }
0x7e: {  	_ =	shalt  }
0x7f: {  	_ =	shalt  }
0x80: {  	_ =	shalt  }
0x81: {  	_ =	shalt  }
0x82: {  	_ =	shalt  }
0x83: {  	_ =	shalt  }
0x84: {  	_ =	shalt  }
0x85: {  	_ =	shalt  }
0x86: {  	_ =	shalt  }
0x87: {  	_ =	shalt  }
.Lfunc_end0:
.L_simem_size_0:
called_computation.1_lowered:
.L_overlay_start_0:
0x88: {  	s2 =	sld [smem:$0x3FD9]  }
0x89: {  	s3 =	sld [smem:$0x3FFE];
	_ =	sdelay $0x1  }
0x8a: {  	s1 =	srdreg.scid  }
0x8b: {  	s0 =	sand.u32 $0x1, s1  }
0x8c: {  	s16 =	sshll.u32 s0, $0xA;
	s2 =	sadd.s32 s3, s2  }
0x8d: {  	s2 =	sadd.s32 s2, s16  }
0x8e: {  	[smem:$0x3FB8] =	sst s2  }
0x8f: {  	_ = 	snop  }
0x90: {  	(tm) =	ssettm $0x1  }
0x91: {  	s17 =	sld [smem:$0x3FFB];
	_ =	sdelay $0x3  }
0x92: {  	_ =	strace s17  }
0x93: {  	s2 =	sld [smem:$0x3FFC];
	_ =	sdelay $0x3  }
0x94: {  	_ =	strace s2  }
0x95: {  	s2 =	sld [smem:$0x3FFD];
	_ =	sdelay $0x3  }
0x96: {  	_ =	strace s2  }
0x97: {  	_ =	strace $0x8FFFFFFF  }
0x98: {  	s18 =	sld [smem:$0x3FDB];
	_ =	sdelay $0x1  }
0x99: {  	s19 =	simm.s32 $_scs_section_size  }
0x9a: {  	s4 =	simm.s32 $_size__tile_overlayer_lowered;
	s5 =	simm.s32 $_tile_overlayer_lowered  }
0x9b: {  	s22 =	simm.s32 $0x1BFF;
	s21 =	sshll.u32 s5, $0x1;
	s2 =	sadd.s32 s19, s18  }
0x9c: {  	s6 =	simm.s32 $0x0;
	s20 =	sshll.u32 s4, $0x1;
	s4 =	sadd.s32 s21, s2  }
0x9d: {  	[timem:s6], [sflag:s22] =	dma.local [hbm:s4], s20  }
0x9e: {  	_ =	swait.ge [sflag:s22], s20  }
0x9f: {  	s3 =	ssub.s32 $0x0, s20;
	[sflag:s22] =	ssyncset.done $0x0  }
0xa0: {  	[sflag:s22] =	ssyncadd.s32 s3;
	_ =	sdelay $0x1  }
0xa1: {  	s23 =	simm.s32 $0x1B8B  }
0xa2: {  	_ =	swait.ge [sflag:s23], $0x1  }
0xa3: {  	[sflag:s23] =	ssyncset.done $0x0  }
0xa4: {  	s25 =	simm.s32 $0x1B8E;
	s24 =	sld [smem:$0x3FFE];
	[sflag:s23] =	ssyncadd.s32 $0xFFFFFFFF  }
0xa5: {  	s26 =	simm.s32 $execute0_lowered;
	[smem:$0x3FD2] =	sst s25  }
0xa6: {  	s4 =	sshll.u32 s26, $0x1;
	_ =	strace $0x8000004C;
	[dreg:$0x1] =	wrdreg $0xFFFFFFFF  }
0xa7: {  	s28 =	simm.s32 $_size_execute0_lowered;
	s2 =	sadd.s32 s2, s4;
	[dreg:$0x0] =	wrdreg $0x0  }
0xa8: {  	s4 =	sshll.u32 s28, $0x1;
	[dreg:$0x2] =	wrdreg s2  }
0xa9: {  	[dreg:$0x3] =	wrdreg s4  }
0xaa: {  	[dreg:$0x4] =	wrdreg $0xC0  }
0xab: {  	_ =	task [dreg:s6], $0x5FFFF  }
0xac: {  	[dreg:$0x1] =	wrdreg $0xFFFFFFFF  }
0xad: {  	[dreg:$0x0] =	wrdreg $0x60  }
0xae: {  	[dreg:$0x2] =	wrdreg s24  }
0xaf: {  	[dreg:$0x3] =	wrdreg $0x190A00  }
0xb0: {  	[dreg:$0x4] =	wrdreg $0x9  }
0xb1: {  	_ =	task.clear_ibuf [dreg:s6], $0x5FFFF;
	_ =	strace $0x9000004C  }
0xb2: {  	s29 =	simm.s32 $0x9;
	_ =	strace $0x8000004E  }
0xb3: {  	_ =	swait.ge [sflag:s29], $0x1  }
0xb4: {  	[sflag:s29] =	ssyncadd.s32 $0xFFFFFFFF  }
0xb5: {  	_ =	strace $0x9000004E  }
0xb6: {  	_ =	sfence  }
0xb7: {  	s30 =	sld [smem:$0x0];
	_ =	sdelay $0x2  }
0xb8: {  	s31 =	sshll.u32 s1, $0xD;
	s1 =	sshrl.u32 s1, $0x2  }
0xb9: {  	s3 =	sand.u32 $0x4000, s31;
	s1 =	sadd.s32 s1, s30  }
0xba: {  	s0 =	sor.u32 s3, s0;
	s1 =	sshll.u32 s1, $0x11  }
0xbb: {  	s0 =	sor.u32 s1, s0  }
0xbc: {  	s0 =	sadd.s32 $0x8F2B, s0  }
0xbd: {  	[sflag:s0] =	ssyncadd.remote.s32 $0x1  }
0xbe: {  	_ =	sfence.sel $0xFFFF  }
0xbf: {  	[dreg:$0x0] =	wrdreg $0xFFFFFFFF;
	(pc) =	sbr.abs _section_cstart, $3  }
0xc0: {  	[dreg:$0x1] =	wrdreg $0xFFFFFFFF  }
0xc1: {  	_ =	task.clear_ibuf [dreg:s6], $0x2FFFF;
	_ =	strace $0x9FFFFFFF  }
0xc2: {  	(tm) =	ssettm $0x7FFFFFFF  }
0xc3: {  	_ =	shalt  }
tec
execute0_lowered:
.L_overlay_start_1:
0x0: {  	(tag) =	ssettag $0x1  }
0x1: {  	s0 =	rddreg [dreg:$0x0]  }
0x2: {  	s1 =	rddreg [dreg:$0x1];
	s2 =	simm.s32 $0x0;
	s6 =	srdreg.scid  }
0x3: {  	s8 =	stileid.u32;
	s16 =	simm.s32 $0x2FA0;
	s17 =	simm.s32 $0x2  }
0x4: {  	s18 =	simm.s32 $0x7D0;
	s19 =	simm.s32 $0x52A0;
	s20 =	simm.s32 $0xF1A0  }
0x5: {  	s21 =	simm.s32 $0x100;
	s22 =	simm.s32 $0xFA0;
	s23 =	simm.s32 $0x1  }
0x6: {  	[smem:$0x7FF] =	sst s2;
	s3 =	sadd.s32 $0x16800, s0;
	s4 =	sadd.s32 $0x2E00, s0  }
0x7: {  	s5 =	sadd.s32 $0x1051800, s0;
	s9 =	sand.u32 $0x1, s6;
	s10 =	smul.u32 $0x1A400, s8  }
0x8: {  	s6 =	sadd.s32 $0x2A200, s0;
	s7 =	sadd.s32 $0x118A000, s0;
	s31 =	smul.u32 $0x348, s8  }
0x9: {  	s13 =	sadd.s32 $0x69000, s1;
	s14 =	smul.u32 $0x9C40, s8;
	p0 =	sne.s32 s8, $0x0  }
.Ltmp0:
0xa: {  	s8 =	simm.s32 $0x0;
	s29 =	ssub.s32 $0x2, s9;
	(pc) =	sbr.rel .LBB2_1-.Ltmp0, $4  }
0xb: {  	_ =	strace $0x8000004D;
	s9 =	smul.u32 $0xC, s9;
	s11 =	sshrl.u32 s29, $0x1  }
0xc: {  	s30 =	sshrl.u32 s10, $0x2;
	[dreg:$0x4] =	wrdreg s31;
	s0 =	ssub.s32 s29, s11  }
0xd: {  	[dreg:$0x3] =	wrdreg s9;
	s10 =	sadd.s32 s30, s1;
	s0 =	smax.u32 s0, $0x1  }
0xe: {  	v0 =	vimm.f32 $0.0e+00;
	v1 =	vimm.s32 $0x0;
	v2 =	vlaneseq.u32;
	s11 =	sadd.s32 $0x2300, s10;
	s12 =	sadd.s32 $0x4600, s10;
	[dreg:$0x5] =	wrdreg s0  }
.LBB2_13:
0xf: {  	s8 =	rddreg [dreg:$0x6]  }
0x10: {  	s0 =	rddreg [dreg:$0x5];
	s8 =	sadd.s32 $0x1, s8  }
0x11: {  	p1 =	sne.s32 s8, s0  }
.Ltmp1:
0x12: {  	_ = 	snop;
	(pc) =	sbr.rel @!p1 .LBB2_14-.Ltmp1, $1  }
0x13: {  	_ =	sdelay $0x3  }
.LBB2_1:
.Ltmp2:
0x14: {  	(pc) =	sbr.rel .LBB2_2-.Ltmp2, $2  }
0x15: {  	_ =	sdelay $0x2  }
0x16: {  	[dreg:$0x6] =	wrdreg s8;
	s25 =	simm.s32 $0x0  }
.LBB2_11:
0x17: {  	[sflag:s17] =	ssyncadd.s32 $0xFFFFE000  }
.LBB2_12:
0x18: {  	[bflag:$0x0] =	sbarrier.arrive $0xFFFF  }
0x19: {  	[tilespmem:s16], [sflag:$0x2] =	stream.linear.gather [spmem:s10], $0x2300, $0x38;
	[tilespmem:$0x1F9E0] =	vst v63  }
0x1a: {  	_ =	swait.ge [sflag:s17], $0x2300  }
0x1b: {  	[sflag:s17] =	ssyncset.done $0x0  }
0x1c: {  	s0 =	sadd.s32 s7, s26;
	[sflag:s17] =	ssyncadd.s32 $0xFFFFDD00  }
0x1d: {  	[hbm4b:s0+s2] =	stream.linear.scatter [tilespmem:s16], [sflag:$0x2], $0x2300, $0x38;
	[tilespmem:$0x1F9E0] =	vst v63  }
0x1e: {  	_ =	swait.ge [sflag:s17], $0x2300  }
0x1f: {  	[sflag:s17] =	ssyncset.done $0x0  }
0x20: {  	[sflag:s17] =	ssyncadd.s32 $0xFFFFDD00  }
0x21: {  	[tilespmem:s16], [sflag:$0x2] =	stream.linear.gather [spmem:s11], $0x2300, $0x38;
	[tilespmem:$0x1F9E0] =	vst v63  }
0x22: {  	_ =	swait.ge [sflag:s17], $0x2300  }
0x23: {  	[sflag:s17] =	ssyncset.done $0x0  }
0x24: {  	s30 =	sadd.s32 s7, s28;
	[sflag:s17] =	ssyncadd.s32 $0xFFFFDD00  }
0x25: {  	[hbm4b:s30+s2] =	stream.linear.scatter [tilespmem:s16], [sflag:$0x2], $0x2300, $0x38;
	[tilespmem:$0x1F9E0] =	vst v63  }
0x26: {  	_ =	swait.ge [sflag:s17], $0x2300  }
0x27: {  	[sflag:s17] =	ssyncset.done $0x0  }
0x28: {  	[sflag:s17] =	ssyncadd.s32 $0xFFFFDD00  }
0x29: {  	[tilespmem:s16], [sflag:$0x2] =	stream.linear.gather [spmem:s12], $0x2300, $0x38;
	[tilespmem:$0x1F9E0] =	vst v63  }
0x2a: {  	s25 =	sadd.s32 $0x1, s25;
	_ =	swait.ge [sflag:s17], $0x2300  }
0x2b: {  	p1 =	sne.s32 s25, $0xC;
	[sflag:s17] =	ssyncset.done $0x0  }
.Ltmp3:
0x2c: {  	s31 =	sadd.s32 s7, s29;
	[sflag:s17] =	ssyncadd.s32 $0xFFFFDD00;
	(pc) =	sbr.rel @!p1 .LBB2_13-.Ltmp3, $4  }
0x2d: {  	[hbm4b:s31+s2] =	stream.linear.scatter [tilespmem:s16], [sflag:$0x2], $0x2300, $0x38;
	[tilespmem:$0x1F9E0] =	vst v63  }
0x2e: {  	_ =	swait.ge [sflag:s17], $0x2300  }
0x2f: {  	[sflag:s17] =	ssyncset.done $0x0  }
0x30: {  	[sflag:s17] =	ssyncadd.s32 $0xFFFFDD00  }
.LBB2_2:
0x31: {  	[bflag:$0x0] =	sbarrier.arrive $0xFFFF  }
0x32: {  	[tilespmem:$0xFA0] =	vst v0  }
0x33: {  	[tilespmem:$0xFB0] =	vst v0  }
0x34: {  	[tilespmem:$0xFC0] =	vst v0  }
0x35: {  	[tilespmem:$0xFD0] =	vst v0  }
0x36: {  	[tilespmem:$0xFE0] =	vst v0  }
0x37: {  	[tilespmem:$0xFF0] =	vst v0  }
0x38: {  	[tilespmem:$0x1000] =	vst v0  }
0x39: {  	[tilespmem:$0x1010] =	vst v0  }
0x3a: {  	[tilespmem:$0x1020] =	vst v0  }
0x3b: {  	[tilespmem:$0x1030] =	vst v0  }
0x3c: {  	[tilespmem:$0x1040] =	vst v0  }
0x3d: {  	[tilespmem:$0x1050] =	vst v0  }
0x3e: {  	[tilespmem:$0x1060] =	vst v0  }
0x3f: {  	[tilespmem:$0x1070] =	vst v0  }
0x40: {  	[tilespmem:$0x1080] =	vst v0  }
0x41: {  	[tilespmem:$0x1090] =	vst v0  }
0x42: {  	[tilespmem:$0x10A0] =	vst v0  }
0x43: {  	[tilespmem:$0x10B0] =	vst v0  }
0x44: {  	[tilespmem:$0x10C0] =	vst v0  }
0x45: {  	[tilespmem:$0x10D0] =	vst v0  }
0x46: {  	[tilespmem:$0x10E0] =	vst v0  }
0x47: {  	[tilespmem:$0x10F0] =	vst v0  }
0x48: {  	[tilespmem:$0x1100] =	vst v0  }
0x49: {  	[tilespmem:$0x1110] =	vst v0  }
0x4a: {  	[tilespmem:$0x1120] =	vst v0  }
0x4b: {  	[tilespmem:$0x1130] =	vst v0  }
0x4c: {  	[tilespmem:$0x1140] =	vst v0  }
0x4d: {  	[tilespmem:$0x1150] =	vst v0  }
0x4e: {  	[tilespmem:$0x1160] =	vst v0  }
0x4f: {  	[tilespmem:$0x1170] =	vst v0  }
0x50: {  	[tilespmem:$0x1180] =	vst v0  }
0x51: {  	[tilespmem:$0x1190] =	vst v0  }
0x52: {  	[tilespmem:$0x11A0] =	vst v0  }
0x53: {  	[tilespmem:$0x11B0] =	vst v0  }
0x54: {  	[tilespmem:$0x11C0] =	vst v0  }
0x55: {  	[tilespmem:$0x11D0] =	vst v0  }
0x56: {  	[tilespmem:$0x11E0] =	vst v0  }
0x57: {  	[tilespmem:$0x11F0] =	vst v0  }
0x58: {  	[tilespmem:$0x1200] =	vst v0  }
0x59: {  	[tilespmem:$0x1210] =	vst v0  }
0x5a: {  	[tilespmem:$0x1220] =	vst v0  }
0x5b: {  	[tilespmem:$0x1230] =	vst v0  }
0x5c: {  	[tilespmem:$0x1240] =	vst v0  }
0x5d: {  	[tilespmem:$0x1250] =	vst v0  }
0x5e: {  	[tilespmem:$0x1260] =	vst v0  }
0x5f: {  	[tilespmem:$0x1270] =	vst v0  }
0x60: {  	[tilespmem:$0x1280] =	vst v0  }
0x61: {  	[tilespmem:$0x1290] =	vst v0  }
0x62: {  	[tilespmem:$0x12A0] =	vst v0  }
0x63: {  	[tilespmem:$0x12B0] =	vst v0  }
0x64: {  	[tilespmem:$0x12C0] =	vst v0  }
0x65: {  	[tilespmem:$0x12D0] =	vst v0  }
0x66: {  	[tilespmem:$0x12E0] =	vst v0  }
0x67: {  	[tilespmem:$0x12F0] =	vst v0  }
0x68: {  	[tilespmem:$0x1300] =	vst v0  }
0x69: {  	[tilespmem:$0x1310] =	vst v0  }
0x6a: {  	[tilespmem:$0x1320] =	vst v0  }
0x6b: {  	[tilespmem:$0x1330] =	vst v0;
	s0 =	rddreg [dreg:$0x3]  }
0x6c: {  	[tilespmem:$0x1340] =	vst v0;
	s0 =	sadd.s32 s0, s25  }
0x6d: {  	[tilespmem:$0x1350] =	vst v0;
	s0 =	smul.u32 $0x3480, s0  }
0x6e: {  	[tilespmem:$0x1360] =	vst v0;
	s8 =	rddreg [dreg:$0x4]  }
0x6f: {  	[tilespmem:$0x1370] =	vst v0;
	s8 =	sadd.s32 s8, s0  }
0x70: {  	[tilespmem:$0x1380] =	vst v0;
	s26 =	sshll.u32 s8, $0x2  }
0x71: {  	[tilespmem:$0x1390] =	vst v0;
	s8 =	sadd.s32 s6, s26  }
0x72: {  	[tilespmem:s16], [sflag:$0x2] =	stream.linear.gather [hbm4b:s8+s2], $0x2300, $0x38;
	[tilespmem:$0x1F9E0] =	vst v63  }
0x73: {  	_ =	swait.ge [sflag:s17], $0x2300  }
0x74: {  	[sflag:s17] =	ssyncset.done $0x0  }
0x75: {  	[sflag:s17] =	ssyncadd.s32 $0xFFFFDD00  }
0x76: {  	[spmem:s10] =	stream.linear.scatter [tilespmem:s16], [sflag:$0x2], $0x2300, $0x38;
	[tilespmem:$0x1F9E0] =	vst v63  }
0x77: {  	_ =	swait.ge [sflag:s17], $0x2300  }
0x78: {  	s28 =	sadd.s32 $0x460, s26;
	[sflag:s17] =	ssyncset.done $0x0  }
0x79: {  	s24 =	sadd.s32 s6, s28;
	[sflag:s17] =	ssyncadd.s32 $0xFFFFDD00  }
0x7a: {  	[tilespmem:s16], [sflag:$0x2] =	stream.linear.gather [hbm4b:s24+s2], $0x2300, $0x38;
	[tilespmem:$0x1F9E0] =	vst v63  }
0x7b: {  	_ =	swait.ge [sflag:s17], $0x2300  }
0x7c: {  	[sflag:s17] =	ssyncset.done $0x0  }
0x7d: {  	[sflag:s17] =	ssyncadd.s32 $0xFFFFDD00  }
0x7e: {  	[spmem:s11] =	stream.linear.scatter [tilespmem:s16], [sflag:$0x2], $0x2300, $0x38;
	[tilespmem:$0x1F9E0] =	vst v63  }
0x7f: {  	_ =	swait.ge [sflag:s17], $0x2300  }
0x80: {  	s29 =	sadd.s32 $0x8C0, s26;
	[sflag:s17] =	ssyncset.done $0x0  }
0x81: {  	s31 =	sadd.s32 s6, s29;
	[sflag:s17] =	ssyncadd.s32 $0xFFFFDD00  }
0x82: {  	[tilespmem:s16], [sflag:$0x2] =	stream.linear.gather [hbm4b:s31+s2], $0x2300, $0x38;
	[tilespmem:$0x1F9E0] =	vst v63  }
0x83: {  	_ =	swait.ge [sflag:s17], $0x2300  }
0x84: {  	[sflag:s17] =	ssyncset.done $0x0  }
0x85: {  	[sflag:s17] =	ssyncadd.s32 $0xFFFFDD00  }
0x86: {  	[spmem:s12] =	stream.linear.scatter [tilespmem:s16], [sflag:$0x2], $0x2300, $0x38;
	[tilespmem:$0x1F9E0] =	vst v63  }
0x87: {  	_ =	swait.ge [sflag:s17], $0x2300  }
0x88: {  	[sflag:s17] =	ssyncset.done $0x0  }
0x89: {  	s8 =	simm.s32 @!p0 $0xFA0;
	[sflag:s17] =	ssyncadd.s32 $0xFFFFDD00  }
0x8a: {  	[spmem:s13] =	stream.linear.scatter @!p0 [tilespmem:s8], [sflag:$0x2], $0x400, $0x38;
	[tilespmem:$0x1F9E0] =	vst v63  }
0x8b: {  	s8 =	simm.s32 @!p0 $0x2  }
0x8c: {  	_ =	swait.ge @!p0 [sflag:s8], $0x400  }
0x8d: {  	[sflag:s8] =	ssyncset.done @!p0 $0x0  }
0x8e: {  	[sflag:s8] =	ssyncadd.s32 @!p0 $0xFFFFFC00  }
0x8f: {  	s30 =	simm.s32 $0x0;
	v10 =	vimm.s32 $0x0;
	v3 =	vmov s0;
	[bflag:$0x0] =	sbarrier.arrive $0xFFFF  }
.LBB2_3:
0x90: {  	s0 =	smul.u32 $0x7D0, s30;
	_ =	sdelay $0x1  }
0x91: {  	s0 =	sadd.s32 s14, s0  }
0x92: {  	s0 =	sshrl.u32 s0, $0x3  }
0x93: {  	s8 =	sadd.s32 s4, s0  }
0x94: {  	[tilespmem:s18], [sflag:$0x2] =	stream.linear.gather [hbm4b:s8+s2], $0x7D0, $0x38;
	[tilespmem:$0x1F9E0] =	vst v63  }
0x95: {  	_ =	swait.ge [sflag:s17], $0x7D0  }
0x96: {  	[sflag:s17] =	ssyncset.done $0x0  }
0x97: {  	s0 =	sadd.s32 s3, s0;
	[sflag:s17] =	ssyncadd.s32 $0xFFFFF830  }
0x98: {  	[tilespmem:s2], [sflag:$0x2] =	stream.linear.gather [hbm4b:s0+s2], $0x7D0, $0x38;
	[tilespmem:$0x1F9E0] =	vst v63  }
0x99: {  	_ =	swait.ge [sflag:s17], $0x7D0  }
0x9a: {  	[sflag:s17] =	ssyncset.done $0x0  }
0x9b: {  	s24 =	simm.s32 $0x810;
	[sflag:s17] =	ssyncadd.s32 $0xFFFFF830  }
0x9c: {  	v4 =	vld [tilespmem:s24+$0xFFFFFFD0]  }
0x9d: {  	v6 =	vld [tilespmem:s24+$0xFFFFFFE0];
	_ =	sdelay $0x1  }
0x9e: {  	v7 =	vld [tilespmem:s24+$0xFFFFFFF0]  }
0x9f: {  	v9 =	vld [tilespmem:s24+$0xFFFFFFC0]  }
0xa0: {  	v5 =	vld [tilespmem:s24+$0x20];
	v14 =	vsub.s32 v4, v3  }
0xa1: {  	v8 =	vld [tilespmem:s24+$0x10];
	v15 =	vsub.s32 v6, v3;
	vm4 =	vlt.u32 v14, $0x3480  }
0xa2: {  	v4 =	vld [tilespmem:s24+$0x0];
	vm6 =	vlt.u32 v15, $0x3480;
	v6 =	vsel vm4, $0x1, v1  }
0xa3: {  	(xrf0) =	vadd.scan.msk.s32 $0xffff, v6;
	v6 =	vsel vm6, $0x1, v1  }
0xa4: {  	v17 =	vsub.s32 v7, v3;
	v7 =	vld [tilespmem:s24+$0x30];
	(xrf0) =	vadd.scan.msk.s32 $0xffff, v6;
	v6 =	vsub.s32 v9, v3  }
0xa5: {  	vm1 =	vlt.u32 v6, $0x3480  }
0xa6: {  	v5 =	vsub.s32 v5, v3;
	vm5 =	vlt.u32 v17, $0x3480;
	v13 =	vmpcnt.ones.xlane vm1  }
0xa7: {  	v8 =	vsub.s32 v8, v3;
	v12 =	vsel vm5, $0x1, v1;
	v11 =	vsub.s32 v4, v3  }
0xa8: {  	(xrf0) =	vadd.scan.msk.s32 $0xffff, v12;
	v4 =	vsel vm1, $0x1, v1;
	vm3 =	vlt.u32 v11, $0x3480;
	v13 =	vadd.s32 v10, v13  }
0xa9: {  	s31 =	simm.s32 $0x40;
	v16 =	vmpcnt.ones.xlane vm4;
	v7 =	vsub.s32 v7, v3;
	(xrf0) =	vadd.scan.msk.s32 $0xffff, v4;
	v18 =	vsel vm3, $0x1, v1;
	v19, _, _ =	vpop (xrf0)  }
0xaa: {  	v22 =	vld [tilespmem:s31+$0xFFFFFFD0];
	vm7 =	vlt.u32 v5, $0x3480;
	vm8 =	vlt.u32 v7, $0x3480;
	(xrf0) =	vadd.scan.msk.s32 $0xffff, v18;
	v19 =	vadd.s32 v19, v13  }
0xab: {  	v28 =	vld [tilespmem:s31+$0xFFFFFFF0];
	v16 =	vadd.s32 v13, v16;
	v18 =	vsel vm7, $0x1, v1;
	v13, _, _ =	vpop (xrf0);
	v19 =	vadd.s32 $0xFFFFFFFF, v19  }
0xac: {  	s15 =	simm.s32 $0x890;
	v20 =	vmpcnt.ones.xlane vm6;
	v9 =	vld [tilespmem:s31+$0x10];
	v21 =	vsel vm8, $0x1, v1;
	v23 =	vadd.s32 v13, v16  }
0xad: {  	s24 =	simm.s32 $0xC0;
	vm0 =	vlt.u32 v8, $0x3480;
	v12 =	vld [tilespmem:s15+$0x20];
	(xrf0) =	vadd.scan.msk.s32 $0xffff, v21  }
0xae: {  	v24 =	vsel vm0, $0x1, v1;
	v4 =	vld [tilespmem:s24+$0x10];
	v21 =	vmpcnt.ones.xlane vm5;
	(xrf0) =	vadd.scan.msk.s32 $0xffff, v18;
	v16 =	vadd.s32 v16, v20;
	v18, _, _ =	vpop (xrf0)  }
0xaf: {  	v20 =	vld [tilespmem:s31+$0xFFFFFFE0];
	v26 =	vadd.s32 $0xFFFFFFFF, v23;
	(xrf0) =	vadd.scan.msk.s32 $0xffff, v24;
	v18 =	vadd.s32 v18, v16;
	v23, _, _ =	vpop (xrf0)  }
0xb0: {  	v13 =	vld [tilespmem:s31+$0x20];
	v21 =	vadd.s32 v16, v21;
	v27 =	vadd.s32 $0xFFFFFFFF, v18;
	[tilespmem:v19+s19+$0x0] =	vst.idx.msk vm4, v22;
	v22, _, _ =	vpop (xrf0)  }
0xb1: {  	v16 =	vld [tilespmem:s31+$0xFFFFFFC0];
	v10 =	vadd.s32 v23, v10;
	v23 =	vmpcnt.ones.xlane vm3;
	[tilespmem:v19+s20+$0x0] =	vst.idx.msk vm4, v14;
	v19 =	vadd.s32 v22, v21  }
0xb2: {  	v25 =	vmpcnt.ones.xlane vm7;
	vm2 =	vmmov vm1;
	v24 =	vmpcnt.ones.xlane vm0;
	v18 =	vld [tilespmem:s31+$0x0]  }
0xb3: {  	vm1 =	vmmov vm7;
	v10 =	vadd.s32 $0xFFFFFFFF, v10;
	v14 =	vadd.s32 v21, v23;
	v23 =	vld [tilespmem:s15+$0xFFFFFFD0];
	v21, _, _ =	vpop (xrf0)  }
0xb4: {  	vm4 =	vmmov vm8;
	[tilespmem:v26+s19+$0x0] =	vst.idx.msk vm6, v20;
	v20 =	vadd.s32 $0xFFFFFFFF, v19;
	v22 =	vadd.s32 v14, v24;
	v24 =	vld [tilespmem:s15+$0xFFFFFFE0];
	v19, _, _ =	vpop (xrf0)  }
0xb5: {  	v30 =	vmpcnt.ones.xlane vm4;
	[tilespmem:v26+s20+$0x0] =	vst.idx.msk vm6, v15;
	v29 =	vadd.s32 v22, v25;
	v25 =	vld [tilespmem:s15+$0xFFFFFFF0];
	v15 =	vadd.s32 v19, v22;
	v19, _, _ =	vpop (xrf0)  }
0xb6: {  	[tilespmem:v27+s19+$0x0] =	vst.idx.msk vm5, v28;
	v26 =	vadd.s32 v21, v29;
	v21 =	vld [tilespmem:s15+$0x0];
	v19 =	vadd.s32 v19, v14;
	v15 =	vadd.s32 $0xFFFFFFFF, v15  }
0xb7: {  	s9 =	simm.s32 $0x890;
	s8 =	simm.s32 $0x8;
	s0 =	simm.s32 $0xC0;
	[tilespmem:v27+s20+$0x0] =	vst.idx.msk vm5, v17;
	v22 =	vld [tilespmem:s15+$0x10];
	v14 =	vadd.s32 v29, v30;
	v17 =	vadd.s32 $0xFFFFFFFF, v26;
	v19 =	vadd.s32 $0xFFFFFFFF, v19  }
.LBB2_4:
0xb8: {  	s8 =	sadd.s32 $0x8, s8;
	v26 =	vld [tilespmem:s15+$0xFFFFFFC0];
	v23 =	vsub.s32 v23, v3;
	s9 =	sadd.s32 $0x80, s9  }
0xb9: {  	p1 =	slt.u32 s8, $0x70;
	vm7 =	vlt.u32 v23, $0x3480;
	v27 =	vsub.s32 v24, v3;
	v24 =	vsub.s32 v12, v3;
	v12 =	vld [tilespmem:s9+$0x20];
	[tilespmem:v20+s19+$0x0] =	vst.idx.msk vm3, v18  }
0xba: {  	s24 =	sadd.s32 $0x80, s24;
	v18 =	vsel vm7, $0x1, v1;
	vm6 =	vlt.u32 v27, $0x3480;
	v28 =	vsub.s32 v25, v3;
	v25 =	vld [tilespmem:s15+$0x30];
	[tilespmem:v20+s20+$0x0] =	vst.idx.msk vm3, v11;
	s15 =	smov.u32 s9  }
0xbb: {  	v20 =	vld [tilespmem:s24+$0x10];
	v29 =	vsel vm6, $0x1, v1;
	vm5 =	vlt.u32 v28, $0x3480;
	(xrf0) =	vadd.scan.msk.s32 $0xffff, v18;
	[tilespmem:v10+s19+$0x0] =	vst.idx.msk vm2, v16  }
0xbc: {  	v11 =	vsub.s32 v21, v3;
	v16 =	vsel vm5, $0x1, v1;
	v18 =	vmpcnt.ones.xlane vm5;
	(xrf0) =	vadd.scan.msk.s32 $0xffff, v29;
	v21 =	vld [tilespmem:s31+$0x30];
	s31 =	smov.u32 s0;
	s0 =	smov.u32 s24  }
0xbd: {  	v22 =	vsub.s32 v22, v3;
	v26 =	vsub.s32 v26, v3;
	(xrf0) =	vadd.scan.msk.s32 $0xffff, v16;
	[tilespmem:v19+s19+$0x0] =	vst.idx.msk vm0, v9  }
0xbe: {  	vm9 =	vlt.u32 v24, $0x3480;
	v9 =	vmovc v4;
	vm8 =	vlt.u32 v26, $0x3480;
	[tilespmem:v19+s20+$0x0] =	vst.idx.msk vm0, v8;
	vm0 =	vlt.u32 v22, $0x3480;
	v8 =	vmovc v22  }
0xbf: {  	v22 =	vsel vm8, $0x1, v1;
	v16 =	vmpcnt.ones.xlane vm8;
	v19 =	vsub.s32 v25, v3;
	[tilespmem:v15+s19+$0x0] =	vst.idx.msk vm1, v13  }
0xc0: {  	vm3 =	vlt.u32 v11, $0x3480;
	v13 =	vmpcnt.ones.xlane vm7;
	vm10 =	vlt.u32 v19, $0x3480;
	(xrf0) =	vadd.scan.msk.s32 $0xffff, v22;
	v4 =	vmovc v20  }
0xc1: {  	v20 =	vmpcnt.ones.xlane vm6;
	v22 =	vsel vm3, $0x1, v1;
	v16 =	vadd.s32 v14, v16;
	v25, _, _ =	vpop (xrf0);
	[tilespmem:v17+s19+$0x0] =	vst.idx.msk vm4, v21  }
0xc2: {  	v21 =	vadd.s32 v25, v16;
	v13 =	vadd.s32 v16, v13;
	v16 =	vsel vm9, $0x1, v1;
	v25, _, _ =	vpop (xrf0);
	[tilespmem:v17+s20+$0x0] =	vst.idx.msk vm4, v7  }
0xc3: {  	v17 =	vld [tilespmem:s31+$0xFFFFFFD0];
	v21 =	vadd.s32 $0xFFFFFFFF, v21;
	v31 =	vadd.s32 v13, v20;
	v20 =	vsel vm10, $0x1, v1;
	v29, _, _ =	vpop (xrf0);
	(xrf0) =	vadd.scan.msk.s32 $0xffff, v22  }
0xc4: {  	v30 =	vmpcnt.ones.xlane vm0;
	v7 =	vmovc v19;
	v22 =	vadd.s32 v29, v31;
	v29 =	vadd.s32 v31, v18;
	(xrf0) =	vadd.scan.msk.s32 $0xffff, v20  }
0xc5: {  	v32 =	vadd.s32 v25, v13;
	v20 =	vsel vm0, $0x1, v1;
	v19 =	vadd.s32 $0xFFFFFFFF, v22;
	v13 =	vld [tilespmem:s31+$0x20];
	(xrf0) =	vadd.scan.msk.s32 $0xffff, v16  }
0xc6: {  	v25 =	vmpcnt.ones.xlane vm9;
	v31 =	vadd.s32 $0xFFFFFFFF, v32;
	v22 =	vld [tilespmem:s31+$0xFFFFFFE0];
	v18, _, _ =	vpop (xrf0);
	(xrf0) =	vadd.scan.msk.s32 $0xffff, v20;
	[tilespmem:v10+s20+$0x0] =	vst.idx.msk vm2, v6  }
0xc7: {  	v6 =	vmovc v26;
	v16 =	vld [tilespmem:s31+$0xFFFFFFC0];
	v10 =	vadd.s32 v18, v14;
	v14 =	vmpcnt.ones.xlane vm3;
	[tilespmem:v15+s20+$0x0] =	vst.idx.msk vm1, v5;
	v5 =	vmov v24  }
0xc8: {  	vm2 =	vmmov vm8;
	vm1 =	vmmov vm9;
	v10 =	vadd.s32 $0xFFFFFFFF, v10;
	[tilespmem:v21+s19+$0x0] =	vst.idx.msk vm7, v17;
	v15 =	vld [tilespmem:s31+$0xFFFFFFF0]  }
0xc9: {  	vm4 =	vmmov vm10;
	[tilespmem:v21+s20+$0x0] =	vst.idx.msk vm7, v23;
	v18 =	vld [tilespmem:s31+$0x0];
	v14 =	vadd.s32 v29, v14;
	v17, _, _ =	vpop (xrf0)  }
.Ltmp4:
0xca: {  	v23 =	vld [tilespmem:s9+$0xFFFFFFD0];
	v17 =	vadd.s32 v17, v29;
	v21 =	vadd.s32 v14, v30;
	v26, _, _ =	vpop (xrf0);
	(pc) =	sbr.rel @p1 .LBB2_4-.Ltmp4, $4  }
0xcb: {  	v24 =	vld [tilespmem:s9+$0xFFFFFFE0];
	[tilespmem:v31+s19+$0x0] =	vst.idx.msk vm6, v22;
	v20 =	vadd.s32 $0xFFFFFFFF, v17;
	v17 =	vadd.s32 v21, v25;
	v22 =	vmpcnt.ones.xlane vm4;
	v29, _, _ =	vpop (xrf0)  }
0xcc: {  	v25 =	vld [tilespmem:s9+$0xFFFFFFF0];
	[tilespmem:v31+s20+$0x0] =	vst.idx.msk vm6, v27;
	v27 =	vadd.s32 v29, v21;
	v26 =	vadd.s32 v26, v17;
	v29, _, _ =	vpop (xrf0)  }
0xcd: {  	v21 =	vld [tilespmem:s9+$0x0];
	[tilespmem:v19+s19+$0x0] =	vst.idx.msk vm5, v15;
	v29 =	vadd.s32 v29, v14;
	v15 =	vadd.s32 $0xFFFFFFFF, v27;
	v14 =	vadd.s32 v17, v22  }
0xce: {  	v17 =	vadd.s32 $0xFFFFFFFF, v26;
	v22 =	vld [tilespmem:s9+$0x10];
	[tilespmem:v19+s20+$0x0] =	vst.idx.msk vm5, v28;
	v19 =	vadd.s32 $0xFFFFFFFF, v29  }
0xcf: {  	_ =	sdelay $0x3  }
0xd0: {  	v26 =	vld [tilespmem:s15+$0xFFFFFFC0];
	v23 =	vsub.s32 v23, v3  }
0xd1: {  	[tilespmem:v20+s19+$0x0] =	vst.idx.msk vm3, v18;
	vm7 =	vlt.u32 v23, $0x3480  }
0xd2: {  	[tilespmem:v10+s19+$0x0] =	vst.idx.msk vm2, v16;
	v24 =	vsub.s32 v24, v3;
	v37 =	vsel vm7, $0x1, v1  }
0xd3: {  	v12 =	vsub.s32 v12, v3;
	v27 =	vld [tilespmem:s15+$0x30];
	[tilespmem:v19+s19+$0x0] =	vst.idx.msk vm0, v9;
	vm6 =	vlt.u32 v24, $0x3480;
	(xrf0) =	vadd.scan.msk.s32 $0xffff, v37  }
0xd4: {  	[tilespmem:v20+s20+$0x0] =	vst.idx.msk vm3, v11;
	vm8 =	vlt.u32 v12, $0x3480;
	v25 =	vsub.s32 v25, v3;
	v11 =	vsel vm6, $0x1, v1  }
0xd5: {  	v43 =	vmpcnt.ones.xlane vm7;
	vm15 =	vlt.u32 v25, $0x3480;
	(xrf0) =	vadd.scan.msk.s32 $0xffff, v11;
	v11 =	vsub.s32 v26, v3  }
0xd6: {  	[tilespmem:v19+s20+$0x0] =	vst.idx.msk vm0, v8;
	v46 =	vsel vm8, $0x1, v1;
	v38 =	vsel vm15, $0x1, v1;
	vm10 =	vlt.u32 v11, $0x3480  }
0xd7: {  	v39 =	vsub.s32 v21, v3;
	v40 =	vsub.s32 v22, v3;
	(xrf0) =	vadd.scan.msk.s32 $0xffff, v38;
	v8 =	vmpcnt.ones.xlane vm10  }
0xd8: {  	[tilespmem:v15+s19+$0x0] =	vst.idx.msk vm1, v13;
	vm12 =	vlt.u32 v39, $0x3480;
	v42 =	vsub.s32 v27, v3;
	v9 =	vsel vm10, $0x1, v1  }
0xd9: {  	v41 =	vld [tilespmem:s31+$0x30];
	vm9 =	vlt.u32 v42, $0x3480;
	(xrf0) =	vadd.scan.msk.s32 $0xffff, v9;
	v9 =	vsel vm12, $0x1, v1;
	v8 =	vadd.s32 v14, v8;
	v44, _, _ =	vpop (xrf0)  }
0xda: {  	vm5 =	vlt.u32 v40, $0x3480;
	v45 =	vsel vm9, $0x1, v1;
	(xrf0) =	vadd.scan.msk.s32 $0xffff, v9;
	v21 =	vadd.s32 v44, v8  }
0xdb: {  	v48 =	vld [tilespmem:s0+$0xFFFFFFD0];
	v9 =	vmpcnt.ones.xlane vm6;
	(xrf0) =	vadd.scan.msk.s32 $0xffff, v45;
	v8 =	vadd.s32 v8, v43;
	v47, _, _ =	vpop (xrf0);
	v21 =	vadd.s32 $0xFFFFFFFF, v21  }
0xdc: {  	[tilespmem:v10+s20+$0x0] =	vst.idx.msk vm2, v6;
	v49 =	vsel vm5, $0x1, v1;
	(xrf0) =	vadd.scan.msk.s32 $0xffff, v46;
	v13 =	vadd.s32 v47, v8  }
0xdd: {  	[tilespmem:v15+s20+$0x0] =	vst.idx.msk vm1, v5;
	v50, _, _ =	vpop (xrf0);
	v52 =	vadd.s32 v8, v9;
	v8 =	vld [tilespmem:s0+$0xFFFFFFE0];
	(xrf0) =	vadd.scan.msk.s32 $0xffff, v49;
	v9 =	vadd.s32 $0xFFFFFFFF, v13  }
0xde: {  	v51 =	vmpcnt.ones.xlane vm15;
	[tilespmem:v17+s19+$0x0] =	vst.idx.msk vm4, v41;
	v16 =	vadd.s32 v50, v52  }
0xdf: {  	v5 =	vld [tilespmem:s0+$0xFFFFFFF0];
	[tilespmem:v17+s20+$0x0] =	vst.idx.msk vm4, v7;
	v55 =	vadd.s32 $0xFFFFFFFF, v16;
	v53, _, _ =	vpop (xrf0)  }
0xe0: {  	v54 =	vadd.s32 v52, v51;
	v10, _, _ =	vpop (xrf0);
	v13 =	vadd.s32 v53, v14;
	[tilespmem:v21+s19+$0x0] =	vst.idx.msk vm7, v48  }
0xe1: {  	v62 =	vld [tilespmem:s0+$0xFFFFFFC0];
	v56 =	vmpcnt.ones.xlane vm12;
	v10 =	vadd.s32 v10, v54;
	v57, _, _ =	vpop (xrf0);
	v13 =	vadd.s32 $0xFFFFFFFF, v13;
	[tilespmem:v21+s20+$0x0] =	vst.idx.msk vm7, v23  }
0xe2: {  	v59 =	vld [tilespmem:s0+$0x0];
	v10 =	vadd.s32 $0xFFFFFFFF, v10;
	v60, _, _ =	vpop (xrf0);
	[tilespmem:v9+s19+$0x0] =	vst.idx.msk vm6, v8  }
0xe3: {  	v58 =	vmpcnt.ones.xlane vm5;
	v6 =	vadd.s32 v54, v56;
	v8, _, _ =	vpop (xrf0);
	[tilespmem:v9+s20+$0x0] =	vst.idx.msk vm6, v24  }
0xe4: {  	v61 =	vmpcnt.ones.xlane vm8;
	[tilespmem:v55+s19+$0x0] =	vst.idx.msk vm15, v5;
	v8 =	vadd.s32 v8, v6  }
0xe5: {  	v6 =	vadd.s32 v6, v58;
	[tilespmem:v55+s20+$0x0] =	vst.idx.msk vm15, v25;
	v5 =	vadd.s32 $0xFFFFFFFF, v8  }
0xe6: {  	v8 =	vadd.s32 v6, v61;
	v6 =	vadd.s32 v60, v6;
	[tilespmem:v13+s19+$0x0] =	vst.idx.msk vm10, v62  }
0xe7: {  	v63 =	vld [tilespmem:s0+$0x20];
	v6 =	vadd.s32 $0xFFFFFFFF, v6;
	[tilespmem:v10+s19+$0x0] =	vst.idx.msk vm12, v59  }
0xe8: {  	v9 =	vadd.s32 v57, v8;
	[tilespmem:v13+s20+$0x0] =	vst.idx.msk vm10, v11  }
0xe9: {  	v9 =	vadd.s32 $0xFFFFFFFF, v9;
	[tilespmem:v10+s20+$0x0] =	vst.idx.msk vm12, v39;
	v10 =	vld [tilespmem:s0+$0x30]  }
0xea: {  	[tilespmem:v5+s19+$0x0] =	vst.idx.msk vm5, v4  }
0xeb: {  	[tilespmem:v5+s20+$0x0] =	vst.idx.msk vm5, v40  }
0xec: {  	vm15 =	vmmov vm9;
	[tilespmem:v6+s19+$0x0] =	vst.idx.msk vm8, v63  }
0xed: {  	v4 =	vmpcnt.ones.xlane vm15;
	[tilespmem:v6+s20+$0x0] =	vst.idx.msk vm8, v12  }
0xee: {  	[tilespmem:v9+s19+$0x0] =	vst.idx.msk vm9, v10  }
0xef: {  	vm14 =	vmmov vm8;
	vm13 =	vmmov vm10;
	s0 =	simm.s32 $0x0;
	v10 =	vadd.s32 v8, v4;
	[tilespmem:v9+s20+$0x0] =	vst.idx.msk vm9, v42  }
.LBB2_6:
0xf0: {  	s8 =	sshra.s32 s0, $0x2  }
0xf1: {  	v4 =	vld [tilespmem:s8+$0xF50];
	_ =	sdelay $0x4  }
0xf2: {  	v4 =	vsub.s32 v4, v3  }
0xf3: {  	vm0 =	vlt.u32 v4, $0x3480  }
0xf4: {  	v5 =	vsel vm0, $0x1, v1  }
0xf5: {  	(xrf0) =	vadd.scan.msk.s32 $0xffff, v5;
	_ =	sdelay $0x5  }
0xf6: {  	v5, _, _ =	vpop (xrf0)  }
0xf7: {  	v5 =	vadd.s32 v5, v10  }
0xf8: {  	v6 =	vld [tilespmem:s8+$0x780];
	v5 =	vadd.s32 $0xFFFFFFFF, v5  }
0xf9: {  	p1 =	sne.s32 s0, $0x100  }
.Ltmp5:
0xfa: {  	_ = 	snop;
	(pc) =	sbr.rel @p1 .LBB2_6-.Ltmp5, $4  }
0xfb: {  	_ = 	snop  }
0xfc: {  	v7 =	vmpcnt.ones.xlane vm0  }
0xfd: {  	[tilespmem:v5+s19+$0x0] =	vst.idx.msk vm0, v6  }
0xfe: {  	s0 =	sadd.s32 $0x40, s0;
	v10 =	vadd.s32 v10, v7;
	[tilespmem:v5+s20+$0x0] =	vst.idx.msk vm0, v4  }
0xff: {  	s30 =	sadd.s32 $0x1, s30  }
0x100: {  	p1 =	sne.s32 s30, $0x14  }
.Ltmp6:
0x101: {  	_ = 	snop;
	(pc) =	sbr.rel @p1 .LBB2_3-.Ltmp6, $1  }
0x102: {  	_ =	sdelay $0x3  }
0x103: {  	v3 =	vxor.u32 $0x80000000, v10  }
0x104: {  	(xrf0) =	vmax.scan.msk.u32 $0xffff, v3;
	_ =	sdelay $0x5  }
0x105: {  	v3, _, _ =	vpop (xrf0)  }
0x106: {  	(v2sf) =	vpush v3, $0xF;
	_ =	sdelay $0xe  }
0x107: {  	s8 =	spop (v2sf)  }
0x108: {  	s0 =	sxor.u32 $0x80000000, s8  }
0x109: {  	v3 =	vadd.s32 s0, v2  }
0x10a: {  	s30 =	sadd.s32 $0x80000010, s8  }
0x10b: {  	s9 =	sadd.s32 $0x80000020, s8;
	v5 =	vadd.s32 s30, v2;
	v4 =	vmul.u32 $0x61, v3  }
0x10c: {  	v8 =	vadd.s32 s9, v2  }
0x10d: {  	s31 =	sadd.s32 $0x80000030, s8;
	s0 =	simm.s32 $0x52A0;
	v6 =	vmul.u32 $0x61, v5;
	v7 =	vand.u32 $0x1F, v3;
	v4 =	vand.u32 $0x3FFF, v4  }
0x10e: {  	s15 =	simm.s32 $0xF1A0;
	v29 =	vadd.s32 s31, v2;
	v27 =	vor.u32 $0x3480, v7;
	[tilespmem:v3+s0+$0x0] =	vst.idx.msk $0xffff, v4  }
0x10f: {  	s24 =	sadd.s32 $0x80000040, s8;
	v28 =	vmul.u32 $0x61, v8;
	v6 =	vand.u32 $0x3FFF, v6;
	[tilespmem:v3+s15+$0x0] =	vst.idx.msk $0xffff, v27;
	v3 =	vand.u32 $0x1F, v5  }
0x110: {  	v32 =	vadd.s32 s24, v2;
	[tilespmem:v5+s0+$0x0] =	vst.idx.msk $0xffff, v6;
	v3 =	vor.u32 $0x3480, v3  }
0x111: {  	v30 =	vmul.u32 $0x61, v29;
	v31 =	vand.u32 $0x1F, v8;
	[tilespmem:v5+s15+$0x0] =	vst.idx.msk $0xffff, v3;
	v3 =	vand.u32 $0x3FFF, v28  }
0x112: {  	s30 =	sadd.s32 $0x80000050, s8;
	v34 =	vmul.u32 $0x61, v32;
	[tilespmem:v8+s0+$0x0] =	vst.idx.msk $0xffff, v3;
	v3 =	vor.u32 $0x3480, v31  }
0x113: {  	v35 =	vadd.s32 s30, v2;
	v33 =	vand.u32 $0x3FFF, v30;
	[tilespmem:v8+s15+$0x0] =	vst.idx.msk $0xffff, v3;
	v3 =	vand.u32 $0x1F, v29  }
0x114: {  	s31 =	sadd.s32 $0x80000060, s8;
	v37 =	vand.u32 $0x1F, v32;
	[tilespmem:v29+s0+$0x0] =	vst.idx.msk $0xffff, v33;
	v3 =	vor.u32 $0x3480, v3  }
0x115: {  	s24 =	sadd.s32 $0x80000070, s8;
	v38 =	vadd.s32 s31, v2;
	v36 =	vmul.u32 $0x61, v35;
	[tilespmem:v29+s15+$0x0] =	vst.idx.msk $0xffff, v3;
	v3 =	vand.u32 $0x3FFF, v34  }
0x116: {  	v40 =	vadd.s32 s24, v2;
	[tilespmem:v32+s0+$0x0] =	vst.idx.msk $0xffff, v3;
	v3 =	vor.u32 $0x3480, v37  }
0x117: {  	v39 =	vmul.u32 $0x61, v38;
	v4 =	vand.u32 $0x3FFF, v36;
	[tilespmem:v32+s15+$0x0] =	vst.idx.msk $0xffff, v3;
	v3 =	vand.u32 $0x1F, v35  }
0x118: {  	s30 =	sadd.s32 $0x80000080, s8;
	v41 =	vmul.u32 $0x61, v40;
	[tilespmem:v35+s0+$0x0] =	vst.idx.msk $0xffff, v4;
	v3 =	vor.u32 $0x3480, v3  }
0x119: {  	s31 =	sadd.s32 $0x80000090, s8;
	v42 =	vand.u32 $0x1F, v38;
	v43 =	vadd.s32 s30, v2;
	[tilespmem:v35+s15+$0x0] =	vst.idx.msk $0xffff, v3;
	v3 =	vand.u32 $0x3FFF, v39  }
0x11a: {  	v45 =	vadd.s32 s31, v2;
	[tilespmem:v38+s0+$0x0] =	vst.idx.msk $0xffff, v3;
	v3 =	vor.u32 $0x3480, v42  }
0x11b: {  	s24 =	sadd.s32 $0x800000A0, s8;
	v44 =	vmul.u32 $0x61, v43;
	v4 =	vand.u32 $0x3FFF, v41;
	[tilespmem:v38+s15+$0x0] =	vst.idx.msk $0xffff, v3;
	v3 =	vand.u32 $0x1F, v40  }
0x11c: {  	v48 =	vadd.s32 s24, v2;
	[tilespmem:v40+s0+$0x0] =	vst.idx.msk $0xffff, v4;
	v3 =	vor.u32 $0x3480, v3  }
0x11d: {  	v46 =	vmul.u32 $0x61, v45;
	v47 =	vand.u32 $0x1F, v43;
	[tilespmem:v40+s15+$0x0] =	vst.idx.msk $0xffff, v3;
	v3 =	vand.u32 $0x3FFF, v44  }
0x11e: {  	s30 =	sadd.s32 $0x800000B0, s8;
	v49 =	vmul.u32 $0x61, v48;
	[tilespmem:v43+s0+$0x0] =	vst.idx.msk $0xffff, v3;
	v3 =	vor.u32 $0x3480, v47  }
0x11f: {  	v50 =	vadd.s32 s30, v2;
	v4 =	vand.u32 $0x3FFF, v46;
	[tilespmem:v43+s15+$0x0] =	vst.idx.msk $0xffff, v3;
	v3 =	vand.u32 $0x1F, v45  }
0x120: {  	s31 =	sadd.s32 $0x800000C0, s8;
	v52 =	vand.u32 $0x1F, v48;
	[tilespmem:v45+s0+$0x0] =	vst.idx.msk $0xffff, v4;
	v3 =	vor.u32 $0x3480, v3  }
0x121: {  	s24 =	sadd.s32 $0x800000D0, s8;
	v53 =	vadd.s32 s31, v2;
	v51 =	vmul.u32 $0x61, v50;
	[tilespmem:v45+s15+$0x0] =	vst.idx.msk $0xffff, v3;
	v3 =	vand.u32 $0x3FFF, v49  }
0x122: {  	v55 =	vadd.s32 s24, v2;
	[tilespmem:v48+s0+$0x0] =	vst.idx.msk $0xffff, v3;
	v3 =	vor.u32 $0x3480, v52  }
0x123: {  	v54 =	vmul.u32 $0x61, v53;
	v4 =	vand.u32 $0x3FFF, v51;
	[tilespmem:v48+s15+$0x0] =	vst.idx.msk $0xffff, v3;
	v3 =	vand.u32 $0x1F, v50  }
0x124: {  	s30 =	sadd.s32 $0x800000E0, s8;
	v56 =	vmul.u32 $0x61, v55;
	[tilespmem:v50+s0+$0x0] =	vst.idx.msk $0xffff, v4;
	v3 =	vor.u32 $0x3480, v3  }
0x125: {  	s31 =	sadd.s32 $0x800000F0, s8;
	v57 =	vand.u32 $0x1F, v53;
	v58 =	vadd.s32 s30, v2;
	[tilespmem:v50+s15+$0x0] =	vst.idx.msk $0xffff, v3;
	v3 =	vand.u32 $0x3FFF, v54  }
0x126: {  	s8 =	sadd.s32 $0x800000FF, s8;
	v60 =	vadd.s32 s31, v2;
	[tilespmem:v53+s0+$0x0] =	vst.idx.msk $0xffff, v3;
	v3 =	vor.u32 $0x3480, v57  }
0x127: {  	s8 =	sshra.s32 s8, $0x8;
	v59 =	vmul.u32 $0x61, v58;
	v4 =	vand.u32 $0x3FFF, v56;
	[tilespmem:v53+s15+$0x0] =	vst.idx.msk $0xffff, v3;
	v3 =	vand.u32 $0x1F, v55  }
0x128: {  	p1 =	slt.s32 s8, $0x1;
	[tilespmem:v55+s0+$0x0] =	vst.idx.msk $0xffff, v4;
	v3 =	vor.u32 $0x3480, v3  }
.Ltmp7:
0x129: {  	v61 =	vand.u32 $0x1F, v58;
	v62 =	vmul.u32 $0x61, v60;
	[tilespmem:v55+s15+$0x0] =	vst.idx.msk $0xffff, v3;
	v3 =	vand.u32 $0x3FFF, v59;
	(pc) =	sbr.rel @p1 .LBB2_12-.Ltmp7, $4  }
0x12a: {  	[tilespmem:v58+s0+$0x0] =	vst.idx.msk $0xffff, v3;
	v3 =	vor.u32 $0x3480, v61  }
0x12b: {  	v63 =	vand.u32 $0x1F, v60;
	[tilespmem:v58+s15+$0x0] =	vst.idx.msk $0xffff, v3;
	v3 =	vand.u32 $0x3FFF, v62  }
0x12c: {  	[tilespmem:v60+s0+$0x0] =	vst.idx.msk $0xffff, v3;
	v3 =	vor.u32 $0x3480, v63  }
0x12d: {  	[tilespmem:v60+s15+$0x0] =	vst.idx.msk $0xffff, v3  }
0x12e: {  	[tilespmem:s22], [sflag:$0x1] =	stream.indirect.gather [hbm4b:s5+s21], $0x20, s0, s21, $0xb8;
	[tilespmem:$0x1F9E0] =	vst v63  }
0x12f: {  	p1 =	sne.s32 s8, $0x1;
	_ =	swait.ge [sflag:s23], $0x2000  }
.Ltmp8:
0x130: {  	[sflag:s23] =	ssyncset.done $0x0;
	(pc) =	sbr.rel @!p1 .LBB2_11-.Ltmp8, $4  }
0x131: {  	[sflag:s23] =	ssyncadd.s32 $0xFFFFE000  }
0x132: {  	[spmem:s1] =	stream.indirect.scatter.add.f32 [tilespmem:s22], [sflag:$0x2], $0x20, s15, s21, $0xb8;
	[tilespmem:$0x1F9E0] =	vst v63  }
0x133: {  	_ =	swait.ge [sflag:s17], $0x2000  }
0x134: {  	s8 =	sadd.s32 $0xFFFFFFFF, s8;
	[sflag:s17] =	ssyncset.done $0x0  }
.LBB2_10:
0x135: {  	[sflag:s17] =	ssyncadd.s32 $0xFFFFE000;
	s0 =	sadd.s32 $0x100, s0;
	s15 =	sadd.s32 $0x100, s15  }
0x136: {  	[tilespmem:s22], [sflag:$0x1] =	stream.indirect.gather [hbm4b:s5+s21], $0x20, s0, s21, $0xb8;
	[tilespmem:$0x1F9E0] =	vst v63  }
0x137: {  	p1 =	sne.s32 s8, $0x1;
	s8 =	sadd.s32 $0xFFFFFFFF, s8;
	_ =	swait.ge [sflag:s23], $0x2000  }
.Ltmp9:
0x138: {  	[sflag:s23] =	ssyncset.done $0x0;
	(pc) =	sbr.rel @p1 .LBB2_10-.Ltmp9, $4  }
0x139: {  	[sflag:s23] =	ssyncadd.s32 $0xFFFFE000  }
0x13a: {  	[spmem:s1] =	stream.indirect.scatter.add.f32 [tilespmem:s22], [sflag:$0x2], $0x20, s15, s21, $0xb8;
	[tilespmem:$0x1F9E0] =	vst v63  }
0x13b: {  	_ =	swait.ge [sflag:s17], $0x2000  }
0x13c: {  	[sflag:s17] =	ssyncset.done $0x0  }
.Ltmp10:
0x13d: {  	_ = 	snop;
	(pc) =	sbr.rel .LBB2_11-.Ltmp10, $1  }
0x13e: {  	_ =	sdelay $0x3  }
.LBB2_14:
0x13f: {  	_ =	sfence.sel $0x180000  }
0x140: {  	[bflag:$0x0] =	sbarrier.arrive $0xFFFF  }
0x141: {  	_ =	strace $0x9000004D  }
0x142: {  	[bflag:$0x2] =	sbarrier.arrive $0xFFFF  }
0x143: {  	s0 =	rddreg [dreg:$0x2]  }
0x144: {  	s0 =	sadd.s32 @!p0 $0x100000, s0  }
0x145: {  	[sflag:s0] =	ssyncadd.tile.s32 @!p0 $0x1;
	_ =	shalt  }
.Lfunc_end2:
_tile_overlayer_lowered:
.L_overlay_start_2:
0x146: {  	(tag) =	ssettag $0x2  }
0x147: {  	s0 =	rddreg [dreg:$0x0];
	s2 =	stileid.u32  }
0x148: {  	s1 =	rddreg [dreg:$0x1];
	p0 =	sne.s32 s2, $0x0  }
0x149: {  	s3 =	rddreg [dreg:$0x2];
	[bflag:$0x3] =	sbarrier.arrive $0xFFFF;
	s2 =	simm.s32 @!p0 $0x1C02  }
0x14a: {  	[timem:s3], [sflag:s2] =	dma.local @!p0 [hbm:s0], s1  }
0x14b: {  	s0 =	simm.s32 @!p0 $0x2  }
0x14c: {  	_ =	swait.ge @!p0 [sflag:s0], s1  }
0x14d: {  	s1 =	ssub.s32 @!p0 $0x0, s1;
	[sflag:s0] =	ssyncset.done @!p0 $0x0  }
0x14e: {  	[sflag:s0] =	ssyncadd.s32 @!p0 s1  }
0x14f: {  	[bflag:$0x3] =	sbarrier.arrive $0xFFFF  }
0x150: {  	_ =	shalt  }

// kernel: closed_call.41.cloned.1.call-start
scs
__scs_entry_jumppad:
0x0: {  	(pc) =	sbr.rel $0x88, $3  }
0x1: {  	(tag) =	ssettag $0x0;
	lr =	simm.s32 $0x1  }
0x2: {  	[smem:$0x3F91] =	sst lr;
	_ =	strace $0xD0000000  }
0x3: {  	_ = 	snop  }
0x4: {  	_ = 	snop  }
0x5: {  	_ = 	snop  }
0x6: {  	_ = 	snop  }
0x7: {  	_ = 	snop  }
__scs_overlays_trampoline_lowered:
0x8: {  	[smem:$0x3FA0] =	sst s0  }
0x9: {  	[smem:$0x3FA1] =	sst s1  }
0xa: {  	[smem:$0x3FA2] =	sst s2  }
0xb: {  	[smem:$0x3FA3] =	sst s3  }
0xc: {  	[smem:$0x3FA4] =	sst s4  }
0xd: {  	[smem:$0x3FA5] =	sst s5  }
0xe: {  	[smem:$0x3FA6] =	sst s6  }
0xf: {  	[smem:$0x3FA7] =	sst s7  }
0x10: {  	[smem:$0x3FA8] =	sst s8  }
0x11: {  	[smem:$0x3FA9] =	sst s9;
	s0 =	simm.s32 @!p0 $0x0  }
0x12: {  	s1 =	sld [smem:$0x3F8F];
	s0 =	simm.s32 @p0 $0x1  }
0x13: {  	[smem:$0x3FAA] =	sst s0;
	s0 =	simm.s32 @!p1 $0x0  }
0x14: {  	s2 =	sld [smem:$0x3F8E];
	s0 =	simm.s32 @p1 $0x1  }
0x15: {  	[smem:$0x3FAB] =	sst s0;
	s0 =	simm.s32 @!p2 $0x0  }
0x16: {  	s3 =	sld [smem:$0x3FDB];
	s0 =	simm.s32 @p2 $0x1  }
0x17: {  	s4 =	simm.s32 $0x1BF5;
	[smem:$0x3FAD] =	sst s0  }
0x18: {  	s0 =	sld [smem:$0x3F90];
	_ =	swait.ge [sflag:s4], $0x0  }
0x19: {  	s7 =	sld [smem:$0x3F91]  }
0x1a: {  	s8 =	sadd.s32 $0xFFFFE003, lr  }
0x1b: {  	s9 =	sadd.s32 $0xFFFFFEF7, lr;
	s5 =	simm.s32 $0xFFFFFFFF;
	p2 =	slt.u32 s8, $0xFFFFF086  }
0x1c: {  	p1 =	slt.u32 s9, $0xF7A;
	s5 =	simm.s32 @!p2 $0x0  }
0x1d: {  	s5 =	simm.s32 @p1 $0x1;
	p0 =	seq.s32 s7, s2  }
0x1e: {  	s7 =	smul.u32 @!p0 $0xF7A, s2;
	p2 =	seq.s32 @!p0 s5, $0x0  }
0x1f: {  	s9 =	smul.u32 $0xF7A, s1;
	s8 =	simm.s32 @!p0 $0x1BF5;
	p2 =	por !p2, p0  }
0x20: {  	[sflag:s8] =	ssyncset.s32 @!p0 $0xFFFFF086;
	s6 =	sadd.s32 @!p0 s3, s7;
	s7 =	simm.s32 @!p0 $0x108  }
0x21: {  	s3 =	sadd.s32 s3, s9;
	s6 =	sadd.s32 @!p0 $0x88, s6;
	s7 =	simm.s32 @p2 $0x1082  }
0x22: {  	[simem:s7], [sflag:s8] =	dma.local @!p0 [hbm:s6], $0xF7A  }
0x23: {  	s9 =	sor.u32 $0xD0000000, s2;
	s6 =	simm.s32 $0x108;
	_ =	swait.ge @!p0 [sflag:s8], $0x0  }
0x24: {  	s3 =	sadd.s32 $0x88, s3;
	s6 =	simm.s32 @!p1 $0x1082;
	[sflag:s4] =	ssyncset.s32 $0xFFFFF086  }
0x25: {  	[simem:s6], [sflag:s4] =	dma.local [hbm:s3], $0xF7A  }
0x26: {  	[smem:$0x3F91] =	sst s1;
	(tag) =	ssettag s2;
	_ =	strace s9  }
0x27: {  	s1 =	sld [smem:$0x3FA1]  }
0x28: {  	s2 =	sld [smem:$0x3FA2]  }
0x29: {  	s4 =	sld [smem:$0x3FA4]  }
0x2a: {  	p0 =	seq.s32 s5, $0x0;
	s5 =	sld [smem:$0x3FA5]  }
0x2b: {  	s6 =	sld [smem:$0x3FA6]  }
0x2c: {  	s7 =	sld [smem:$0x3FA7]  }
0x2d: {  	s3 =	simm.s32 $0x108;
	s8 =	sld [smem:$0x3FA8]  }
0x2e: {  	s3 =	simm.s32 @!p0 $0x1082;
	s9 =	sld [smem:$0x3FA9]  }
0x2f: {  	lr =	sadd.s32 s0, s3;
	s0 =	sld [smem:$0x3FA0]  }
0x30: {  	s3 =	sld [smem:$0x3FA3]  }
0x31: {  	[smem:$0x3FAC] =	sst s10  }
0x32: {  	s10 =	sld [smem:$0x3FAA];
	_ =	sdelay $0x3  }
0x33: {  	p0 =	seq.s32 s10, $0x1;
	s10 =	sld [smem:$0x3FAC];
	_ =	sdelay $0x3  }
0x34: {  	[smem:$0x3FAC] =	sst s10  }
0x35: {  	s10 =	sld [smem:$0x3FAB];
	_ =	sdelay $0x3  }
0x36: {  	p1 =	seq.s32 s10, $0x1;
	s10 =	sld [smem:$0x3FAC];
	_ =	sdelay $0x3  }
0x37: {  	[smem:$0x3FAC] =	sst s10  }
0x38: {  	s10 =	sld [smem:$0x3FAD]  }
0x39: {  	_ = 	snop;
	(pc) =	sbr.ind lr, $3  }
0x3a: {  	_ = 	snop  }
0x3b: {  	_ = 	snop  }
0x3c: {  	p2 =	seq.s32 s10, $0x1;
	s10 =	sld [smem:$0x3FAC]  }
0x3d: {  	_ =	shalt  }
0x3e: {  	_ =	shalt  }
0x3f: {  	_ =	shalt  }
0x40: {  	_ =	shalt  }
0x41: {  	_ =	shalt  }
0x42: {  	_ =	shalt  }
0x43: {  	_ =	shalt  }
0x44: {  	_ =	shalt  }
0x45: {  	_ =	shalt  }
0x46: {  	_ =	shalt  }
0x47: {  	_ =	shalt  }
0x48: {  	_ =	shalt  }
0x49: {  	_ =	shalt  }
0x4a: {  	_ =	shalt  }
0x4b: {  	_ =	shalt  }
0x4c: {  	_ =	shalt  }
0x4d: {  	_ =	shalt  }
0x4e: {  	_ =	shalt  }
0x4f: {  	_ =	shalt  }
0x50: {  	_ =	shalt  }
0x51: {  	_ =	shalt  }
0x52: {  	_ =	shalt  }
0x53: {  	_ =	shalt  }
0x54: {  	_ =	shalt  }
0x55: {  	_ =	shalt  }
0x56: {  	_ =	shalt  }
0x57: {  	_ =	shalt  }
0x58: {  	_ =	shalt  }
0x59: {  	_ =	shalt  }
0x5a: {  	_ =	shalt  }
0x5b: {  	_ =	shalt  }
0x5c: {  	_ =	shalt  }
0x5d: {  	_ =	shalt  }
0x5e: {  	_ =	shalt  }
0x5f: {  	_ =	shalt  }
0x60: {  	_ =	shalt  }
0x61: {  	_ =	shalt  }
0x62: {  	_ =	shalt  }
0x63: {  	_ =	shalt  }
0x64: {  	_ =	shalt  }
0x65: {  	_ =	shalt  }
0x66: {  	_ =	shalt  }
0x67: {  	_ =	shalt  }
0x68: {  	_ =	shalt  }
0x69: {  	_ =	shalt  }
0x6a: {  	_ =	shalt  }
0x6b: {  	_ =	shalt  }
0x6c: {  	_ =	shalt  }
0x6d: {  	_ =	shalt  }
0x6e: {  	_ =	shalt  }
0x6f: {  	_ =	shalt  }
0x70: {  	_ =	shalt  }
0x71: {  	_ =	shalt  }
0x72: {  	_ =	shalt  }
0x73: {  	_ =	shalt  }
0x74: {  	_ =	shalt  }
0x75: {  	_ =	shalt  }
0x76: {  	_ =	shalt  }
0x77: {  	_ =	shalt  }
0x78: {  	_ =	shalt  }
0x79: {  	_ =	shalt  }
0x7a: {  	_ =	shalt  }
0x7b: {  	_ =	shalt  }
0x7c: {  	_ =	shalt  }
0x7d: {  	_ =	shalt  }
0x7e: {  	_ =	shalt  }
0x7f: {  	_ =	shalt  }
0x80: {  	_ =	shalt  }
0x81: {  	_ =	shalt  }
0x82: {  	_ =	shalt  }
0x83: {  	_ =	shalt  }
0x84: {  	_ =	shalt  }
0x85: {  	_ =	shalt  }
0x86: {  	_ =	shalt  }
0x87: {  	_ =	shalt  }
.Lfunc_end0:
.L_simem_size_0:
called_computation.2_lowered:
.L_overlay_start_0:
0x88: {  	s2 =	sld [smem:$0x3FD9]  }
0x89: {  	s3 =	sld [smem:$0x3FFE];
	_ =	sdelay $0x1  }
0x8a: {  	s1 =	srdreg.scid  }
0x8b: {  	s0 =	sand.u32 $0x1, s1  }
0x8c: {  	s16 =	sshll.u32 s0, $0xA;
	s2 =	sadd.s32 s3, s2  }
0x8d: {  	s2 =	sadd.s32 s2, s16  }
0x8e: {  	[smem:$0x3FB8] =	sst s2  }
0x8f: {  	_ = 	snop  }
0x90: {  	(tm) =	ssettm $0x1  }
0x91: {  	s17 =	sld [smem:$0x3FFB];
	_ =	sdelay $0x3  }
0x92: {  	_ =	strace s17  }
0x93: {  	s2 =	sld [smem:$0x3FFC];
	_ =	sdelay $0x3  }
0x94: {  	_ =	strace s2  }
0x95: {  	s2 =	sld [smem:$0x3FFD];
	_ =	sdelay $0x3  }
0x96: {  	_ =	strace s2  }
0x97: {  	_ =	strace $0x8FFFFFFF  }
0x98: {  	s18 =	sld [smem:$0x3FDB];
	_ =	sdelay $0x1  }
0x99: {  	s19 =	simm.s32 $_scs_section_size  }
0x9a: {  	s4 =	simm.s32 $_size__tile_overlayer_lowered;
	s5 =	simm.s32 $_tile_overlayer_lowered  }
0x9b: {  	s22 =	simm.s32 $0x1BFF;
	s21 =	sshll.u32 s5, $0x1;
	s2 =	sadd.s32 s19, s18  }
0x9c: {  	s6 =	simm.s32 $0x0;
	s20 =	sshll.u32 s4, $0x1;
	s4 =	sadd.s32 s21, s2  }
0x9d: {  	[timem:s6], [sflag:s22] =	dma.local [hbm:s4], s20  }
0x9e: {  	_ =	swait.ge [sflag:s22], s20  }
0x9f: {  	s3 =	ssub.s32 $0x0, s20;
	[sflag:s22] =	ssyncset.done $0x0  }
0xa0: {  	[sflag:s22] =	ssyncadd.s32 s3;
	_ =	sdelay $0x1  }
0xa1: {  	s23 =	simm.s32 $0x1B8B  }
0xa2: {  	_ =	swait.ge [sflag:s23], $0x1  }
0xa3: {  	[sflag:s23] =	ssyncset.done $0x0  }
0xa4: {  	s25 =	simm.s32 $0x1B8E;
	s24 =	sld [smem:$0x3FFE];
	[sflag:s23] =	ssyncadd.s32 $0xFFFFFFFF  }
0xa5: {  	s26 =	simm.s32 $execute0_lowered;
	[smem:$0x3FD2] =	sst s25  }
0xa6: {  	s4 =	sshll.u32 s26, $0x1;
	_ =	strace $0x8000004F;
	[dreg:$0x1] =	wrdreg $0xFFFFFFFF  }
0xa7: {  	s28 =	simm.s32 $_size_execute0_lowered;
	s2 =	sadd.s32 s2, s4;
	[dreg:$0x0] =	wrdreg $0x0  }
0xa8: {  	s4 =	sshll.u32 s28, $0x1;
	[dreg:$0x2] =	wrdreg s2  }
0xa9: {  	[dreg:$0x3] =	wrdreg s4  }
0xaa: {  	[dreg:$0x4] =	wrdreg $0xC0  }
0xab: {  	_ =	task [dreg:s6], $0x5FFFF  }
0xac: {  	[dreg:$0x1] =	wrdreg $0xFFFFFFFF  }
0xad: {  	[dreg:$0x0] =	wrdreg $0x60  }
0xae: {  	[dreg:$0x2] =	wrdreg s24  }
0xaf: {  	[dreg:$0x3] =	wrdreg $0xD2000  }
0xb0: {  	[dreg:$0x4] =	wrdreg $0x9  }
0xb1: {  	_ =	task.clear_ibuf [dreg:s6], $0x5FFFF;
	_ =	strace $0x9000004F  }
0xb2: {  	s29 =	simm.s32 $0x9;
	_ =	strace $0x80000051  }
0xb3: {  	_ =	swait.ge [sflag:s29], $0x1  }
0xb4: {  	[sflag:s29] =	ssyncadd.s32 $0xFFFFFFFF  }
0xb5: {  	_ =	strace $0x90000051  }
0xb6: {  	_ =	sfence  }
0xb7: {  	s30 =	sld [smem:$0x0];
	_ =	sdelay $0x2  }
0xb8: {  	s31 =	sshll.u32 s1, $0xD;
	s1 =	sshrl.u32 s1, $0x2  }
0xb9: {  	s3 =	sand.u32 $0x4000, s31;
	s1 =	sadd.s32 s1, s30  }
0xba: {  	s0 =	sor.u32 s3, s0;
	s1 =	sshll.u32 s1, $0x11  }
0xbb: {  	s0 =	sor.u32 s1, s0  }
0xbc: {  	s0 =	sadd.s32 $0x8F2B, s0  }
0xbd: {  	[sflag:s0] =	ssyncadd.remote.s32 $0x1  }
0xbe: {  	_ =	sfence.sel $0xFFFF  }
0xbf: {  	[dreg:$0x0] =	wrdreg $0xFFFFFFFF;
	(pc) =	sbr.abs _section_cstart, $3  }
0xc0: {  	[dreg:$0x1] =	wrdreg $0xFFFFFFFF  }
0xc1: {  	_ =	task.clear_ibuf [dreg:s6], $0x2FFFF;
	_ =	strace $0x9FFFFFFF  }
0xc2: {  	(tm) =	ssettm $0x7FFFFFFF  }
0xc3: {  	_ =	shalt  }
tec
execute0_lowered:
.L_overlay_start_1:
0x0: {  	(tag) =	ssettag $0x1  }
0x1: {  	s7 =	rddreg [dreg:$0x0]  }
0x2: {  	s1 =	rddreg [dreg:$0x1]  }
0x3: {  	s0 =	rddreg [dreg:$0x2]  }
0x4: {  	s2 =	simm.s32 $0x0;
	s8 =	srdreg.scid;
	s14 =	stileid.u32  }
0x5: {  	s16 =	simm.s32 $0x200;
	s17 =	simm.s32 $0x400;
	s18 =	simm.s32 $0x1  }
0x6: {  	s19 =	simm.s32 $0x4400;
	[smem:$0x7FF] =	sst s2;
	s3 =	sadd.s32 $0x679A00, s7  }
0x7: {  	s20 =	simm.s32 $0x0;
	s4 =	sadd.s32 $0x66FC00, s7;
	s5 =	sadd.s32 $0x12EC200, s7  }
0x8: {  	s6 =	sadd.s32 $0xB6F800, s7;
	s8 =	sand.u32 $0x1, s8;
	s11 =	sadd.s32 $0xCA8000, s7  }
0x9: {  	s10 =	sshll.u32 s14, $0x1;
	s12 =	smul.u32 $0x4E00, s14;
	_ =	strace $0x80000050  }
0xa: {  	s31 =	ssub.s32 $0x2, s8;
	s10 =	sor.u32 s8, s10;
	s15 =	smul.u32 $0x4E200, s8  }
0xb: {  	s8 =	sadd.s32 $0x4E000, s1;
	s9 =	sshrl.u32 s31, $0x1;
	s7 =	sadd.s32 s12, s1  }
0xc: {  	p0 =	slt.u32 s10, $0x11;
	s10 =	sshll.u32 s10, $0x9;
	s13 =	ssub.s32 s31, s9  }
0xd: {  	s9 =	simm.s32 $0x14;
	s12 =	sadd.s32 s12, s15;
	s15 =	sshrl.u32 s15, $0x3  }
0xe: {  	s9 =	simm.s32 @!p0 $0x13;
	s12 =	sshrl.u32 s12, $0x3;
	s15 =	sadd.s32 s11, s15  }
0xf: {  	s13 =	smax.u32 s13, $0x1;
	p0 =	sne.s32 s14, $0x0;
	s14 =	simm.s32 $0x8400  }
0x10: {  	v0 =	vimm.f32 $0.0e+00;
	s11 =	sadd.s32 s11, s12;
	s12 =	sadd.s32 $0x9C00, s15;
	s15 =	simm.s32 $0x2  }
.LBB2_1:
0x11: {  	s21 =	simm.s32 $0x80;
	s22 =	simm.s32 $0x0  }
.LBB2_2:
0x12: {  	p1 =	sne.s32 s21, $0x13780;
	[tilespmem:s22+$0x8400] =	vst v0;
	s23 =	smov.u32 s21;
	s21 =	sadd.s32 $0x80, s21  }
.Ltmp0:
0x13: {  	[tilespmem:s22+$0x8410] =	vst v0;
	(pc) =	sbr.rel @p1 .LBB2_2-.Ltmp0, $2  }
0x14: {  	_ =	sdelay $0x2  }
0x15: {  	s22 =	sshra.s32 s23, $0x2  }
0x16: {  	[tilespmem:s22+$0x8400] =	vst v0  }
0x17: {  	[tilespmem:s22+$0x8410] =	vst v0  }
0x18: {  	[spmem:s7] =	stream.linear.scatter [tilespmem:s14], [sflag:$0x2], $0x4E00, $0x38;
	[tilespmem:$0x12020] =	vst v63  }
0x19: {  	_ =	swait.ge [sflag:s15], $0x4E00  }
0x1a: {  	[sflag:s15] =	ssyncset.done $0x0  }
0x1b: {  	s21 =	simm.s32 @!p0 $0x8400;
	[sflag:s15] =	ssyncadd.s32 $0xFFFFB200  }
0x1c: {  	[spmem:s8] =	stream.linear.scatter @!p0 [tilespmem:s21], [sflag:$0x2], $0x200, $0x38;
	[tilespmem:$0x12020] =	vst v63  }
0x1d: {  	s21 =	simm.s32 @!p0 $0x2  }
0x1e: {  	_ =	swait.ge @!p0 [sflag:s21], $0x200  }
0x1f: {  	[sflag:s21] =	ssyncset.done @!p0 $0x0  }
0x20: {  	[sflag:s21] =	ssyncadd.s32 @!p0 $0xFFFFFE00  }
0x21: {  	s22 =	simm.s32 $0x0;
	s21 =	simm.s32 $0x0;
	[bflag:$0x0] =	sbarrier.arrive $0xFFFF  }
.LBB2_4:
0x22: {  	s23 =	sshll.u32 s22, $0xE  }
0x23: {  	s23 =	sor.u32 s10, s23  }
0x24: {  	s24 =	sshrl.u32 s23, $0x3  }
0x25: {  	s25 =	sadd.s32 s3, s24  }
0x26: {  	[tilespmem:s21], [sflag:$0x2] =	stream.linear.gather [hbm4b:s25+s21], $0x200, $0x38;
	[tilespmem:$0x12020] =	vst v63  }
0x27: {  	_ =	swait.ge [sflag:s15], $0x200  }
0x28: {  	[sflag:s15] =	ssyncset.done $0x0  }
0x29: {  	s24 =	sadd.s32 s4, s24;
	[sflag:s15] =	ssyncadd.s32 $0xFFFFFE00  }
0x2a: {  	[tilespmem:s16], [sflag:$0x2] =	stream.linear.gather [hbm4b:s24+s21], $0x200, $0x38;
	[tilespmem:$0x12020] =	vst v63  }
0x2b: {  	_ =	swait.ge [sflag:s15], $0x200  }
0x2c: {  	[sflag:s15] =	ssyncset.done $0x0  }
0x2d: {  	[sflag:s15] =	ssyncadd.s32 $0xFFFFFE00  }
0x2e: {  	[tilespmem:s17], [sflag:$0x1] =	stream.indirect.gather [hbm4b:s5+s16], $0x20, s21, s16, $0xb8;
	[tilespmem:$0x12020] =	vst v63  }
0x2f: {  	_ =	swait.ge [sflag:s18], $0x4000  }
0x30: {  	s23 =	sshll.u32 s23, $0x2;
	[sflag:s18] =	ssyncset.done $0x0  }
0x31: {  	s23 =	sadd.s32 s6, s23;
	[sflag:s18] =	ssyncadd.s32 $0xFFFFC000  }
0x32: {  	[tilespmem:s19], [sflag:$0x2] =	stream.linear.gather [hbm4b:s23+s21], $0x4000, $0x38;
	[tilespmem:$0x12020] =	vst v63  }
0x33: {  	_ =	swait.ge [sflag:s15], $0x4000  }
0x34: {  	[sflag:s15] =	ssyncset.done $0x0  }
0x35: {  	s23 =	simm.s32 $0x0;
	[sflag:s15] =	ssyncadd.s32 $0xFFFFC000  }
0x36: {  	v1 =	vld [tilespmem:s23+$0x4400]  }
0x37: {  	v2 =	vld [tilespmem:s23+$0x4410]  }
0x38: {  	s24 =	simm.s32 $0x80;
	v3 =	vld [tilespmem:s23+$0x400]  }
.LBB2_5:
0x39: {  	p1 =	sne.s32 s24, $0xFF80;
	v4 =	vld [tilespmem:s23+$0x410];
	_ =	sdelay $0x2  }
.Ltmp1:
0x3a: {  	(pc) =	sbr.rel @p1 .LBB2_5-.Ltmp1, $4  }
0x3b: {  	s25 =	sshra.s32 s24, $0x2;
	v3 =	vadd.f32 v1, v3  }
0x3c: {  	v1 =	vld [tilespmem:s25+$0x4400];
	v4 =	vadd.f32 v2, v4  }
0x3d: {  	v2 =	vld [tilespmem:s25+$0x4410];
	[tilespmem:s23+$0x400] =	vst v3  }
0x3e: {  	s24 =	sadd.s32 $0x80, s24;
	v3 =	vld [tilespmem:s25+$0x400];
	[tilespmem:s23+$0x410] =	vst v4;
	s23 =	smov.u32 s25  }
0x3f: {  	v4 =	vld [tilespmem:s23+$0x410];
	_ =	sdelay $0x3  }
0x40: {  	v1 =	vadd.f32 v1, v3  }
0x41: {  	s22 =	sadd.s32 $0x1, s22;
	v2 =	vadd.f32 v2, v4  }
0x42: {  	p1 =	sne.s32 s22, s9;
	[tilespmem:s23+$0x400] =	vst v1  }
.Ltmp2:
0x43: {  	[tilespmem:s23+$0x410] =	vst v2;
	(pc) =	sbr.rel @p1 .LBB2_4-.Ltmp2, $4  }
0x44: {  	[spmem:s1] =	stream.indirect.scatter.add.f32 [tilespmem:s17], [sflag:$0x2], $0x20, s16, s16, $0xb8;
	[tilespmem:$0x12020] =	vst v63  }
0x45: {  	_ =	swait.ge [sflag:s15], $0x4000  }
0x46: {  	[sflag:s15] =	ssyncset.done $0x0  }
0x47: {  	[sflag:s15] =	ssyncadd.s32 $0xFFFFC000  }
0x48: {  	[bflag:$0x0] =	sbarrier.arrive $0xFFFF  }
0x49: {  	[tilespmem:s14], [sflag:$0x2] =	stream.linear.gather [spmem:s7], $0x4E00, $0x38;
	[tilespmem:$0x12020] =	vst v63  }
0x4a: {  	_ =	swait.ge [sflag:s15], $0x4E00  }
0x4b: {  	[sflag:s15] =	ssyncset.done $0x0  }
0x4c: {  	[sflag:s15] =	ssyncadd.s32 $0xFFFFB200  }
0x4d: {  	[hbm4b:s11+s2] =	stream.linear.scatter [tilespmem:s14], [sflag:$0x2], $0x4E00, $0x38;
	[tilespmem:$0x12020] =	vst v63  }
0x4e: {  	_ =	swait.ge [sflag:s15], $0x4E00  }
0x4f: {  	[sflag:s15] =	ssyncset.done $0x0  }
0x50: {  	s21 =	simm.s32 @!p0 $0x8400;
	s22 =	simm.s32 @!p0 $0x2;
	[sflag:s15] =	ssyncadd.s32 $0xFFFFB200  }
0x51: {  	[tilespmem:s21], [sflag:$0x2] =	stream.linear.gather @!p0 [spmem:s8], $0x200, $0x38;
	[tilespmem:$0x12020] =	vst v63  }
0x52: {  	s20 =	sadd.s32 $0x1, s20;
	_ =	swait.ge @!p0 [sflag:s22], $0x200  }
0x53: {  	p1 =	sne.s32 s20, s13;
	[sflag:s22] =	ssyncset.done @!p0 $0x0  }
.Ltmp3:
0x54: {  	s23 =	simm.s32 @!p0 $0x0;
	[sflag:s22] =	ssyncadd.s32 @!p0 $0xFFFFFE00;
	(pc) =	sbr.rel @p1 .LBB2_1-.Ltmp3, $4  }
0x55: {  	[hbm4b:s12+s23] =	stream.linear.scatter @!p0 [tilespmem:s21], [sflag:$0x2], $0x200, $0x38;
	[tilespmem:$0x12020] =	vst v63  }
0x56: {  	_ =	swait.ge @!p0 [sflag:s22], $0x200  }
0x57: {  	[sflag:s22] =	ssyncset.done @!p0 $0x0  }
0x58: {  	[sflag:s22] =	ssyncadd.s32 @!p0 $0xFFFFFE00  }
0x59: {  	_ =	sfence.sel $0x180000  }
0x5a: {  	[bflag:$0x0] =	sbarrier.arrive $0xFFFF  }
0x5b: {  	_ =	strace $0x90000050  }
0x5c: {  	s0 =	sadd.s32 @!p0 $0x100000, s0;
	[bflag:$0x2] =	sbarrier.arrive $0xFFFF  }
0x5d: {  	[sflag:s0] =	ssyncadd.tile.s32 @!p0 $0x1;
	_ =	shalt  }
.Lfunc_end2:
_tile_overlayer_lowered:
.L_overlay_start_2:
0x5e: {  	(tag) =	ssettag $0x2  }
0x5f: {  	s0 =	rddreg [dreg:$0x0];
	s2 =	stileid.u32  }
0x60: {  	s1 =	rddreg [dreg:$0x1];
	p0 =	sne.s32 s2, $0x0  }
0x61: {  	s3 =	rddreg [dreg:$0x2];
	[bflag:$0x3] =	sbarrier.arrive $0xFFFF;
	s2 =	simm.s32 @!p0 $0x1C02  }
0x62: {  	[timem:s3], [sflag:s2] =	dma.local @!p0 [hbm:s0], s1  }
0x63: {  	s0 =	simm.s32 @!p0 $0x2  }
0x64: {  	_ =	swait.ge @!p0 [sflag:s0], s1  }
0x65: {  	s1 =	ssub.s32 @!p0 $0x0, s1;
	[sflag:s0] =	ssyncset.done @!p0 $0x0  }
0x66: {  	[sflag:s0] =	ssyncadd.s32 @!p0 s1  }
0x67: {  	[bflag:$0x3] =	sbarrier.arrive $0xFFFF  }
0x68: {  	_ =	shalt  }

// kernel: kernel.4.cloned.1.call-start
scs
__scs_entry_jumppad:
0x0: {  	(pc) =	sbr.rel $0x88, $3  }
0x1: {  	(tag) =	ssettag $0x0;
	lr =	simm.s32 $0x1  }
0x2: {  	[smem:$0x3F91] =	sst lr;
	_ =	strace $0xD0000000  }
0x3: {  	_ = 	snop  }
0x4: {  	_ = 	snop  }
0x5: {  	_ = 	snop  }
0x6: {  	_ = 	snop  }
0x7: {  	_ = 	snop  }
__scs_overlays_trampoline_lowered:
0x8: {  	[smem:$0x3FA0] =	sst s0  }
0x9: {  	[smem:$0x3FA1] =	sst s1  }
0xa: {  	[smem:$0x3FA2] =	sst s2  }
0xb: {  	[smem:$0x3FA3] =	sst s3  }
0xc: {  	[smem:$0x3FA4] =	sst s4  }
0xd: {  	[smem:$0x3FA5] =	sst s5  }
0xe: {  	[smem:$0x3FA6] =	sst s6  }
0xf: {  	[smem:$0x3FA7] =	sst s7  }
0x10: {  	[smem:$0x3FA8] =	sst s8  }
0x11: {  	[smem:$0x3FA9] =	sst s9;
	s0 =	simm.s32 @!p0 $0x0  }
0x12: {  	s1 =	sld [smem:$0x3F8F];
	s0 =	simm.s32 @p0 $0x1  }
0x13: {  	[smem:$0x3FAA] =	sst s0;
	s0 =	simm.s32 @!p1 $0x0  }
0x14: {  	s2 =	sld [smem:$0x3F8E];
	s0 =	simm.s32 @p1 $0x1  }
0x15: {  	[smem:$0x3FAB] =	sst s0;
	s0 =	simm.s32 @!p2 $0x0  }
0x16: {  	s3 =	sld [smem:$0x3FDB];
	s0 =	simm.s32 @p2 $0x1  }
0x17: {  	s4 =	simm.s32 $0x1BF5;
	[smem:$0x3FAD] =	sst s0  }
0x18: {  	s0 =	sld [smem:$0x3F90];
	_ =	swait.ge [sflag:s4], $0x0  }
0x19: {  	s7 =	sld [smem:$0x3F91]  }
0x1a: {  	s8 =	sadd.s32 $0xFFFFE003, lr  }
0x1b: {  	s9 =	sadd.s32 $0xFFFFFEF7, lr;
	s5 =	simm.s32 $0xFFFFFFFF;
	p2 =	slt.u32 s8, $0xFFFFF086  }
0x1c: {  	p1 =	slt.u32 s9, $0xF7A;
	s5 =	simm.s32 @!p2 $0x0  }
0x1d: {  	s5 =	simm.s32 @p1 $0x1;
	p0 =	seq.s32 s7, s2  }
0x1e: {  	s7 =	smul.u32 @!p0 $0xF7A, s2;
	p2 =	seq.s32 @!p0 s5, $0x0  }
0x1f: {  	s9 =	smul.u32 $0xF7A, s1;
	s8 =	simm.s32 @!p0 $0x1BF5;
	p2 =	por !p2, p0  }
0x20: {  	[sflag:s8] =	ssyncset.s32 @!p0 $0xFFFFF086;
	s6 =	sadd.s32 @!p0 s3, s7;
	s7 =	simm.s32 @!p0 $0x108  }
0x21: {  	s3 =	sadd.s32 s3, s9;
	s6 =	sadd.s32 @!p0 $0x88, s6;
	s7 =	simm.s32 @p2 $0x1082  }
0x22: {  	[simem:s7], [sflag:s8] =	dma.local @!p0 [hbm:s6], $0xF7A  }
0x23: {  	s9 =	sor.u32 $0xD0000000, s2;
	s6 =	simm.s32 $0x108;
	_ =	swait.ge @!p0 [sflag:s8], $0x0  }
0x24: {  	s3 =	sadd.s32 $0x88, s3;
	s6 =	simm.s32 @!p1 $0x1082;
	[sflag:s4] =	ssyncset.s32 $0xFFFFF086  }
0x25: {  	[simem:s6], [sflag:s4] =	dma.local [hbm:s3], $0xF7A  }
0x26: {  	[smem:$0x3F91] =	sst s1;
	(tag) =	ssettag s2;
	_ =	strace s9  }
0x27: {  	s1 =	sld [smem:$0x3FA1]  }
0x28: {  	s2 =	sld [smem:$0x3FA2]  }
0x29: {  	s4 =	sld [smem:$0x3FA4]  }
0x2a: {  	p0 =	seq.s32 s5, $0x0;
	s5 =	sld [smem:$0x3FA5]  }
0x2b: {  	s6 =	sld [smem:$0x3FA6]  }
0x2c: {  	s7 =	sld [smem:$0x3FA7]  }
0x2d: {  	s3 =	simm.s32 $0x108;
	s8 =	sld [smem:$0x3FA8]  }
0x2e: {  	s3 =	simm.s32 @!p0 $0x1082;
	s9 =	sld [smem:$0x3FA9]  }
0x2f: {  	lr =	sadd.s32 s0, s3;
	s0 =	sld [smem:$0x3FA0]  }
0x30: {  	s3 =	sld [smem:$0x3FA3]  }
0x31: {  	[smem:$0x3FAC] =	sst s10  }
0x32: {  	s10 =	sld [smem:$0x3FAA];
	_ =	sdelay $0x3  }
0x33: {  	p0 =	seq.s32 s10, $0x1;
	s10 =	sld [smem:$0x3FAC];
	_ =	sdelay $0x3  }
0x34: {  	[smem:$0x3FAC] =	sst s10  }
0x35: {  	s10 =	sld [smem:$0x3FAB];
	_ =	sdelay $0x3  }
0x36: {  	p1 =	seq.s32 s10, $0x1;
	s10 =	sld [smem:$0x3FAC];
	_ =	sdelay $0x3  }
0x37: {  	[smem:$0x3FAC] =	sst s10  }
0x38: {  	s10 =	sld [smem:$0x3FAD]  }
0x39: {  	_ = 	snop;
	(pc) =	sbr.ind lr, $3  }
0x3a: {  	_ = 	snop  }
0x3b: {  	_ = 	snop  }
0x3c: {  	p2 =	seq.s32 s10, $0x1;
	s10 =	sld [smem:$0x3FAC]  }
0x3d: {  	_ =	shalt  }
0x3e: {  	_ =	shalt  }
0x3f: {  	_ =	shalt  }
0x40: {  	_ =	shalt  }
0x41: {  	_ =	shalt  }
0x42: {  	_ =	shalt  }
0x43: {  	_ =	shalt  }
0x44: {  	_ =	shalt  }
0x45: {  	_ =	shalt  }
0x46: {  	_ =	shalt  }
0x47: {  	_ =	shalt  }
0x48: {  	_ =	shalt  }
0x49: {  	_ =	shalt  }
0x4a: {  	_ =	shalt  }
0x4b: {  	_ =	shalt  }
0x4c: {  	_ =	shalt  }
0x4d: {  	_ =	shalt  }
0x4e: {  	_ =	shalt  }
0x4f: {  	_ =	shalt  }
0x50: {  	_ =	shalt  }
0x51: {  	_ =	shalt  }
0x52: {  	_ =	shalt  }
0x53: {  	_ =	shalt  }
0x54: {  	_ =	shalt  }
0x55: {  	_ =	shalt  }
0x56: {  	_ =	shalt  }
0x57: {  	_ =	shalt  }
0x58: {  	_ =	shalt  }
0x59: {  	_ =	shalt  }
0x5a: {  	_ =	shalt  }
0x5b: {  	_ =	shalt  }
0x5c: {  	_ =	shalt  }
0x5d: {  	_ =	shalt  }
0x5e: {  	_ =	shalt  }
0x5f: {  	_ =	shalt  }
0x60: {  	_ =	shalt  }
0x61: {  	_ =	shalt  }
0x62: {  	_ =	shalt  }
0x63: {  	_ =	shalt  }
0x64: {  	_ =	shalt  }
0x65: {  	_ =	shalt  }
0x66: {  	_ =	shalt  }
0x67: {  	_ =	shalt  }
0x68: {  	_ =	shalt  }
0x69: {  	_ =	shalt  }
0x6a: {  	_ =	shalt  }
0x6b: {  	_ =	shalt  }
0x6c: {  	_ =	shalt  }
0x6d: {  	_ =	shalt  }
0x6e: {  	_ =	shalt  }
0x6f: {  	_ =	shalt  }
0x70: {  	_ =	shalt  }
0x71: {  	_ =	shalt  }
0x72: {  	_ =	shalt  }
0x73: {  	_ =	shalt  }
0x74: {  	_ =	shalt  }
0x75: {  	_ =	shalt  }
0x76: {  	_ =	shalt  }
0x77: {  	_ =	shalt  }
0x78: {  	_ =	shalt  }
0x79: {  	_ =	shalt  }
0x7a: {  	_ =	shalt  }
0x7b: {  	_ =	shalt  }
0x7c: {  	_ =	shalt  }
0x7d: {  	_ =	shalt  }
0x7e: {  	_ =	shalt  }
0x7f: {  	_ =	shalt  }
0x80: {  	_ =	shalt  }
0x81: {  	_ =	shalt  }
0x82: {  	_ =	shalt  }
0x83: {  	_ =	shalt  }
0x84: {  	_ =	shalt  }
0x85: {  	_ =	shalt  }
0x86: {  	_ =	shalt  }
0x87: {  	_ =	shalt  }
.Lfunc_end0:
.L_simem_size_0:
called_computation.3_lowered:
.L_overlay_start_0:
0x88: {  	s2 =	sld [smem:$0x3FD9]  }
0x89: {  	s3 =	sld [smem:$0x3FFE];
	_ =	sdelay $0x1  }
0x8a: {  	s1 =	srdreg.scid  }
0x8b: {  	s0 =	sand.u32 $0x1, s1  }
0x8c: {  	s16 =	sshll.u32 s0, $0xA;
	s2 =	sadd.s32 s3, s2  }
0x8d: {  	s2 =	sadd.s32 s2, s16  }
0x8e: {  	[smem:$0x3FB8] =	sst s2  }
0x8f: {  	_ = 	snop  }
0x90: {  	(tm) =	ssettm $0x1  }
0x91: {  	s17 =	sld [smem:$0x3FFB];
	_ =	sdelay $0x3  }
0x92: {  	_ =	strace s17  }
0x93: {  	s2 =	sld [smem:$0x3FFC];
	_ =	sdelay $0x3  }
0x94: {  	_ =	strace s2  }
0x95: {  	s2 =	sld [smem:$0x3FFD];
	_ =	sdelay $0x3  }
0x96: {  	_ =	strace s2  }
0x97: {  	_ =	strace $0x8FFFFFFF  }
0x98: {  	s18 =	sld [smem:$0x3FDB];
	_ =	sdelay $0x1  }
0x99: {  	s19 =	simm.s32 $_scs_section_size  }
0x9a: {  	s4 =	simm.s32 $_size__tile_overlayer_lowered;
	s5 =	simm.s32 $_tile_overlayer_lowered  }
0x9b: {  	s22 =	simm.s32 $0x1BFF;
	s21 =	sshll.u32 s5, $0x1;
	s2 =	sadd.s32 s19, s18  }
0x9c: {  	s6 =	simm.s32 $0x0;
	s20 =	sshll.u32 s4, $0x1;
	s4 =	sadd.s32 s21, s2  }
0x9d: {  	[timem:s6], [sflag:s22] =	dma.local [hbm:s4], s20  }
0x9e: {  	_ =	swait.ge [sflag:s22], s20  }
0x9f: {  	s3 =	ssub.s32 $0x0, s20;
	[sflag:s22] =	ssyncset.done $0x0  }
0xa0: {  	[sflag:s22] =	ssyncadd.s32 s3;
	_ =	sdelay $0x1  }
0xa1: {  	s23 =	simm.s32 $0x1B8B  }
0xa2: {  	_ =	swait.ge [sflag:s23], $0x1  }
0xa3: {  	[sflag:s23] =	ssyncset.done $0x0  }
0xa4: {  	s25 =	simm.s32 $0x1B8E;
	s24 =	sld [smem:$0x3FFE];
	[sflag:s23] =	ssyncadd.s32 $0xFFFFFFFF  }
0xa5: {  	s26 =	simm.s32 $execute0_lowered;
	[smem:$0x3FD2] =	sst s25  }
0xa6: {  	s4 =	sshll.u32 s26, $0x1;
	_ =	strace $0x80000046;
	[dreg:$0x1] =	wrdreg $0xFFFFFFFF  }
0xa7: {  	s28 =	simm.s32 $_size_execute0_lowered;
	s2 =	sadd.s32 s2, s4;
	[dreg:$0x0] =	wrdreg $0x0  }
0xa8: {  	s4 =	sshll.u32 s28, $0x1;
	[dreg:$0x2] =	wrdreg s2  }
0xa9: {  	[dreg:$0x3] =	wrdreg s4  }
0xaa: {  	[dreg:$0x4] =	wrdreg $0xC0  }
0xab: {  	_ =	task [dreg:s6], $0x5FFFF  }
0xac: {  	[dreg:$0x1] =	wrdreg $0xFFFFFFFF  }
0xad: {  	[dreg:$0x0] =	wrdreg $0x60  }
0xae: {  	[dreg:$0x2] =	wrdreg s24  }
0xaf: {  	[dreg:$0x3] =	wrdreg $0x188D00  }
0xb0: {  	[dreg:$0x4] =	wrdreg $0xA  }
0xb1: {  	_ =	task.clear_ibuf [dreg:s6], $0x5FFFF;
	_ =	strace $0x90000046  }
0xb2: {  	s29 =	simm.s32 $0xA;
	_ =	strace $0x80000048  }
0xb3: {  	_ =	swait.ge [sflag:s29], $0x1  }
0xb4: {  	[sflag:s29] =	ssyncadd.s32 $0xFFFFFFFF  }
0xb5: {  	_ =	strace $0x90000048  }
0xb6: {  	_ =	sfence  }
0xb7: {  	s30 =	sld [smem:$0x0];
	_ =	sdelay $0x2  }
0xb8: {  	s31 =	sshll.u32 s1, $0xD;
	s1 =	sshrl.u32 s1, $0x2  }
0xb9: {  	s3 =	sand.u32 $0x4000, s31;
	s1 =	sadd.s32 s1, s30  }
0xba: {  	s0 =	sor.u32 s3, s0;
	s1 =	sshll.u32 s1, $0x11  }
0xbb: {  	s0 =	sor.u32 s1, s0  }
0xbc: {  	s0 =	sadd.s32 $0x8F2B, s0  }
0xbd: {  	[sflag:s0] =	ssyncadd.remote.s32 $0x1  }
0xbe: {  	_ =	sfence.sel $0xFFFF  }
0xbf: {  	[dreg:$0x0] =	wrdreg $0xFFFFFFFF;
	(pc) =	sbr.abs _section_cstart, $3  }
0xc0: {  	[dreg:$0x1] =	wrdreg $0xFFFFFFFF  }
0xc1: {  	_ =	task.clear_ibuf [dreg:s6], $0x2FFFF;
	_ =	strace $0x9FFFFFFF  }
0xc2: {  	(tm) =	ssettm $0x7FFFFFFF  }
0xc3: {  	_ =	shalt  }
tec
execute0_lowered:
.L_overlay_start_1:
0x0: {  	(tag) =	ssettag $0x1  }
0x1: {  	s0 =	rddreg [dreg:$0x0]  }
0x2: {  	s1 =	rddreg [dreg:$0x1];
	s2 =	simm.s32 $0x0  }
0x3: {  	s4 =	srdreg.scid;
	s5 =	stileid.u32;
	s18 =	simm.s32 $0x27D0  }
0x4: {  	s19 =	simm.s32 $0x2;
	s20 =	simm.s32 $0x4AD0;
	s21 =	simm.s32 $0xE9D0  }
0x5: {  	s22 =	simm.s32 $0x100;
	s23 =	simm.s32 $0x7D0;
	[smem:$0x7FF] =	sst s2  }
0x6: {  	s3 =	sadd.s32 $0x2E00, s0;
	s6 =	sand.u32 $0x1, s4;
	s7 =	smul.u32 $0x1A400, s5  }
0x7: {  	s4 =	sadd.s32 $0x9EE200, s0;
	s8 =	sadd.s32 $0x2A200, s0;
	s28 =	smul.u32 $0x348, s5  }
0x8: {  	s11 =	smul.u32 $0x9C40, s5;
	s29 =	sadd.s32 $0x69000, s1;
	s30 =	sadd.s32 $0x2A660, s0  }
0x9: {  	s0 =	sadd.s32 $0x2AAC0, s0;
	_ =	strace $0x80000047;
	[dreg:$0x3] =	wrdreg s8  }
0xa: {  	p0 =	sne.s32 s5, $0x0;
	s5 =	simm.s32 $0x0;
	[dreg:$0x6] =	wrdreg s29  }
0xb: {  	s24 =	ssub.s32 $0x2, s6;
	s6 =	smul.u32 $0xC, s6;
	[dreg:$0x7] =	wrdreg s30  }
.Ltmp0:
0xc: {  	[dreg:$0x8] =	wrdreg s0;
	s9 =	sshrl.u32 s24, $0x1;
	(pc) =	sbr.rel .LBB2_1-.Ltmp0, $4  }
0xd: {  	s25 =	sshrl.u32 s7, $0x2;
	[dreg:$0x5] =	wrdreg s28;
	s16 =	sadd.s32 $0x70, s11  }
0xe: {  	s17 =	sadd.s32 $0x780, s11;
	[dreg:$0x4] =	wrdreg s6;
	s26 =	ssub.s32 s24, s9  }
0xf: {  	s8 =	sadd.s32 s25, s1;
	s24 =	simm.s32 $0x1;
	s31 =	smax.u32 s26, $0x1  }
0x10: {  	v0 =	vimm.f32 $0.0e+00;
	v1 =	vlaneseq.u32;
	v2 =	vimm.s32 $0x0;
	s9 =	sadd.s32 $0x2300, s8;
	s10 =	sadd.s32 $0x4600, s8;
	[dreg:$0x9] =	wrdreg s31  }
.LBB2_15:
0x11: {  	s5 =	rddreg [dreg:$0xa]  }
0x12: {  	s0 =	rddreg [dreg:$0x9];
	s5 =	sadd.s32 $0x1, s5  }
0x13: {  	p1 =	sne.s32 s5, s0  }
.Ltmp1:
0x14: {  	_ = 	snop;
	(pc) =	sbr.rel @!p1 .LBB2_16-.Ltmp1, $1  }
0x15: {  	_ =	sdelay $0x3  }
.LBB2_1:
.Ltmp2:
0x16: {  	(pc) =	sbr.rel .LBB2_2-.Ltmp2, $2  }
0x17: {  	_ =	sdelay $0x2  }
0x18: {  	[dreg:$0xa] =	wrdreg s5;
	s26 =	simm.s32 $0x0  }
.LBB2_13:
0x19: {  	[sflag:s19] =	ssyncadd.s32 $0xFFFFE000  }
.LBB2_14:
0x1a: {  	[bflag:$0x0] =	sbarrier.arrive $0xFFFF  }
0x1b: {  	[tilespmem:s18], [sflag:$0x2] =	stream.linear.gather [spmem:s8], $0x2300, $0x38;
	[tilespmem:$0x1F210] =	vst v63  }
0x1c: {  	_ =	swait.ge [sflag:s19], $0x2300  }
0x1d: {  	s0 =	rddreg [dreg:$0x5]  }
0x1e: {  	s0 =	sadd.s32 s0, s28  }
0x1f: {  	[sflag:s19] =	ssyncset.done $0x0;
	s5 =	rddreg [dreg:$0x3];
	s0 =	sshll.u32 s0, $0x2  }
0x20: {  	[sflag:s19] =	ssyncadd.s32 $0xFFFFDD00;
	s5 =	sadd.s32 s5, s0  }
0x21: {  	[hbm4b:s5+s2] =	stream.linear.scatter [tilespmem:s18], [sflag:$0x2], $0x2300, $0x38;
	[tilespmem:$0x1F210] =	vst v63  }
0x22: {  	_ =	swait.ge [sflag:s19], $0x2300  }
0x23: {  	[sflag:s19] =	ssyncset.done $0x0  }
0x24: {  	[sflag:s19] =	ssyncadd.s32 $0xFFFFDD00  }
0x25: {  	[tilespmem:s18], [sflag:$0x2] =	stream.linear.gather [spmem:s9], $0x2300, $0x38;
	[tilespmem:$0x1F210] =	vst v63  }
0x26: {  	_ =	swait.ge [sflag:s19], $0x2300  }
0x27: {  	[sflag:s19] =	ssyncset.done $0x0;
	s30 =	rddreg [dreg:$0x7]  }
0x28: {  	[sflag:s19] =	ssyncadd.s32 $0xFFFFDD00;
	s5 =	sadd.s32 s0, s30  }
0x29: {  	[hbm4b:s5+s2] =	stream.linear.scatter [tilespmem:s18], [sflag:$0x2], $0x2300, $0x38;
	[tilespmem:$0x1F210] =	vst v63  }
0x2a: {  	_ =	swait.ge [sflag:s19], $0x2300  }
0x2b: {  	[sflag:s19] =	ssyncset.done $0x0  }
0x2c: {  	[sflag:s19] =	ssyncadd.s32 $0xFFFFDD00  }
0x2d: {  	[tilespmem:s18], [sflag:$0x2] =	stream.linear.gather [spmem:s10], $0x2300, $0x38;
	[tilespmem:$0x1F210] =	vst v63  }
0x2e: {  	s26 =	sadd.s32 $0x1, s26;
	_ =	swait.ge [sflag:s19], $0x2300  }
0x2f: {  	p1 =	sne.s32 s26, $0xC;
	[sflag:s19] =	ssyncset.done $0x0;
	s31 =	rddreg [dreg:$0x8]  }
.Ltmp3:
0x30: {  	[sflag:s19] =	ssyncadd.s32 $0xFFFFDD00;
	s0 =	sadd.s32 s0, s31;
	(pc) =	sbr.rel @!p1 .LBB2_15-.Ltmp3, $4  }
0x31: {  	[hbm4b:s0+s2] =	stream.linear.scatter [tilespmem:s18], [sflag:$0x2], $0x2300, $0x38;
	[tilespmem:$0x1F210] =	vst v63  }
0x32: {  	_ =	swait.ge [sflag:s19], $0x2300  }
0x33: {  	[sflag:s19] =	ssyncset.done $0x0  }
0x34: {  	[sflag:s19] =	ssyncadd.s32 $0xFFFFDD00  }
.LBB2_2:
0x35: {  	[bflag:$0x0] =	sbarrier.arrive $0xFFFF  }
0x36: {  	[tilespmem:$0x7D0] =	vst v0  }
0x37: {  	[tilespmem:$0x7E0] =	vst v0  }
0x38: {  	[tilespmem:$0x7F0] =	vst v0  }
0x39: {  	[tilespmem:$0x800] =	vst v0  }
0x3a: {  	[tilespmem:$0x810] =	vst v0  }
0x3b: {  	[tilespmem:$0x820] =	vst v0  }
0x3c: {  	[tilespmem:$0x830] =	vst v0  }
0x3d: {  	[tilespmem:$0x840] =	vst v0  }
0x3e: {  	[tilespmem:$0x850] =	vst v0  }
0x3f: {  	[tilespmem:$0x860] =	vst v0  }
0x40: {  	[tilespmem:$0x870] =	vst v0  }
0x41: {  	[tilespmem:$0x880] =	vst v0  }
0x42: {  	[tilespmem:$0x890] =	vst v0  }
0x43: {  	[tilespmem:$0x8A0] =	vst v0  }
0x44: {  	[tilespmem:$0x8B0] =	vst v0  }
0x45: {  	[tilespmem:$0x8C0] =	vst v0  }
0x46: {  	[tilespmem:$0x8D0] =	vst v0  }
0x47: {  	[tilespmem:$0x8E0] =	vst v0  }
0x48: {  	[tilespmem:$0x8F0] =	vst v0  }
0x49: {  	[tilespmem:$0x900] =	vst v0  }
0x4a: {  	[tilespmem:$0x910] =	vst v0  }
0x4b: {  	[tilespmem:$0x920] =	vst v0  }
0x4c: {  	[tilespmem:$0x930] =	vst v0  }
0x4d: {  	[tilespmem:$0x940] =	vst v0  }
0x4e: {  	[tilespmem:$0x950] =	vst v0  }
0x4f: {  	[tilespmem:$0x960] =	vst v0  }
0x50: {  	[tilespmem:$0x970] =	vst v0  }
0x51: {  	[tilespmem:$0x980] =	vst v0  }
0x52: {  	[tilespmem:$0x990] =	vst v0  }
0x53: {  	[tilespmem:$0x9A0] =	vst v0  }
0x54: {  	[tilespmem:$0x9B0] =	vst v0  }
0x55: {  	[tilespmem:$0x9C0] =	vst v0  }
0x56: {  	[tilespmem:$0x9D0] =	vst v0  }
0x57: {  	[tilespmem:$0x9E0] =	vst v0  }
0x58: {  	[tilespmem:$0x9F0] =	vst v0  }
0x59: {  	[tilespmem:$0xA00] =	vst v0  }
0x5a: {  	[tilespmem:$0xA10] =	vst v0  }
0x5b: {  	[tilespmem:$0xA20] =	vst v0  }
0x5c: {  	[tilespmem:$0xA30] =	vst v0  }
0x5d: {  	[tilespmem:$0xA40] =	vst v0  }
0x5e: {  	[tilespmem:$0xA50] =	vst v0  }
0x5f: {  	[tilespmem:$0xA60] =	vst v0  }
0x60: {  	[tilespmem:$0xA70] =	vst v0  }
0x61: {  	[tilespmem:$0xA80] =	vst v0  }
0x62: {  	[tilespmem:$0xA90] =	vst v0  }
0x63: {  	[tilespmem:$0xAA0] =	vst v0  }
0x64: {  	[tilespmem:$0xAB0] =	vst v0  }
0x65: {  	[tilespmem:$0xAC0] =	vst v0  }
0x66: {  	[tilespmem:$0xAD0] =	vst v0  }
0x67: {  	[tilespmem:$0xAE0] =	vst v0  }
0x68: {  	[tilespmem:$0xAF0] =	vst v0  }
0x69: {  	[tilespmem:$0xB00] =	vst v0  }
0x6a: {  	[tilespmem:$0xB10] =	vst v0  }
0x6b: {  	[tilespmem:$0xB20] =	vst v0  }
0x6c: {  	[tilespmem:$0xB30] =	vst v0  }
0x6d: {  	[tilespmem:$0xB40] =	vst v0  }
0x6e: {  	[tilespmem:$0xB50] =	vst v0  }
0x6f: {  	[tilespmem:$0xB60] =	vst v0  }
0x70: {  	[tilespmem:$0xB70] =	vst v0  }
0x71: {  	[tilespmem:$0xB80] =	vst v0  }
0x72: {  	[tilespmem:$0xB90] =	vst v0  }
0x73: {  	[tilespmem:$0xBA0] =	vst v0  }
0x74: {  	[tilespmem:$0xBB0] =	vst v0  }
0x75: {  	s0 =	simm.s32 $0x80;
	s5 =	simm.s32 $0x0;
	[tilespmem:$0xBC0] =	vst v0  }
.LBB2_3:
0x76: {  	p1 =	sne.s32 s0, $0x8B80;
	[tilespmem:s5+$0x27D0] =	vst v0;
	s6 =	smov.u32 s0;
	s0 =	sadd.s32 $0x80, s0  }
.Ltmp4:
0x77: {  	[tilespmem:s5+$0x27E0] =	vst v0;
	(pc) =	sbr.rel @p1 .LBB2_3-.Ltmp4, $2  }
0x78: {  	_ =	sdelay $0x2  }
0x79: {  	s5 =	sshra.s32 s6, $0x2  }
0x7a: {  	[tilespmem:s5+$0x27D0] =	vst v0  }
0x7b: {  	[tilespmem:s5+$0x27E0] =	vst v0  }
0x7c: {  	[spmem:s8] =	stream.linear.scatter [tilespmem:s18], [sflag:$0x2], $0x2300, $0x38;
	[tilespmem:$0x1F210] =	vst v63  }
0x7d: {  	_ =	swait.ge [sflag:s19], $0x2300  }
0x7e: {  	[sflag:s19] =	ssyncset.done $0x0  }
0x7f: {  	[sflag:s19] =	ssyncadd.s32 $0xFFFFDD00  }
0x80: {  	[spmem:s9] =	stream.linear.scatter [tilespmem:s18], [sflag:$0x2], $0x2300, $0x38;
	[tilespmem:$0x1F210] =	vst v63  }
0x81: {  	_ =	swait.ge [sflag:s19], $0x2300  }
0x82: {  	[sflag:s19] =	ssyncset.done $0x0  }
0x83: {  	[sflag:s19] =	ssyncadd.s32 $0xFFFFDD00  }
0x84: {  	[spmem:s10] =	stream.linear.scatter [tilespmem:s18], [sflag:$0x2], $0x2300, $0x38;
	[tilespmem:$0x1F210] =	vst v63  }
0x85: {  	_ =	swait.ge [sflag:s19], $0x2300  }
0x86: {  	[sflag:s19] =	ssyncset.done $0x0  }
0x87: {  	s0 =	simm.s32 @!p0 $0x7D0;
	s5 =	rddreg [dreg:$0x6];
	[sflag:s19] =	ssyncadd.s32 $0xFFFFDD00  }
0x88: {  	[spmem:s5] =	stream.linear.scatter @!p0 [tilespmem:s0], [sflag:$0x2], $0x400, $0x38;
	[tilespmem:$0x1F210] =	vst v63  }
0x89: {  	s25 =	rddreg [dreg:$0x4];
	s0 =	simm.s32 @!p0 $0x2  }
0x8a: {  	s5 =	sadd.s32 s25, s26;
	_ =	swait.ge @!p0 [sflag:s0], $0x400  }
0x8b: {  	s28 =	smul.u32 $0x3480, s5;
	[sflag:s0] =	ssyncset.done @!p0 $0x0  }
0x8c: {  	s29 =	simm.s32 $0x0;
	[sflag:s0] =	ssyncadd.s32 @!p0 $0xFFFFFC00  }
0x8d: {  	v5 =	vimm.s32 $0x0;
	s30 =	smov.u32 s17;
	s31 =	smov.u32 s16;
	v3 =	vmov s28;
	[bflag:$0x0] =	sbarrier.arrive $0xFFFF  }
.LBB2_5:
0x8e: {  	s0 =	smul.u32 $0x7D0, s29;
	_ =	sdelay $0x1  }
0x8f: {  	s0 =	sadd.s32 s11, s0  }
0x90: {  	s0 =	sshrl.u32 s0, $0x3  }
0x91: {  	s0 =	sadd.s32 s3, s0  }
0x92: {  	[tilespmem:s2], [sflag:$0x2] =	stream.linear.gather [hbm4b:s0+s2], $0x7D0, $0x38;
	[tilespmem:$0x1F210] =	vst v63  }
0x93: {  	_ =	swait.ge [sflag:s19], $0x7D0  }
0x94: {  	[sflag:s19] =	ssyncset.done $0x0  }
0x95: {  	s12 =	simm.s32 $0x40;
	[sflag:s19] =	ssyncadd.s32 $0xFFFFF830  }
0x96: {  	v4 =	vld [tilespmem:s12+$0xFFFFFFC0]  }
0x97: {  	v6 =	vld [tilespmem:s12+$0x10]  }
0x98: {  	v7 =	vld [tilespmem:s12+$0xFFFFFFF0]  }
0x99: {  	v8 =	vld [tilespmem:s12+$0xFFFFFFE0]  }
0x9a: {  	v9 =	vld [tilespmem:s12+$0x20]  }
0x9b: {  	v10 =	vld [tilespmem:s12+$0x30];
	v16 =	vsub.s32 v4, v3  }
0x9c: {  	v18 =	vsub.s32 v6, v3;
	v6 =	vld [tilespmem:s12+$0xFFFFFFD0];
	vm0 =	vlt.u32 v16, $0x3480  }
0x9d: {  	v11 =	vld [tilespmem:s12+$0x0];
	v12 =	vsub.s32 v7, v3;
	vm2 =	vlt.u32 v18, $0x3480;
	v4 =	vsel vm0, $0x1, v2  }
0x9e: {  	s5 =	sadd.s32 $0xFFFFFFF0, s31;
	v7 =	vsub.s32 v8, v3;
	vm1 =	vlt.u32 v12, $0x3480;
	(xrf0) =	vadd.scan.msk.s32 $0xffff, v4;
	v4 =	vsel vm2, $0x1, v2  }
0x9f: {  	s6 =	sadd.s32 $0xFFFFFF90, s31;
	v25 =	vor.u32 s5, v1;
	vm3 =	vlt.u32 v7, $0x3480;
	(xrf0) =	vadd.scan.msk.s32 $0xffff, v4;
	v4 =	vsel vm1, $0x1, v2  }
0xa0: {  	s15 =	sadd.s32 $0xFFFFFFA0, s31;
	v26 =	vor.u32 s6, v1;
	v17 =	vsub.s32 v9, v3;
	v8 =	vsel vm3, $0x1, v2;
	(xrf0) =	vadd.scan.msk.s32 $0xffff, v4  }
0xa1: {  	v28 =	vor.u32 s15, v1;
	vm7 =	vlt.u32 v17, $0x3480;
	v14 =	vsub.s32 v6, v3;
	(xrf0) =	vadd.scan.msk.s32 $0xffff, v8  }
0xa2: {  	v4 =	vsub.s32 v10, v3;
	v10 =	vsub.s32 v11, v3;
	vm4 =	vlt.u32 v14, $0x3480  }
0xa3: {  	s7 =	sadd.s32 $0xFFFFFFE0, s31;
	v6 =	vsel vm7, $0x1, v2;
	vm6 =	vlt.u32 v10, $0x3480;
	v19 =	vsel vm4, $0x1, v2  }
0xa4: {  	s14 =	sadd.s32 $0xFFFFFFC0, s31;
	s25 =	sadd.s32 $0xFFFFFFB0, s31;
	v29 =	vor.u32 s7, v1;
	v13 =	vmpcnt.ones.xlane vm0;
	v9 =	vsel vm6, $0x1, v2;
	v8, _, _ =	vpop (xrf0);
	(xrf0) =	vadd.scan.msk.s32 $0xffff, v6  }
0xa5: {  	s15 =	sadd.s32 $0xFFFFFFD0, s31;
	v30 =	vor.u32 s14, v1;
	v59 =	vor.u32 s25, v1;
	v6 =	vmpcnt.ones.xlane vm4;
	v15, _, _ =	vpop (xrf0);
	(xrf0) =	vadd.scan.msk.s32 $0xffff, v9  }
0xa6: {  	v33 =	vor.u32 s15, v1;
	v13 =	vadd.s32 v5, v13;
	v11 =	vmpcnt.ones.xlane vm3;
	(xrf0) =	vadd.scan.msk.s32 $0xffff, v19;
	v19, _, _ =	vpop (xrf0)  }
0xa7: {  	s13 =	simm.s32 $0xC0;
	v21 =	vmpcnt.ones.xlane vm2;
	v9 =	vmpcnt.ones.xlane vm1;
	v6 =	vadd.s32 v13, v6;
	v23, _, _ =	vpop (xrf0)  }
0xa8: {  	v35 =	vld [tilespmem:s13+$0xFFFFFFD0];
	v8 =	vadd.s32 v8, v5;
	v11 =	vadd.s32 v6, v11;
	v5 =	vadd.s32 v23, v6  }
0xa9: {  	v23 =	vadd.s32 v11, v9;
	v6 =	vld [tilespmem:s13+$0xFFFFFFC0];
	v9 =	vadd.s32 $0xFFFFFFFF, v5;
	v5 =	vadd.s32 v19, v11  }
0xaa: {  	v24 =	vld [tilespmem:s13+$0x10];
	vm10 =	vmmov vm0;
	vm11 =	vmmov vm2;
	vm5 =	vlt.u32 v4, $0x3480  }
0xab: {  	v27 =	vld [tilespmem:s13+$0x20];
	vm9 =	vmmov vm7;
	vm0 =	vmmov vm5;
	v19, _, _ =	vpop (xrf0);
	v11 =	vadd.s32 $0xFFFFFFFF, v5  }
0xac: {  	v32 =	vld [tilespmem:s13+$0x30];
	v20 =	vsel vm5, $0x1, v2;
	v22 =	vmpcnt.ones.xlane vm6;
	v60 =	vmpcnt.ones.xlane vm0;
	v5, _, _ =	vpop (xrf0)  }
0xad: {  	v40 =	vadd.s32 $0xFFFFFFFF, v8;
	v8 =	vsub.s32 v35, v3;
	v31, _, _ =	vpop (xrf0);
	v5 =	vadd.s32 v5, v23  }
0xae: {  	v38 =	vld [tilespmem:s13+$0xFFFFFFE0];
	v13 =	vadd.s32 v31, v13;
	v34 =	vadd.s32 $0xFFFFFFFF, v5;
	v5 =	vsub.s32 v6, v3;
	[tilespmem:v9+s20+$0x0] =	vst.idx.msk vm3, v59  }
0xaf: {  	v6 =	vsub.s32 v24, v3;
	v36 =	vadd.s32 $0xFFFFFFFF, v13;
	vm2 =	vlt.u32 v5, $0x3480;
	v13 =	vld [tilespmem:s13+$0xFFFFFFF0];
	[tilespmem:v9+s21+$0x0] =	vst.idx.msk vm3, v7  }
0xb0: {  	v24 =	vmpcnt.ones.xlane vm9;
	[tilespmem:v11+s20+$0x0] =	vst.idx.msk vm1, v30;
	v7 =	vsub.s32 v27, v3;
	v37 =	vsel vm2, $0x1, v2  }
0xb1: {  	v9 =	vsub.s32 v32, v3;
	vm7 =	vlt.u32 v6, $0x3480;
	v39 =	vmpcnt.ones.xlane vm2;
	(xrf0) =	vadd.scan.msk.s32 $0xffff, v37  }
0xb2: {  	[tilespmem:v11+s21+$0x0] =	vst.idx.msk vm1, v12;
	vm5 =	vlt.u32 v7, $0x3480;
	v12 =	vsel vm7, $0x1, v2;
	(xrf0) =	vadd.scan.msk.s32 $0xffff, v20  }
0xb3: {  	vm3 =	vlt.u32 v9, $0x3480;
	[tilespmem:v34+s20+$0x0] =	vst.idx.msk vm6, v33;
	(xrf0) =	vadd.scan.msk.s32 $0xffff, v12;
	v12 =	vadd.s32 v23, v22  }
0xb4: {  	v11 =	vsel vm3, $0x1, v2;
	[tilespmem:v34+s21+$0x0] =	vst.idx.msk vm6, v10;
	v10 =	vsub.s32 v13, v3;
	v13 =	vsub.s32 v38, v3  }
0xb5: {  	v20 =	vld [tilespmem:s13+$0x0];
	[tilespmem:v36+s20+$0x0] =	vst.idx.msk vm4, v28;
	v21 =	vadd.s32 v12, v21;
	v12 =	vadd.s32 v15, v12;
	vm1 =	vlt.u32 v10, $0x3480  }
0xb6: {  	vm6 =	vlt.u32 v13, $0x3480;
	[tilespmem:v36+s21+$0x0] =	vst.idx.msk vm4, v14;
	v23 =	vadd.s32 $0xFFFFFFFF, v12;
	v15 =	vsel vm1, $0x1, v2  }
0xb7: {  	v14 =	vsel vm5, $0x1, v2;
	v19 =	vadd.s32 v19, v21;
	v12 =	vsel vm6, $0x1, v2;
	(xrf0) =	vadd.scan.msk.s32 $0xffff, v15  }
0xb8: {  	vm4 =	vlt.u32 v8, $0x3480;
	v27 =	vmpcnt.ones.xlane vm6;
	v61 =	vmpcnt.ones.xlane vm1;
	(xrf0) =	vadd.scan.msk.s32 $0xffff, v12  }
0xb9: {  	v62 =	vadd.s32 $0xFFFFFFFF, v19;
	v63 =	vsel vm4, $0x1, v2;
	v15 =	vadd.s32 v21, v24;
	v21, _, _ =	vpop (xrf0);
	(xrf0) =	vadd.scan.msk.s32 $0xffff, v14  }
0xba: {  	[tilespmem:v40+s20+$0x0] =	vst.idx.msk vm10, v26;
	v24 =	vmpcnt.ones.xlane vm4;
	v12 =	vsub.s32 v20, v3;
	v20 =	vadd.s32 v15, v60;
	v22, _, _ =	vpop (xrf0)  }
0xbb: {  	[tilespmem:v40+s21+$0x0] =	vst.idx.msk vm10, v16;
	v14 =	vmpcnt.ones.xlane vm7;
	vm8 =	vlt.u32 v12, $0x3480;
	v22 =	vadd.s32 v22, v15  }
0xbc: {  	v19 =	vadd.s32 v20, v39;
	[tilespmem:v23+s20+$0x0] =	vst.idx.msk vm11, v29;
	v15, _, _ =	vpop (xrf0);
	v26 =	vsel vm8, $0x1, v2;
	v22 =	vadd.s32 $0xFFFFFFFF, v22  }
0xbd: {  	v20 =	vadd.s32 v21, v20;
	[tilespmem:v23+s21+$0x0] =	vst.idx.msk vm11, v18;
	(xrf0) =	vadd.scan.msk.s32 $0xffff, v26;
	v26 =	vadd.s32 v19, v24;
	v23, _, _ =	vpop (xrf0)  }
0xbe: {  	s25 =	simm.s32 $0x8;
	s6 =	simm.s32 $0x140;
	s0 =	sadd.s32 $0x80, s31;
	v18 =	vmpcnt.ones.xlane vm8;
	[tilespmem:v62+s20+$0x0] =	vst.idx.msk vm9, v25;
	(xrf0) =	vadd.scan.msk.s32 $0xffff, v63;
	v24 =	vadd.s32 v26, v27;
	v16, _, _ =	vpop (xrf0)  }
0xbf: {  	s15 =	sadd.s32 $0xFFFFFFF0, s0;
	s7 =	sadd.s32 $0xFFFFFFE0, s0;
	s5 =	sadd.s32 $0x80, s0;
	v25 =	vor.u32 s31, v1;
	[tilespmem:v62+s21+$0x0] =	vst.idx.msk vm9, v17;
	v21 =	vadd.s32 v24, v61;
	v26 =	vadd.s32 v16, v26;
	v16, _, _ =	vpop (xrf0)  }
.LBB2_6:
0xc0: {  	v26 =	vadd.s32 $0xFFFFFFFF, v26;
	v23 =	vadd.s32 v23, v24  }
0xc1: {  	v17 =	vld [tilespmem:s6+$0xFFFFFFC0];
	s12 =	sadd.s32 $0xFFFFFFF0, s5;
	s25 =	sadd.s32 $0x8, s25;
	[tilespmem:v22+s20+$0x0] =	vst.idx.msk vm0, v25;
	vm10 =	vmmov vm2;
	vm11 =	vmmov vm7;
	vm9 =	vmmov vm5  }
0xc2: {  	s13 =	sadd.s32 $0xFFFFFF90, s0;
	s14 =	sadd.s32 $0xFFFFFFA0, s0;
	v25 =	vor.u32 s15, v1;
	v24 =	vld [tilespmem:s6+$0x10];
	p1 =	slt.u32 s25, $0x70;
	v23 =	vadd.s32 $0xFFFFFFFF, v23;
	[tilespmem:v22+s21+$0x0] =	vst.idx.msk vm0, v4;
	v4 =	vmovc v9;
	vm0 =	vmmov vm3  }
0xc3: {  	v28 =	vor.u32 s7, v1;
	v22 =	vor.u32 s13, v1;
	v27 =	vor.u32 s14, v1;
	s13 =	sadd.s32 $0xFFFFFFC0, s0;
	s14 =	sadd.s32 $0xFFFFFFD0, s0;
	s15 =	smov.u32 s12;
	v9 =	vld [tilespmem:s6+$0x20];
	v29, _, _ =	vpop (xrf0)  }
0xc4: {  	s7 =	sadd.s32 $0xFFFFFFB0, s0;
	v31 =	vor.u32 s13, v1;
	v32 =	vor.u32 s14, v1;
	v30 =	vld [tilespmem:s6+$0x30];
	v29 =	vadd.s32 v29, v21;
	v33, _, _ =	vpop (xrf0)  }
0xc5: {  	v34 =	vld [tilespmem:s6+$0x0];
	v19 =	vadd.s32 v33, v19;
	v33 =	vor.u32 s7, v1;
	v29 =	vadd.s32 $0xFFFFFFFF, v29  }
0xc6: {  	v17 =	vsub.s32 v17, v3;
	v35 =	vld [tilespmem:s6+$0xFFFFFFD0];
	v19 =	vadd.s32 $0xFFFFFFFF, v19;
	[tilespmem:v26+s20+$0x0] =	vst.idx.msk vm6, v33;
	v33 =	vmpcnt.ones.xlane vm0  }
0xc7: {  	vm2 =	vlt.u32 v17, $0x3480;
	v36 =	vld [tilespmem:s6+$0xFFFFFFF0];
	v24 =	vsub.s32 v24, v3;
	[tilespmem:v26+s21+$0x0] =	vst.idx.msk vm6, v13;
	v26 =	vmpcnt.ones.xlane vm9  }
0xc8: {  	v39 =	vadd.s32 $0xFFFFFFFF, v20;
	v13 =	vsel vm2, $0x1, v2;
	v37 =	vmpcnt.ones.xlane vm2;
	v38 =	vld [tilespmem:s6+$0xFFFFFFE0];
	[tilespmem:v23+s20+$0x0] =	vst.idx.msk vm1, v31  }
0xc9: {  	v31 =	vsub.s32 v9, v3;
	v9 =	vsub.s32 v30, v3;
	(xrf0) =	vadd.scan.msk.s32 $0xffff, v13;
	[tilespmem:v23+s21+$0x0] =	vst.idx.msk vm1, v10  }
0xca: {  	vm7 =	vlt.u32 v24, $0x3480;
	vm5 =	vlt.u32 v31, $0x3480;
	[tilespmem:v29+s20+$0x0] =	vst.idx.msk vm8, v32;
	(xrf0) =	vadd.scan.msk.s32 $0xffff, v11  }
0xcb: {  	v13 =	vsel vm7, $0x1, v2;
	vm3 =	vlt.u32 v9, $0x3480;
	v20 =	vsub.s32 v35, v3;
	[tilespmem:v29+s21+$0x0] =	vst.idx.msk vm8, v12  }
0xcc: {  	v11 =	vsel vm3, $0x1, v2;
	v12 =	vadd.s32 v21, v18;
	v10 =	vsub.s32 v36, v3;
	(xrf0) =	vadd.scan.msk.s32 $0xffff, v13  }
0xcd: {  	v14 =	vadd.s32 v12, v14;
	v13 =	vsub.s32 v38, v3;
	vm1 =	vlt.u32 v10, $0x3480;
	[tilespmem:v19+s20+$0x0] =	vst.idx.msk vm4, v27  }
0xce: {  	v12 =	vadd.s32 v15, v12;
	vm6 =	vlt.u32 v13, $0x3480;
	v18 =	vsel vm1, $0x1, v2;
	[tilespmem:v19+s21+$0x0] =	vst.idx.msk vm4, v8;
	v8 =	vmovc v20  }
0xcf: {  	v23 =	vadd.s32 $0xFFFFFFFF, v12;
	v15 =	vsel vm6, $0x1, v2;
	v21 =	vmpcnt.ones.xlane vm6;
	v20, _, _ =	vpop (xrf0);
	[tilespmem:v39+s20+$0x0] =	vst.idx.msk vm10, v22  }
0xd0: {  	v12 =	vsub.s32 v34, v3;
	v27 =	vmpcnt.ones.xlane vm1;
	(xrf0) =	vadd.scan.msk.s32 $0xffff, v18;
	v18 =	vadd.s32 v14, v26;
	v22, _, _ =	vpop (xrf0)  }
0xd1: {  	v16 =	vadd.s32 v16, v14;
	v19 =	vsel vm5, $0x1, v2;
	(xrf0) =	vadd.scan.msk.s32 $0xffff, v15;
	v26 =	vadd.s32 v18, v33  }
0xd2: {  	v29 =	vadd.s32 $0xFFFFFFFF, v16;
	vm4 =	vlt.u32 v8, $0x3480;
	v14 =	vmpcnt.ones.xlane vm7;
	v15, _, _ =	vpop (xrf0);
	(xrf0) =	vadd.scan.msk.s32 $0xffff, v19  }
0xd3: {  	vm8 =	vlt.u32 v12, $0x3480;
	v16 =	vadd.s32 v22, v18;
	v19 =	vadd.s32 v26, v37  }
.Ltmp5:
0xd4: {  	v32 =	vsel vm8, $0x1, v2;
	v30 =	vmpcnt.ones.xlane vm4;
	v22 =	vadd.s32 $0xFFFFFFFF, v16;
	[tilespmem:v23+s20+$0x0] =	vst.idx.msk vm11, v28;
	(pc) =	sbr.rel @p1 .LBB2_6-.Ltmp5, $4  }
0xd5: {  	v18 =	vmpcnt.ones.xlane vm8;
	v28 =	vsel vm4, $0x1, v2;
	(xrf0) =	vadd.scan.msk.s32 $0xffff, v32;
	[tilespmem:v23+s21+$0x0] =	vst.idx.msk vm11, v6;
	v6 =	vmovc v24  }
0xd6: {  	v20 =	vadd.s32 v20, v26;
	v26 =	vadd.s32 v19, v30;
	(xrf0) =	vadd.scan.msk.s32 $0xffff, v28;
	v23, _, _ =	vpop (xrf0);
	[tilespmem:v39+s21+$0x0] =	vst.idx.msk vm10, v5  }
0xd7: {  	v24 =	vadd.s32 v26, v21;
	v5 =	vmov v17;
	v16, _, _ =	vpop (xrf0);
	[tilespmem:v29+s20+$0x0] =	vst.idx.msk vm9, v25;
	v25 =	vor.u32 s0, v1;
	s0 =	smov.u32 s5  }
0xd8: {  	s6 =	sadd.s32 $0x80, s6;
	v21 =	vadd.s32 v24, v27;
	s5 =	sadd.s32 $0x80, s5;
	v26 =	vadd.s32 v16, v26;
	s7 =	sadd.s32 $0xFFFFFFE0, s0;
	v16, _, _ =	vpop (xrf0);
	[tilespmem:v29+s21+$0x0] =	vst.idx.msk vm9, v7;
	v7 =	vmov v31  }
0xd9: {  	_ =	sdelay $0x1  }
0xda: {  	v17 =	vadd.s32 $0xFFFFFFFF, v26  }
0xdb: {  	v23 =	vadd.s32 v23, v24  }
0xdc: {  	vm13 =	vmmov vm2;
	v23 =	vadd.s32 $0xFFFFFFFF, v23  }
0xdd: {  	[tilespmem:v22+s20+$0x0] =	vst.idx.msk vm0, v25;
	s5 =	sadd.s32 $0xFFFFFFB0, s0;
	v55 =	vadd.s32 $0xFFFFFFFF, v20;
	v50, _, _ =	vpop (xrf0)  }
0xde: {  	[tilespmem:v22+s21+$0x0] =	vst.idx.msk vm0, v4;
	v51 =	vor.u32 s5, v1;
	v4, _, _ =	vpop (xrf0)  }
0xdf: {  	s12 =	sadd.s32 $0xFFFFFFC0, s0;
	v4 =	vadd.s32 v4, v19;
	[tilespmem:v17+s20+$0x0] =	vst.idx.msk vm6, v51  }
0xe0: {  	s25 =	sadd.s32 $0xFFFFFF90, s0;
	v52 =	vor.u32 s12, v1;
	(xrf0) =	vadd.scan.msk.s32 $0xffff, v11;
	v4 =	vadd.s32 $0xFFFFFFFF, v4;
	[tilespmem:v17+s21+$0x0] =	vst.idx.msk vm6, v13  }
0xe1: {  	v60 =	vor.u32 s25, v1;
	v24 =	vadd.s32 v50, v21;
	[tilespmem:v23+s20+$0x0] =	vst.idx.msk vm1, v52  }
0xe2: {  	v53 =	vadd.s32 v21, v18;
	s14 =	sadd.s32 $0xFFFFFFA0, s0;
	v24 =	vadd.s32 $0xFFFFFFFF, v24;
	[tilespmem:v55+s20+$0x0] =	vst.idx.msk vm13, v60  }
0xe3: {  	vm15 =	vmmov vm5;
	v56 =	vadd.s32 v15, v53;
	v57 =	vor.u32 s14, v1;
	[tilespmem:v23+s21+$0x0] =	vst.idx.msk vm1, v10  }
0xe4: {  	v58 =	vmpcnt.ones.xlane vm15;
	v11 =	vadd.s32 v53, v14;
	v10 =	vadd.s32 $0xFFFFFFFF, v56;
	[tilespmem:v55+s21+$0x0] =	vst.idx.msk vm13, v5  }
0xe5: {  	s13 =	sadd.s32 $0xFFFFFFD0, s0;
	v59 =	vadd.s32 v16, v11;
	[tilespmem:v4+s20+$0x0] =	vst.idx.msk vm4, v57  }
0xe6: {  	v54 =	vor.u32 s13, v1;
	v62 =	vadd.s32 $0xFFFFFFFF, v59;
	v61, _, _ =	vpop (xrf0);
	[tilespmem:v4+s21+$0x0] =	vst.idx.msk vm4, v8;
	v4 =	vadd.s32 v11, v58  }
0xe7: {  	vm3 =	vmmov vm3;
	[tilespmem:v24+s20+$0x0] =	vst.idx.msk vm8, v54;
	v8 =	vadd.s32 v61, v4  }
0xe8: {  	v63 =	vor.u32 s7, v1;
	[tilespmem:v24+s21+$0x0] =	vst.idx.msk vm8, v12;
	v8 =	vadd.s32 $0xFFFFFFFF, v8  }
0xe9: {  	[tilespmem:v10+s20+$0x0] =	vst.idx.msk vm7, v63  }
0xea: {  	[tilespmem:v10+s21+$0x0] =	vst.idx.msk vm7, v6;
	v6 =	vor.u32 s15, v1  }
0xeb: {  	[tilespmem:v62+s20+$0x0] =	vst.idx.msk vm5, v6  }
0xec: {  	v5 =	vmpcnt.ones.xlane vm3;
	v6 =	vor.u32 s0, v1;
	[tilespmem:v62+s21+$0x0] =	vst.idx.msk vm5, v7  }
0xed: {  	[tilespmem:v8+s20+$0x0] =	vst.idx.msk vm3, v6  }
0xee: {  	vm14 =	vmmov vm7;
	s5 =	smov.u32 s30;
	v5 =	vadd.s32 v4, v5;
	s0 =	simm.s32 $0x0;
	[tilespmem:v8+s21+$0x0] =	vst.idx.msk vm3, v9  }
.LBB2_8:
0xef: {  	s6 =	sshra.s32 s0, $0x2  }
0xf0: {  	v4 =	vld [tilespmem:s6+$0x780];
	_ =	sdelay $0x4  }
0xf1: {  	v4 =	vsub.s32 v4, v3  }
0xf2: {  	vm0 =	vlt.u32 v4, $0x3480  }
0xf3: {  	v6 =	vsel vm0, $0x1, v2  }
0xf4: {  	(xrf0) =	vadd.scan.msk.s32 $0xffff, v6;
	_ =	sdelay $0x5  }
0xf5: {  	v6, _, _ =	vpop (xrf0)  }
0xf6: {  	v6 =	vadd.s32 v6, v5  }
0xf7: {  	v6 =	vadd.s32 $0xFFFFFFFF, v6  }
0xf8: {  	p1 =	sne.s32 s0, $0x100  }
.Ltmp6:
0xf9: {  	_ = 	snop;
	(pc) =	sbr.rel @p1 .LBB2_8-.Ltmp6, $4  }
0xfa: {  	_ = 	snop  }
0xfb: {  	v7 =	vor.u32 s5, v1;
	v8 =	vmpcnt.ones.xlane vm0  }
0xfc: {  	[tilespmem:v6+s20+$0x0] =	vst.idx.msk vm0, v7  }
0xfd: {  	s5 =	sadd.s32 $0x10, s5;
	s0 =	sadd.s32 $0x40, s0;
	v5 =	vadd.s32 v5, v8;
	[tilespmem:v6+s21+$0x0] =	vst.idx.msk vm0, v4  }
0xfe: {  	s29 =	sadd.s32 $0x1, s29  }
0xff: {  	p1 =	sne.s32 s29, $0x14  }
.Ltmp7:
0x100: {  	_ = 	snop;
	(pc) =	sbr.rel @p1 .LBB2_5-.Ltmp7, $2  }
0x101: {  	_ =	sdelay $0x2  }
0x102: {  	s31 =	sadd.s32 $0x7D0, s31;
	s30 =	sadd.s32 $0x7D0, s30  }
0x103: {  	v3 =	vxor.u32 $0x80000000, v5  }
0x104: {  	(xrf0) =	vmax.scan.msk.u32 $0xffff, v3;
	_ =	sdelay $0x5  }
0x105: {  	v3, _, _ =	vpop (xrf0)  }
0x106: {  	(v2sf) =	vpush v3, $0xF;
	_ =	sdelay $0xe  }
0x107: {  	s6 =	spop (v2sf)  }
0x108: {  	s0 =	sxor.u32 $0x80000000, s6  }
0x109: {  	v3 =	vadd.s32 s0, v1  }
0x10a: {  	s15 =	sadd.s32 $0x80000010, s6  }
0x10b: {  	s5 =	sadd.s32 $0x80000020, s6;
	v26 =	vadd.s32 s15, v1;
	v4 =	vmul.u32 $0x61, v3  }
0x10c: {  	v8 =	vadd.s32 s5, v1  }
0x10d: {  	s7 =	sadd.s32 $0x80000030, s6;
	s0 =	simm.s32 $0x4AD0;
	v6 =	vmul.u32 $0x61, v26;
	v7 =	vand.u32 $0x1F, v3;
	v4 =	vand.u32 $0x3FFF, v4  }
0x10e: {  	s5 =	simm.s32 $0xE9D0;
	v29 =	vadd.s32 s7, v1;
	v27 =	vor.u32 $0x3480, v7;
	[tilespmem:v3+s0+$0x0] =	vst.idx.msk $0xffff, v4  }
0x10f: {  	s25 =	sadd.s32 $0x80000040, s6;
	v28 =	vmul.u32 $0x61, v8;
	v6 =	vand.u32 $0x3FFF, v6;
	[tilespmem:v3+s5+$0x0] =	vst.idx.msk $0xffff, v27;
	v3 =	vand.u32 $0x1F, v26  }
0x110: {  	v32 =	vadd.s32 s25, v1;
	[tilespmem:v26+s0+$0x0] =	vst.idx.msk $0xffff, v6;
	v3 =	vor.u32 $0x3480, v3  }
0x111: {  	s29 =	sadd.s32 $0x80000050, s6;
	v30 =	vmul.u32 $0x61, v29;
	v31 =	vand.u32 $0x1F, v8;
	[tilespmem:v26+s5+$0x0] =	vst.idx.msk $0xffff, v3;
	v3 =	vand.u32 $0x3FFF, v28  }
0x112: {  	v35 =	vadd.s32 s29, v1;
	[tilespmem:v8+s0+$0x0] =	vst.idx.msk $0xffff, v3;
	v3 =	vor.u32 $0x3480, v31  }
0x113: {  	s30 =	sadd.s32 $0x80000060, s6;
	v34 =	vmul.u32 $0x61, v32;
	v33 =	vand.u32 $0x3FFF, v30;
	[tilespmem:v8+s5+$0x0] =	vst.idx.msk $0xffff, v3;
	v3 =	vand.u32 $0x1F, v29  }
0x114: {  	v38 =	vadd.s32 s30, v1;
	[tilespmem:v29+s0+$0x0] =	vst.idx.msk $0xffff, v33;
	v3 =	vor.u32 $0x3480, v3  }
0x115: {  	s31 =	sadd.s32 $0x80000070, s6;
	v36 =	vmul.u32 $0x61, v35;
	v37 =	vand.u32 $0x1F, v32;
	[tilespmem:v29+s5+$0x0] =	vst.idx.msk $0xffff, v3;
	v3 =	vand.u32 $0x3FFF, v34  }
0x116: {  	v40 =	vadd.s32 s31, v1;
	[tilespmem:v32+s0+$0x0] =	vst.idx.msk $0xffff, v3;
	v3 =	vor.u32 $0x3480, v37  }
0x117: {  	s12 =	sadd.s32 $0x80000080, s6;
	v39 =	vmul.u32 $0x61, v38;
	v4 =	vand.u32 $0x3FFF, v36;
	[tilespmem:v32+s5+$0x0] =	vst.idx.msk $0xffff, v3;
	v3 =	vand.u32 $0x1F, v35  }
0x118: {  	v43 =	vadd.s32 s12, v1;
	[tilespmem:v35+s0+$0x0] =	vst.idx.msk $0xffff, v4;
	v3 =	vor.u32 $0x3480, v3  }
0x119: {  	s13 =	sadd.s32 $0x80000090, s6;
	v41 =	vmul.u32 $0x61, v40;
	v42 =	vand.u32 $0x1F, v38;
	[tilespmem:v35+s5+$0x0] =	vst.idx.msk $0xffff, v3;
	v3 =	vand.u32 $0x3FFF, v39  }
0x11a: {  	v45 =	vadd.s32 s13, v1;
	[tilespmem:v38+s0+$0x0] =	vst.idx.msk $0xffff, v3;
	v3 =	vor.u32 $0x3480, v42  }
0x11b: {  	s14 =	sadd.s32 $0x800000A0, s6;
	v44 =	vmul.u32 $0x61, v43;
	v4 =	vand.u32 $0x3FFF, v41;
	[tilespmem:v38+s5+$0x0] =	vst.idx.msk $0xffff, v3;
	v3 =	vand.u32 $0x1F, v40  }
0x11c: {  	v48 =	vadd.s32 s14, v1;
	[tilespmem:v40+s0+$0x0] =	vst.idx.msk $0xffff, v4;
	v3 =	vor.u32 $0x3480, v3  }
0x11d: {  	v46 =	vmul.u32 $0x61, v45;
	v47 =	vand.u32 $0x1F, v43;
	[tilespmem:v40+s5+$0x0] =	vst.idx.msk $0xffff, v3;
	v3 =	vand.u32 $0x3FFF, v44  }
0x11e: {  	s15 =	sadd.s32 $0x800000B0, s6;
	v49 =	vmul.u32 $0x61, v48;
	[tilespmem:v43+s0+$0x0] =	vst.idx.msk $0xffff, v3;
	v3 =	vor.u32 $0x3480, v47  }
0x11f: {  	v50 =	vadd.s32 s15, v1;
	v4 =	vand.u32 $0x3FFF, v46;
	[tilespmem:v43+s5+$0x0] =	vst.idx.msk $0xffff, v3;
	v3 =	vand.u32 $0x1F, v45  }
0x120: {  	s25 =	sadd.s32 $0x800000C0, s6;
	v52 =	vand.u32 $0x1F, v48;
	[tilespmem:v45+s0+$0x0] =	vst.idx.msk $0xffff, v4;
	v3 =	vor.u32 $0x3480, v3  }
0x121: {  	s29 =	sadd.s32 $0x800000D0, s6;
	v53 =	vadd.s32 s25, v1;
	v51 =	vmul.u32 $0x61, v50;
	[tilespmem:v45+s5+$0x0] =	vst.idx.msk $0xffff, v3;
	v3 =	vand.u32 $0x3FFF, v49  }
0x122: {  	v55 =	vadd.s32 s29, v1;
	[tilespmem:v48+s0+$0x0] =	vst.idx.msk $0xffff, v3;
	v3 =	vor.u32 $0x3480, v52  }
0x123: {  	s30 =	sadd.s32 $0x800000E0, s6;
	v54 =	vmul.u32 $0x61, v53;
	v4 =	vand.u32 $0x3FFF, v51;
	[tilespmem:v48+s5+$0x0] =	vst.idx.msk $0xffff, v3;
	v3 =	vand.u32 $0x1F, v50  }
0x124: {  	v58 =	vadd.s32 s30, v1;
	[tilespmem:v50+s0+$0x0] =	vst.idx.msk $0xffff, v4;
	v3 =	vor.u32 $0x3480, v3  }
0x125: {  	s31 =	sadd.s32 $0x800000F0, s6;
	v56 =	vmul.u32 $0x61, v55;
	v57 =	vand.u32 $0x1F, v53;
	[tilespmem:v50+s5+$0x0] =	vst.idx.msk $0xffff, v3;
	v3 =	vand.u32 $0x3FFF, v54  }
0x126: {  	s6 =	sadd.s32 $0x800000FF, s6;
	v60 =	vadd.s32 s31, v1;
	[tilespmem:v53+s0+$0x0] =	vst.idx.msk $0xffff, v3;
	v3 =	vor.u32 $0x3480, v57  }
0x127: {  	s6 =	sshra.s32 s6, $0x8;
	v59 =	vmul.u32 $0x61, v58;
	v4 =	vand.u32 $0x3FFF, v56;
	[tilespmem:v53+s5+$0x0] =	vst.idx.msk $0xffff, v3;
	v3 =	vand.u32 $0x1F, v55  }
0x128: {  	p1 =	slt.s32 s6, $0x1;
	[tilespmem:v55+s0+$0x0] =	vst.idx.msk $0xffff, v4;
	v3 =	vor.u32 $0x3480, v3  }
.Ltmp8:
0x129: {  	v61 =	vand.u32 $0x1F, v58;
	v62 =	vmul.u32 $0x61, v60;
	[tilespmem:v55+s5+$0x0] =	vst.idx.msk $0xffff, v3;
	v3 =	vand.u32 $0x3FFF, v59;
	(pc) =	sbr.rel @p1 .LBB2_14-.Ltmp8, $4  }
0x12a: {  	[tilespmem:v58+s0+$0x0] =	vst.idx.msk $0xffff, v3;
	v3 =	vor.u32 $0x3480, v61  }
0x12b: {  	v63 =	vand.u32 $0x1F, v60;
	[tilespmem:v58+s5+$0x0] =	vst.idx.msk $0xffff, v3;
	v3 =	vand.u32 $0x3FFF, v62  }
0x12c: {  	[tilespmem:v60+s0+$0x0] =	vst.idx.msk $0xffff, v3;
	v3 =	vor.u32 $0x3480, v63  }
0x12d: {  	[tilespmem:v60+s5+$0x0] =	vst.idx.msk $0xffff, v3  }
0x12e: {  	[tilespmem:s23], [sflag:$0x1] =	stream.indirect.gather [hbm4b:s4+s22], $0x20, s0, s22, $0xb8;
	[tilespmem:$0x1F210] =	vst v63  }
0x12f: {  	p1 =	sne.s32 s6, $0x1;
	_ =	swait.ge [sflag:s24], $0x2000  }
.Ltmp9:
0x130: {  	[sflag:s24] =	ssyncset.done $0x0;
	(pc) =	sbr.rel @!p1 .LBB2_13-.Ltmp9, $4  }
0x131: {  	[sflag:s24] =	ssyncadd.s32 $0xFFFFE000  }
0x132: {  	[spmem:s1] =	stream.indirect.scatter.add.f32 [tilespmem:s23], [sflag:$0x2], $0x20, s5, s22, $0xb8;
	[tilespmem:$0x1F210] =	vst v63  }
0x133: {  	_ =	swait.ge [sflag:s19], $0x2000  }
0x134: {  	s6 =	sadd.s32 $0xFFFFFFFF, s6;
	[sflag:s19] =	ssyncset.done $0x0  }
.LBB2_12:
0x135: {  	[sflag:s19] =	ssyncadd.s32 $0xFFFFE000;
	s0 =	sadd.s32 $0x100, s0;
	s5 =	sadd.s32 $0x100, s5  }
0x136: {  	[tilespmem:s23], [sflag:$0x1] =	stream.indirect.gather [hbm4b:s4+s22], $0x20, s0, s22, $0xb8;
	[tilespmem:$0x1F210] =	vst v63  }
0x137: {  	p1 =	sne.s32 s6, $0x1;
	s6 =	sadd.s32 $0xFFFFFFFF, s6;
	_ =	swait.ge [sflag:s24], $0x2000  }
.Ltmp10:
0x138: {  	[sflag:s24] =	ssyncset.done $0x0;
	(pc) =	sbr.rel @p1 .LBB2_12-.Ltmp10, $4  }
0x139: {  	[sflag:s24] =	ssyncadd.s32 $0xFFFFE000  }
0x13a: {  	[spmem:s1] =	stream.indirect.scatter.add.f32 [tilespmem:s23], [sflag:$0x2], $0x20, s5, s22, $0xb8;
	[tilespmem:$0x1F210] =	vst v63  }
0x13b: {  	_ =	swait.ge [sflag:s19], $0x2000  }
0x13c: {  	[sflag:s19] =	ssyncset.done $0x0  }
.Ltmp11:
0x13d: {  	_ = 	snop;
	(pc) =	sbr.rel .LBB2_13-.Ltmp11, $1  }
0x13e: {  	_ =	sdelay $0x3  }
.LBB2_16:
0x13f: {  	_ =	sfence.sel $0x180000  }
0x140: {  	[bflag:$0x0] =	sbarrier.arrive $0xFFFF  }
0x141: {  	_ =	strace $0x90000047  }
0x142: {  	[bflag:$0x2] =	sbarrier.arrive $0xFFFF  }
0x143: {  	s0 =	rddreg [dreg:$0x2]  }
0x144: {  	s0 =	sadd.s32 @!p0 $0x100000, s0  }
0x145: {  	[sflag:s0] =	ssyncadd.tile.s32 @!p0 $0x1;
	_ =	shalt  }
.Lfunc_end2:
_tile_overlayer_lowered:
.L_overlay_start_2:
0x146: {  	(tag) =	ssettag $0x2  }
0x147: {  	s0 =	rddreg [dreg:$0x0];
	s2 =	stileid.u32  }
0x148: {  	s1 =	rddreg [dreg:$0x1];
	p0 =	sne.s32 s2, $0x0  }
0x149: {  	s3 =	rddreg [dreg:$0x2];
	[bflag:$0x3] =	sbarrier.arrive $0xFFFF;
	s2 =	simm.s32 @!p0 $0x1C02  }
0x14a: {  	[timem:s3], [sflag:s2] =	dma.local @!p0 [hbm:s0], s1  }
0x14b: {  	s0 =	simm.s32 @!p0 $0x2  }
0x14c: {  	_ =	swait.ge @!p0 [sflag:s0], s1  }
0x14d: {  	s1 =	ssub.s32 @!p0 $0x0, s1;
	[sflag:s0] =	ssyncset.done @!p0 $0x0  }
0x14e: {  	[sflag:s0] =	ssyncadd.s32 @!p0 s1  }
0x14f: {  	[bflag:$0x3] =	sbarrier.arrive $0xFFFF  }
0x150: {  	_ =	shalt  }

// kernel: sparse-core-data-format-call.cloned.1.call-start
scs
called_computation_lowered:
.L_overlay_start_0:
0x0: {  	s2 =	sld [smem:$0x3FD9]  }
0x1: {  	s3 =	sld [smem:$0x3FFE];
	_ =	sdelay $0x1  }
0x2: {  	s1 =	srdreg.scid  }
0x3: {  	s0 =	sand.u32 $0x1, s1  }
0x4: {  	s18 =	sshll.u32 s0, $0xA;
	s2 =	sadd.s32 s3, s2  }
0x5: {  	s2 =	sadd.s32 s2, s18  }
0x6: {  	[smem:$0x3FB8] =	sst s2  }
0x7: {  	_ = 	snop  }
0x8: {  	s19 =	sld [smem:$0x3FC7];
	(tm) =	ssettm $0x1  }
0x9: {  	s20 =	sld [smem:$0x3FFB];
	_ =	sdelay $0x3  }
0xa: {  	_ =	strace s20  }
0xb: {  	s2 =	sld [smem:$0x3FFC];
	_ =	sdelay $0x3  }
0xc: {  	_ =	strace s2  }
0xd: {  	s2 =	sld [smem:$0x3FFD];
	_ =	sdelay $0x3  }
0xe: {  	_ =	strace s2  }
0xf: {  	_ =	strace $0x8FFFFFFF  }
0x10: {  	s21 =	sld [smem:$0x3FDB];
	_ =	sdelay $0x1  }
0x11: {  	s4 =	simm.s32 $_scs_section_size  }
0x12: {  	s5 =	simm.s32 $_size__tile_overlayer_lowered;
	s6 =	simm.s32 $_tile_overlayer_lowered  }
0x13: {  	s7 =	simm.s32 $0x1BFF;
	s22 =	sshll.u32 s6, $0x1;
	s4 =	sadd.s32 s4, s21  }
0x14: {  	s23 =	simm.s32 $0x0;
	s5 =	sshll.u32 s5, $0x1;
	s6 =	sadd.s32 s22, s4  }
0x15: {  	[timem:s23], [sflag:s7] =	dma.local [hbm:s6], s5  }
0x16: {  	_ =	swait.ge [sflag:s7], s5  }
0x17: {  	s5 =	ssub.s32 $0x0, s5;
	[sflag:s7] =	ssyncset.done $0x0  }
0x18: {  	[sflag:s7] =	ssyncadd.s32 s5;
	_ =	sdelay $0x1  }
0x19: {  	s24 =	simm.s32 $0x1B8B  }
0x1a: {  	_ =	swait.ge [sflag:s24], $0x1  }
0x1b: {  	[sflag:s24] =	ssyncset.done $0x0  }
0x1c: {  	[sflag:s24] =	ssyncadd.s32 $0xFFFFFFFF  }
0x1d: {  	s5 =	sld [smem:$0x0]  }
0x1e: {  	s6 =	sand.u32 $0xFFFFFFFE, s1  }
0x1f: {  	p0 =	sne.s32 s1, s6  }
0x20: {  	s6 =	sshll.u32 @p0 s6, $0xE  }
0x21: {  	s6 =	sadd.s32 @p0 $0x11B8D, s6;
	s7 =	sshll.u32 @p0 s5, $0x11  }
0x22: {  	s6 =	sor.u32 @p0 s7, s6  }
0x23: {  	[sflag:s6] =	ssyncadd.remote.s32 @p0 $0x1;
	_ =	sdelay $0x1  }
0x24: {  	s6 =	simm.s32 @p0 $0x1B8D  }
0x25: {  	_ =	swait.eq @p0 [sflag:s6], $0x1  }
0x26: {  	[sflag:s6] =	ssyncadd.s32 @p0 $0xFFFFFFFF  }
0x27: {  	s7 =	sshll.u32 @!p0 s1, $0xE  }
0x28: {  	s7 =	sor.u32 @!p0 $0x4000, s7;
	s6 =	simm.s32 @!p0 $0x1B8D  }
0x29: {  	s5 =	sshll.u32 @!p0 s5, $0x11;
	s7 =	sadd.s32 @!p0 $0x11B8D, s7;
	_ =	swait.eq @!p0 [sflag:s6], $0x1  }
0x2a: {  	s5 =	sor.u32 @!p0 s5, s7;
	[sflag:s6] =	ssyncadd.s32 @!p0 $0xFFFFFFFF  }
0x2b: {  	s26 =	simm.s32 $0x1B8E;
	s25 =	sld [smem:$0x3FFE];
	[sflag:s5] =	ssyncadd.remote.s32 @!p0 $0x1  }
0x2c: {  	s27 =	simm.s32 $execute0_lowered;
	[smem:$0x3FD2] =	sst s26  }
0x2d: {  	s6 =	sshll.u32 s27, $0x1;
	_ =	strace $0x80000049;
	[dreg:$0x1] =	wrdreg $0xFFFFFFFF  }
0x2e: {  	s28 =	simm.s32 $_size_execute0_lowered;
	s4 =	sadd.s32 s4, s6;
	[dreg:$0x0] =	wrdreg $0x0  }
0x2f: {  	s6 =	sshll.u32 s28, $0x1;
	[dreg:$0x2] =	wrdreg s4  }
0x30: {  	[dreg:$0x3] =	wrdreg s6  }
0x31: {  	[dreg:$0x4] =	wrdreg $0xC0  }
0x32: {  	_ =	task [dreg:s23], $0x5FFFF  }
0x33: {  	[dreg:$0x1] =	wrdreg $0xFFFFFFFF  }
0x34: {  	[dreg:$0x0] =	wrdreg $0x60  }
0x35: {  	[dreg:$0x2] =	wrdreg s19  }
0x36: {  	[dreg:$0x3] =	wrdreg s25  }
0x37: {  	[dreg:$0x4] =	wrdreg $0x9  }
0x38: {  	_ =	task.clear_ibuf [dreg:s23], $0x5FFFF;
	_ =	strace $0x90000049  }
0x39: {  	s29 =	simm.s32 $0x9;
	_ =	strace $0x8000004B  }
0x3a: {  	_ =	swait.ge [sflag:s29], $0x1  }
0x3b: {  	[sflag:s29] =	ssyncadd.s32 $0xFFFFFFFF  }
0x3c: {  	_ =	strace $0x9000004B  }
0x3d: {  	_ =	sfence  }
0x3e: {  	s30 =	sld [smem:$0x0];
	_ =	sdelay $0x2  }
0x3f: {  	s31 =	sshll.u32 s1, $0xD;
	s1 =	sshrl.u32 s1, $0x2  }
0x40: {  	s4 =	sand.u32 $0x4000, s31;
	s1 =	sadd.s32 s1, s30  }
0x41: {  	s0 =	sor.u32 s4, s0;
	s1 =	sshll.u32 s1, $0x11  }
0x42: {  	s0 =	sor.u32 s1, s0  }
0x43: {  	s0 =	sadd.s32 $0x8F2B, s0  }
0x44: {  	[sflag:s0] =	ssyncadd.remote.s32 $0x1  }
0x45: {  	_ =	sfence.sel $0xFFFF  }
0x46: {  	[dreg:$0x0] =	wrdreg $0xFFFFFFFF;
	(pc) =	sbr.abs _section_cstart, $3  }
0x47: {  	[dreg:$0x1] =	wrdreg $0xFFFFFFFF  }
0x48: {  	_ =	task.clear_ibuf [dreg:s23], $0x2FFFF;
	_ =	strace $0x9FFFFFFF  }
0x49: {  	(tm) =	ssettm $0x7FFFFFFF  }
tec
execute0_lowered:
.L_overlay_start_1:
0x0: {  	(tag) =	ssettag $0x1  }
0x1: {  	s0 =	srdreg.scid;
	s2 =	rddreg [dreg:$0x0]  }
0x2: {  	s6 =	rddreg [dreg:$0x1];
	s1 =	sshll.u32 s0, $0x4  }
0x3: {  	s7 =	simm.s32 $0x1;
	s0 =	stileid.u32;
	s1 =	sand.u32 $0x10, s1  }
0x4: {  	s8 =	simm.s32 $0x2;
	s13 =	simm.s32 $0x0;
	s1 =	sor.u32 s0, s1  }
0x5: {  	s12 =	simm.s32 $0x0;
	s10 =	simm.s32 $0x0;
	s3 =	sshll.u32 s1, $0x9  }
0x6: {  	s11 =	simm.s32 $0x0;
	s6 =	sadd.s32 $0x165200, s6;
	s5 =	ssub.s32 $0x4E200, s3  }
.Ltmp0:
0x7: {  	s1 =	rddreg [dreg:$0x2];
	s4 =	sand.u32 $0x3E00, s5;
	(pc) =	sbr.rel .LBB1_1-.Ltmp0, $4  }
0x8: {  	_ =	strace $0x8000004A;
	s9 =	smov.u32 s3;
	p0 =	sne.s32 s4, $0x0  }
0x9: {  	s5 =	sshrl.u32 s5, $0xE;
	s4 =	simm.s32 $0x1;
	s7 =	simm.s32 @!p0 $0x0  }
0xa: {  	[sflag:s4] =	ssyncpa.u1 $0x0;
	p0 =	por $0x0, $0x0;
	s5 =	sadd.s32 s7, s5  }
0xb: {  	[sflag:s8] =	ssyncpa.u1 $0x0;
	s8 =	simm.s32 $0x80;
	s7 =	sadd.s32 $0x1, s5  }
.LBB1_4:
0xc: {  	_ = 	snop  }
0xd: {  	[tilespmem:s18+$0x2D60 ss:$0x21] =	vst.msk $0xffff, v7  }
0xe: {  	[tilespmem:s18+$0x2F70 ss:$0x21] =	vst.msk $0xffff, v6  }
0xf: {  	[tilespmem:s18+$0x3390 ss:$0x21] =	vst.msk $0xffff, v3  }
0x10: {  	s21 =	sor.u32 s24, s23;
	v31 =	vld.idx.msk [tilespmem:v0+s16+$0xC70 ss:$0x1], $0xffff;
	[tilespmem:s18+$0x35A0 ss:$0x21] =	vst.msk $0xffff, v1  }
0x11: {  	[tilespmem:s18+$0x37B0 ss:$0x21] =	vst.msk $0xffff, v2;
	v43 =	vld.idx.msk [tilespmem:v0+s21+$0x410 ss:$0x1], $0xffff  }
0x12: {  	[tilespmem:s18+$0x39C0 ss:$0x21] =	vst.msk $0xffff, v4;
	v44 =	vld.idx.msk [tilespmem:v0+s21+$0x420 ss:$0x1], $0xffff  }
0x13: {  	[tilespmem:s18+$0x3BD0 ss:$0x21] =	vst.msk $0xffff, v5;
	s22 =	sand.u32 $0x3200, s21;
	v45 =	vld.idx.msk [tilespmem:v0+s21+$0x430 ss:$0x1], $0xffff  }
0x14: {  	s20 =	sand.u32 $0x180, s20;
	s25 =	sshra.s32 s19, $0x2;
	[tilespmem:s18+$0x3DE0 ss:$0x21] =	vst.msk $0xffff, v8;
	v46 =	vld.idx.msk [tilespmem:v0+s21+$0x440 ss:$0x1], $0xffff;
	s15 =	sadd.s32 s22, s15  }
0x15: {  	v47 =	vld.idx.msk [tilespmem:v0+s21+$0x450 ss:$0x1], $0xffff;
	s24 =	sadd.s32 s20, s15;
	s15 =	sadd.s32 s25, s17;
	[tilespmem:s18+$0x3FF0 ss:$0x21] =	vst.msk $0xffff, v31  }
0x16: {  	v48 =	vld.idx.msk [tilespmem:v0+s21+$0x460 ss:$0x1], $0xffff;
	[tilespmem:s15+$0x1290 ss:$0x21] =	vst.msk $0xffff, v43  }
0x17: {  	v49 =	vld.idx.msk [tilespmem:v0+s21+$0x470 ss:$0x1], $0xffff;
	[tilespmem:s15+$0x14A0 ss:$0x21] =	vst.msk $0xffff, v44  }
0x18: {  	v50 =	vld.idx.msk [tilespmem:v0+s21+$0x810 ss:$0x1], $0xffff;
	[tilespmem:s15+$0x16B0 ss:$0x21] =	vst.msk $0xffff, v45  }
0x19: {  	v51 =	vld.idx.msk [tilespmem:v0+s21+$0x820 ss:$0x1], $0xffff;
	[tilespmem:s15+$0x18C0 ss:$0x21] =	vst.msk $0xffff, v46  }
0x1a: {  	v52 =	vld.idx.msk [tilespmem:v0+s21+$0x830 ss:$0x1], $0xffff;
	[tilespmem:s15+$0x1AD0 ss:$0x21] =	vst.msk $0xffff, v47  }
0x1b: {  	v53 =	vld.idx.msk [tilespmem:v0+s21+$0x840 ss:$0x1], $0xffff;
	[tilespmem:s15+$0x1CE0 ss:$0x21] =	vst.msk $0xffff, v48  }
0x1c: {  	v54 =	vld.idx.msk [tilespmem:v0+s21+$0x850 ss:$0x1], $0xffff;
	[tilespmem:s15+$0x1EF0 ss:$0x21] =	vst.msk $0xffff, v49  }
0x1d: {  	v55 =	vld.idx.msk [tilespmem:v0+s21+$0x860 ss:$0x1], $0xffff;
	[tilespmem:s15+$0x2310 ss:$0x21] =	vst.msk $0xffff, v50  }
0x1e: {  	v56 =	vld.idx.msk [tilespmem:v0+s21+$0x870 ss:$0x1], $0xffff;
	[tilespmem:s15+$0x2520 ss:$0x21] =	vst.msk $0xffff, v51  }
0x1f: {  	v57 =	vld.idx.msk [tilespmem:v0+s21+$0xC10 ss:$0x1], $0xffff;
	[tilespmem:s15+$0x2730 ss:$0x21] =	vst.msk $0xffff, v52  }
0x20: {  	v58 =	vld.idx.msk [tilespmem:v0+s21+$0xC20 ss:$0x1], $0xffff;
	[tilespmem:s15+$0x2940 ss:$0x21] =	vst.msk $0xffff, v53  }
0x21: {  	v59 =	vld.idx.msk [tilespmem:v0+s21+$0xC30 ss:$0x1], $0xffff;
	[tilespmem:s15+$0x2B50 ss:$0x21] =	vst.msk $0xffff, v54  }
0x22: {  	v60 =	vld.idx.msk [tilespmem:v0+s21+$0xC40 ss:$0x1], $0xffff;
	[tilespmem:s15+$0x2D60 ss:$0x21] =	vst.msk $0xffff, v55  }
0x23: {  	v61 =	vld.idx.msk [tilespmem:v0+s21+$0xC50 ss:$0x1], $0xffff;
	[tilespmem:s15+$0x2F70 ss:$0x21] =	vst.msk $0xffff, v56  }
0x24: {  	v62 =	vld.idx.msk [tilespmem:v0+s21+$0xC60 ss:$0x1], $0xffff;
	[tilespmem:s15+$0x3390 ss:$0x21] =	vst.msk $0xffff, v57  }
0x25: {  	v63 =	vld.idx.msk [tilespmem:v0+s21+$0xC70 ss:$0x1], $0xffff;
	[tilespmem:s15+$0x35A0 ss:$0x21] =	vst.msk $0xffff, v58  }
0x26: {  	v32 =	vld [tilespmem:s24+$0xC00];
	[tilespmem:s15+$0x37B0 ss:$0x21] =	vst.msk $0xffff, v59  }
0x27: {  	v33 =	vld [tilespmem:s24+$0x0];
	[tilespmem:s15+$0x39C0 ss:$0x21] =	vst.msk $0xffff, v60  }
0x28: {  	v34 =	vld [tilespmem:s24+$0x10];
	[tilespmem:s15+$0x3BD0 ss:$0x21] =	vst.msk $0xffff, v61  }
0x29: {  	s13 =	sshll.u32 s13, $0x7;
	s26 =	sshll.u32 s12, $0x3;
	v35 =	vld [tilespmem:s24+$0x20];
	[tilespmem:s15+$0x3DE0 ss:$0x21] =	vst.msk $0xffff, v62  }
0x2a: {  	s27 =	sand.u32 $0xFFFFFC00, s13;
	s16 =	sand.u32 $0xFFFFFC00, s26;
	v36 =	vld [tilespmem:s24+$0x30];
	[tilespmem:s15+$0x3FF0 ss:$0x21] =	vst.msk $0xffff, v63  }
0x2b: {  	s13 =	sand.u32 $0x380, s13;
	s16 =	sadd.s32 s16, s27;
	v37 =	vld [tilespmem:s24+$0x40];
	[tilespmem:s15+$0x3180 ss:$0x21] =	vst.msk $0xffff, v32  }
0x2c: {  	s13 =	sor.u32 s13, s16;
	v38 =	vld [tilespmem:s24+$0x50];
	[tilespmem:s15+$0x0 ss:$0x21] =	vst.msk $0xffff, v33  }
0x2d: {  	v39 =	vld [tilespmem:s24+$0x60];
	s13 =	sshrl.u32 s13, $0x7;
	[tilespmem:s15+$0x210 ss:$0x21] =	vst.msk $0xffff, v34  }
0x2e: {  	v40 =	vld [tilespmem:s24+$0x70];
	s28 =	smulhi.u32 $0x1A36E2F, s13;
	[tilespmem:s15+$0x420 ss:$0x21] =	vst.msk $0xffff, v35  }
0x2f: {  	v41 =	vld [tilespmem:s24+$0x400];
	[tilespmem:s15+$0x630 ss:$0x21] =	vst.msk $0xffff, v36  }
0x30: {  	v42 =	vld [tilespmem:s24+$0x800];
	s16 =	sshrl.u32 s28, $0xB;
	[tilespmem:s15+$0x840 ss:$0x21] =	vst.msk $0xffff, v37  }
0x31: {  	s16 =	smul.u32 $0x4E200, s16;
	[tilespmem:s15+$0xA50 ss:$0x21] =	vst.msk $0xffff, v38  }
0x32: {  	s29 =	sshrl.u32 s12, $0x3;
	[tilespmem:s15+$0xC60 ss:$0x21] =	vst.msk $0xffff, v39  }
0x33: {  	s31 =	sand.u32 $0x7, s12;
	s30 =	sand.u32 $0xF, s29;
	[tilespmem:s15+$0xE70 ss:$0x21] =	vst.msk $0xffff, v40;
	s13 =	ssub.s32 s13, s16  }
0x34: {  	s12 =	sshll.u32 s31, $0x12;
	[tilespmem:s15+$0x1080 ss:$0x21] =	vst.msk $0xffff, v41;
	s16 =	sadd.s32 s6, s30;
	s13 =	sshll.u32 s13, $0x4  }
0x35: {  	s12 =	sor.u32 $0x20, s12;
	[tilespmem:s15+$0x2100 ss:$0x21] =	vst.msk $0xffff, v42;
	s13 =	sadd.s32 s13, s16  }
0x36: {  	[hbm4b:s13+s12] =	stream.strided.scatter [tilespmem:s14], [sflag:$0x2], $0x4000, s8, s12, $0x10;
	[tilespmem:$0x10400] =	vst v63  }
.LBB1_5:
0x37: {  	s14 =	sadd.s32 $0x4000, s9  }
0x38: {  	s12 =	sadd.s32 $0x20, s10;
	s16 =	smov.u32 s10;
	p2 =	sgt.s32 s14, $0x4E1FF  }
0x39: {  	s16 =	smov.u32 @p2 s12  }
0x3a: {  	s14 =	smov.u32 @p2 s3;
	p2 =	sgt.s32 s16, $0x1F  }
0x3b: {  	s16 =	simm.s32 @p2 $0x0;
	p2 =	sne.s32 s11, s7  }
.Ltmp1:
0x3c: {  	p1 =	slt.u32 s11, $0x2;
	(pc) =	sbr.rel @!p2 .LBB1_6-.Ltmp1, $4  }
0x3d: {  	s15 =	simm.s32 @!p1 $0x2  }
0x3e: {  	s13 =	smov.u32 s9;
	p0 =	por !p0, !p0;
	_ =	swait.ge @!p1 [sflag:s15], $0x4000  }
0x3f: {  	s12 =	smov.u32 s10;
	[sflag:s15] =	ssyncset.done @!p1 $0x0;
	s9 =	smov.u32 s14  }
0x40: {  	s11 =	sadd.s32 $0x1, s11;
	[sflag:s15] =	ssyncadd.s32 @!p1 $0xFFFFC000;
	s10 =	smov.u32 s16  }
.LBB1_1:
0x41: {  	p1 =	sge.u32 s11, s5  }
0x42: {  	s14 =	sshrl.u32 @!p1 s10, $0x3  }
0x43: {  	s15 =	sshll.u32 @!p1 s9, $0x3;
	s14 =	smul.u32 @!p1 $0x271000, s14  }
0x44: {  	s16 =	sshll.u32 @!p1 s10, $0x7;
	s15 =	sand.u32 @!p1 $0xFFFFFC00, s15  }
0x45: {  	s14 =	sadd.s32 @!p1 s14, s15;
	s15 =	sand.u32 @!p1 $0x380, s16  }
0x46: {  	s16 =	sand.u32 @!p1 $0x7F, s9;
	s14 =	sor.u32 @!p1 s15, s14  }
0x47: {  	s15 =	sor.u32 @!p1 s16, s14  }
0x48: {  	s16 =	smulhi.u32 @!p1 $0xD1B71759, s15;
	_ =	sdelay $0x1  }
0x49: {  	s14 =	smulhi.u32 @!p1 $0xD1B71759, s14;
	s16 =	sshrl.u32 @!p1 s16, $0x12  }
0x4a: {  	s16 =	smul.u32 @!p1 $0x4E200, s16  }
0x4b: {  	s31 =	sadd.s32 $0xFFFFFFFF, s11;
	s17 =	sxor.u32 @!p1 $0xFFFFFFFF, s11;
	s14 =	sshrl.u32 @!p1 s14, $0x12  }
0x4c: {  	s17 =	sshll.u32 @!p1 s17, $0xE;
	s14 =	sand.u32 @!p1 $0x1F, s14;
	s15 =	ssub.s32 @!p1 s15, s16  }
0x4d: {  	s14 =	smul.u32 @!p1 $0x9C40, s14;
	s16 =	sshrl.u32 @!p1 s15, $0x3;
	s15 =	sand.u32 @!p1 $0x7, s15  }
0x4e: {  	s17 =	sand.u32 @!p1 $0x4000, s17;
	s16 =	sadd.s32 @!p1 s2, s16;
	s15 =	sshll.u32 @!p1 s15, $0x12  }
0x4f: {  	s14 =	sadd.s32 @!p1 s14, s16;
	s15 =	sor.u32 @!p1 $0x1000, s15;
	s16 =	simm.s32 @!p1 $0x271000  }
0x50: {  	[tilespmem:s17], [sflag:$0x1] =	stream.strided.gather @!p1 [hbm4b:s14+s15], $0x4000, s16, s15, $0x38;
	[tilespmem:$0x10400] =	vst v63  }
0x51: {  	p1 =	sge.u32 s31, s5  }
.Ltmp2:
0x52: {  	_ = 	snop;
	(pc) =	sbr.rel @p1 .LBB1_5-.Ltmp2, $1  }
0x53: {  	_ =	sdelay $0x3  }
0x54: {  	s17 =	simm.s32 $0x0  }
0x55: {  	s16 =	sand.u32 $0x3000, s17;
	s18 =	sand.u32 $0x380, s17  }
0x56: {  	s14 =	sand.u32 $0x1, s11;
	s16 =	sor.u32 s18, s16  }
0x57: {  	_ =	swait.ge [sflag:s4], $0x4000;
	s15 =	sshll.u32 s14, $0xE;
	s18 =	sand.u32 $0x3200, s16  }
0x58: {  	[sflag:s4] =	ssyncset.done $0x0;
	s17 =	sand.u32 $0x180, s17;
	s18 =	sadd.s32 s18, s15  }
0x59: {  	[sflag:s4] =	ssyncadd.s32 $0xFFFFC000;
	s20 =	sadd.s32 s17, s18  }
0x5a: {  	v4 =	vld [tilespmem:s20+$0xC00]  }
0x5b: {  	s19 =	simm.s32 $0x1;
	v0 =	vmov s15;
	v5 =	vld [tilespmem:s20+$0x0]  }
0x5c: {  	s19 =	simm.s32 @!p0 $0x0;
	v6 =	vld [tilespmem:s20+$0x10]  }
0x5d: {  	s31 =	smul.u32 $0x10800, s19;
	v7 =	vld [tilespmem:s20+$0x20]  }
0x5e: {  	v8 =	vld [tilespmem:s20+$0x30]  }
0x5f: {  	s17 =	sshrl.u32 s31, $0x2;
	v9 =	vld [tilespmem:s20+$0x40]  }
0x60: {  	s17 =	sor.u32 $0x8000, s17;
	v1 =	vld.idx.msk [tilespmem:v0+s16+$0x410 ss:$0x1], $0xffff  }
0x61: {  	v2 =	vld.idx.msk [tilespmem:v0+s16+$0x420 ss:$0x1], $0xffff;
	s18 =	sadd.s32 $0x0, s17  }
0x62: {  	v3 =	vld.idx.msk [tilespmem:v0+s16+$0x430 ss:$0x1], $0xffff;
	[tilespmem:s18+$0x3180 ss:$0x21] =	vst.msk $0xffff, v4  }
0x63: {  	v10 =	vld.idx.msk [tilespmem:v0+s16+$0x820 ss:$0x1], $0xffff;
	[tilespmem:s18+$0x0 ss:$0x21] =	vst.msk $0xffff, v5  }
0x64: {  	v11 =	vld.idx.msk [tilespmem:v0+s16+$0x830 ss:$0x1], $0xffff;
	[tilespmem:s18+$0x210 ss:$0x21] =	vst.msk $0xffff, v6  }
0x65: {  	v12 =	vld.idx.msk [tilespmem:v0+s16+$0x840 ss:$0x1], $0xffff;
	[tilespmem:s18+$0x420 ss:$0x21] =	vst.msk $0xffff, v7  }
0x66: {  	v13 =	vld.idx.msk [tilespmem:v0+s16+$0x850 ss:$0x1], $0xffff;
	[tilespmem:s18+$0x630 ss:$0x21] =	vst.msk $0xffff, v8  }
0x67: {  	v4 =	vld [tilespmem:s20+$0x50];
	[tilespmem:s18+$0x840 ss:$0x21] =	vst.msk $0xffff, v9  }
0x68: {  	v5 =	vld [tilespmem:s20+$0x60];
	[tilespmem:s18+$0x1290 ss:$0x21] =	vst.msk $0xffff, v1  }
0x69: {  	v6 =	vld [tilespmem:s20+$0x70];
	[tilespmem:s18+$0x14A0 ss:$0x21] =	vst.msk $0xffff, v2  }
0x6a: {  	v7 =	vld [tilespmem:s20+$0x400];
	[tilespmem:s18+$0x16B0 ss:$0x21] =	vst.msk $0xffff, v3  }
0x6b: {  	v8 =	vld [tilespmem:s20+$0x800];
	[tilespmem:s18+$0x2520 ss:$0x21] =	vst.msk $0xffff, v10  }
0x6c: {  	v9 =	vld.idx.msk [tilespmem:v0+s16+$0x470 ss:$0x1], $0xffff;
	[tilespmem:s18+$0x2730 ss:$0x21] =	vst.msk $0xffff, v11  }
0x6d: {  	v3 =	vld.idx.msk [tilespmem:v0+s16+$0xC10 ss:$0x1], $0xffff;
	[tilespmem:s18+$0x2940 ss:$0x21] =	vst.msk $0xffff, v12  }
0x6e: {  	v1 =	vld.idx.msk [tilespmem:v0+s16+$0xC20 ss:$0x1], $0xffff;
	[tilespmem:s18+$0x2B50 ss:$0x21] =	vst.msk $0xffff, v13  }
0x6f: {  	v2 =	vld.idx.msk [tilespmem:v0+s16+$0xC30 ss:$0x1], $0xffff;
	[tilespmem:s18+$0xA50 ss:$0x21] =	vst.msk $0xffff, v4  }
0x70: {  	[tilespmem:s18+$0xE70 ss:$0x21] =	vst.msk $0xffff, v6;
	v6 =	vld.idx.msk [tilespmem:v0+s16+$0x460 ss:$0x1], $0xffff  }
0x71: {  	v4 =	vld.idx.msk [tilespmem:v0+s16+$0x440 ss:$0x1], $0xffff;
	[tilespmem:s18+$0xC60 ss:$0x21] =	vst.msk $0xffff, v5  }
0x72: {  	v5 =	vld.idx.msk [tilespmem:v0+s16+$0x450 ss:$0x1], $0xffff;
	[tilespmem:s18+$0x1080 ss:$0x21] =	vst.msk $0xffff, v7  }
0x73: {  	[tilespmem:s18+$0x2100 ss:$0x21] =	vst.msk $0xffff, v8;
	v8 =	vld.idx.msk [tilespmem:v0+s16+$0x810 ss:$0x1], $0xffff  }
0x74: {  	v7 =	vld.idx.msk [tilespmem:v0+s16+$0x860 ss:$0x1], $0xffff;
	[tilespmem:s18+$0x1EF0 ss:$0x21] =	vst.msk $0xffff, v9  }
0x75: {  	s14 =	smul.u32 $0x10800, s14;
	[tilespmem:s18+$0x1CE0 ss:$0x21] =	vst.msk $0xffff, v6;
	v6 =	vld.idx.msk [tilespmem:v0+s16+$0x870 ss:$0x1], $0xffff  }
0x76: {  	s21 =	simm.s32 $0x200;
	s22 =	simm.s32 $0x8;
	[tilespmem:s18+$0x18C0 ss:$0x21] =	vst.msk $0xffff, v4;
	v4 =	vld.idx.msk [tilespmem:v0+s16+$0xC40 ss:$0x1], $0xffff  }
0x77: {  	s23 =	sand.u32 $0x3000, s21;
	s14 =	sshrl.u32 s14, $0x2;
	s20 =	simm.s32 $0x80;
	[tilespmem:s18+$0x1AD0 ss:$0x21] =	vst.msk $0xffff, v5;
	v5 =	vld.idx.msk [tilespmem:v0+s16+$0xC50 ss:$0x1], $0xffff  }
0x78: {  	s19 =	simm.s32 $0x4;
	s14 =	sor.u32 $0x8000, s14;
	s24 =	sand.u32 $0x380, s20;
	[tilespmem:s18+$0x2310 ss:$0x21] =	vst.msk $0xffff, v8;
	v8 =	vld.idx.msk [tilespmem:v0+s16+$0xC60 ss:$0x1], $0xffff  }
.LBB1_3:
0x79: {  	p1 =	sne.s32 s22, $0x7C;
	[tilespmem:s18+$0x2D60 ss:$0x21] =	vst.msk $0xffff, v7;
	v7 =	vld.idx.msk [tilespmem:v0+s16+$0xC70 ss:$0x1], $0xffff;
	s16 =	sor.u32 s24, s23  }
0x7a: {  	s23 =	sand.u32 $0x3200, s16;
	v9 =	vld.idx.msk [tilespmem:v0+s16+$0x410 ss:$0x1], $0xffff;
	[tilespmem:s18+$0x2F70 ss:$0x21] =	vst.msk $0xffff, v6  }
0x7b: {  	s24 =	sand.u32 $0x180, s20;
	s23 =	sadd.s32 s23, s15;
	v6 =	vld.idx.msk [tilespmem:v0+s16+$0x420 ss:$0x1], $0xffff;
	[tilespmem:s18+$0x3390 ss:$0x21] =	vst.msk $0xffff, v3  }
0x7c: {  	s23 =	sadd.s32 s24, s23;
	v3 =	vld.idx.msk [tilespmem:v0+s16+$0x430 ss:$0x1], $0xffff;
	[tilespmem:s18+$0x35A0 ss:$0x21] =	vst.msk $0xffff, v1  }
0x7d: {  	v1 =	vld [tilespmem:s23+$0xC00];
	[tilespmem:s18+$0x37B0 ss:$0x21] =	vst.msk $0xffff, v2  }
0x7e: {  	v2 =	vld [tilespmem:s23+$0x0];
	[tilespmem:s18+$0x39C0 ss:$0x21] =	vst.msk $0xffff, v4  }
0x7f: {  	v4 =	vld [tilespmem:s23+$0x10];
	[tilespmem:s18+$0x3BD0 ss:$0x21] =	vst.msk $0xffff, v5  }
0x80: {  	s24 =	sshra.s32 s19, $0x2;
	s19 =	smov.u32 s22;
	v5 =	vld [tilespmem:s23+$0x20];
	[tilespmem:s18+$0x3DE0 ss:$0x21] =	vst.msk $0xffff, v8  }
0x81: {  	v8 =	vld [tilespmem:s23+$0x30];
	[tilespmem:s18+$0x3FF0 ss:$0x21] =	vst.msk $0xffff, v7;
	s18 =	sadd.s32 s24, s17  }
0x82: {  	v7 =	vld [tilespmem:s23+$0x40];
	[tilespmem:s18+$0x3180 ss:$0x21] =	vst.msk $0xffff, v1  }
0x83: {  	[tilespmem:s18+$0x0 ss:$0x21] =	vst.msk $0xffff, v2;
	v1 =	vld [tilespmem:s23+$0x50]  }
0x84: {  	[tilespmem:s18+$0x210 ss:$0x21] =	vst.msk $0xffff, v4;
	v2 =	vld [tilespmem:s23+$0x60]  }
0x85: {  	[tilespmem:s18+$0x420 ss:$0x21] =	vst.msk $0xffff, v5;
	v4 =	vld [tilespmem:s23+$0x70]  }
0x86: {  	[tilespmem:s18+$0x630 ss:$0x21] =	vst.msk $0xffff, v8;
	v5 =	vld [tilespmem:s23+$0x400]  }
0x87: {  	[tilespmem:s18+$0x840 ss:$0x21] =	vst.msk $0xffff, v7;
	v7 =	vld [tilespmem:s23+$0x800]  }
0x88: {  	[tilespmem:s18+$0xA50 ss:$0x21] =	vst.msk $0xffff, v1;
	v1 =	vld.idx.msk [tilespmem:v0+s16+$0x440 ss:$0x1], $0xffff  }
0x89: {  	[tilespmem:s18+$0xC60 ss:$0x21] =	vst.msk $0xffff, v2;
	v2 =	vld.idx.msk [tilespmem:v0+s16+$0x450 ss:$0x1], $0xffff  }
0x8a: {  	[tilespmem:s18+$0xE70 ss:$0x21] =	vst.msk $0xffff, v4;
	v4 =	vld.idx.msk [tilespmem:v0+s16+$0x460 ss:$0x1], $0xffff  }
0x8b: {  	[tilespmem:s18+$0x1080 ss:$0x21] =	vst.msk $0xffff, v5;
	v5 =	vld.idx.msk [tilespmem:v0+s16+$0x470 ss:$0x1], $0xffff  }
0x8c: {  	[tilespmem:s18+$0x2100 ss:$0x21] =	vst.msk $0xffff, v7;
	v8 =	vld.idx.msk [tilespmem:v0+s16+$0x810 ss:$0x1], $0xffff  }
0x8d: {  	[tilespmem:s18+$0x1290 ss:$0x21] =	vst.msk $0xffff, v9;
	v9 =	vld.idx.msk [tilespmem:v0+s16+$0x820 ss:$0x1], $0xffff  }
0x8e: {  	[tilespmem:s18+$0x14A0 ss:$0x21] =	vst.msk $0xffff, v6;
	v10 =	vld.idx.msk [tilespmem:v0+s16+$0x830 ss:$0x1], $0xffff  }
0x8f: {  	[tilespmem:s18+$0x16B0 ss:$0x21] =	vst.msk $0xffff, v3;
	v11 =	vld.idx.msk [tilespmem:v0+s16+$0x840 ss:$0x1], $0xffff  }
0x90: {  	[tilespmem:s18+$0x18C0 ss:$0x21] =	vst.msk $0xffff, v1;
	v12 =	vld.idx.msk [tilespmem:v0+s16+$0x850 ss:$0x1], $0xffff  }
0x91: {  	[tilespmem:s18+$0x1AD0 ss:$0x21] =	vst.msk $0xffff, v2;
	v7 =	vld.idx.msk [tilespmem:v0+s16+$0x860 ss:$0x1], $0xffff  }
0x92: {  	[tilespmem:s18+$0x1CE0 ss:$0x21] =	vst.msk $0xffff, v4;
	v6 =	vld.idx.msk [tilespmem:v0+s16+$0x870 ss:$0x1], $0xffff  }
0x93: {  	[tilespmem:s18+$0x1EF0 ss:$0x21] =	vst.msk $0xffff, v5;
	v3 =	vld.idx.msk [tilespmem:v0+s16+$0xC10 ss:$0x1], $0xffff  }
.Ltmp3:
0x94: {  	[tilespmem:s18+$0x2310 ss:$0x21] =	vst.msk $0xffff, v8;
	v1 =	vld.idx.msk [tilespmem:v0+s16+$0xC20 ss:$0x1], $0xffff;
	(pc) =	sbr.rel @p1 .LBB1_3-.Ltmp3, $4  }
0x95: {  	[tilespmem:s18+$0x2520 ss:$0x21] =	vst.msk $0xffff, v9;
	v2 =	vld.idx.msk [tilespmem:v0+s16+$0xC30 ss:$0x1], $0xffff  }
0x96: {  	[tilespmem:s18+$0x2730 ss:$0x21] =	vst.msk $0xffff, v10;
	v4 =	vld.idx.msk [tilespmem:v0+s16+$0xC40 ss:$0x1], $0xffff  }
0x97: {  	s20 =	sadd.s32 $0x80, s20;
	s21 =	sadd.s32 $0x200, s21;
	[tilespmem:s18+$0x2940 ss:$0x21] =	vst.msk $0xffff, v11;
	v5 =	vld.idx.msk [tilespmem:v0+s16+$0xC50 ss:$0x1], $0xffff  }
0x98: {  	s22 =	sadd.s32 $0x4, s22;
	s24 =	sand.u32 $0x380, s20;
	s23 =	sand.u32 $0x3000, s21;
	[tilespmem:s18+$0x2B50 ss:$0x21] =	vst.msk $0xffff, v12;
	v8 =	vld.idx.msk [tilespmem:v0+s16+$0xC60 ss:$0x1], $0xffff  }
.Ltmp4:
0x99: {  	_ = 	snop;
	(pc) =	sbr.rel .LBB1_4-.Ltmp4, $1  }
0x9a: {  	_ =	sdelay $0x3  }
.LBB1_6:
0x9b: {  	_ =	sfence.sel $0x180000  }
0x9c: {  	s2 =	simm.s32 $0x1;
	[bflag:$0x0] =	sbarrier.arrive $0xFFFF  }
0x9d: {  	s31 =	simm.s32 $0x2;
	[sflag:s2] =	ssyncpa.u1 $0x1  }
0x9e: {  	[sflag:s31] =	ssyncpa.u1 $0x1  }
0x9f: {  	p0 =	sne.s32 s0, $0x0;
	_ =	strace $0x9000004A  }
0xa0: {  	s0 =	sadd.s32 @!p0 $0x100000, s1;
	[bflag:$0x2] =	sbarrier.arrive $0xFFFF  }
0xa1: {  	[sflag:s0] =	ssyncadd.tile.s32 @!p0 $0x1;
	_ =	shalt  }
.Lfunc_end1:
_tile_overlayer_lowered:
.L_overlay_start_2:
0xa2: {  	(tag) =	ssettag $0x2  }
0xa3: {  	s0 =	rddreg [dreg:$0x0];
	s2 =	stileid.u32  }
0xa4: {  	s1 =	rddreg [dreg:$0x1];
	p0 =	sne.s32 s2, $0x0  }
0xa5: {  	s3 =	rddreg [dreg:$0x2];
	[bflag:$0x3] =	sbarrier.arrive $0xFFFF;
	s2 =	simm.s32 @!p0 $0x1C01  }
0xa6: {  	[timem:s3], [sflag:s2] =	dma.local @!p0 [hbm:s0], s1  }
0xa7: {  	s0 =	simm.s32 @!p0 $0x1  }
0xa8: {  	_ =	swait.ge @!p0 [sflag:s0], s1  }
0xa9: {  	s1 =	ssub.s32 @!p0 $0x0, s1;
	[sflag:s0] =	ssyncset.done @!p0 $0x0  }
0xaa: {  	[sflag:s0] =	ssyncadd.s32 @!p0 s1  }
0xab: {  	[bflag:$0x3] =	sbarrier.arrive $0xFFFF  }
0xac: {  	_ =	shalt  }

</sc_bundles>
